<compile_context>
chip_gen: v7x
topology: tpu7x:2x2x1
jax: 0.10.2.dev20260603
libtpu: 0.0.44.dev20260713+nightly
codegen_flags: <defaults>
</compile_context>

<pallas_src>
import functools

import jax
import jax.numpy as jnp
import numpy as np
from jax import lax
from jax.experimental import pallas as pl
from jax.experimental.pallas import tpu as pltpu
from jax.experimental.pallas import tpu_sc as plsc

_N = 10000
_E = 320000
_D = 128
_G = 128
_L = 64
_NL = 3

_NC = 2
_NS = 16
_NW = _NC * _NS
_CH = 128
_KJ = 80
_EPT = _CH * _KJ
_RPT = 632
_RPTL = 528
_NP = (_NS - 1) * _RPT + _RPTL

_BN = float(1.0 / np.sqrt(1.0 + 1e-5))

_mesh = plsc.VectorSubcoreMesh(
    core_axis_name="c", subcore_axis_name="s", num_cores=_NC, num_subcores=_NS
)


_NRB = 2
_NQB = 4


@functools.partial(
    pl.kernel,
    out_type=jax.ShapeDtypeStruct((_NC, _N, _D), jnp.float32),
    mesh=_mesh,
    scratch_types=[
        pltpu.VMEM((_NQB, 2, _CH), jnp.int32),
        pltpu.VMEM((_NRB, _CH, _D), jnp.float32),
        pltpu.VMEM_SHARED((_NP, _D), jnp.float32),
        pltpu.SemaphoreType.DMA,
        pltpu.SemaphoreType.DMA,
        pltpu.SemaphoreType.DMA,
        pltpu.SemaphoreType.DMA,
    ],
)
def _sc_agg(h_hbm, edge_hbm, z_hbm, out_hbm, idx, rows, agg_sh, isem, gsem,
            ssem0, ssem1):
    ssems = (ssem0, ssem1)
    c = lax.axis_index("c")
    s = lax.axis_index("s")
    wid = c * _NS + s
    ebase = wid * _EPT

    def _fetch(j, slot):
        pltpu.async_copy(edge_hbm.at[:, pl.ds(ebase + j * _CH, _CH)],
                         idx.at[slot], isem)

    _fetch(0, 0)
    _fetch(1, 1)

    zbase = s * _RPT

    @pl.when(s < _NS - 1)
    def _():
        pltpu.sync_copy(z_hbm, agg_sh.at[pl.ds(zbase, _RPT)])

    @pl.when(s == _NS - 1)
    def _():
        pltpu.sync_copy(z_hbm.at[pl.ds(0, _RPTL)],
                        agg_sh.at[pl.ds(zbase, _RPTL)])

    plsc.subcore_barrier()

    def _it(j, rb, q0, q1, wait_ssem, pref, wait_idx, gather_next):
        pltpu.make_async_copy(h_hbm.at[idx.at[q0, 0]], rows.at[rb],
                              gsem).wait()
        pltpu.async_copy(rows.at[rb], agg_sh.at[idx.at[q0, 1]], ssems[rb],
                         add=True)
        if wait_ssem:
            pltpu.make_async_copy(rows.at[1 - rb], agg_sh.at[idx.at[0, 1]],
                                  ssems[1 - rb]).wait()
        if pref:
            _fetch(j + 3, (q0 + 3) % _NQB)
        if wait_idx:
            pltpu.make_async_copy(edge_hbm.at[:, pl.ds(ebase, _CH)],
                                  idx.at[q1], isem).wait()
        if gather_next:
            pltpu.async_copy(h_hbm.at[idx.at[q1, 0]], rows.at[1 - rb], gsem)

    _fetch(2, 2)
    pltpu.make_async_copy(edge_hbm.at[:, pl.ds(ebase, _CH)], idx.at[0],
                          isem).wait()
    pltpu.async_copy(h_hbm.at[idx.at[0, 0]], rows.at[0], gsem)
    _it(0, 0, 0, 1, wait_ssem=False, pref=True, wait_idx=True,
        gather_next=True)

    def _grp(kk, carry):
        for b in range(4):
            j = kk * 4 + b + 1
            _it(j, (b + 1) % 2, (b + 1) % 4, (b + 2) % 4,
                wait_ssem=True, pref=True, wait_idx=True, gather_next=True)
        return carry

    ngrp = jnp.where(wid == _NW - 1, (20 - 4) // 4, (_KJ - 4) // 4)
    lax.fori_loop(0, ngrp, _grp, 0)

    jlast = ngrp * 4 + 1
    _it(jlast, 1, 1, 2, wait_ssem=True, pref=False, wait_idx=True,
        gather_next=True)
    _it(jlast + 1, 0, 2, 3, wait_ssem=True, pref=False, wait_idx=True,
        gather_next=True)
    _it(jlast + 2, 1, 3, 0, wait_ssem=True, pref=False, wait_idx=False,
        gather_next=False)
    pltpu.make_async_copy(rows.at[1], agg_sh.at[idx.at[0, 1]], ssems[1]).wait()
    plsc.subcore_barrier()

    obase = s * _RPT

    @pl.when(s < _NS - 1)
    def _():
        pltpu.sync_copy(
            agg_sh.at[pl.ds(obase, _RPT)], out_hbm.at[c].at[pl.ds(obase, _RPT)]
        )

    @pl.when(s == _NS - 1)
    def _():
        last = _N - (_NS - 1) * _RPT
        pltpu.sync_copy(
            agg_sh.at[pl.ds(obase, last)], out_hbm.at[c].at[pl.ds(obase, last)]
        )


_NB = 5
_BM = _N // _NB


def _mlp_body(h_ref, p_ref, w1_ref, b1_ref, a1_ref, g1_ref, be1_ref,
              w2_ref, b2_ref, a2_ref, o_ref):
    z = h_ref[...] + p_ref[0] + p_ref[1]
    t = lax.dot_general(z, w1_ref[...], (((1,), (1,)), ((), ())),
                        preferred_element_type=jnp.float32)
    t = t + b1_ref[...]
    t = jnp.where(t >= 0, t, a1_ref[...] * t)
    t = (t * _BN) * g1_ref[...] + be1_ref[...]
    u = lax.dot_general(t, w2_ref[...], (((1,), (1,)), ((), ())),
                        preferred_element_type=jnp.float32)
    u = u + b2_ref[...]
    o_ref[...] = jnp.where(u >= 0, u, a2_ref[...] * u)


_row_spec = pl.BlockSpec((_BM, _D), lambda i: (i, 0))
_par_spec = pl.BlockSpec((_NC, _BM, _D), lambda i: (0, i, 0))
_w_spec = pl.BlockSpec((_D, _D), lambda i: (0, 0))
_v_spec = pl.BlockSpec((1, _D), lambda i: (0, 0))

_mlp_call = pl.pallas_call(
    _mlp_body,
    grid=(_NB,),
    in_specs=[_row_spec, _par_spec, _w_spec, _v_spec, _v_spec, _v_spec,
              _v_spec, _w_spec, _v_spec, _v_spec],
    out_specs=_row_spec,
    out_shape=jax.ShapeDtypeStruct((_N, _D), jnp.float32),
    compiler_params=pltpu.CompilerParams(dimension_semantics=("arbitrary",)),
)


def _fin_body(h_ref, p_ref, w1_ref, b1_ref, a1_ref, g1_ref, be1_ref,
              w2_ref, b2_ref, a2_ref, bat_ref, gf_ref, bf_ref, fw_ref, fb_ref,
              o_ref, acc_ref):
    i = pl.program_id(0)
    z = h_ref[...] + p_ref[0] + p_ref[1]
    t = lax.dot_general(z, w1_ref[...], (((1,), (1,)), ((), ())),
                        preferred_element_type=jnp.float32)
    t = t + b1_ref[...]
    t = jnp.where(t >= 0, t, a1_ref[...] * t)
    t = (t * _BN) * g1_ref[...] + be1_ref[...]
    u = lax.dot_general(t, w2_ref[...], (((1,), (1,)), ((), ())),
                        preferred_element_type=jnp.float32)
    u = u + b2_ref[...]
    u = jnp.where(u >= 0, u, a2_ref[...] * u)

    b = bat_ref[0]
    gi = lax.broadcasted_iota(jnp.int32, (_G, _BM), 0)
    m = (b == gi).astype(jnp.float32)

    @pl.when(i == 0)
    def _():
        acc_ref[...] = jnp.zeros_like(acc_ref)

    acc_ref[...] += jnp.dot(m, u, preferred_element_type=jnp.float32)

    @pl.when(i == _NB - 1)
    def _():
        pooled = (acc_ref[...] * _BN) * gf_ref[...] + bf_ref[...]
        o_ref[...] = lax.dot_general(
            pooled, fw_ref[...], (((1,), (1,)), ((), ())),
            preferred_element_type=jnp.float32) + fb_ref[...]


_fin_call = pl.pallas_call(
    _fin_body,
    grid=(_NB,),
    in_specs=[_row_spec, _par_spec, _w_spec, _v_spec, _v_spec, _v_spec,
              _v_spec, _w_spec, _v_spec, _v_spec,
              pl.BlockSpec((1, 1, _BM), lambda i: (i, 0, 0)),
              pl.BlockSpec((1, _D), lambda i: (0, 0)),
              pl.BlockSpec((1, _D), lambda i: (0, 0)),
              pl.BlockSpec((_L, _D), lambda i: (0, 0)),
              pl.BlockSpec((1, _L), lambda i: (0, 0))],
    out_specs=pl.BlockSpec((_G, _L), lambda i: (0, 0)),
    out_shape=jax.ShapeDtypeStruct((_G, _L), jnp.float32),
    scratch_shapes=[pltpu.VMEM((_G, _D), jnp.float32)],
    compiler_params=pltpu.CompilerParams(dimension_semantics=("arbitrary",)),
)


def kernel(x, edge_index, batch, W1, b1, a1, g1, be1, W2, b2, a2, gf, bf, fcW, fcb):
    bat3 = batch.reshape(_NB, 1, _BM)
    b1r = b1.reshape(_NL, 1, _D)
    a1r = jnp.broadcast_to(a1[:, None, None], (_NL, 1, _D))
    g1r = g1.reshape(_NL, 1, _D)
    be1r = be1.reshape(_NL, 1, _D)
    b2r = b2.reshape(_NL, 1, _D)
    a2r = jnp.broadcast_to(a2[:, None, None], (_NL, 1, _D))
    gfr = gf.reshape(1, _D)
    bfr = bf.reshape(1, _D)
    fbr = fcb.reshape(1, _L)

    zer = jnp.zeros((_RPT, _D), jnp.float32)
    h = x
    for i in range(_NL - 1):
        p = _sc_agg(h, edge_index, zer)
        h = _mlp_call(h, p, W1[i], b1r[i], a1r[i], g1r[i], be1r[i],
                      W2[i], b2r[i], a2r[i])
    i = _NL - 1
    p = _sc_agg(h, edge_index, zer)
    return _fin_call(h, p, W1[i], b1r[i], a1r[i], g1r[i], be1r[i],
                     W2[i], b2r[i], a2r[i], bat3, gfr, bfr, fcW, fbr)

# --- scband reference (transcript-rebuilt; emitter-appended) ---
"""Pipeline reference for scband-gin-12738873000058 (READ-ONLY COPY).

The authoritative reference and input builder live on the scoring server;
editing this copy changes nothing except your own understanding.
"""

import jax, jax.numpy as jnp
import numpy as np

N = 10000; E = 320000; D = 128; H = 128; L = 64; G = 128; NL = 3

def _prelu(h, a):
    return jnp.where(h >= 0, h, a * h)

def setup_inputs(seed: int = 0):
    key = jax.random.key(seed)
    ks = jax.random.split(key, 12)
    x = jax.random.normal(ks[0], (N, D), dtype=jnp.float32)
    edge_index = jax.random.randint(ks[1], (2, E), 0, N, dtype=jnp.int32)
    batch = jnp.sort(jax.random.randint(ks[2], (N,), 0, G, dtype=jnp.int32))
    W1 = jax.random.normal(ks[3], (NL, H, D), dtype=jnp.float32) * 0.05
    b1 = jnp.zeros((NL, H), dtype=jnp.float32)
    a1 = 0.25 * jnp.ones((NL,), dtype=jnp.float32)
    g1 = jnp.ones((NL, H), dtype=jnp.float32)
    be1 = jnp.zeros((NL, H), dtype=jnp.float32)
    W2 = jax.random.normal(ks[4], (NL, H, H), dtype=jnp.float32) * 0.05
    b2 = jnp.zeros((NL, H), dtype=jnp.float32)
    a2 = 0.25 * jnp.ones((NL,), dtype=jnp.float32)
    gf = jnp.ones((H,), dtype=jnp.float32)
    bf = jnp.zeros((H,), dtype=jnp.float32)
    fcW = jax.random.normal(ks[5], (L, H), dtype=jnp.float32) * 0.05
    fcb = jnp.zeros((L,), dtype=jnp.float32)
    return {"x": x, "edge_index": edge_index, "batch": batch, "W1": W1, "b1": b1, "a1": a1, "g1": g1, "be1": be1, "W2": W2, "b2": b2, "a2": a2, "gf": gf, "bf": bf, "fcW": fcW, "fcb": fcb}

def reference(x, edge_index, batch, W1, b1, a1, g1, be1, W2, b2, a2, gf, bf, fcW, fcb):
    # GINConv (eps=0): h' = MLP(h + scatter_add(h[src] -> dst)); eval mode so
    # dropout is identity and BatchNorm1d uses running stats (mean=0, var=1).
    src = edge_index[0]
    dst = edge_index[1]
    bn_scale = 1.0 / jnp.sqrt(1.0 + 1e-5)
    h = x
    for i in range(NL):
        agg = jnp.zeros_like(h).at[dst].add(h[src])
        z = h + agg
        z = z @ W1[i].T + b1[i]
        z = _prelu(z, a1[i])
        z = (z * bn_scale) * g1[i] + be1[i]
        z = z @ W2[i].T + b2[i]
        z = _prelu(z, a2[i])
        h = z
    pooled = jax.ops.segment_sum(h, batch, num_segments=G)
    out = (pooled * bn_scale) * gf + bf
    out = out @ fcW.T + fcb
    return out

if __name__ == "__main__":
    import jax
    _d = setup_inputs()
    print(jax.jit(kernel)(*tuple(_d.values())))

</pallas_src>

<mosaic_0001>
#map = affine_map<(d0, d1) -> (0, 0)>
#map1 = affine_map<(d0, d1) -> (0, 0, 0)>
module attributes {stable_mosaic.version = 14 : i64} {
  func.func @_sc_agg(%arg0: i32, %arg1: i32, %arg2: memref<10000x128xf32, #tpu.memory_space<hbm>>, %arg3: memref<2x320000xi32, #tpu.memory_space<hbm>>, %arg4: memref<632x128xf32, #tpu.memory_space<hbm>>, %arg5: memref<2x10000x128xf32, #tpu.memory_space<hbm>>, %arg6: memref<4x2x128xi32, #tpu.memory_space<vmem>>, %arg7: memref<2x128x128xf32, #tpu.memory_space<vmem>>, %arg8: memref<10008x128xf32, #tpu.memory_space<vmem_shared>>, %arg9: memref<!tpu.dma_semaphore, #tpu.memory_space<semaphore_mem>>, %arg10: memref<!tpu.dma_semaphore, #tpu.memory_space<semaphore_mem>>, %arg11: memref<!tpu.dma_semaphore, #tpu.memory_space<semaphore_mem>>, %arg12: memref<!tpu.dma_semaphore, #tpu.memory_space<semaphore_mem>>) attributes {dimension_semantics = [#tpu.dimension_semantics<core_parallel>, #tpu.dimension_semantics<subcore_parallel>], iteration_bounds = array<i64: 2, 16>, scalar_prefetch = 0 : i64, scratch_operands = 7 : i64, tpu.core_type = #tpu.core_type<sc_vector_subcore>, window_params = [{transform_indices = #map}, {transform_indices = #map}, {transform_indices = #map}, {transform_indices = #map1}]} {
    %mul3A = arith.constant 16 : i32
    %mul3A_0 = arith.muli %arg0, %mul3A : i32
    %add3A = arith.addi %mul3A_0, %arg1 : i32
    %mul3A_1 = arith.constant 10240 : i32
    %mul3A_2 = arith.muli %add3A, %mul3A_1 : i32
    %add3A_3 = arith.constant 0 : i32
    %add3A_4 = arith.addi %mul3A_2, %add3A_3 : i32
    %dma_start3A = arith.constant 0 : i32
    %dma_start3A_5 = arith.constant 0 : i32
    %dma_start3A_6 = arith.constant 0 : i32
    %dma_start3A_7 = tpu.memref_slice %arg6[%dma_start3A, %dma_start3A_5, %dma_start3A_6] : memref<4x2x128xi32, #tpu.memory_space<vmem>> -> memref<1x2x128xi32, #tpu.memory_space<vmem>>
    %dma_start3A_8 = tpu.memref_squeeze %dma_start3A_7 : memref<1x2x128xi32, #tpu.memory_space<vmem>> -> memref<2x128xi32, #tpu.memory_space<vmem>>
    %dma_start3A_9 = arith.constant 0 : i32
    %dma_start3A_10 = tpu.memref_slice %arg3[%dma_start3A_9, %add3A_4] : memref<2x320000xi32, #tpu.memory_space<hbm>> -> memref<2x128xi32, #tpu.memory_space<hbm>>
    %dma_start3A_11 = arith.constant 0 : i32
    %dma_start3A_12 = arith.constant 0 : i32
    %dma_start3A_13 = tpu.memref_slice %arg6[%dma_start3A, %dma_start3A_11, %dma_start3A_12] : memref<4x2x128xi32, #tpu.memory_space<vmem>> -> memref<1x2x128xi32, #tpu.memory_space<vmem>>
    %dma_start3A_14 = tpu.memref_squeeze %dma_start3A_13 : memref<1x2x128xi32, #tpu.memory_space<vmem>> -> memref<2x128xi32, #tpu.memory_space<vmem>>
    %dma_start3A_15 = arith.constant 0 : i32
    %dma_start3A_16 = tpu.memref_slice %arg3[%dma_start3A_15, %add3A_4] : memref<2x320000xi32, #tpu.memory_space<hbm>> -> memref<2x128xi32, #tpu.memory_space<hbm>>
    tpu.enqueue_dma source(%dma_start3A_16 : memref<2x128xi32, #tpu.memory_space<hbm>>) target(%dma_start3A_14 : memref<2x128xi32, #tpu.memory_space<vmem>>) target_semaphore(%arg9 : memref<!tpu.dma_semaphore, #tpu.memory_space<semaphore_mem>>)
    %add3A_17 = arith.constant 128 : i32
    %add3A_18 = arith.addi %mul3A_2, %add3A_17 : i32
    %dma_start3A_19 = arith.constant 1 : i32
    %dma_start3A_20 = arith.constant 0 : i32
    %dma_start3A_21 = arith.constant 0 : i32
    %dma_start3A_22 = tpu.memref_slice %arg6[%dma_start3A_19, %dma_start3A_20, %dma_start3A_21] : memref<4x2x128xi32, #tpu.memory_space<vmem>> -> memref<1x2x128xi32, #tpu.memory_space<vmem>>
    %dma_start3A_23 = tpu.memref_squeeze %dma_start3A_22 : memref<1x2x128xi32, #tpu.memory_space<vmem>> -> memref<2x128xi32, #tpu.memory_space<vmem>>
    %dma_start3A_24 = arith.constant 0 : i32
    %dma_start3A_25 = tpu.memref_slice %arg3[%dma_start3A_24, %add3A_18] : memref<2x320000xi32, #tpu.memory_space<hbm>> -> memref<2x128xi32, #tpu.memory_space<hbm>>
    %dma_start3A_26 = arith.constant 0 : i32
    %dma_start3A_27 = arith.constant 0 : i32
    %dma_start3A_28 = tpu.memref_slice %arg6[%dma_start3A_19, %dma_start3A_26, %dma_start3A_27] : memref<4x2x128xi32, #tpu.memory_space<vmem>> -> memref<1x2x128xi32, #tpu.memory_space<vmem>>
    %dma_start3A_29 = tpu.memref_squeeze %dma_start3A_28 : memref<1x2x128xi32, #tpu.memory_space<vmem>> -> memref<2x128xi32, #tpu.memory_space<vmem>>
    %dma_start3A_30 = arith.constant 0 : i32
    %dma_start3A_31 = tpu.memref_slice %arg3[%dma_start3A_30, %add3A_18] : memref<2x320000xi32, #tpu.memory_space<hbm>> -> memref<2x128xi32, #tpu.memory_space<hbm>>
    tpu.enqueue_dma source(%dma_start3A_31 : memref<2x128xi32, #tpu.memory_space<hbm>>) target(%dma_start3A_29 : memref<2x128xi32, #tpu.memory_space<vmem>>) target_semaphore(%arg9 : memref<!tpu.dma_semaphore, #tpu.memory_space<semaphore_mem>>)
    %mul3A_32 = arith.constant 632 : i32
    %mul3A_33 = arith.muli %arg1, %mul3A_32 : i32
    %lt3A = arith.constant 15 : i32
    %lt3A_34 = arith.cmpi slt, %arg1, %lt3A : i32
    %convert_element_type3A = arith.extui %lt3A_34 : i1 to i32
    %cond3A = arith.constant 0 : i32
    %cond3A_35 = arith.cmpi ne, %convert_element_type3A, %cond3A : i32
    scf.if %cond3A_35 {
      "tpu.region"() ({
        %run_scoped3A = tpu.sem_alloc : memref<!tpu.dma_semaphore, #tpu.memory_space<semaphore_mem>>
        %dma_start3A_362 = arith.constant 0 : i32
        %dma_start3A_363 = tpu.memref_slice %arg8[%mul3A_33, %dma_start3A_362] : memref<10008x128xf32, #tpu.memory_space<vmem_shared>> -> memref<632x128xf32, #tpu.memory_space<vmem_shared>>
        tpu.enqueue_dma source(%arg4 : memref<632x128xf32, #tpu.memory_space<hbm>>) target(%dma_start3A_363 : memref<632x128xf32, #tpu.memory_space<vmem_shared>>) target_semaphore(%run_scoped3A : memref<!tpu.dma_semaphore, #tpu.memory_space<semaphore_mem>>)
        %dma_wait3A_364 = arith.constant 0 : i32
        %dma_wait3A_365 = tpu.memref_slice %arg8[%mul3A_33, %dma_wait3A_364] : memref<10008x128xf32, #tpu.memory_space<vmem_shared>> -> memref<632x128xf32, #tpu.memory_space<vmem_shared>>
        tpu.wait_dma2 semaphore(%run_scoped3A : memref<!tpu.dma_semaphore, #tpu.memory_space<semaphore_mem>>) src(%arg4 : memref<632x128xf32, #tpu.memory_space<hbm>>) dst(%dma_wait3A_365 : memref<632x128xf32, #tpu.memory_space<vmem_shared>>)
        tpu.yield
      }) : () -> ()
    } else {
    }
    %eq3A = arith.constant 15 : i32
    %eq3A_36 = arith.cmpi eq, %arg1, %eq3A : i32
    %convert_element_type3A_37 = arith.extui %eq3A_36 : i1 to i32
    %cond3A_38 = arith.constant 0 : i32
    %cond3A_39 = arith.cmpi ne, %convert_element_type3A_37, %cond3A_38 : i32
    scf.if %cond3A_39 {
      "tpu.region"() ({
        %run_scoped3A = tpu.sem_alloc : memref<!tpu.dma_semaphore, #tpu.memory_space<semaphore_mem>>
        %dma_start3A_362 = arith.constant 0 : i32
        %dma_start3A_363 = tpu.memref_slice %arg8[%mul3A_33, %dma_start3A_362] : memref<10008x128xf32, #tpu.memory_space<vmem_shared>> -> memref<528x128xf32, #tpu.memory_space<vmem_shared>>
        %dma_start3A_364 = arith.constant 0 : i32
        %dma_start3A_365 = arith.constant 0 : i32
        %dma_start3A_366 = tpu.memref_slice %arg4[%dma_start3A_364, %dma_start3A_365] : memref<632x128xf32, #tpu.memory_space<hbm>> -> memref<528x128xf32, #tpu.memory_space<hbm>>
        tpu.enqueue_dma source(%dma_start3A_366 : memref<528x128xf32, #tpu.memory_space<hbm>>) target(%dma_start3A_363 : memref<528x128xf32, #tpu.memory_space<vmem_shared>>) target_semaphore(%run_scoped3A : memref<!tpu.dma_semaphore, #tpu.memory_space<semaphore_mem>>)
        %dma_wait3A_367 = arith.constant 0 : i32
        %dma_wait3A_368 = tpu.memref_slice %arg8[%mul3A_33, %dma_wait3A_367] : memref<10008x128xf32, #tpu.memory_space<vmem_shared>> -> memref<528x128xf32, #tpu.memory_space<vmem_shared>>
        %dma_wait3A_369 = arith.constant 0 : i32
        %dma_wait3A_370 = arith.constant 0 : i32
        %dma_wait3A_371 = tpu.memref_slice %arg4[%dma_wait3A_369, %dma_wait3A_370] : memref<632x128xf32, #tpu.memory_space<hbm>> -> memref<528x128xf32, #tpu.memory_space<hbm>>
        tpu.wait_dma2 semaphore(%run_scoped3A : memref<!tpu.dma_semaphore, #tpu.memory_space<semaphore_mem>>) src(%dma_wait3A_371 : memref<528x128xf32, #tpu.memory_space<hbm>>) dst(%dma_wait3A_368 : memref<528x128xf32, #tpu.memory_space<vmem_shared>>)
        tpu.yield
      }) : () -> ()
    } else {
    }
    %barrier3A = arith.constant 0 : index
    tpu.barrier barrier_id(%barrier3A)
    %add3A_40 = arith.constant 256 : i32
    %add3A_41 = arith.addi %mul3A_2, %add3A_40 : i32
    %dma_start3A_42 = arith.constant 2 : i32
    %dma_start3A_43 = arith.constant 0 : i32
    %dma_start3A_44 = arith.constant 0 : i32
    %dma_start3A_45 = tpu.memref_slice %arg6[%dma_start3A_42, %dma_start3A_43, %dma_start3A_44] : memref<4x2x128xi32, #tpu.memory_space<vmem>> -> memref<1x2x128xi32, #tpu.memory_space<vmem>>
    %dma_start3A_46 = tpu.memref_squeeze %dma_start3A_45 : memref<1x2x128xi32, #tpu.memory_space<vmem>> -> memref<2x128xi32, #tpu.memory_space<vmem>>
    %dma_start3A_47 = arith.constant 0 : i32
    %dma_start3A_48 = tpu.memref_slice %arg3[%dma_start3A_47, %add3A_41] : memref<2x320000xi32, #tpu.memory_space<hbm>> -> memref<2x128xi32, #tpu.memory_space<hbm>>
    %dma_start3A_49 = arith.constant 0 : i32
    %dma_start3A_50 = arith.constant 0 : i32
    %dma_start3A_51 = tpu.memref_slice %arg6[%dma_start3A_42, %dma_start3A_49, %dma_start3A_50] : memref<4x2x128xi32, #tpu.memory_space<vmem>> -> memref<1x2x128xi32, #tpu.memory_space<vmem>>
    %dma_start3A_52 = tpu.memref_squeeze %dma_start3A_51 : memref<1x2x128xi32, #tpu.memory_space<vmem>> -> memref<2x128xi32, #tpu.memory_space<vmem>>
    %dma_start3A_53 = arith.constant 0 : i32
    %dma_start3A_54 = tpu.memref_slice %arg3[%dma_start3A_53, %add3A_41] : memref<2x320000xi32, #tpu.memory_space<hbm>> -> memref<2x128xi32, #tpu.memory_space<hbm>>
    tpu.enqueue_dma source(%dma_start3A_54 : memref<2x128xi32, #tpu.memory_space<hbm>>) target(%dma_start3A_52 : memref<2x128xi32, #tpu.memory_space<vmem>>) target_semaphore(%arg9 : memref<!tpu.dma_semaphore, #tpu.memory_space<semaphore_mem>>)
    %dma_wait3A = arith.constant 0 : i32
    %dma_wait3A_55 = arith.constant 0 : i32
    %dma_wait3A_56 = arith.constant 0 : i32
    %dma_wait3A_57 = tpu.memref_slice %arg6[%dma_wait3A, %dma_wait3A_55, %dma_wait3A_56] : memref<4x2x128xi32, #tpu.memory_space<vmem>> -> memref<1x2x128xi32, #tpu.memory_space<vmem>>
    %dma_wait3A_58 = tpu.memref_squeeze %dma_wait3A_57 : memref<1x2x128xi32, #tpu.memory_space<vmem>> -> memref<2x128xi32, #tpu.memory_space<vmem>>
    %dma_wait3A_59 = arith.constant 0 : i32
    %dma_wait3A_60 = tpu.memref_slice %arg3[%dma_wait3A_59, %mul3A_2] : memref<2x320000xi32, #tpu.memory_space<hbm>> -> memref<2x128xi32, #tpu.memory_space<hbm>>
    %dma_wait3A_61 = arith.constant 0 : i32
    %dma_wait3A_62 = arith.constant 0 : i32
    %dma_wait3A_63 = tpu.memref_slice %arg6[%dma_wait3A, %dma_wait3A_61, %dma_wait3A_62] : memref<4x2x128xi32, #tpu.memory_space<vmem>> -> memref<1x2x128xi32, #tpu.memory_space<vmem>>
    %dma_wait3A_64 = tpu.memref_squeeze %dma_wait3A_63 : memref<1x2x128xi32, #tpu.memory_space<vmem>> -> memref<2x128xi32, #tpu.memory_space<vmem>>
    %dma_wait3A_65 = arith.constant 0 : i32
    %dma_wait3A_66 = tpu.memref_slice %arg3[%dma_wait3A_65, %mul3A_2] : memref<2x320000xi32, #tpu.memory_space<hbm>> -> memref<2x128xi32, #tpu.memory_space<hbm>>
    tpu.wait_dma2 semaphore(%arg9 : memref<!tpu.dma_semaphore, #tpu.memory_space<semaphore_mem>>) src(%dma_wait3A_66 : memref<2x128xi32, #tpu.memory_space<hbm>>) dst(%dma_wait3A_64 : memref<2x128xi32, #tpu.memory_space<vmem>>)
    %dma_start3A_67 = arith.constant 0 : i32
    %dma_start3A_68 = arith.constant 0 : i32
    %dma_start3A_69 = arith.constant 0 : i32
    %dma_start3A_70 = arith.constant 0 : i32
    %dma_start3A_71 = arith.constant 0 : i32
    %dma_start3A_72 = tpu.memref_slice %arg7[%dma_start3A_69, %dma_start3A_70, %dma_start3A_71] : memref<2x128x128xf32, #tpu.memory_space<vmem>> -> memref<1x128x128xf32, #tpu.memory_space<vmem>>
    %dma_start3A_73 = tpu.memref_squeeze %dma_start3A_72 : memref<1x128x128xf32, #tpu.memory_space<vmem>> -> memref<128x128xf32, #tpu.memory_space<vmem>>
    %dma_start3A_74 = arith.constant 0 : i32
    %dma_start3A_75 = tpu.memref_slice %arg6[%dma_start3A_67, %dma_start3A_68, %dma_start3A_74] : memref<4x2x128xi32, #tpu.memory_space<vmem>> -> memref<1x1x128xi32, #tpu.memory_space<vmem>>
    %dma_start3A_76 = tpu.memref_squeeze %dma_start3A_75 : memref<1x1x128xi32, #tpu.memory_space<vmem>> -> memref<128xi32, #tpu.memory_space<vmem>>
    %dma_start3A_77 = arith.constant 0 : i32
    %dma_start3A_78 = arith.constant 0 : i32
    %dma_start3A_79 = tpu.memref_slice %arg2[%dma_start3A_77, %dma_start3A_78] : memref<10000x128xf32, #tpu.memory_space<hbm>> -> memref<10000x128xf32, #tpu.memory_space<hbm>>
    tpu.enqueue_indirect_dma source(%dma_start3A_79 : memref<10000x128xf32, #tpu.memory_space<hbm>>) target(%dma_start3A_73 : memref<128x128xf32, #tpu.memory_space<vmem>>) offsets(%dma_start3A_76 : memref<128xi32, #tpu.memory_space<vmem>>) semaphore(%arg10 : memref<!tpu.dma_semaphore, #tpu.memory_space<semaphore_mem>>)
    %dma_wait3A_80 = arith.constant 0 : i32
    %dma_wait3A_81 = arith.constant 0 : i32
    %dma_wait3A_82 = arith.constant 0 : i32
    %dma_wait3A_83 = arith.constant 0 : i32
    %dma_wait3A_84 = arith.constant 0 : i32
    %dma_wait3A_85 = tpu.memref_slice %arg7[%dma_wait3A_82, %dma_wait3A_83, %dma_wait3A_84] : memref<2x128x128xf32, #tpu.memory_space<vmem>> -> memref<1x128x128xf32, #tpu.memory_space<vmem>>
    %dma_wait3A_86 = tpu.memref_squeeze %dma_wait3A_85 : memref<1x128x128xf32, #tpu.memory_space<vmem>> -> memref<128x128xf32, #tpu.memory_space<vmem>>
    %dma_wait3A_87 = arith.constant 0 : i32
    %dma_wait3A_88 = tpu.memref_slice %arg6[%dma_wait3A_80, %dma_wait3A_81, %dma_wait3A_87] : memref<4x2x128xi32, #tpu.memory_space<vmem>> -> memref<1x1x128xi32, #tpu.memory_space<vmem>>
    %dma_wait3A_89 = tpu.memref_squeeze %dma_wait3A_88 : memref<1x1x128xi32, #tpu.memory_space<vmem>> -> memref<128xi32, #tpu.memory_space<vmem>>
    %dma_wait3A_90 = arith.constant 0 : i32
    %dma_wait3A_91 = arith.constant 0 : i32
    %dma_wait3A_92 = tpu.memref_slice %arg2[%dma_wait3A_90, %dma_wait3A_91] : memref<10000x128xf32, #tpu.memory_space<hbm>> -> memref<10000x128xf32, #tpu.memory_space<hbm>>
    tpu.wait_indirect_dma semaphore(%arg10 : memref<!tpu.dma_semaphore, #tpu.memory_space<semaphore_mem>>) src(%dma_wait3A_92 : memref<10000x128xf32, #tpu.memory_space<hbm>>) dst(%dma_wait3A_86 : memref<128x128xf32, #tpu.memory_space<vmem>>)
    %dma_start3A_93 = arith.constant 0 : i32
    %dma_start3A_94 = arith.constant 0 : i32
    %dma_start3A_95 = arith.constant 1 : i32
    %dma_start3A_96 = arith.constant 0 : i32
    %dma_start3A_97 = arith.constant 0 : i32
    %dma_start3A_98 = tpu.memref_slice %arg7[%dma_start3A_93, %dma_start3A_96, %dma_start3A_97] : memref<2x128x128xf32, #tpu.memory_space<vmem>> -> memref<1x128x128xf32, #tpu.memory_space<vmem>>
    %dma_start3A_99 = tpu.memref_squeeze %dma_start3A_98 : memref<1x128x128xf32, #tpu.memory_space<vmem>> -> memref<128x128xf32, #tpu.memory_space<vmem>>
    %dma_start3A_100 = arith.constant 0 : i32
    %dma_start3A_101 = tpu.memref_slice %arg6[%dma_start3A_94, %dma_start3A_95, %dma_start3A_100] : memref<4x2x128xi32, #tpu.memory_space<vmem>> -> memref<1x1x128xi32, #tpu.memory_space<vmem>>
    %dma_start3A_102 = tpu.memref_squeeze %dma_start3A_101 : memref<1x1x128xi32, #tpu.memory_space<vmem>> -> memref<128xi32, #tpu.memory_space<vmem>>
    %dma_start3A_103 = arith.constant 0 : i32
    %dma_start3A_104 = arith.constant 0 : i32
    %dma_start3A_105 = tpu.memref_slice %arg8[%dma_start3A_103, %dma_start3A_104] : memref<10008x128xf32, #tpu.memory_space<vmem_shared>> -> memref<10008x128xf32, #tpu.memory_space<vmem_shared>>
    tpu.enqueue_indirect_dma source(%dma_start3A_99 : memref<128x128xf32, #tpu.memory_space<vmem>>) target(%dma_start3A_105 : memref<10008x128xf32, #tpu.memory_space<vmem_shared>>) offsets(%dma_start3A_102 : memref<128xi32, #tpu.memory_space<vmem>>) semaphore(%arg11 : memref<!tpu.dma_semaphore, #tpu.memory_space<semaphore_mem>>) {add = true}
    %add3A_106 = arith.constant 384 : i32
    %add3A_107 = arith.addi %mul3A_2, %add3A_106 : i32
    %dma_start3A_108 = arith.constant 3 : i32
    %dma_start3A_109 = arith.constant 0 : i32
    %dma_start3A_110 = arith.constant 0 : i32
    %dma_start3A_111 = tpu.memref_slice %arg6[%dma_start3A_108, %dma_start3A_109, %dma_start3A_110] : memref<4x2x128xi32, #tpu.memory_space<vmem>> -> memref<1x2x128xi32, #tpu.memory_space<vmem>>
    %dma_start3A_112 = tpu.memref_squeeze %dma_start3A_111 : memref<1x2x128xi32, #tpu.memory_space<vmem>> -> memref<2x128xi32, #tpu.memory_space<vmem>>
    %dma_start3A_113 = arith.constant 0 : i32
    %dma_start3A_114 = tpu.memref_slice %arg3[%dma_start3A_113, %add3A_107] : memref<2x320000xi32, #tpu.memory_space<hbm>> -> memref<2x128xi32, #tpu.memory_space<hbm>>
    %dma_start3A_115 = arith.constant 0 : i32
    %dma_start3A_116 = arith.constant 0 : i32
    %dma_start3A_117 = tpu.memref_slice %arg6[%dma_start3A_108, %dma_start3A_115, %dma_start3A_116] : memref<4x2x128xi32, #tpu.memory_space<vmem>> -> memref<1x2x128xi32, #tpu.memory_space<vmem>>
    %dma_start3A_118 = tpu.memref_squeeze %dma_start3A_117 : memref<1x2x128xi32, #tpu.memory_space<vmem>> -> memref<2x128xi32, #tpu.memory_space<vmem>>
    %dma_start3A_119 = arith.constant 0 : i32
    %dma_start3A_120 = tpu.memref_slice %arg3[%dma_start3A_119, %add3A_107] : memref<2x320000xi32, #tpu.memory_space<hbm>> -> memref<2x128xi32, #tpu.memory_space<hbm>>
    tpu.enqueue_dma source(%dma_start3A_120 : memref<2x128xi32, #tpu.memory_space<hbm>>) target(%dma_start3A_118 : memref<2x128xi32, #tpu.memory_space<vmem>>) target_semaphore(%arg9 : memref<!tpu.dma_semaphore, #tpu.memory_space<semaphore_mem>>)
    %dma_wait3A_121 = arith.constant 1 : i32
    %dma_wait3A_122 = arith.constant 0 : i32
    %dma_wait3A_123 = arith.constant 0 : i32
    %dma_wait3A_124 = tpu.memref_slice %arg6[%dma_wait3A_121, %dma_wait3A_122, %dma_wait3A_123] : memref<4x2x128xi32, #tpu.memory_space<vmem>> -> memref<1x2x128xi32, #tpu.memory_space<vmem>>
    %dma_wait3A_125 = tpu.memref_squeeze %dma_wait3A_124 : memref<1x2x128xi32, #tpu.memory_space<vmem>> -> memref<2x128xi32, #tpu.memory_space<vmem>>
    %dma_wait3A_126 = arith.constant 0 : i32
    %dma_wait3A_127 = tpu.memref_slice %arg3[%dma_wait3A_126, %mul3A_2] : memref<2x320000xi32, #tpu.memory_space<hbm>> -> memref<2x128xi32, #tpu.memory_space<hbm>>
    %dma_wait3A_128 = arith.constant 0 : i32
    %dma_wait3A_129 = arith.constant 0 : i32
    %dma_wait3A_130 = tpu.memref_slice %arg6[%dma_wait3A_121, %dma_wait3A_128, %dma_wait3A_129] : memref<4x2x128xi32, #tpu.memory_space<vmem>> -> memref<1x2x128xi32, #tpu.memory_space<vmem>>
    %dma_wait3A_131 = tpu.memref_squeeze %dma_wait3A_130 : memref<1x2x128xi32, #tpu.memory_space<vmem>> -> memref<2x128xi32, #tpu.memory_space<vmem>>
    %dma_wait3A_132 = arith.constant 0 : i32
    %dma_wait3A_133 = tpu.memref_slice %arg3[%dma_wait3A_132, %mul3A_2] : memref<2x320000xi32, #tpu.memory_space<hbm>> -> memref<2x128xi32, #tpu.memory_space<hbm>>
    tpu.wait_dma2 semaphore(%arg9 : memref<!tpu.dma_semaphore, #tpu.memory_space<semaphore_mem>>) src(%dma_wait3A_133 : memref<2x128xi32, #tpu.memory_space<hbm>>) dst(%dma_wait3A_131 : memref<2x128xi32, #tpu.memory_space<vmem>>)
    %dma_start3A_134 = arith.constant 1 : i32
    %dma_start3A_135 = arith.constant 0 : i32
    %dma_start3A_136 = arith.constant 1 : i32
    %dma_start3A_137 = arith.constant 0 : i32
    %dma_start3A_138 = arith.constant 0 : i32
    %dma_start3A_139 = tpu.memref_slice %arg7[%dma_start3A_136, %dma_start3A_137, %dma_start3A_138] : memref<2x128x128xf32, #tpu.memory_space<vmem>> -> memref<1x128x128xf32, #tpu.memory_space<vmem>>
    %dma_start3A_140 = tpu.memref_squeeze %dma_start3A_139 : memref<1x128x128xf32, #tpu.memory_space<vmem>> -> memref<128x128xf32, #tpu.memory_space<vmem>>
    %dma_start3A_141 = arith.constant 0 : i32
    %dma_start3A_142 = tpu.memref_slice %arg6[%dma_start3A_134, %dma_start3A_135, %dma_start3A_141] : memref<4x2x128xi32, #tpu.memory_space<vmem>> -> memref<1x1x128xi32, #tpu.memory_space<vmem>>
    %dma_start3A_143 = tpu.memref_squeeze %dma_start3A_142 : memref<1x1x128xi32, #tpu.memory_space<vmem>> -> memref<128xi32, #tpu.memory_space<vmem>>
    %dma_start3A_144 = arith.constant 0 : i32
    %dma_start3A_145 = arith.constant 0 : i32
    %dma_start3A_146 = tpu.memref_slice %arg2[%dma_start3A_144, %dma_start3A_145] : memref<10000x128xf32, #tpu.memory_space<hbm>> -> memref<10000x128xf32, #tpu.memory_space<hbm>>
    tpu.enqueue_indirect_dma source(%dma_start3A_146 : memref<10000x128xf32, #tpu.memory_space<hbm>>) target(%dma_start3A_140 : memref<128x128xf32, #tpu.memory_space<vmem>>) offsets(%dma_start3A_143 : memref<128xi32, #tpu.memory_space<vmem>>) semaphore(%arg10 : memref<!tpu.dma_semaphore, #tpu.memory_space<semaphore_mem>>)
    %eq3A_147 = arith.constant 31 : i32
    %eq3A_148 = arith.cmpi eq, %add3A, %eq3A_147 : i32
    %jit3A = arith.constant 4 : i32
    %jit3A_149 = arith.constant 19 : i32
    %select_n3A = arith.select %eq3A_148, %jit3A, %jit3A_149 : i32
    %while3A = arith.constant 0 : i32
    %while3A_150 = arith.constant 0 : i32
    %while3A_151 = arith.subi %select_n3A, %while3A_150 : i32
    %while3A_152 = arith.addi %while3A_150, %while3A_151 : i32
    %while3A_153 = arith.constant 1 : i32
    %while3A_154 = arith.divsi %while3A_151, %while3A_153 : i32
    %while3A_155 = arith.muli %while3A_154, %while3A_153 : i32
    %while3A_156 = arith.addi %while3A_150, %while3A_155 : i32
    %while3A_157 = arith.constant 1 : i32
    scf.for %while3A_362 = %while3A_150 to %while3A_156 step %while3A_157  : i32 {
      %mul3A_363 = arith.constant 4 : i32
      %mul3A_364 = arith.muli %while3A_362, %mul3A_363 : i32
      %add3A_365 = arith.constant 0 : i32
      %add3A_366 = arith.addi %mul3A_364, %add3A_365 : i32
      %add3A_367 = arith.constant 1 : i32
      %add3A_368 = arith.addi %add3A_366, %add3A_367 : i32
      %dma_wait3A_369 = arith.constant 1 : i32
      %dma_wait3A_370 = arith.constant 0 : i32
      %dma_wait3A_371 = arith.constant 1 : i32
      %dma_wait3A_372 = arith.constant 0 : i32
      %dma_wait3A_373 = arith.constant 0 : i32
      %dma_wait3A_374 = tpu.memref_slice %arg7[%dma_wait3A_371, %dma_wait3A_372, %dma_wait3A_373] : memref<2x128x128xf32, #tpu.memory_space<vmem>> -> memref<1x128x128xf32, #tpu.memory_space<vmem>>
      %dma_wait3A_375 = tpu.memref_squeeze %dma_wait3A_374 : memref<1x128x128xf32, #tpu.memory_space<vmem>> -> memref<128x128xf32, #tpu.memory_space<vmem>>
      %dma_wait3A_376 = arith.constant 0 : i32
      %dma_wait3A_377 = tpu.memref_slice %arg6[%dma_wait3A_369, %dma_wait3A_370, %dma_wait3A_376] : memref<4x2x128xi32, #tpu.memory_space<vmem>> -> memref<1x1x128xi32, #tpu.memory_space<vmem>>
      %dma_wait3A_378 = tpu.memref_squeeze %dma_wait3A_377 : memref<1x1x128xi32, #tpu.memory_space<vmem>> -> memref<128xi32, #tpu.memory_space<vmem>>
      %dma_wait3A_379 = arith.constant 0 : i32
      %dma_wait3A_380 = arith.constant 0 : i32
      %dma_wait3A_381 = tpu.memref_slice %arg2[%dma_wait3A_379, %dma_wait3A_380] : memref<10000x128xf32, #tpu.memory_space<hbm>> -> memref<10000x128xf32, #tpu.memory_space<hbm>>
      tpu.wait_indirect_dma semaphore(%arg10 : memref<!tpu.dma_semaphore, #tpu.memory_space<semaphore_mem>>) src(%dma_wait3A_381 : memref<10000x128xf32, #tpu.memory_space<hbm>>) dst(%dma_wait3A_375 : memref<128x128xf32, #tpu.memory_space<vmem>>)
      %dma_start3A_382 = arith.constant 1 : i32
      %dma_start3A_383 = arith.constant 1 : i32
      %dma_start3A_384 = arith.constant 1 : i32
      %dma_start3A_385 = arith.constant 0 : i32
      %dma_start3A_386 = arith.constant 0 : i32
      %dma_start3A_387 = tpu.memref_slice %arg7[%dma_start3A_382, %dma_start3A_385, %dma_start3A_386] : memref<2x128x128xf32, #tpu.memory_space<vmem>> -> memref<1x128x128xf32, #tpu.memory_space<vmem>>
      %dma_start3A_388 = tpu.memref_squeeze %dma_start3A_387 : memref<1x128x128xf32, #tpu.memory_space<vmem>> -> memref<128x128xf32, #tpu.memory_space<vmem>>
      %dma_start3A_389 = arith.constant 0 : i32
      %dma_start3A_390 = tpu.memref_slice %arg6[%dma_start3A_383, %dma_start3A_384, %dma_start3A_389] : memref<4x2x128xi32, #tpu.memory_space<vmem>> -> memref<1x1x128xi32, #tpu.memory_space<vmem>>
      %dma_start3A_391 = tpu.memref_squeeze %dma_start3A_390 : memref<1x1x128xi32, #tpu.memory_space<vmem>> -> memref<128xi32, #tpu.memory_space<vmem>>
      %dma_start3A_392 = arith.constant 0 : i32
      %dma_start3A_393 = arith.constant 0 : i32
      %dma_start3A_394 = tpu.memref_slice %arg8[%dma_start3A_392, %dma_start3A_393] : memref<10008x128xf32, #tpu.memory_space<vmem_shared>> -> memref<10008x128xf32, #tpu.memory_space<vmem_shared>>
      tpu.enqueue_indirect_dma source(%dma_start3A_388 : memref<128x128xf32, #tpu.memory_space<vmem>>) target(%dma_start3A_394 : memref<10008x128xf32, #tpu.memory_space<vmem_shared>>) offsets(%dma_start3A_391 : memref<128xi32, #tpu.memory_space<vmem>>) semaphore(%arg12 : memref<!tpu.dma_semaphore, #tpu.memory_space<semaphore_mem>>) {add = true}
      %dma_wait3A_395 = arith.constant 0 : i32
      %dma_wait3A_396 = arith.constant 0 : i32
      %dma_wait3A_397 = arith.constant 1 : i32
      %dma_wait3A_398 = arith.constant 0 : i32
      %dma_wait3A_399 = arith.constant 0 : i32
      %dma_wait3A_400 = tpu.memref_slice %arg7[%dma_wait3A_395, %dma_wait3A_398, %dma_wait3A_399] : memref<2x128x128xf32, #tpu.memory_space<vmem>> -> memref<1x128x128xf32, #tpu.memory_space<vmem>>
      %dma_wait3A_401 = tpu.memref_squeeze %dma_wait3A_400 : memref<1x128x128xf32, #tpu.memory_space<vmem>> -> memref<128x128xf32, #tpu.memory_space<vmem>>
      %dma_wait3A_402 = arith.constant 0 : i32
      %dma_wait3A_403 = tpu.memref_slice %arg6[%dma_wait3A_396, %dma_wait3A_397, %dma_wait3A_402] : memref<4x2x128xi32, #tpu.memory_space<vmem>> -> memref<1x1x128xi32, #tpu.memory_space<vmem>>
      %dma_wait3A_404 = tpu.memref_squeeze %dma_wait3A_403 : memref<1x1x128xi32, #tpu.memory_space<vmem>> -> memref<128xi32, #tpu.memory_space<vmem>>
      %dma_wait3A_405 = arith.constant 0 : i32
      %dma_wait3A_406 = arith.constant 0 : i32
      %dma_wait3A_407 = tpu.memref_slice %arg8[%dma_wait3A_405, %dma_wait3A_406] : memref<10008x128xf32, #tpu.memory_space<vmem_shared>> -> memref<10008x128xf32, #tpu.memory_space<vmem_shared>>
      tpu.wait_indirect_dma semaphore(%arg11 : memref<!tpu.dma_semaphore, #tpu.memory_space<semaphore_mem>>) src(%dma_wait3A_401 : memref<128x128xf32, #tpu.memory_space<vmem>>) dst(%dma_wait3A_407 : memref<10008x128xf32, #tpu.memory_space<vmem_shared>>)
      %add3A_408 = arith.constant 3 : i32
      %add3A_409 = arith.addi %add3A_368, %add3A_408 : i32
      %mul3A_410 = arith.constant 128 : i32
      %mul3A_411 = arith.muli %add3A_409, %mul3A_410 : i32
      %add3A_412 = arith.addi %mul3A_2, %mul3A_411 : i32
      %dma_start3A_413 = arith.constant 0 : i32
      %dma_start3A_414 = arith.constant 0 : i32
      %dma_start3A_415 = arith.constant 0 : i32
      %dma_start3A_416 = tpu.memref_slice %arg6[%dma_start3A_413, %dma_start3A_414, %dma_start3A_415] : memref<4x2x128xi32, #tpu.memory_space<vmem>> -> memref<1x2x128xi32, #tpu.memory_space<vmem>>
      %dma_start3A_417 = tpu.memref_squeeze %dma_start3A_416 : memref<1x2x128xi32, #tpu.memory_space<vmem>> -> memref<2x128xi32, #tpu.memory_space<vmem>>
      %dma_start3A_418 = arith.constant 0 : i32
      %dma_start3A_419 = tpu.memref_slice %arg3[%dma_start3A_418, %add3A_412] : memref<2x320000xi32, #tpu.memory_space<hbm>> -> memref<2x128xi32, #tpu.memory_space<hbm>>
      %dma_start3A_420 = arith.constant 0 : i32
      %dma_start3A_421 = arith.constant 0 : i32
      %dma_start3A_422 = tpu.memref_slice %arg6[%dma_start3A_413, %dma_start3A_420, %dma_start3A_421] : memref<4x2x128xi32, #tpu.memory_space<vmem>> -> memref<1x2x128xi32, #tpu.memory_space<vmem>>
      %dma_start3A_423 = tpu.memref_squeeze %dma_start3A_422 : memref<1x2x128xi32, #tpu.memory_space<vmem>> -> memref<2x128xi32, #tpu.memory_space<vmem>>
      %dma_start3A_424 = arith.constant 0 : i32
      %dma_start3A_425 = tpu.memref_slice %arg3[%dma_start3A_424, %add3A_412] : memref<2x320000xi32, #tpu.memory_space<hbm>> -> memref<2x128xi32, #tpu.memory_space<hbm>>
      tpu.enqueue_dma source(%dma_start3A_425 : memref<2x128xi32, #tpu.memory_space<hbm>>) target(%dma_start3A_423 : memref<2x128xi32, #tpu.memory_space<vmem>>) target_semaphore(%arg9 : memref<!tpu.dma_semaphore, #tpu.memory_space<semaphore_mem>>)
      %dma_wait3A_426 = arith.constant 2 : i32
      %dma_wait3A_427 = arith.constant 0 : i32
      %dma_wait3A_428 = arith.constant 0 : i32
      %dma_wait3A_429 = tpu.memref_slice %arg6[%dma_wait3A_426, %dma_wait3A_427, %dma_wait3A_428] : memref<4x2x128xi32, #tpu.memory_space<vmem>> -> memref<1x2x128xi32, #tpu.memory_space<vmem>>
      %dma_wait3A_430 = tpu.memref_squeeze %dma_wait3A_429 : memref<1x2x128xi32, #tpu.memory_space<vmem>> -> memref<2x128xi32, #tpu.memory_space<vmem>>
      %dma_wait3A_431 = arith.constant 0 : i32
      %dma_wait3A_432 = tpu.memref_slice %arg3[%dma_wait3A_431, %mul3A_2] : memref<2x320000xi32, #tpu.memory_space<hbm>> -> memref<2x128xi32, #tpu.memory_space<hbm>>
      %dma_wait3A_433 = arith.constant 0 : i32
      %dma_wait3A_434 = arith.constant 0 : i32
      %dma_wait3A_435 = tpu.memref_slice %arg6[%dma_wait3A_426, %dma_wait3A_433, %dma_wait3A_434] : memref<4x2x128xi32, #tpu.memory_space<vmem>> -> memref<1x2x128xi32, #tpu.memory_space<vmem>>
      %dma_wait3A_436 = tpu.memref_squeeze %dma_wait3A_435 : memref<1x2x128xi32, #tpu.memory_space<vmem>> -> memref<2x128xi32, #tpu.memory_space<vmem>>
      %dma_wait3A_437 = arith.constant 0 : i32
      %dma_wait3A_438 = tpu.memref_slice %arg3[%dma_wait3A_437, %mul3A_2] : memref<2x320000xi32, #tpu.memory_space<hbm>> -> memref<2x128xi32, #tpu.memory_space<hbm>>
      tpu.wait_dma2 semaphore(%arg9 : memref<!tpu.dma_semaphore, #tpu.memory_space<semaphore_mem>>) src(%dma_wait3A_438 : memref<2x128xi32, #tpu.memory_space<hbm>>) dst(%dma_wait3A_436 : memref<2x128xi32, #tpu.memory_space<vmem>>)
      %dma_start3A_439 = arith.constant 2 : i32
      %dma_start3A_440 = arith.constant 0 : i32
      %dma_start3A_441 = arith.constant 0 : i32
      %dma_start3A_442 = arith.constant 0 : i32
      %dma_start3A_443 = arith.constant 0 : i32
      %dma_start3A_444 = tpu.memref_slice %arg7[%dma_start3A_441, %dma_start3A_442, %dma_start3A_443] : memref<2x128x128xf32, #tpu.memory_space<vmem>> -> memref<1x128x128xf32, #tpu.memory_space<vmem>>
      %dma_start3A_445 = tpu.memref_squeeze %dma_start3A_444 : memref<1x128x128xf32, #tpu.memory_space<vmem>> -> memref<128x128xf32, #tpu.memory_space<vmem>>
      %dma_start3A_446 = arith.constant 0 : i32
      %dma_start3A_447 = tpu.memref_slice %arg6[%dma_start3A_439, %dma_start3A_440, %dma_start3A_446] : memref<4x2x128xi32, #tpu.memory_space<vmem>> -> memref<1x1x128xi32, #tpu.memory_space<vmem>>
      %dma_start3A_448 = tpu.memref_squeeze %dma_start3A_447 : memref<1x1x128xi32, #tpu.memory_space<vmem>> -> memref<128xi32, #tpu.memory_space<vmem>>
      %dma_start3A_449 = arith.constant 0 : i32
      %dma_start3A_450 = arith.constant 0 : i32
      %dma_start3A_451 = tpu.memref_slice %arg2[%dma_start3A_449, %dma_start3A_450] : memref<10000x128xf32, #tpu.memory_space<hbm>> -> memref<10000x128xf32, #tpu.memory_space<hbm>>
      tpu.enqueue_indirect_dma source(%dma_start3A_451 : memref<10000x128xf32, #tpu.memory_space<hbm>>) target(%dma_start3A_445 : memref<128x128xf32, #tpu.memory_space<vmem>>) offsets(%dma_start3A_448 : memref<128xi32, #tpu.memory_space<vmem>>) semaphore(%arg10 : memref<!tpu.dma_semaphore, #tpu.memory_space<semaphore_mem>>)
      %mul3A_452 = arith.constant 4 : i32
      %mul3A_453 = arith.muli %while3A_362, %mul3A_452 : i32
      %add3A_454 = arith.constant 1 : i32
      %add3A_455 = arith.addi %mul3A_453, %add3A_454 : i32
      %add3A_456 = arith.constant 1 : i32
      %add3A_457 = arith.addi %add3A_455, %add3A_456 : i32
      %dma_wait3A_458 = arith.constant 2 : i32
      %dma_wait3A_459 = arith.constant 0 : i32
      %dma_wait3A_460 = arith.constant 0 : i32
      %dma_wait3A_461 = arith.constant 0 : i32
      %dma_wait3A_462 = arith.constant 0 : i32
      %dma_wait3A_463 = tpu.memref_slice %arg7[%dma_wait3A_460, %dma_wait3A_461, %dma_wait3A_462] : memref<2x128x128xf32, #tpu.memory_space<vmem>> -> memref<1x128x128xf32, #tpu.memory_space<vmem>>
      %dma_wait3A_464 = tpu.memref_squeeze %dma_wait3A_463 : memref<1x128x128xf32, #tpu.memory_space<vmem>> -> memref<128x128xf32, #tpu.memory_space<vmem>>
      %dma_wait3A_465 = arith.constant 0 : i32
      %dma_wait3A_466 = tpu.memref_slice %arg6[%dma_wait3A_458, %dma_wait3A_459, %dma_wait3A_465] : memref<4x2x128xi32, #tpu.memory_space<vmem>> -> memref<1x1x128xi32, #tpu.memory_space<vmem>>
      %dma_wait3A_467 = tpu.memref_squeeze %dma_wait3A_466 : memref<1x1x128xi32, #tpu.memory_space<vmem>> -> memref<128xi32, #tpu.memory_space<vmem>>
      %dma_wait3A_468 = arith.constant 0 : i32
      %dma_wait3A_469 = arith.constant 0 : i32
      %dma_wait3A_470 = tpu.memref_slice %arg2[%dma_wait3A_468, %dma_wait3A_469] : memref<10000x128xf32, #tpu.memory_space<hbm>> -> memref<10000x128xf32, #tpu.memory_space<hbm>>
      tpu.wait_indirect_dma semaphore(%arg10 : memref<!tpu.dma_semaphore, #tpu.memory_space<semaphore_mem>>) src(%dma_wait3A_470 : memref<10000x128xf32, #tpu.memory_space<hbm>>) dst(%dma_wait3A_464 : memref<128x128xf32, #tpu.memory_space<vmem>>)
      %dma_start3A_471 = arith.constant 0 : i32
      %dma_start3A_472 = arith.constant 2 : i32
      %dma_start3A_473 = arith.constant 1 : i32
      %dma_start3A_474 = arith.constant 0 : i32
      %dma_start3A_475 = arith.constant 0 : i32
      %dma_start3A_476 = tpu.memref_slice %arg7[%dma_start3A_471, %dma_start3A_474, %dma_start3A_475] : memref<2x128x128xf32, #tpu.memory_space<vmem>> -> memref<1x128x128xf32, #tpu.memory_space<vmem>>
      %dma_start3A_477 = tpu.memref_squeeze %dma_start3A_476 : memref<1x128x128xf32, #tpu.memory_space<vmem>> -> memref<128x128xf32, #tpu.memory_space<vmem>>
      %dma_start3A_478 = arith.constant 0 : i32
      %dma_start3A_479 = tpu.memref_slice %arg6[%dma_start3A_472, %dma_start3A_473, %dma_start3A_478] : memref<4x2x128xi32, #tpu.memory_space<vmem>> -> memref<1x1x128xi32, #tpu.memory_space<vmem>>
      %dma_start3A_480 = tpu.memref_squeeze %dma_start3A_479 : memref<1x1x128xi32, #tpu.memory_space<vmem>> -> memref<128xi32, #tpu.memory_space<vmem>>
      %dma_start3A_481 = arith.constant 0 : i32
      %dma_start3A_482 = arith.constant 0 : i32
      %dma_start3A_483 = tpu.memref_slice %arg8[%dma_start3A_481, %dma_start3A_482] : memref<10008x128xf32, #tpu.memory_space<vmem_shared>> -> memref<10008x128xf32, #tpu.memory_space<vmem_shared>>
      tpu.enqueue_indirect_dma source(%dma_start3A_477 : memref<128x128xf32, #tpu.memory_space<vmem>>) target(%dma_start3A_483 : memref<10008x128xf32, #tpu.memory_space<vmem_shared>>) offsets(%dma_start3A_480 : memref<128xi32, #tpu.memory_space<vmem>>) semaphore(%arg11 : memref<!tpu.dma_semaphore, #tpu.memory_space<semaphore_mem>>) {add = true}
      %dma_wait3A_484 = arith.constant 1 : i32
      %dma_wait3A_485 = arith.constant 0 : i32
      %dma_wait3A_486 = arith.constant 1 : i32
      %dma_wait3A_487 = arith.constant 0 : i32
      %dma_wait3A_488 = arith.constant 0 : i32
      %dma_wait3A_489 = tpu.memref_slice %arg7[%dma_wait3A_484, %dma_wait3A_487, %dma_wait3A_488] : memref<2x128x128xf32, #tpu.memory_space<vmem>> -> memref<1x128x128xf32, #tpu.memory_space<vmem>>
      %dma_wait3A_490 = tpu.memref_squeeze %dma_wait3A_489 : memref<1x128x128xf32, #tpu.memory_space<vmem>> -> memref<128x128xf32, #tpu.memory_space<vmem>>
      %dma_wait3A_491 = arith.constant 0 : i32
      %dma_wait3A_492 = tpu.memref_slice %arg6[%dma_wait3A_485, %dma_wait3A_486, %dma_wait3A_491] : memref<4x2x128xi32, #tpu.memory_space<vmem>> -> memref<1x1x128xi32, #tpu.memory_space<vmem>>
      %dma_wait3A_493 = tpu.memref_squeeze %dma_wait3A_492 : memref<1x1x128xi32, #tpu.memory_space<vmem>> -> memref<128xi32, #tpu.memory_space<vmem>>
      %dma_wait3A_494 = arith.constant 0 : i32
      %dma_wait3A_495 = arith.constant 0 : i32
      %dma_wait3A_496 = tpu.memref_slice %arg8[%dma_wait3A_494, %dma_wait3A_495] : memref<10008x128xf32, #tpu.memory_space<vmem_shared>> -> memref<10008x128xf32, #tpu.memory_space<vmem_shared>>
      tpu.wait_indirect_dma semaphore(%arg12 : memref<!tpu.dma_semaphore, #tpu.memory_space<semaphore_mem>>) src(%dma_wait3A_490 : memref<128x128xf32, #tpu.memory_space<vmem>>) dst(%dma_wait3A_496 : memref<10008x128xf32, #tpu.memory_space<vmem_shared>>)
      %add3A_497 = arith.constant 3 : i32
      %add3A_498 = arith.addi %add3A_457, %add3A_497 : i32
      %mul3A_499 = arith.constant 128 : i32
      %mul3A_500 = arith.muli %add3A_498, %mul3A_499 : i32
      %add3A_501 = arith.addi %mul3A_2, %mul3A_500 : i32
      %dma_start3A_502 = arith.constant 1 : i32
      %dma_start3A_503 = arith.constant 0 : i32
      %dma_start3A_504 = arith.constant 0 : i32
      %dma_start3A_505 = tpu.memref_slice %arg6[%dma_start3A_502, %dma_start3A_503, %dma_start3A_504] : memref<4x2x128xi32, #tpu.memory_space<vmem>> -> memref<1x2x128xi32, #tpu.memory_space<vmem>>
      %dma_start3A_506 = tpu.memref_squeeze %dma_start3A_505 : memref<1x2x128xi32, #tpu.memory_space<vmem>> -> memref<2x128xi32, #tpu.memory_space<vmem>>
      %dma_start3A_507 = arith.constant 0 : i32
      %dma_start3A_508 = tpu.memref_slice %arg3[%dma_start3A_507, %add3A_501] : memref<2x320000xi32, #tpu.memory_space<hbm>> -> memref<2x128xi32, #tpu.memory_space<hbm>>
      %dma_start3A_509 = arith.constant 0 : i32
      %dma_start3A_510 = arith.constant 0 : i32
      %dma_start3A_511 = tpu.memref_slice %arg6[%dma_start3A_502, %dma_start3A_509, %dma_start3A_510] : memref<4x2x128xi32, #tpu.memory_space<vmem>> -> memref<1x2x128xi32, #tpu.memory_space<vmem>>
      %dma_start3A_512 = tpu.memref_squeeze %dma_start3A_511 : memref<1x2x128xi32, #tpu.memory_space<vmem>> -> memref<2x128xi32, #tpu.memory_space<vmem>>
      %dma_start3A_513 = arith.constant 0 : i32
      %dma_start3A_514 = tpu.memref_slice %arg3[%dma_start3A_513, %add3A_501] : memref<2x320000xi32, #tpu.memory_space<hbm>> -> memref<2x128xi32, #tpu.memory_space<hbm>>
      tpu.enqueue_dma source(%dma_start3A_514 : memref<2x128xi32, #tpu.memory_space<hbm>>) target(%dma_start3A_512 : memref<2x128xi32, #tpu.memory_space<vmem>>) target_semaphore(%arg9 : memref<!tpu.dma_semaphore, #tpu.memory_space<semaphore_mem>>)
      %dma_wait3A_515 = arith.constant 3 : i32
      %dma_wait3A_516 = arith.constant 0 : i32
      %dma_wait3A_517 = arith.constant 0 : i32
      %dma_wait3A_518 = tpu.memref_slice %arg6[%dma_wait3A_515, %dma_wait3A_516, %dma_wait3A_517] : memref<4x2x128xi32, #tpu.memory_space<vmem>> -> memref<1x2x128xi32, #tpu.memory_space<vmem>>
      %dma_wait3A_519 = tpu.memref_squeeze %dma_wait3A_518 : memref<1x2x128xi32, #tpu.memory_space<vmem>> -> memref<2x128xi32, #tpu.memory_space<vmem>>
      %dma_wait3A_520 = arith.constant 0 : i32
      %dma_wait3A_521 = tpu.memref_slice %arg3[%dma_wait3A_520, %mul3A_2] : memref<2x320000xi32, #tpu.memory_space<hbm>> -> memref<2x128xi32, #tpu.memory_space<hbm>>
      %dma_wait3A_522 = arith.constant 0 : i32
      %dma_wait3A_523 = arith.constant 0 : i32
      %dma_wait3A_524 = tpu.memref_slice %arg6[%dma_wait3A_515, %dma_wait3A_522, %dma_wait3A_523] : memref<4x2x128xi32, #tpu.memory_space<vmem>> -> memref<1x2x128xi32, #tpu.memory_space<vmem>>
      %dma_wait3A_525 = tpu.memref_squeeze %dma_wait3A_524 : memref<1x2x128xi32, #tpu.memory_space<vmem>> -> memref<2x128xi32, #tpu.memory_space<vmem>>
      %dma_wait3A_526 = arith.constant 0 : i32
      %dma_wait3A_527 = tpu.memref_slice %arg3[%dma_wait3A_526, %mul3A_2] : memref<2x320000xi32, #tpu.memory_space<hbm>> -> memref<2x128xi32, #tpu.memory_space<hbm>>
      tpu.wait_dma2 semaphore(%arg9 : memref<!tpu.dma_semaphore, #tpu.memory_space<semaphore_mem>>) src(%dma_wait3A_527 : memref<2x128xi32, #tpu.memory_space<hbm>>) dst(%dma_wait3A_525 : memref<2x128xi32, #tpu.memory_space<vmem>>)
      %dma_start3A_528 = arith.constant 3 : i32
      %dma_start3A_529 = arith.constant 0 : i32
      %dma_start3A_530 = arith.constant 1 : i32
      %dma_start3A_531 = arith.constant 0 : i32
      %dma_start3A_532 = arith.constant 0 : i32
      %dma_start3A_533 = tpu.memref_slice %arg7[%dma_start3A_530, %dma_start3A_531, %dma_start3A_532] : memref<2x128x128xf32, #tpu.memory_space<vmem>> -> memref<1x128x128xf32, #tpu.memory_space<vmem>>
      %dma_start3A_534 = tpu.memref_squeeze %dma_start3A_533 : memref<1x128x128xf32, #tpu.memory_space<vmem>> -> memref<128x128xf32, #tpu.memory_space<vmem>>
      %dma_start3A_535 = arith.constant 0 : i32
      %dma_start3A_536 = tpu.memref_slice %arg6[%dma_start3A_528, %dma_start3A_529, %dma_start3A_535] : memref<4x2x128xi32, #tpu.memory_space<vmem>> -> memref<1x1x128xi32, #tpu.memory_space<vmem>>
      %dma_start3A_537 = tpu.memref_squeeze %dma_start3A_536 : memref<1x1x128xi32, #tpu.memory_space<vmem>> -> memref<128xi32, #tpu.memory_space<vmem>>
      %dma_start3A_538 = arith.constant 0 : i32
      %dma_start3A_539 = arith.constant 0 : i32
      %dma_start3A_540 = tpu.memref_slice %arg2[%dma_start3A_538, %dma_start3A_539] : memref<10000x128xf32, #tpu.memory_space<hbm>> -> memref<10000x128xf32, #tpu.memory_space<hbm>>
      tpu.enqueue_indirect_dma source(%dma_start3A_540 : memref<10000x128xf32, #tpu.memory_space<hbm>>) target(%dma_start3A_534 : memref<128x128xf32, #tpu.memory_space<vmem>>) offsets(%dma_start3A_537 : memref<128xi32, #tpu.memory_space<vmem>>) semaphore(%arg10 : memref<!tpu.dma_semaphore, #tpu.memory_space<semaphore_mem>>)
      %mul3A_541 = arith.constant 4 : i32
      %mul3A_542 = arith.muli %while3A_362, %mul3A_541 : i32
      %add3A_543 = arith.constant 2 : i32
      %add3A_544 = arith.addi %mul3A_542, %add3A_543 : i32
      %add3A_545 = arith.constant 1 : i32
      %add3A_546 = arith.addi %add3A_544, %add3A_545 : i32
      %dma_wait3A_547 = arith.constant 3 : i32
      %dma_wait3A_548 = arith.constant 0 : i32
      %dma_wait3A_549 = arith.constant 1 : i32
      %dma_wait3A_550 = arith.constant 0 : i32
      %dma_wait3A_551 = arith.constant 0 : i32
      %dma_wait3A_552 = tpu.memref_slice %arg7[%dma_wait3A_549, %dma_wait3A_550, %dma_wait3A_551] : memref<2x128x128xf32, #tpu.memory_space<vmem>> -> memref<1x128x128xf32, #tpu.memory_space<vmem>>
      %dma_wait3A_553 = tpu.memref_squeeze %dma_wait3A_552 : memref<1x128x128xf32, #tpu.memory_space<vmem>> -> memref<128x128xf32, #tpu.memory_space<vmem>>
      %dma_wait3A_554 = arith.constant 0 : i32
      %dma_wait3A_555 = tpu.memref_slice %arg6[%dma_wait3A_547, %dma_wait3A_548, %dma_wait3A_554] : memref<4x2x128xi32, #tpu.memory_space<vmem>> -> memref<1x1x128xi32, #tpu.memory_space<vmem>>
      %dma_wait3A_556 = tpu.memref_squeeze %dma_wait3A_555 : memref<1x1x128xi32, #tpu.memory_space<vmem>> -> memref<128xi32, #tpu.memory_space<vmem>>
      %dma_wait3A_557 = arith.constant 0 : i32
      %dma_wait3A_558 = arith.constant 0 : i32
      %dma_wait3A_559 = tpu.memref_slice %arg2[%dma_wait3A_557, %dma_wait3A_558] : memref<10000x128xf32, #tpu.memory_space<hbm>> -> memref<10000x128xf32, #tpu.memory_space<hbm>>
      tpu.wait_indirect_dma semaphore(%arg10 : memref<!tpu.dma_semaphore, #tpu.memory_space<semaphore_mem>>) src(%dma_wait3A_559 : memref<10000x128xf32, #tpu.memory_space<hbm>>) dst(%dma_wait3A_553 : memref<128x128xf32, #tpu.memory_space<vmem>>)
      %dma_start3A_560 = arith.constant 1 : i32
      %dma_start3A_561 = arith.constant 3 : i32
      %dma_start3A_562 = arith.constant 1 : i32
      %dma_start3A_563 = arith.constant 0 : i32
      %dma_start3A_564 = arith.constant 0 : i32
      %dma_start3A_565 = tpu.memref_slice %arg7[%dma_start3A_560, %dma_start3A_563, %dma_start3A_564] : memref<2x128x128xf32, #tpu.memory_space<vmem>> -> memref<1x128x128xf32, #tpu.memory_space<vmem>>
      %dma_start3A_566 = tpu.memref_squeeze %dma_start3A_565 : memref<1x128x128xf32, #tpu.memory_space<vmem>> -> memref<128x128xf32, #tpu.memory_space<vmem>>
      %dma_start3A_567 = arith.constant 0 : i32
      %dma_start3A_568 = tpu.memref_slice %arg6[%dma_start3A_561, %dma_start3A_562, %dma_start3A_567] : memref<4x2x128xi32, #tpu.memory_space<vmem>> -> memref<1x1x128xi32, #tpu.memory_space<vmem>>
      %dma_start3A_569 = tpu.memref_squeeze %dma_start3A_568 : memref<1x1x128xi32, #tpu.memory_space<vmem>> -> memref<128xi32, #tpu.memory_space<vmem>>
      %dma_start3A_570 = arith.constant 0 : i32
      %dma_start3A_571 = arith.constant 0 : i32
      %dma_start3A_572 = tpu.memref_slice %arg8[%dma_start3A_570, %dma_start3A_571] : memref<10008x128xf32, #tpu.memory_space<vmem_shared>> -> memref<10008x128xf32, #tpu.memory_space<vmem_shared>>
      tpu.enqueue_indirect_dma source(%dma_start3A_566 : memref<128x128xf32, #tpu.memory_space<vmem>>) target(%dma_start3A_572 : memref<10008x128xf32, #tpu.memory_space<vmem_shared>>) offsets(%dma_start3A_569 : memref<128xi32, #tpu.memory_space<vmem>>) semaphore(%arg12 : memref<!tpu.dma_semaphore, #tpu.memory_space<semaphore_mem>>) {add = true}
      %dma_wait3A_573 = arith.constant 0 : i32
      %dma_wait3A_574 = arith.constant 0 : i32
      %dma_wait3A_575 = arith.constant 1 : i32
      %dma_wait3A_576 = arith.constant 0 : i32
      %dma_wait3A_577 = arith.constant 0 : i32
      %dma_wait3A_578 = tpu.memref_slice %arg7[%dma_wait3A_573, %dma_wait3A_576, %dma_wait3A_577] : memref<2x128x128xf32, #tpu.memory_space<vmem>> -> memref<1x128x128xf32, #tpu.memory_space<vmem>>
      %dma_wait3A_579 = tpu.memref_squeeze %dma_wait3A_578 : memref<1x128x128xf32, #tpu.memory_space<vmem>> -> memref<128x128xf32, #tpu.memory_space<vmem>>
      %dma_wait3A_580 = arith.constant 0 : i32
      %dma_wait3A_581 = tpu.memref_slice %arg6[%dma_wait3A_574, %dma_wait3A_575, %dma_wait3A_580] : memref<4x2x128xi32, #tpu.memory_space<vmem>> -> memref<1x1x128xi32, #tpu.memory_space<vmem>>
      %dma_wait3A_582 = tpu.memref_squeeze %dma_wait3A_581 : memref<1x1x128xi32, #tpu.memory_space<vmem>> -> memref<128xi32, #tpu.memory_space<vmem>>
      %dma_wait3A_583 = arith.constant 0 : i32
      %dma_wait3A_584 = arith.constant 0 : i32
      %dma_wait3A_585 = tpu.memref_slice %arg8[%dma_wait3A_583, %dma_wait3A_584] : memref<10008x128xf32, #tpu.memory_space<vmem_shared>> -> memref<10008x128xf32, #tpu.memory_space<vmem_shared>>
      tpu.wait_indirect_dma semaphore(%arg11 : memref<!tpu.dma_semaphore, #tpu.memory_space<semaphore_mem>>) src(%dma_wait3A_579 : memref<128x128xf32, #tpu.memory_space<vmem>>) dst(%dma_wait3A_585 : memref<10008x128xf32, #tpu.memory_space<vmem_shared>>)
      %add3A_586 = arith.constant 3 : i32
      %add3A_587 = arith.addi %add3A_546, %add3A_586 : i32
      %mul3A_588 = arith.constant 128 : i32
      %mul3A_589 = arith.muli %add3A_587, %mul3A_588 : i32
      %add3A_590 = arith.addi %mul3A_2, %mul3A_589 : i32
      %dma_start3A_591 = arith.constant 2 : i32
      %dma_start3A_592 = arith.constant 0 : i32
      %dma_start3A_593 = arith.constant 0 : i32
      %dma_start3A_594 = tpu.memref_slice %arg6[%dma_start3A_591, %dma_start3A_592, %dma_start3A_593] : memref<4x2x128xi32, #tpu.memory_space<vmem>> -> memref<1x2x128xi32, #tpu.memory_space<vmem>>
      %dma_start3A_595 = tpu.memref_squeeze %dma_start3A_594 : memref<1x2x128xi32, #tpu.memory_space<vmem>> -> memref<2x128xi32, #tpu.memory_space<vmem>>
      %dma_start3A_596 = arith.constant 0 : i32
      %dma_start3A_597 = tpu.memref_slice %arg3[%dma_start3A_596, %add3A_590] : memref<2x320000xi32, #tpu.memory_space<hbm>> -> memref<2x128xi32, #tpu.memory_space<hbm>>
      %dma_start3A_598 = arith.constant 0 : i32
      %dma_start3A_599 = arith.constant 0 : i32
      %dma_start3A_600 = tpu.memref_slice %arg6[%dma_start3A_591, %dma_start3A_598, %dma_start3A_599] : memref<4x2x128xi32, #tpu.memory_space<vmem>> -> memref<1x2x128xi32, #tpu.memory_space<vmem>>
      %dma_start3A_601 = tpu.memref_squeeze %dma_start3A_600 : memref<1x2x128xi32, #tpu.memory_space<vmem>> -> memref<2x128xi32, #tpu.memory_space<vmem>>
      %dma_start3A_602 = arith.constant 0 : i32
      %dma_start3A_603 = tpu.memref_slice %arg3[%dma_start3A_602, %add3A_590] : memref<2x320000xi32, #tpu.memory_space<hbm>> -> memref<2x128xi32, #tpu.memory_space<hbm>>
      tpu.enqueue_dma source(%dma_start3A_603 : memref<2x128xi32, #tpu.memory_space<hbm>>) target(%dma_start3A_601 : memref<2x128xi32, #tpu.memory_space<vmem>>) target_semaphore(%arg9 : memref<!tpu.dma_semaphore, #tpu.memory_space<semaphore_mem>>)
      %dma_wait3A_604 = arith.constant 0 : i32
      %dma_wait3A_605 = arith.constant 0 : i32
      %dma_wait3A_606 = arith.constant 0 : i32
      %dma_wait3A_607 = tpu.memref_slice %arg6[%dma_wait3A_604, %dma_wait3A_605, %dma_wait3A_606] : memref<4x2x128xi32, #tpu.memory_space<vmem>> -> memref<1x2x128xi32, #tpu.memory_space<vmem>>
      %dma_wait3A_608 = tpu.memref_squeeze %dma_wait3A_607 : memref<1x2x128xi32, #tpu.memory_space<vmem>> -> memref<2x128xi32, #tpu.memory_space<vmem>>
      %dma_wait3A_609 = arith.constant 0 : i32
      %dma_wait3A_610 = tpu.memref_slice %arg3[%dma_wait3A_609, %mul3A_2] : memref<2x320000xi32, #tpu.memory_space<hbm>> -> memref<2x128xi32, #tpu.memory_space<hbm>>
      %dma_wait3A_611 = arith.constant 0 : i32
      %dma_wait3A_612 = arith.constant 0 : i32
      %dma_wait3A_613 = tpu.memref_slice %arg6[%dma_wait3A_604, %dma_wait3A_611, %dma_wait3A_612] : memref<4x2x128xi32, #tpu.memory_space<vmem>> -> memref<1x2x128xi32, #tpu.memory_space<vmem>>
      %dma_wait3A_614 = tpu.memref_squeeze %dma_wait3A_613 : memref<1x2x128xi32, #tpu.memory_space<vmem>> -> memref<2x128xi32, #tpu.memory_space<vmem>>
      %dma_wait3A_615 = arith.constant 0 : i32
      %dma_wait3A_616 = tpu.memref_slice %arg3[%dma_wait3A_615, %mul3A_2] : memref<2x320000xi32, #tpu.memory_space<hbm>> -> memref<2x128xi32, #tpu.memory_space<hbm>>
      tpu.wait_dma2 semaphore(%arg9 : memref<!tpu.dma_semaphore, #tpu.memory_space<semaphore_mem>>) src(%dma_wait3A_616 : memref<2x128xi32, #tpu.memory_space<hbm>>) dst(%dma_wait3A_614 : memref<2x128xi32, #tpu.memory_space<vmem>>)
      %dma_start3A_617 = arith.constant 0 : i32
      %dma_start3A_618 = arith.constant 0 : i32
      %dma_start3A_619 = arith.constant 0 : i32
      %dma_start3A_620 = arith.constant 0 : i32
      %dma_start3A_621 = arith.constant 0 : i32
      %dma_start3A_622 = tpu.memref_slice %arg7[%dma_start3A_619, %dma_start3A_620, %dma_start3A_621] : memref<2x128x128xf32, #tpu.memory_space<vmem>> -> memref<1x128x128xf32, #tpu.memory_space<vmem>>
      %dma_start3A_623 = tpu.memref_squeeze %dma_start3A_622 : memref<1x128x128xf32, #tpu.memory_space<vmem>> -> memref<128x128xf32, #tpu.memory_space<vmem>>
      %dma_start3A_624 = arith.constant 0 : i32
      %dma_start3A_625 = tpu.memref_slice %arg6[%dma_start3A_617, %dma_start3A_618, %dma_start3A_624] : memref<4x2x128xi32, #tpu.memory_space<vmem>> -> memref<1x1x128xi32, #tpu.memory_space<vmem>>
      %dma_start3A_626 = tpu.memref_squeeze %dma_start3A_625 : memref<1x1x128xi32, #tpu.memory_space<vmem>> -> memref<128xi32, #tpu.memory_space<vmem>>
      %dma_start3A_627 = arith.constant 0 : i32
      %dma_start3A_628 = arith.constant 0 : i32
      %dma_start3A_629 = tpu.memref_slice %arg2[%dma_start3A_627, %dma_start3A_628] : memref<10000x128xf32, #tpu.memory_space<hbm>> -> memref<10000x128xf32, #tpu.memory_space<hbm>>
      tpu.enqueue_indirect_dma source(%dma_start3A_629 : memref<10000x128xf32, #tpu.memory_space<hbm>>) target(%dma_start3A_623 : memref<128x128xf32, #tpu.memory_space<vmem>>) offsets(%dma_start3A_626 : memref<128xi32, #tpu.memory_space<vmem>>) semaphore(%arg10 : memref<!tpu.dma_semaphore, #tpu.memory_space<semaphore_mem>>)
      %mul3A_630 = arith.constant 4 : i32
      %mul3A_631 = arith.muli %while3A_362, %mul3A_630 : i32
      %add3A_632 = arith.constant 3 : i32
      %add3A_633 = arith.addi %mul3A_631, %add3A_632 : i32
      %add3A_634 = arith.constant 1 : i32
      %add3A_635 = arith.addi %add3A_633, %add3A_634 : i32
      %dma_wait3A_636 = arith.constant 0 : i32
      %dma_wait3A_637 = arith.constant 0 : i32
      %dma_wait3A_638 = arith.constant 0 : i32
      %dma_wait3A_639 = arith.constant 0 : i32
      %dma_wait3A_640 = arith.constant 0 : i32
      %dma_wait3A_641 = tpu.memref_slice %arg7[%dma_wait3A_638, %dma_wait3A_639, %dma_wait3A_640] : memref<2x128x128xf32, #tpu.memory_space<vmem>> -> memref<1x128x128xf32, #tpu.memory_space<vmem>>
      %dma_wait3A_642 = tpu.memref_squeeze %dma_wait3A_641 : memref<1x128x128xf32, #tpu.memory_space<vmem>> -> memref<128x128xf32, #tpu.memory_space<vmem>>
      %dma_wait3A_643 = arith.constant 0 : i32
      %dma_wait3A_644 = tpu.memref_slice %arg6[%dma_wait3A_636, %dma_wait3A_637, %dma_wait3A_643] : memref<4x2x128xi32, #tpu.memory_space<vmem>> -> memref<1x1x128xi32, #tpu.memory_space<vmem>>
      %dma_wait3A_645 = tpu.memref_squeeze %dma_wait3A_644 : memref<1x1x128xi32, #tpu.memory_space<vmem>> -> memref<128xi32, #tpu.memory_space<vmem>>
      %dma_wait3A_646 = arith.constant 0 : i32
      %dma_wait3A_647 = arith.constant 0 : i32
      %dma_wait3A_648 = tpu.memref_slice %arg2[%dma_wait3A_646, %dma_wait3A_647] : memref<10000x128xf32, #tpu.memory_space<hbm>> -> memref<10000x128xf32, #tpu.memory_space<hbm>>
      tpu.wait_indirect_dma semaphore(%arg10 : memref<!tpu.dma_semaphore, #tpu.memory_space<semaphore_mem>>) src(%dma_wait3A_648 : memref<10000x128xf32, #tpu.memory_space<hbm>>) dst(%dma_wait3A_642 : memref<128x128xf32, #tpu.memory_space<vmem>>)
      %dma_start3A_649 = arith.constant 0 : i32
      %dma_start3A_650 = arith.constant 0 : i32
      %dma_start3A_651 = arith.constant 1 : i32
      %dma_start3A_652 = arith.constant 0 : i32
      %dma_start3A_653 = arith.constant 0 : i32
      %dma_start3A_654 = tpu.memref_slice %arg7[%dma_start3A_649, %dma_start3A_652, %dma_start3A_653] : memref<2x128x128xf32, #tpu.memory_space<vmem>> -> memref<1x128x128xf32, #tpu.memory_space<vmem>>
      %dma_start3A_655 = tpu.memref_squeeze %dma_start3A_654 : memref<1x128x128xf32, #tpu.memory_space<vmem>> -> memref<128x128xf32, #tpu.memory_space<vmem>>
      %dma_start3A_656 = arith.constant 0 : i32
      %dma_start3A_657 = tpu.memref_slice %arg6[%dma_start3A_650, %dma_start3A_651, %dma_start3A_656] : memref<4x2x128xi32, #tpu.memory_space<vmem>> -> memref<1x1x128xi32, #tpu.memory_space<vmem>>
      %dma_start3A_658 = tpu.memref_squeeze %dma_start3A_657 : memref<1x1x128xi32, #tpu.memory_space<vmem>> -> memref<128xi32, #tpu.memory_space<vmem>>
      %dma_start3A_659 = arith.constant 0 : i32
      %dma_start3A_660 = arith.constant 0 : i32
      %dma_start3A_661 = tpu.memref_slice %arg8[%dma_start3A_659, %dma_start3A_660] : memref<10008x128xf32, #tpu.memory_space<vmem_shared>> -> memref<10008x128xf32, #tpu.memory_space<vmem_shared>>
      tpu.enqueue_indirect_dma source(%dma_start3A_655 : memref<128x128xf32, #tpu.memory_space<vmem>>) target(%dma_start3A_661 : memref<10008x128xf32, #tpu.memory_space<vmem_shared>>) offsets(%dma_start3A_658 : memref<128xi32, #tpu.memory_space<vmem>>) semaphore(%arg11 : memref<!tpu.dma_semaphore, #tpu.memory_space<semaphore_mem>>) {add = true}
      %dma_wait3A_662 = arith.constant 1 : i32
      %dma_wait3A_663 = arith.constant 0 : i32
      %dma_wait3A_664 = arith.constant 1 : i32
      %dma_wait3A_665 = arith.constant 0 : i32
      %dma_wait3A_666 = arith.constant 0 : i32
      %dma_wait3A_667 = tpu.memref_slice %arg7[%dma_wait3A_662, %dma_wait3A_665, %dma_wait3A_666] : memref<2x128x128xf32, #tpu.memory_space<vmem>> -> memref<1x128x128xf32, #tpu.memory_space<vmem>>
      %dma_wait3A_668 = tpu.memref_squeeze %dma_wait3A_667 : memref<1x128x128xf32, #tpu.memory_space<vmem>> -> memref<128x128xf32, #tpu.memory_space<vmem>>
      %dma_wait3A_669 = arith.constant 0 : i32
      %dma_wait3A_670 = tpu.memref_slice %arg6[%dma_wait3A_663, %dma_wait3A_664, %dma_wait3A_669] : memref<4x2x128xi32, #tpu.memory_space<vmem>> -> memref<1x1x128xi32, #tpu.memory_space<vmem>>
      %dma_wait3A_671 = tpu.memref_squeeze %dma_wait3A_670 : memref<1x1x128xi32, #tpu.memory_space<vmem>> -> memref<128xi32, #tpu.memory_space<vmem>>
      %dma_wait3A_672 = arith.constant 0 : i32
      %dma_wait3A_673 = arith.constant 0 : i32
      %dma_wait3A_674 = tpu.memref_slice %arg8[%dma_wait3A_672, %dma_wait3A_673] : memref<10008x128xf32, #tpu.memory_space<vmem_shared>> -> memref<10008x128xf32, #tpu.memory_space<vmem_shared>>
      tpu.wait_indirect_dma semaphore(%arg12 : memref<!tpu.dma_semaphore, #tpu.memory_space<semaphore_mem>>) src(%dma_wait3A_668 : memref<128x128xf32, #tpu.memory_space<vmem>>) dst(%dma_wait3A_674 : memref<10008x128xf32, #tpu.memory_space<vmem_shared>>)
      %add3A_675 = arith.constant 3 : i32
      %add3A_676 = arith.addi %add3A_635, %add3A_675 : i32
      %mul3A_677 = arith.constant 128 : i32
      %mul3A_678 = arith.muli %add3A_676, %mul3A_677 : i32
      %add3A_679 = arith.addi %mul3A_2, %mul3A_678 : i32
      %dma_start3A_680 = arith.constant 3 : i32
      %dma_start3A_681 = arith.constant 0 : i32
      %dma_start3A_682 = arith.constant 0 : i32
      %dma_start3A_683 = tpu.memref_slice %arg6[%dma_start3A_680, %dma_start3A_681, %dma_start3A_682] : memref<4x2x128xi32, #tpu.memory_space<vmem>> -> memref<1x2x128xi32, #tpu.memory_space<vmem>>
      %dma_start3A_684 = tpu.memref_squeeze %dma_start3A_683 : memref<1x2x128xi32, #tpu.memory_space<vmem>> -> memref<2x128xi32, #tpu.memory_space<vmem>>
      %dma_start3A_685 = arith.constant 0 : i32
      %dma_start3A_686 = tpu.memref_slice %arg3[%dma_start3A_685, %add3A_679] : memref<2x320000xi32, #tpu.memory_space<hbm>> -> memref<2x128xi32, #tpu.memory_space<hbm>>
      %dma_start3A_687 = arith.constant 0 : i32
      %dma_start3A_688 = arith.constant 0 : i32
      %dma_start3A_689 = tpu.memref_slice %arg6[%dma_start3A_680, %dma_start3A_687, %dma_start3A_688] : memref<4x2x128xi32, #tpu.memory_space<vmem>> -> memref<1x2x128xi32, #tpu.memory_space<vmem>>
      %dma_start3A_690 = tpu.memref_squeeze %dma_start3A_689 : memref<1x2x128xi32, #tpu.memory_space<vmem>> -> memref<2x128xi32, #tpu.memory_space<vmem>>
      %dma_start3A_691 = arith.constant 0 : i32
      %dma_start3A_692 = tpu.memref_slice %arg3[%dma_start3A_691, %add3A_679] : memref<2x320000xi32, #tpu.memory_space<hbm>> -> memref<2x128xi32, #tpu.memory_space<hbm>>
      tpu.enqueue_dma source(%dma_start3A_692 : memref<2x128xi32, #tpu.memory_space<hbm>>) target(%dma_start3A_690 : memref<2x128xi32, #tpu.memory_space<vmem>>) target_semaphore(%arg9 : memref<!tpu.dma_semaphore, #tpu.memory_space<semaphore_mem>>)
      %dma_wait3A_693 = arith.constant 1 : i32
      %dma_wait3A_694 = arith.constant 0 : i32
      %dma_wait3A_695 = arith.constant 0 : i32
      %dma_wait3A_696 = tpu.memref_slice %arg6[%dma_wait3A_693, %dma_wait3A_694, %dma_wait3A_695] : memref<4x2x128xi32, #tpu.memory_space<vmem>> -> memref<1x2x128xi32, #tpu.memory_space<vmem>>
      %dma_wait3A_697 = tpu.memref_squeeze %dma_wait3A_696 : memref<1x2x128xi32, #tpu.memory_space<vmem>> -> memref<2x128xi32, #tpu.memory_space<vmem>>
      %dma_wait3A_698 = arith.constant 0 : i32
      %dma_wait3A_699 = tpu.memref_slice %arg3[%dma_wait3A_698, %mul3A_2] : memref<2x320000xi32, #tpu.memory_space<hbm>> -> memref<2x128xi32, #tpu.memory_space<hbm>>
      %dma_wait3A_700 = arith.constant 0 : i32
      %dma_wait3A_701 = arith.constant 0 : i32
      %dma_wait3A_702 = tpu.memref_slice %arg6[%dma_wait3A_693, %dma_wait3A_700, %dma_wait3A_701] : memref<4x2x128xi32, #tpu.memory_space<vmem>> -> memref<1x2x128xi32, #tpu.memory_space<vmem>>
      %dma_wait3A_703 = tpu.memref_squeeze %dma_wait3A_702 : memref<1x2x128xi32, #tpu.memory_space<vmem>> -> memref<2x128xi32, #tpu.memory_space<vmem>>
      %dma_wait3A_704 = arith.constant 0 : i32
      %dma_wait3A_705 = tpu.memref_slice %arg3[%dma_wait3A_704, %mul3A_2] : memref<2x320000xi32, #tpu.memory_space<hbm>> -> memref<2x128xi32, #tpu.memory_space<hbm>>
      tpu.wait_dma2 semaphore(%arg9 : memref<!tpu.dma_semaphore, #tpu.memory_space<semaphore_mem>>) src(%dma_wait3A_705 : memref<2x128xi32, #tpu.memory_space<hbm>>) dst(%dma_wait3A_703 : memref<2x128xi32, #tpu.memory_space<vmem>>)
      %dma_start3A_706 = arith.constant 1 : i32
      %dma_start3A_707 = arith.constant 0 : i32
      %dma_start3A_708 = arith.constant 1 : i32
      %dma_start3A_709 = arith.constant 0 : i32
      %dma_start3A_710 = arith.constant 0 : i32
      %dma_start3A_711 = tpu.memref_slice %arg7[%dma_start3A_708, %dma_start3A_709, %dma_start3A_710] : memref<2x128x128xf32, #tpu.memory_space<vmem>> -> memref<1x128x128xf32, #tpu.memory_space<vmem>>
      %dma_start3A_712 = tpu.memref_squeeze %dma_start3A_711 : memref<1x128x128xf32, #tpu.memory_space<vmem>> -> memref<128x128xf32, #tpu.memory_space<vmem>>
      %dma_start3A_713 = arith.constant 0 : i32
      %dma_start3A_714 = tpu.memref_slice %arg6[%dma_start3A_706, %dma_start3A_707, %dma_start3A_713] : memref<4x2x128xi32, #tpu.memory_space<vmem>> -> memref<1x1x128xi32, #tpu.memory_space<vmem>>
      %dma_start3A_715 = tpu.memref_squeeze %dma_start3A_714 : memref<1x1x128xi32, #tpu.memory_space<vmem>> -> memref<128xi32, #tpu.memory_space<vmem>>
      %dma_start3A_716 = arith.constant 0 : i32
      %dma_start3A_717 = arith.constant 0 : i32
      %dma_start3A_718 = tpu.memref_slice %arg2[%dma_start3A_716, %dma_start3A_717] : memref<10000x128xf32, #tpu.memory_space<hbm>> -> memref<10000x128xf32, #tpu.memory_space<hbm>>
      tpu.enqueue_indirect_dma source(%dma_start3A_718 : memref<10000x128xf32, #tpu.memory_space<hbm>>) target(%dma_start3A_712 : memref<128x128xf32, #tpu.memory_space<vmem>>) offsets(%dma_start3A_715 : memref<128xi32, #tpu.memory_space<vmem>>) semaphore(%arg10 : memref<!tpu.dma_semaphore, #tpu.memory_space<semaphore_mem>>)
    }
    %while3A_158 = arith.constant 1 : i32
    scf.for %while3A_362 = %while3A_156 to %while3A_152 step %while3A_158  : i32 {
      %mul3A_363 = arith.constant 4 : i32
      %mul3A_364 = arith.muli %while3A_362, %mul3A_363 : i32
      %add3A_365 = arith.constant 0 : i32
      %add3A_366 = arith.addi %mul3A_364, %add3A_365 : i32
      %add3A_367 = arith.constant 1 : i32
      %add3A_368 = arith.addi %add3A_366, %add3A_367 : i32
      %dma_wait3A_369 = arith.constant 1 : i32
      %dma_wait3A_370 = arith.constant 0 : i32
      %dma_wait3A_371 = arith.constant 1 : i32
      %dma_wait3A_372 = arith.constant 0 : i32
      %dma_wait3A_373 = arith.constant 0 : i32
      %dma_wait3A_374 = tpu.memref_slice %arg7[%dma_wait3A_371, %dma_wait3A_372, %dma_wait3A_373] : memref<2x128x128xf32, #tpu.memory_space<vmem>> -> memref<1x128x128xf32, #tpu.memory_space<vmem>>
      %dma_wait3A_375 = tpu.memref_squeeze %dma_wait3A_374 : memref<1x128x128xf32, #tpu.memory_space<vmem>> -> memref<128x128xf32, #tpu.memory_space<vmem>>
      %dma_wait3A_376 = arith.constant 0 : i32
      %dma_wait3A_377 = tpu.memref_slice %arg6[%dma_wait3A_369, %dma_wait3A_370, %dma_wait3A_376] : memref<4x2x128xi32, #tpu.memory_space<vmem>> -> memref<1x1x128xi32, #tpu.memory_space<vmem>>
      %dma_wait3A_378 = tpu.memref_squeeze %dma_wait3A_377 : memref<1x1x128xi32, #tpu.memory_space<vmem>> -> memref<128xi32, #tpu.memory_space<vmem>>
      %dma_wait3A_379 = arith.constant 0 : i32
      %dma_wait3A_380 = arith.constant 0 : i32
      %dma_wait3A_381 = tpu.memref_slice %arg2[%dma_wait3A_379, %dma_wait3A_380] : memref<10000x128xf32, #tpu.memory_space<hbm>> -> memref<10000x128xf32, #tpu.memory_space<hbm>>
      tpu.wait_indirect_dma semaphore(%arg10 : memref<!tpu.dma_semaphore, #tpu.memory_space<semaphore_mem>>) src(%dma_wait3A_381 : memref<10000x128xf32, #tpu.memory_space<hbm>>) dst(%dma_wait3A_375 : memref<128x128xf32, #tpu.memory_space<vmem>>)
      %dma_start3A_382 = arith.constant 1 : i32
      %dma_start3A_383 = arith.constant 1 : i32
      %dma_start3A_384 = arith.constant 1 : i32
      %dma_start3A_385 = arith.constant 0 : i32
      %dma_start3A_386 = arith.constant 0 : i32
      %dma_start3A_387 = tpu.memref_slice %arg7[%dma_start3A_382, %dma_start3A_385, %dma_start3A_386] : memref<2x128x128xf32, #tpu.memory_space<vmem>> -> memref<1x128x128xf32, #tpu.memory_space<vmem>>
      %dma_start3A_388 = tpu.memref_squeeze %dma_start3A_387 : memref<1x128x128xf32, #tpu.memory_space<vmem>> -> memref<128x128xf32, #tpu.memory_space<vmem>>
      %dma_start3A_389 = arith.constant 0 : i32
      %dma_start3A_390 = tpu.memref_slice %arg6[%dma_start3A_383, %dma_start3A_384, %dma_start3A_389] : memref<4x2x128xi32, #tpu.memory_space<vmem>> -> memref<1x1x128xi32, #tpu.memory_space<vmem>>
      %dma_start3A_391 = tpu.memref_squeeze %dma_start3A_390 : memref<1x1x128xi32, #tpu.memory_space<vmem>> -> memref<128xi32, #tpu.memory_space<vmem>>
      %dma_start3A_392 = arith.constant 0 : i32
      %dma_start3A_393 = arith.constant 0 : i32
      %dma_start3A_394 = tpu.memref_slice %arg8[%dma_start3A_392, %dma_start3A_393] : memref<10008x128xf32, #tpu.memory_space<vmem_shared>> -> memref<10008x128xf32, #tpu.memory_space<vmem_shared>>
      tpu.enqueue_indirect_dma source(%dma_start3A_388 : memref<128x128xf32, #tpu.memory_space<vmem>>) target(%dma_start3A_394 : memref<10008x128xf32, #tpu.memory_space<vmem_shared>>) offsets(%dma_start3A_391 : memref<128xi32, #tpu.memory_space<vmem>>) semaphore(%arg12 : memref<!tpu.dma_semaphore, #tpu.memory_space<semaphore_mem>>) {add = true}
      %dma_wait3A_395 = arith.constant 0 : i32
      %dma_wait3A_396 = arith.constant 0 : i32
      %dma_wait3A_397 = arith.constant 1 : i32
      %dma_wait3A_398 = arith.constant 0 : i32
      %dma_wait3A_399 = arith.constant 0 : i32
      %dma_wait3A_400 = tpu.memref_slice %arg7[%dma_wait3A_395, %dma_wait3A_398, %dma_wait3A_399] : memref<2x128x128xf32, #tpu.memory_space<vmem>> -> memref<1x128x128xf32, #tpu.memory_space<vmem>>
      %dma_wait3A_401 = tpu.memref_squeeze %dma_wait3A_400 : memref<1x128x128xf32, #tpu.memory_space<vmem>> -> memref<128x128xf32, #tpu.memory_space<vmem>>
      %dma_wait3A_402 = arith.constant 0 : i32
      %dma_wait3A_403 = tpu.memref_slice %arg6[%dma_wait3A_396, %dma_wait3A_397, %dma_wait3A_402] : memref<4x2x128xi32, #tpu.memory_space<vmem>> -> memref<1x1x128xi32, #tpu.memory_space<vmem>>
      %dma_wait3A_404 = tpu.memref_squeeze %dma_wait3A_403 : memref<1x1x128xi32, #tpu.memory_space<vmem>> -> memref<128xi32, #tpu.memory_space<vmem>>
      %dma_wait3A_405 = arith.constant 0 : i32
      %dma_wait3A_406 = arith.constant 0 : i32
      %dma_wait3A_407 = tpu.memref_slice %arg8[%dma_wait3A_405, %dma_wait3A_406] : memref<10008x128xf32, #tpu.memory_space<vmem_shared>> -> memref<10008x128xf32, #tpu.memory_space<vmem_shared>>
      tpu.wait_indirect_dma semaphore(%arg11 : memref<!tpu.dma_semaphore, #tpu.memory_space<semaphore_mem>>) src(%dma_wait3A_401 : memref<128x128xf32, #tpu.memory_space<vmem>>) dst(%dma_wait3A_407 : memref<10008x128xf32, #tpu.memory_space<vmem_shared>>)
      %add3A_408 = arith.constant 3 : i32
      %add3A_409 = arith.addi %add3A_368, %add3A_408 : i32
      %mul3A_410 = arith.constant 128 : i32
      %mul3A_411 = arith.muli %add3A_409, %mul3A_410 : i32
      %add3A_412 = arith.addi %mul3A_2, %mul3A_411 : i32
      %dma_start3A_413 = arith.constant 0 : i32
      %dma_start3A_414 = arith.constant 0 : i32
      %dma_start3A_415 = arith.constant 0 : i32
      %dma_start3A_416 = tpu.memref_slice %arg6[%dma_start3A_413, %dma_start3A_414, %dma_start3A_415] : memref<4x2x128xi32, #tpu.memory_space<vmem>> -> memref<1x2x128xi32, #tpu.memory_space<vmem>>
      %dma_start3A_417 = tpu.memref_squeeze %dma_start3A_416 : memref<1x2x128xi32, #tpu.memory_space<vmem>> -> memref<2x128xi32, #tpu.memory_space<vmem>>
      %dma_start3A_418 = arith.constant 0 : i32
      %dma_start3A_419 = tpu.memref_slice %arg3[%dma_start3A_418, %add3A_412] : memref<2x320000xi32, #tpu.memory_space<hbm>> -> memref<2x128xi32, #tpu.memory_space<hbm>>
      %dma_start3A_420 = arith.constant 0 : i32
      %dma_start3A_421 = arith.constant 0 : i32
      %dma_start3A_422 = tpu.memref_slice %arg6[%dma_start3A_413, %dma_start3A_420, %dma_start3A_421] : memref<4x2x128xi32, #tpu.memory_space<vmem>> -> memref<1x2x128xi32, #tpu.memory_space<vmem>>
      %dma_start3A_423 = tpu.memref_squeeze %dma_start3A_422 : memref<1x2x128xi32, #tpu.memory_space<vmem>> -> memref<2x128xi32, #tpu.memory_space<vmem>>
      %dma_start3A_424 = arith.constant 0 : i32
      %dma_start3A_425 = tpu.memref_slice %arg3[%dma_start3A_424, %add3A_412] : memref<2x320000xi32, #tpu.memory_space<hbm>> -> memref<2x128xi32, #tpu.memory_space<hbm>>
      tpu.enqueue_dma source(%dma_start3A_425 : memref<2x128xi32, #tpu.memory_space<hbm>>) target(%dma_start3A_423 : memref<2x128xi32, #tpu.memory_space<vmem>>) target_semaphore(%arg9 : memref<!tpu.dma_semaphore, #tpu.memory_space<semaphore_mem>>)
      %dma_wait3A_426 = arith.constant 2 : i32
      %dma_wait3A_427 = arith.constant 0 : i32
      %dma_wait3A_428 = arith.constant 0 : i32
      %dma_wait3A_429 = tpu.memref_slice %arg6[%dma_wait3A_426, %dma_wait3A_427, %dma_wait3A_428] : memref<4x2x128xi32, #tpu.memory_space<vmem>> -> memref<1x2x128xi32, #tpu.memory_space<vmem>>
      %dma_wait3A_430 = tpu.memref_squeeze %dma_wait3A_429 : memref<1x2x128xi32, #tpu.memory_space<vmem>> -> memref<2x128xi32, #tpu.memory_space<vmem>>
      %dma_wait3A_431 = arith.constant 0 : i32
      %dma_wait3A_432 = tpu.memref_slice %arg3[%dma_wait3A_431, %mul3A_2] : memref<2x320000xi32, #tpu.memory_space<hbm>> -> memref<2x128xi32, #tpu.memory_space<hbm>>
      %dma_wait3A_433 = arith.constant 0 : i32
      %dma_wait3A_434 = arith.constant 0 : i32
      %dma_wait3A_435 = tpu.memref_slice %arg6[%dma_wait3A_426, %dma_wait3A_433, %dma_wait3A_434] : memref<4x2x128xi32, #tpu.memory_space<vmem>> -> memref<1x2x128xi32, #tpu.memory_space<vmem>>
      %dma_wait3A_436 = tpu.memref_squeeze %dma_wait3A_435 : memref<1x2x128xi32, #tpu.memory_space<vmem>> -> memref<2x128xi32, #tpu.memory_space<vmem>>
      %dma_wait3A_437 = arith.constant 0 : i32
      %dma_wait3A_438 = tpu.memref_slice %arg3[%dma_wait3A_437, %mul3A_2] : memref<2x320000xi32, #tpu.memory_space<hbm>> -> memref<2x128xi32, #tpu.memory_space<hbm>>
      tpu.wait_dma2 semaphore(%arg9 : memref<!tpu.dma_semaphore, #tpu.memory_space<semaphore_mem>>) src(%dma_wait3A_438 : memref<2x128xi32, #tpu.memory_space<hbm>>) dst(%dma_wait3A_436 : memref<2x128xi32, #tpu.memory_space<vmem>>)
      %dma_start3A_439 = arith.constant 2 : i32
      %dma_start3A_440 = arith.constant 0 : i32
      %dma_start3A_441 = arith.constant 0 : i32
      %dma_start3A_442 = arith.constant 0 : i32
      %dma_start3A_443 = arith.constant 0 : i32
      %dma_start3A_444 = tpu.memref_slice %arg7[%dma_start3A_441, %dma_start3A_442, %dma_start3A_443] : memref<2x128x128xf32, #tpu.memory_space<vmem>> -> memref<1x128x128xf32, #tpu.memory_space<vmem>>
      %dma_start3A_445 = tpu.memref_squeeze %dma_start3A_444 : memref<1x128x128xf32, #tpu.memory_space<vmem>> -> memref<128x128xf32, #tpu.memory_space<vmem>>
      %dma_start3A_446 = arith.constant 0 : i32
      %dma_start3A_447 = tpu.memref_slice %arg6[%dma_start3A_439, %dma_start3A_440, %dma_start3A_446] : memref<4x2x128xi32, #tpu.memory_space<vmem>> -> memref<1x1x128xi32, #tpu.memory_space<vmem>>
      %dma_start3A_448 = tpu.memref_squeeze %dma_start3A_447 : memref<1x1x128xi32, #tpu.memory_space<vmem>> -> memref<128xi32, #tpu.memory_space<vmem>>
      %dma_start3A_449 = arith.constant 0 : i32
      %dma_start3A_450 = arith.constant 0 : i32
      %dma_start3A_451 = tpu.memref_slice %arg2[%dma_start3A_449, %dma_start3A_450] : memref<10000x128xf32, #tpu.memory_space<hbm>> -> memref<10000x128xf32, #tpu.memory_space<hbm>>
      tpu.enqueue_indirect_dma source(%dma_start3A_451 : memref<10000x128xf32, #tpu.memory_space<hbm>>) target(%dma_start3A_445 : memref<128x128xf32, #tpu.memory_space<vmem>>) offsets(%dma_start3A_448 : memref<128xi32, #tpu.memory_space<vmem>>) semaphore(%arg10 : memref<!tpu.dma_semaphore, #tpu.memory_space<semaphore_mem>>)
      %mul3A_452 = arith.constant 4 : i32
      %mul3A_453 = arith.muli %while3A_362, %mul3A_452 : i32
      %add3A_454 = arith.constant 1 : i32
      %add3A_455 = arith.addi %mul3A_453, %add3A_454 : i32
      %add3A_456 = arith.constant 1 : i32
      %add3A_457 = arith.addi %add3A_455, %add3A_456 : i32
      %dma_wait3A_458 = arith.constant 2 : i32
      %dma_wait3A_459 = arith.constant 0 : i32
      %dma_wait3A_460 = arith.constant 0 : i32
      %dma_wait3A_461 = arith.constant 0 : i32
      %dma_wait3A_462 = arith.constant 0 : i32
      %dma_wait3A_463 = tpu.memref_slice %arg7[%dma_wait3A_460, %dma_wait3A_461, %dma_wait3A_462] : memref<2x128x128xf32, #tpu.memory_space<vmem>> -> memref<1x128x128xf32, #tpu.memory_space<vmem>>
      %dma_wait3A_464 = tpu.memref_squeeze %dma_wait3A_463 : memref<1x128x128xf32, #tpu.memory_space<vmem>> -> memref<128x128xf32, #tpu.memory_space<vmem>>
      %dma_wait3A_465 = arith.constant 0 : i32
      %dma_wait3A_466 = tpu.memref_slice %arg6[%dma_wait3A_458, %dma_wait3A_459, %dma_wait3A_465] : memref<4x2x128xi32, #tpu.memory_space<vmem>> -> memref<1x1x128xi32, #tpu.memory_space<vmem>>
      %dma_wait3A_467 = tpu.memref_squeeze %dma_wait3A_466 : memref<1x1x128xi32, #tpu.memory_space<vmem>> -> memref<128xi32, #tpu.memory_space<vmem>>
      %dma_wait3A_468 = arith.constant 0 : i32
      %dma_wait3A_469 = arith.constant 0 : i32
      %dma_wait3A_470 = tpu.memref_slice %arg2[%dma_wait3A_468, %dma_wait3A_469] : memref<10000x128xf32, #tpu.memory_space<hbm>> -> memref<10000x128xf32, #tpu.memory_space<hbm>>
      tpu.wait_indirect_dma semaphore(%arg10 : memref<!tpu.dma_semaphore, #tpu.memory_space<semaphore_mem>>) src(%dma_wait3A_470 : memref<10000x128xf32, #tpu.memory_space<hbm>>) dst(%dma_wait3A_464 : memref<128x128xf32, #tpu.memory_space<vmem>>)
      %dma_start3A_471 = arith.constant 0 : i32
      %dma_start3A_472 = arith.constant 2 : i32
      %dma_start3A_473 = arith.constant 1 : i32
      %dma_start3A_474 = arith.constant 0 : i32
      %dma_start3A_475 = arith.constant 0 : i32
      %dma_start3A_476 = tpu.memref_slice %arg7[%dma_start3A_471, %dma_start3A_474, %dma_start3A_475] : memref<2x128x128xf32, #tpu.memory_space<vmem>> -> memref<1x128x128xf32, #tpu.memory_space<vmem>>
      %dma_start3A_477 = tpu.memref_squeeze %dma_start3A_476 : memref<1x128x128xf32, #tpu.memory_space<vmem>> -> memref<128x128xf32, #tpu.memory_space<vmem>>
      %dma_start3A_478 = arith.constant 0 : i32
      %dma_start3A_479 = tpu.memref_slice %arg6[%dma_start3A_472, %dma_start3A_473, %dma_start3A_478] : memref<4x2x128xi32, #tpu.memory_space<vmem>> -> memref<1x1x128xi32, #tpu.memory_space<vmem>>
      %dma_start3A_480 = tpu.memref_squeeze %dma_start3A_479 : memref<1x1x128xi32, #tpu.memory_space<vmem>> -> memref<128xi32, #tpu.memory_space<vmem>>
      %dma_start3A_481 = arith.constant 0 : i32
      %dma_start3A_482 = arith.constant 0 : i32
      %dma_start3A_483 = tpu.memref_slice %arg8[%dma_start3A_481, %dma_start3A_482] : memref<10008x128xf32, #tpu.memory_space<vmem_shared>> -> memref<10008x128xf32, #tpu.memory_space<vmem_shared>>
      tpu.enqueue_indirect_dma source(%dma_start3A_477 : memref<128x128xf32, #tpu.memory_space<vmem>>) target(%dma_start3A_483 : memref<10008x128xf32, #tpu.memory_space<vmem_shared>>) offsets(%dma_start3A_480 : memref<128xi32, #tpu.memory_space<vmem>>) semaphore(%arg11 : memref<!tpu.dma_semaphore, #tpu.memory_space<semaphore_mem>>) {add = true}
      %dma_wait3A_484 = arith.constant 1 : i32
      %dma_wait3A_485 = arith.constant 0 : i32
      %dma_wait3A_486 = arith.constant 1 : i32
      %dma_wait3A_487 = arith.constant 0 : i32
      %dma_wait3A_488 = arith.constant 0 : i32
      %dma_wait3A_489 = tpu.memref_slice %arg7[%dma_wait3A_484, %dma_wait3A_487, %dma_wait3A_488] : memref<2x128x128xf32, #tpu.memory_space<vmem>> -> memref<1x128x128xf32, #tpu.memory_space<vmem>>
      %dma_wait3A_490 = tpu.memref_squeeze %dma_wait3A_489 : memref<1x128x128xf32, #tpu.memory_space<vmem>> -> memref<128x128xf32, #tpu.memory_space<vmem>>
      %dma_wait3A_491 = arith.constant 0 : i32
      %dma_wait3A_492 = tpu.memref_slice %arg6[%dma_wait3A_485, %dma_wait3A_486, %dma_wait3A_491] : memref<4x2x128xi32, #tpu.memory_space<vmem>> -> memref<1x1x128xi32, #tpu.memory_space<vmem>>
      %dma_wait3A_493 = tpu.memref_squeeze %dma_wait3A_492 : memref<1x1x128xi32, #tpu.memory_space<vmem>> -> memref<128xi32, #tpu.memory_space<vmem>>
      %dma_wait3A_494 = arith.constant 0 : i32
      %dma_wait3A_495 = arith.constant 0 : i32
      %dma_wait3A_496 = tpu.memref_slice %arg8[%dma_wait3A_494, %dma_wait3A_495] : memref<10008x128xf32, #tpu.memory_space<vmem_shared>> -> memref<10008x128xf32, #tpu.memory_space<vmem_shared>>
      tpu.wait_indirect_dma semaphore(%arg12 : memref<!tpu.dma_semaphore, #tpu.memory_space<semaphore_mem>>) src(%dma_wait3A_490 : memref<128x128xf32, #tpu.memory_space<vmem>>) dst(%dma_wait3A_496 : memref<10008x128xf32, #tpu.memory_space<vmem_shared>>)
      %add3A_497 = arith.constant 3 : i32
      %add3A_498 = arith.addi %add3A_457, %add3A_497 : i32
      %mul3A_499 = arith.constant 128 : i32
      %mul3A_500 = arith.muli %add3A_498, %mul3A_499 : i32
      %add3A_501 = arith.addi %mul3A_2, %mul3A_500 : i32
      %dma_start3A_502 = arith.constant 1 : i32
      %dma_start3A_503 = arith.constant 0 : i32
      %dma_start3A_504 = arith.constant 0 : i32
      %dma_start3A_505 = tpu.memref_slice %arg6[%dma_start3A_502, %dma_start3A_503, %dma_start3A_504] : memref<4x2x128xi32, #tpu.memory_space<vmem>> -> memref<1x2x128xi32, #tpu.memory_space<vmem>>
      %dma_start3A_506 = tpu.memref_squeeze %dma_start3A_505 : memref<1x2x128xi32, #tpu.memory_space<vmem>> -> memref<2x128xi32, #tpu.memory_space<vmem>>
      %dma_start3A_507 = arith.constant 0 : i32
      %dma_start3A_508 = tpu.memref_slice %arg3[%dma_start3A_507, %add3A_501] : memref<2x320000xi32, #tpu.memory_space<hbm>> -> memref<2x128xi32, #tpu.memory_space<hbm>>
      %dma_start3A_509 = arith.constant 0 : i32
      %dma_start3A_510 = arith.constant 0 : i32
      %dma_start3A_511 = tpu.memref_slice %arg6[%dma_start3A_502, %dma_start3A_509, %dma_start3A_510] : memref<4x2x128xi32, #tpu.memory_space<vmem>> -> memref<1x2x128xi32, #tpu.memory_space<vmem>>
      %dma_start3A_512 = tpu.memref_squeeze %dma_start3A_511 : memref<1x2x128xi32, #tpu.memory_space<vmem>> -> memref<2x128xi32, #tpu.memory_space<vmem>>
      %dma_start3A_513 = arith.constant 0 : i32
      %dma_start3A_514 = tpu.memref_slice %arg3[%dma_start3A_513, %add3A_501] : memref<2x320000xi32, #tpu.memory_space<hbm>> -> memref<2x128xi32, #tpu.memory_space<hbm>>
      tpu.enqueue_dma source(%dma_start3A_514 : memref<2x128xi32, #tpu.memory_space<hbm>>) target(%dma_start3A_512 : memref<2x128xi32, #tpu.memory_space<vmem>>) target_semaphore(%arg9 : memref<!tpu.dma_semaphore, #tpu.memory_space<semaphore_mem>>)
      %dma_wait3A_515 = arith.constant 3 : i32
      %dma_wait3A_516 = arith.constant 0 : i32
      %dma_wait3A_517 = arith.constant 0 : i32
      %dma_wait3A_518 = tpu.memref_slice %arg6[%dma_wait3A_515, %dma_wait3A_516, %dma_wait3A_517] : memref<4x2x128xi32, #tpu.memory_space<vmem>> -> memref<1x2x128xi32, #tpu.memory_space<vmem>>
      %dma_wait3A_519 = tpu.memref_squeeze %dma_wait3A_518 : memref<1x2x128xi32, #tpu.memory_space<vmem>> -> memref<2x128xi32, #tpu.memory_space<vmem>>
      %dma_wait3A_520 = arith.constant 0 : i32
      %dma_wait3A_521 = tpu.memref_slice %arg3[%dma_wait3A_520, %mul3A_2] : memref<2x320000xi32, #tpu.memory_space<hbm>> -> memref<2x128xi32, #tpu.memory_space<hbm>>
      %dma_wait3A_522 = arith.constant 0 : i32
      %dma_wait3A_523 = arith.constant 0 : i32
      %dma_wait3A_524 = tpu.memref_slice %arg6[%dma_wait3A_515, %dma_wait3A_522, %dma_wait3A_523] : memref<4x2x128xi32, #tpu.memory_space<vmem>> -> memref<1x2x128xi32, #tpu.memory_space<vmem>>
      %dma_wait3A_525 = tpu.memref_squeeze %dma_wait3A_524 : memref<1x2x128xi32, #tpu.memory_space<vmem>> -> memref<2x128xi32, #tpu.memory_space<vmem>>
      %dma_wait3A_526 = arith.constant 0 : i32
      %dma_wait3A_527 = tpu.memref_slice %arg3[%dma_wait3A_526, %mul3A_2] : memref<2x320000xi32, #tpu.memory_space<hbm>> -> memref<2x128xi32, #tpu.memory_space<hbm>>
      tpu.wait_dma2 semaphore(%arg9 : memref<!tpu.dma_semaphore, #tpu.memory_space<semaphore_mem>>) src(%dma_wait3A_527 : memref<2x128xi32, #tpu.memory_space<hbm>>) dst(%dma_wait3A_525 : memref<2x128xi32, #tpu.memory_space<vmem>>)
      %dma_start3A_528 = arith.constant 3 : i32
      %dma_start3A_529 = arith.constant 0 : i32
      %dma_start3A_530 = arith.constant 1 : i32
      %dma_start3A_531 = arith.constant 0 : i32
      %dma_start3A_532 = arith.constant 0 : i32
      %dma_start3A_533 = tpu.memref_slice %arg7[%dma_start3A_530, %dma_start3A_531, %dma_start3A_532] : memref<2x128x128xf32, #tpu.memory_space<vmem>> -> memref<1x128x128xf32, #tpu.memory_space<vmem>>
      %dma_start3A_534 = tpu.memref_squeeze %dma_start3A_533 : memref<1x128x128xf32, #tpu.memory_space<vmem>> -> memref<128x128xf32, #tpu.memory_space<vmem>>
      %dma_start3A_535 = arith.constant 0 : i32
      %dma_start3A_536 = tpu.memref_slice %arg6[%dma_start3A_528, %dma_start3A_529, %dma_start3A_535] : memref<4x2x128xi32, #tpu.memory_space<vmem>> -> memref<1x1x128xi32, #tpu.memory_space<vmem>>
      %dma_start3A_537 = tpu.memref_squeeze %dma_start3A_536 : memref<1x1x128xi32, #tpu.memory_space<vmem>> -> memref<128xi32, #tpu.memory_space<vmem>>
      %dma_start3A_538 = arith.constant 0 : i32
      %dma_start3A_539 = arith.constant 0 : i32
      %dma_start3A_540 = tpu.memref_slice %arg2[%dma_start3A_538, %dma_start3A_539] : memref<10000x128xf32, #tpu.memory_space<hbm>> -> memref<10000x128xf32, #tpu.memory_space<hbm>>
      tpu.enqueue_indirect_dma source(%dma_start3A_540 : memref<10000x128xf32, #tpu.memory_space<hbm>>) target(%dma_start3A_534 : memref<128x128xf32, #tpu.memory_space<vmem>>) offsets(%dma_start3A_537 : memref<128xi32, #tpu.memory_space<vmem>>) semaphore(%arg10 : memref<!tpu.dma_semaphore, #tpu.memory_space<semaphore_mem>>)
      %mul3A_541 = arith.constant 4 : i32
      %mul3A_542 = arith.muli %while3A_362, %mul3A_541 : i32
      %add3A_543 = arith.constant 2 : i32
      %add3A_544 = arith.addi %mul3A_542, %add3A_543 : i32
      %add3A_545 = arith.constant 1 : i32
      %add3A_546 = arith.addi %add3A_544, %add3A_545 : i32
      %dma_wait3A_547 = arith.constant 3 : i32
      %dma_wait3A_548 = arith.constant 0 : i32
      %dma_wait3A_549 = arith.constant 1 : i32
      %dma_wait3A_550 = arith.constant 0 : i32
      %dma_wait3A_551 = arith.constant 0 : i32
      %dma_wait3A_552 = tpu.memref_slice %arg7[%dma_wait3A_549, %dma_wait3A_550, %dma_wait3A_551] : memref<2x128x128xf32, #tpu.memory_space<vmem>> -> memref<1x128x128xf32, #tpu.memory_space<vmem>>
      %dma_wait3A_553 = tpu.memref_squeeze %dma_wait3A_552 : memref<1x128x128xf32, #tpu.memory_space<vmem>> -> memref<128x128xf32, #tpu.memory_space<vmem>>
      %dma_wait3A_554 = arith.constant 0 : i32
      %dma_wait3A_555 = tpu.memref_slice %arg6[%dma_wait3A_547, %dma_wait3A_548, %dma_wait3A_554] : memref<4x2x128xi32, #tpu.memory_space<vmem>> -> memref<1x1x128xi32, #tpu.memory_space<vmem>>
      %dma_wait3A_556 = tpu.memref_squeeze %dma_wait3A_555 : memref<1x1x128xi32, #tpu.memory_space<vmem>> -> memref<128xi32, #tpu.memory_space<vmem>>
      %dma_wait3A_557 = arith.constant 0 : i32
      %dma_wait3A_558 = arith.constant 0 : i32
      %dma_wait3A_559 = tpu.memref_slice %arg2[%dma_wait3A_557, %dma_wait3A_558] : memref<10000x128xf32, #tpu.memory_space<hbm>> -> memref<10000x128xf32, #tpu.memory_space<hbm>>
      tpu.wait_indirect_dma semaphore(%arg10 : memref<!tpu.dma_semaphore, #tpu.memory_space<semaphore_mem>>) src(%dma_wait3A_559 : memref<10000x128xf32, #tpu.memory_space<hbm>>) dst(%dma_wait3A_553 : memref<128x128xf32, #tpu.memory_space<vmem>>)
      %dma_start3A_560 = arith.constant 1 : i32
      %dma_start3A_561 = arith.constant 3 : i32
      %dma_start3A_562 = arith.constant 1 : i32
      %dma_start3A_563 = arith.constant 0 : i32
      %dma_start3A_564 = arith.constant 0 : i32
      %dma_start3A_565 = tpu.memref_slice %arg7[%dma_start3A_560, %dma_start3A_563, %dma_start3A_564] : memref<2x128x128xf32, #tpu.memory_space<vmem>> -> memref<1x128x128xf32, #tpu.memory_space<vmem>>
      %dma_start3A_566 = tpu.memref_squeeze %dma_start3A_565 : memref<1x128x128xf32, #tpu.memory_space<vmem>> -> memref<128x128xf32, #tpu.memory_space<vmem>>
      %dma_start3A_567 = arith.constant 0 : i32
      %dma_start3A_568 = tpu.memref_slice %arg6[%dma_start3A_561, %dma_start3A_562, %dma_start3A_567] : memref<4x2x128xi32, #tpu.memory_space<vmem>> -> memref<1x1x128xi32, #tpu.memory_space<vmem>>
      %dma_start3A_569 = tpu.memref_squeeze %dma_start3A_568 : memref<1x1x128xi32, #tpu.memory_space<vmem>> -> memref<128xi32, #tpu.memory_space<vmem>>
      %dma_start3A_570 = arith.constant 0 : i32
      %dma_start3A_571 = arith.constant 0 : i32
      %dma_start3A_572 = tpu.memref_slice %arg8[%dma_start3A_570, %dma_start3A_571] : memref<10008x128xf32, #tpu.memory_space<vmem_shared>> -> memref<10008x128xf32, #tpu.memory_space<vmem_shared>>
      tpu.enqueue_indirect_dma source(%dma_start3A_566 : memref<128x128xf32, #tpu.memory_space<vmem>>) target(%dma_start3A_572 : memref<10008x128xf32, #tpu.memory_space<vmem_shared>>) offsets(%dma_start3A_569 : memref<128xi32, #tpu.memory_space<vmem>>) semaphore(%arg12 : memref<!tpu.dma_semaphore, #tpu.memory_space<semaphore_mem>>) {add = true}
      %dma_wait3A_573 = arith.constant 0 : i32
      %dma_wait3A_574 = arith.constant 0 : i32
      %dma_wait3A_575 = arith.constant 1 : i32
      %dma_wait3A_576 = arith.constant 0 : i32
      %dma_wait3A_577 = arith.constant 0 : i32
      %dma_wait3A_578 = tpu.memref_slice %arg7[%dma_wait3A_573, %dma_wait3A_576, %dma_wait3A_577] : memref<2x128x128xf32, #tpu.memory_space<vmem>> -> memref<1x128x128xf32, #tpu.memory_space<vmem>>
      %dma_wait3A_579 = tpu.memref_squeeze %dma_wait3A_578 : memref<1x128x128xf32, #tpu.memory_space<vmem>> -> memref<128x128xf32, #tpu.memory_space<vmem>>
      %dma_wait3A_580 = arith.constant 0 : i32
      %dma_wait3A_581 = tpu.memref_slice %arg6[%dma_wait3A_574, %dma_wait3A_575, %dma_wait3A_580] : memref<4x2x128xi32, #tpu.memory_space<vmem>> -> memref<1x1x128xi32, #tpu.memory_space<vmem>>
      %dma_wait3A_582 = tpu.memref_squeeze %dma_wait3A_581 : memref<1x1x128xi32, #tpu.memory_space<vmem>> -> memref<128xi32, #tpu.memory_space<vmem>>
      %dma_wait3A_583 = arith.constant 0 : i32
      %dma_wait3A_584 = arith.constant 0 : i32
      %dma_wait3A_585 = tpu.memref_slice %arg8[%dma_wait3A_583, %dma_wait3A_584] : memref<10008x128xf32, #tpu.memory_space<vmem_shared>> -> memref<10008x128xf32, #tpu.memory_space<vmem_shared>>
      tpu.wait_indirect_dma semaphore(%arg11 : memref<!tpu.dma_semaphore, #tpu.memory_space<semaphore_mem>>) src(%dma_wait3A_579 : memref<128x128xf32, #tpu.memory_space<vmem>>) dst(%dma_wait3A_585 : memref<10008x128xf32, #tpu.memory_space<vmem_shared>>)
      %add3A_586 = arith.constant 3 : i32
      %add3A_587 = arith.addi %add3A_546, %add3A_586 : i32
      %mul3A_588 = arith.constant 128 : i32
      %mul3A_589 = arith.muli %add3A_587, %mul3A_588 : i32
      %add3A_590 = arith.addi %mul3A_2, %mul3A_589 : i32
      %dma_start3A_591 = arith.constant 2 : i32
      %dma_start3A_592 = arith.constant 0 : i32
      %dma_start3A_593 = arith.constant 0 : i32
      %dma_start3A_594 = tpu.memref_slice %arg6[%dma_start3A_591, %dma_start3A_592, %dma_start3A_593] : memref<4x2x128xi32, #tpu.memory_space<vmem>> -> memref<1x2x128xi32, #tpu.memory_space<vmem>>
      %dma_start3A_595 = tpu.memref_squeeze %dma_start3A_594 : memref<1x2x128xi32, #tpu.memory_space<vmem>> -> memref<2x128xi32, #tpu.memory_space<vmem>>
      %dma_start3A_596 = arith.constant 0 : i32
      %dma_start3A_597 = tpu.memref_slice %arg3[%dma_start3A_596, %add3A_590] : memref<2x320000xi32, #tpu.memory_space<hbm>> -> memref<2x128xi32, #tpu.memory_space<hbm>>
      %dma_start3A_598 = arith.constant 0 : i32
      %dma_start3A_599 = arith.constant 0 : i32
      %dma_start3A_600 = tpu.memref_slice %arg6[%dma_start3A_591, %dma_start3A_598, %dma_start3A_599] : memref<4x2x128xi32, #tpu.memory_space<vmem>> -> memref<1x2x128xi32, #tpu.memory_space<vmem>>
      %dma_start3A_601 = tpu.memref_squeeze %dma_start3A_600 : memref<1x2x128xi32, #tpu.memory_space<vmem>> -> memref<2x128xi32, #tpu.memory_space<vmem>>
      %dma_start3A_602 = arith.constant 0 : i32
      %dma_start3A_603 = tpu.memref_slice %arg3[%dma_start3A_602, %add3A_590] : memref<2x320000xi32, #tpu.memory_space<hbm>> -> memref<2x128xi32, #tpu.memory_space<hbm>>
      tpu.enqueue_dma source(%dma_start3A_603 : memref<2x128xi32, #tpu.memory_space<hbm>>) target(%dma_start3A_601 : memref<2x128xi32, #tpu.memory_space<vmem>>) target_semaphore(%arg9 : memref<!tpu.dma_semaphore, #tpu.memory_space<semaphore_mem>>)
      %dma_wait3A_604 = arith.constant 0 : i32
      %dma_wait3A_605 = arith.constant 0 : i32
      %dma_wait3A_606 = arith.constant 0 : i32
      %dma_wait3A_607 = tpu.memref_slice %arg6[%dma_wait3A_604, %dma_wait3A_605, %dma_wait3A_606] : memref<4x2x128xi32, #tpu.memory_space<vmem>> -> memref<1x2x128xi32, #tpu.memory_space<vmem>>
      %dma_wait3A_608 = tpu.memref_squeeze %dma_wait3A_607 : memref<1x2x128xi32, #tpu.memory_space<vmem>> -> memref<2x128xi32, #tpu.memory_space<vmem>>
      %dma_wait3A_609 = arith.constant 0 : i32
      %dma_wait3A_610 = tpu.memref_slice %arg3[%dma_wait3A_609, %mul3A_2] : memref<2x320000xi32, #tpu.memory_space<hbm>> -> memref<2x128xi32, #tpu.memory_space<hbm>>
      %dma_wait3A_611 = arith.constant 0 : i32
      %dma_wait3A_612 = arith.constant 0 : i32
      %dma_wait3A_613 = tpu.memref_slice %arg6[%dma_wait3A_604, %dma_wait3A_611, %dma_wait3A_612] : memref<4x2x128xi32, #tpu.memory_space<vmem>> -> memref<1x2x128xi32, #tpu.memory_space<vmem>>
      %dma_wait3A_614 = tpu.memref_squeeze %dma_wait3A_613 : memref<1x2x128xi32, #tpu.memory_space<vmem>> -> memref<2x128xi32, #tpu.memory_space<vmem>>
      %dma_wait3A_615 = arith.constant 0 : i32
      %dma_wait3A_616 = tpu.memref_slice %arg3[%dma_wait3A_615, %mul3A_2] : memref<2x320000xi32, #tpu.memory_space<hbm>> -> memref<2x128xi32, #tpu.memory_space<hbm>>
      tpu.wait_dma2 semaphore(%arg9 : memref<!tpu.dma_semaphore, #tpu.memory_space<semaphore_mem>>) src(%dma_wait3A_616 : memref<2x128xi32, #tpu.memory_space<hbm>>) dst(%dma_wait3A_614 : memref<2x128xi32, #tpu.memory_space<vmem>>)
      %dma_start3A_617 = arith.constant 0 : i32
      %dma_start3A_618 = arith.constant 0 : i32
      %dma_start3A_619 = arith.constant 0 : i32
      %dma_start3A_620 = arith.constant 0 : i32
      %dma_start3A_621 = arith.constant 0 : i32
      %dma_start3A_622 = tpu.memref_slice %arg7[%dma_start3A_619, %dma_start3A_620, %dma_start3A_621] : memref<2x128x128xf32, #tpu.memory_space<vmem>> -> memref<1x128x128xf32, #tpu.memory_space<vmem>>
      %dma_start3A_623 = tpu.memref_squeeze %dma_start3A_622 : memref<1x128x128xf32, #tpu.memory_space<vmem>> -> memref<128x128xf32, #tpu.memory_space<vmem>>
      %dma_start3A_624 = arith.constant 0 : i32
      %dma_start3A_625 = tpu.memref_slice %arg6[%dma_start3A_617, %dma_start3A_618, %dma_start3A_624] : memref<4x2x128xi32, #tpu.memory_space<vmem>> -> memref<1x1x128xi32, #tpu.memory_space<vmem>>
      %dma_start3A_626 = tpu.memref_squeeze %dma_start3A_625 : memref<1x1x128xi32, #tpu.memory_space<vmem>> -> memref<128xi32, #tpu.memory_space<vmem>>
      %dma_start3A_627 = arith.constant 0 : i32
      %dma_start3A_628 = arith.constant 0 : i32
      %dma_start3A_629 = tpu.memref_slice %arg2[%dma_start3A_627, %dma_start3A_628] : memref<10000x128xf32, #tpu.memory_space<hbm>> -> memref<10000x128xf32, #tpu.memory_space<hbm>>
      tpu.enqueue_indirect_dma source(%dma_start3A_629 : memref<10000x128xf32, #tpu.memory_space<hbm>>) target(%dma_start3A_623 : memref<128x128xf32, #tpu.memory_space<vmem>>) offsets(%dma_start3A_626 : memref<128xi32, #tpu.memory_space<vmem>>) semaphore(%arg10 : memref<!tpu.dma_semaphore, #tpu.memory_space<semaphore_mem>>)
      %mul3A_630 = arith.constant 4 : i32
      %mul3A_631 = arith.muli %while3A_362, %mul3A_630 : i32
      %add3A_632 = arith.constant 3 : i32
      %add3A_633 = arith.addi %mul3A_631, %add3A_632 : i32
      %add3A_634 = arith.constant 1 : i32
      %add3A_635 = arith.addi %add3A_633, %add3A_634 : i32
      %dma_wait3A_636 = arith.constant 0 : i32
      %dma_wait3A_637 = arith.constant 0 : i32
      %dma_wait3A_638 = arith.constant 0 : i32
      %dma_wait3A_639 = arith.constant 0 : i32
      %dma_wait3A_640 = arith.constant 0 : i32
      %dma_wait3A_641 = tpu.memref_slice %arg7[%dma_wait3A_638, %dma_wait3A_639, %dma_wait3A_640] : memref<2x128x128xf32, #tpu.memory_space<vmem>> -> memref<1x128x128xf32, #tpu.memory_space<vmem>>
      %dma_wait3A_642 = tpu.memref_squeeze %dma_wait3A_641 : memref<1x128x128xf32, #tpu.memory_space<vmem>> -> memref<128x128xf32, #tpu.memory_space<vmem>>
      %dma_wait3A_643 = arith.constant 0 : i32
      %dma_wait3A_644 = tpu.memref_slice %arg6[%dma_wait3A_636, %dma_wait3A_637, %dma_wait3A_643] : memref<4x2x128xi32, #tpu.memory_space<vmem>> -> memref<1x1x128xi32, #tpu.memory_space<vmem>>
      %dma_wait3A_645 = tpu.memref_squeeze %dma_wait3A_644 : memref<1x1x128xi32, #tpu.memory_space<vmem>> -> memref<128xi32, #tpu.memory_space<vmem>>
      %dma_wait3A_646 = arith.constant 0 : i32
      %dma_wait3A_647 = arith.constant 0 : i32
      %dma_wait3A_648 = tpu.memref_slice %arg2[%dma_wait3A_646, %dma_wait3A_647] : memref<10000x128xf32, #tpu.memory_space<hbm>> -> memref<10000x128xf32, #tpu.memory_space<hbm>>
      tpu.wait_indirect_dma semaphore(%arg10 : memref<!tpu.dma_semaphore, #tpu.memory_space<semaphore_mem>>) src(%dma_wait3A_648 : memref<10000x128xf32, #tpu.memory_space<hbm>>) dst(%dma_wait3A_642 : memref<128x128xf32, #tpu.memory_space<vmem>>)
      %dma_start3A_649 = arith.constant 0 : i32
      %dma_start3A_650 = arith.constant 0 : i32
      %dma_start3A_651 = arith.constant 1 : i32
      %dma_start3A_652 = arith.constant 0 : i32
      %dma_start3A_653 = arith.constant 0 : i32
      %dma_start3A_654 = tpu.memref_slice %arg7[%dma_start3A_649, %dma_start3A_652, %dma_start3A_653] : memref<2x128x128xf32, #tpu.memory_space<vmem>> -> memref<1x128x128xf32, #tpu.memory_space<vmem>>
      %dma_start3A_655 = tpu.memref_squeeze %dma_start3A_654 : memref<1x128x128xf32, #tpu.memory_space<vmem>> -> memref<128x128xf32, #tpu.memory_space<vmem>>
      %dma_start3A_656 = arith.constant 0 : i32
      %dma_start3A_657 = tpu.memref_slice %arg6[%dma_start3A_650, %dma_start3A_651, %dma_start3A_656] : memref<4x2x128xi32, #tpu.memory_space<vmem>> -> memref<1x1x128xi32, #tpu.memory_space<vmem>>
      %dma_start3A_658 = tpu.memref_squeeze %dma_start3A_657 : memref<1x1x128xi32, #tpu.memory_space<vmem>> -> memref<128xi32, #tpu.memory_space<vmem>>
      %dma_start3A_659 = arith.constant 0 : i32
      %dma_start3A_660 = arith.constant 0 : i32
      %dma_start3A_661 = tpu.memref_slice %arg8[%dma_start3A_659, %dma_start3A_660] : memref<10008x128xf32, #tpu.memory_space<vmem_shared>> -> memref<10008x128xf32, #tpu.memory_space<vmem_shared>>
      tpu.enqueue_indirect_dma source(%dma_start3A_655 : memref<128x128xf32, #tpu.memory_space<vmem>>) target(%dma_start3A_661 : memref<10008x128xf32, #tpu.memory_space<vmem_shared>>) offsets(%dma_start3A_658 : memref<128xi32, #tpu.memory_space<vmem>>) semaphore(%arg11 : memref<!tpu.dma_semaphore, #tpu.memory_space<semaphore_mem>>) {add = true}
      %dma_wait3A_662 = arith.constant 1 : i32
      %dma_wait3A_663 = arith.constant 0 : i32
      %dma_wait3A_664 = arith.constant 1 : i32
      %dma_wait3A_665 = arith.constant 0 : i32
      %dma_wait3A_666 = arith.constant 0 : i32
      %dma_wait3A_667 = tpu.memref_slice %arg7[%dma_wait3A_662, %dma_wait3A_665, %dma_wait3A_666] : memref<2x128x128xf32, #tpu.memory_space<vmem>> -> memref<1x128x128xf32, #tpu.memory_space<vmem>>
      %dma_wait3A_668 = tpu.memref_squeeze %dma_wait3A_667 : memref<1x128x128xf32, #tpu.memory_space<vmem>> -> memref<128x128xf32, #tpu.memory_space<vmem>>
      %dma_wait3A_669 = arith.constant 0 : i32
      %dma_wait3A_670 = tpu.memref_slice %arg6[%dma_wait3A_663, %dma_wait3A_664, %dma_wait3A_669] : memref<4x2x128xi32, #tpu.memory_space<vmem>> -> memref<1x1x128xi32, #tpu.memory_space<vmem>>
      %dma_wait3A_671 = tpu.memref_squeeze %dma_wait3A_670 : memref<1x1x128xi32, #tpu.memory_space<vmem>> -> memref<128xi32, #tpu.memory_space<vmem>>
      %dma_wait3A_672 = arith.constant 0 : i32
      %dma_wait3A_673 = arith.constant 0 : i32
      %dma_wait3A_674 = tpu.memref_slice %arg8[%dma_wait3A_672, %dma_wait3A_673] : memref<10008x128xf32, #tpu.memory_space<vmem_shared>> -> memref<10008x128xf32, #tpu.memory_space<vmem_shared>>
      tpu.wait_indirect_dma semaphore(%arg12 : memref<!tpu.dma_semaphore, #tpu.memory_space<semaphore_mem>>) src(%dma_wait3A_668 : memref<128x128xf32, #tpu.memory_space<vmem>>) dst(%dma_wait3A_674 : memref<10008x128xf32, #tpu.memory_space<vmem_shared>>)
      %add3A_675 = arith.constant 3 : i32
      %add3A_676 = arith.addi %add3A_635, %add3A_675 : i32
      %mul3A_677 = arith.constant 128 : i32
      %mul3A_678 = arith.muli %add3A_676, %mul3A_677 : i32
      %add3A_679 = arith.addi %mul3A_2, %mul3A_678 : i32
      %dma_start3A_680 = arith.constant 3 : i32
      %dma_start3A_681 = arith.constant 0 : i32
      %dma_start3A_682 = arith.constant 0 : i32
      %dma_start3A_683 = tpu.memref_slice %arg6[%dma_start3A_680, %dma_start3A_681, %dma_start3A_682] : memref<4x2x128xi32, #tpu.memory_space<vmem>> -> memref<1x2x128xi32, #tpu.memory_space<vmem>>
      %dma_start3A_684 = tpu.memref_squeeze %dma_start3A_683 : memref<1x2x128xi32, #tpu.memory_space<vmem>> -> memref<2x128xi32, #tpu.memory_space<vmem>>
      %dma_start3A_685 = arith.constant 0 : i32
      %dma_start3A_686 = tpu.memref_slice %arg3[%dma_start3A_685, %add3A_679] : memref<2x320000xi32, #tpu.memory_space<hbm>> -> memref<2x128xi32, #tpu.memory_space<hbm>>
      %dma_start3A_687 = arith.constant 0 : i32
      %dma_start3A_688 = arith.constant 0 : i32
      %dma_start3A_689 = tpu.memref_slice %arg6[%dma_start3A_680, %dma_start3A_687, %dma_start3A_688] : memref<4x2x128xi32, #tpu.memory_space<vmem>> -> memref<1x2x128xi32, #tpu.memory_space<vmem>>
      %dma_start3A_690 = tpu.memref_squeeze %dma_start3A_689 : memref<1x2x128xi32, #tpu.memory_space<vmem>> -> memref<2x128xi32, #tpu.memory_space<vmem>>
      %dma_start3A_691 = arith.constant 0 : i32
      %dma_start3A_692 = tpu.memref_slice %arg3[%dma_start3A_691, %add3A_679] : memref<2x320000xi32, #tpu.memory_space<hbm>> -> memref<2x128xi32, #tpu.memory_space<hbm>>
      tpu.enqueue_dma source(%dma_start3A_692 : memref<2x128xi32, #tpu.memory_space<hbm>>) target(%dma_start3A_690 : memref<2x128xi32, #tpu.memory_space<vmem>>) target_semaphore(%arg9 : memref<!tpu.dma_semaphore, #tpu.memory_space<semaphore_mem>>)
      %dma_wait3A_693 = arith.constant 1 : i32
      %dma_wait3A_694 = arith.constant 0 : i32
      %dma_wait3A_695 = arith.constant 0 : i32
      %dma_wait3A_696 = tpu.memref_slice %arg6[%dma_wait3A_693, %dma_wait3A_694, %dma_wait3A_695] : memref<4x2x128xi32, #tpu.memory_space<vmem>> -> memref<1x2x128xi32, #tpu.memory_space<vmem>>
      %dma_wait3A_697 = tpu.memref_squeeze %dma_wait3A_696 : memref<1x2x128xi32, #tpu.memory_space<vmem>> -> memref<2x128xi32, #tpu.memory_space<vmem>>
      %dma_wait3A_698 = arith.constant 0 : i32
      %dma_wait3A_699 = tpu.memref_slice %arg3[%dma_wait3A_698, %mul3A_2] : memref<2x320000xi32, #tpu.memory_space<hbm>> -> memref<2x128xi32, #tpu.memory_space<hbm>>
      %dma_wait3A_700 = arith.constant 0 : i32
      %dma_wait3A_701 = arith.constant 0 : i32
      %dma_wait3A_702 = tpu.memref_slice %arg6[%dma_wait3A_693, %dma_wait3A_700, %dma_wait3A_701] : memref<4x2x128xi32, #tpu.memory_space<vmem>> -> memref<1x2x128xi32, #tpu.memory_space<vmem>>
      %dma_wait3A_703 = tpu.memref_squeeze %dma_wait3A_702 : memref<1x2x128xi32, #tpu.memory_space<vmem>> -> memref<2x128xi32, #tpu.memory_space<vmem>>
      %dma_wait3A_704 = arith.constant 0 : i32
      %dma_wait3A_705 = tpu.memref_slice %arg3[%dma_wait3A_704, %mul3A_2] : memref<2x320000xi32, #tpu.memory_space<hbm>> -> memref<2x128xi32, #tpu.memory_space<hbm>>
      tpu.wait_dma2 semaphore(%arg9 : memref<!tpu.dma_semaphore, #tpu.memory_space<semaphore_mem>>) src(%dma_wait3A_705 : memref<2x128xi32, #tpu.memory_space<hbm>>) dst(%dma_wait3A_703 : memref<2x128xi32, #tpu.memory_space<vmem>>)
      %dma_start3A_706 = arith.constant 1 : i32
      %dma_start3A_707 = arith.constant 0 : i32
      %dma_start3A_708 = arith.constant 1 : i32
      %dma_start3A_709 = arith.constant 0 : i32
      %dma_start3A_710 = arith.constant 0 : i32
      %dma_start3A_711 = tpu.memref_slice %arg7[%dma_start3A_708, %dma_start3A_709, %dma_start3A_710] : memref<2x128x128xf32, #tpu.memory_space<vmem>> -> memref<1x128x128xf32, #tpu.memory_space<vmem>>
      %dma_start3A_712 = tpu.memref_squeeze %dma_start3A_711 : memref<1x128x128xf32, #tpu.memory_space<vmem>> -> memref<128x128xf32, #tpu.memory_space<vmem>>
      %dma_start3A_713 = arith.constant 0 : i32
      %dma_start3A_714 = tpu.memref_slice %arg6[%dma_start3A_706, %dma_start3A_707, %dma_start3A_713] : memref<4x2x128xi32, #tpu.memory_space<vmem>> -> memref<1x1x128xi32, #tpu.memory_space<vmem>>
      %dma_start3A_715 = tpu.memref_squeeze %dma_start3A_714 : memref<1x1x128xi32, #tpu.memory_space<vmem>> -> memref<128xi32, #tpu.memory_space<vmem>>
      %dma_start3A_716 = arith.constant 0 : i32
      %dma_start3A_717 = arith.constant 0 : i32
      %dma_start3A_718 = tpu.memref_slice %arg2[%dma_start3A_716, %dma_start3A_717] : memref<10000x128xf32, #tpu.memory_space<hbm>> -> memref<10000x128xf32, #tpu.memory_space<hbm>>
      tpu.enqueue_indirect_dma source(%dma_start3A_718 : memref<10000x128xf32, #tpu.memory_space<hbm>>) target(%dma_start3A_712 : memref<128x128xf32, #tpu.memory_space<vmem>>) offsets(%dma_start3A_715 : memref<128xi32, #tpu.memory_space<vmem>>) semaphore(%arg10 : memref<!tpu.dma_semaphore, #tpu.memory_space<semaphore_mem>>)
    }
    %mul3A_159 = arith.constant 4 : i32
    %mul3A_160 = arith.muli %select_n3A, %mul3A_159 : i32
    %add3A_161 = arith.constant 1 : i32
    %add3A_162 = arith.addi %mul3A_160, %add3A_161 : i32
    %dma_wait3A_163 = arith.constant 1 : i32
    %dma_wait3A_164 = arith.constant 0 : i32
    %dma_wait3A_165 = arith.constant 1 : i32
    %dma_wait3A_166 = arith.constant 0 : i32
    %dma_wait3A_167 = arith.constant 0 : i32
    %dma_wait3A_168 = tpu.memref_slice %arg7[%dma_wait3A_165, %dma_wait3A_166, %dma_wait3A_167] : memref<2x128x128xf32, #tpu.memory_space<vmem>> -> memref<1x128x128xf32, #tpu.memory_space<vmem>>
    %dma_wait3A_169 = tpu.memref_squeeze %dma_wait3A_168 : memref<1x128x128xf32, #tpu.memory_space<vmem>> -> memref<128x128xf32, #tpu.memory_space<vmem>>
    %dma_wait3A_170 = arith.constant 0 : i32
    %dma_wait3A_171 = tpu.memref_slice %arg6[%dma_wait3A_163, %dma_wait3A_164, %dma_wait3A_170] : memref<4x2x128xi32, #tpu.memory_space<vmem>> -> memref<1x1x128xi32, #tpu.memory_space<vmem>>
    %dma_wait3A_172 = tpu.memref_squeeze %dma_wait3A_171 : memref<1x1x128xi32, #tpu.memory_space<vmem>> -> memref<128xi32, #tpu.memory_space<vmem>>
    %dma_wait3A_173 = arith.constant 0 : i32
    %dma_wait3A_174 = arith.constant 0 : i32
    %dma_wait3A_175 = tpu.memref_slice %arg2[%dma_wait3A_173, %dma_wait3A_174] : memref<10000x128xf32, #tpu.memory_space<hbm>> -> memref<10000x128xf32, #tpu.memory_space<hbm>>
    tpu.wait_indirect_dma semaphore(%arg10 : memref<!tpu.dma_semaphore, #tpu.memory_space<semaphore_mem>>) src(%dma_wait3A_175 : memref<10000x128xf32, #tpu.memory_space<hbm>>) dst(%dma_wait3A_169 : memref<128x128xf32, #tpu.memory_space<vmem>>)
    %dma_start3A_176 = arith.constant 1 : i32
    %dma_start3A_177 = arith.constant 1 : i32
    %dma_start3A_178 = arith.constant 1 : i32
    %dma_start3A_179 = arith.constant 0 : i32
    %dma_start3A_180 = arith.constant 0 : i32
    %dma_start3A_181 = tpu.memref_slice %arg7[%dma_start3A_176, %dma_start3A_179, %dma_start3A_180] : memref<2x128x128xf32, #tpu.memory_space<vmem>> -> memref<1x128x128xf32, #tpu.memory_space<vmem>>
    %dma_start3A_182 = tpu.memref_squeeze %dma_start3A_181 : memref<1x128x128xf32, #tpu.memory_space<vmem>> -> memref<128x128xf32, #tpu.memory_space<vmem>>
    %dma_start3A_183 = arith.constant 0 : i32
    %dma_start3A_184 = tpu.memref_slice %arg6[%dma_start3A_177, %dma_start3A_178, %dma_start3A_183] : memref<4x2x128xi32, #tpu.memory_space<vmem>> -> memref<1x1x128xi32, #tpu.memory_space<vmem>>
    %dma_start3A_185 = tpu.memref_squeeze %dma_start3A_184 : memref<1x1x128xi32, #tpu.memory_space<vmem>> -> memref<128xi32, #tpu.memory_space<vmem>>
    %dma_start3A_186 = arith.constant 0 : i32
    %dma_start3A_187 = arith.constant 0 : i32
    %dma_start3A_188 = tpu.memref_slice %arg8[%dma_start3A_186, %dma_start3A_187] : memref<10008x128xf32, #tpu.memory_space<vmem_shared>> -> memref<10008x128xf32, #tpu.memory_space<vmem_shared>>
    tpu.enqueue_indirect_dma source(%dma_start3A_182 : memref<128x128xf32, #tpu.memory_space<vmem>>) target(%dma_start3A_188 : memref<10008x128xf32, #tpu.memory_space<vmem_shared>>) offsets(%dma_start3A_185 : memref<128xi32, #tpu.memory_space<vmem>>) semaphore(%arg12 : memref<!tpu.dma_semaphore, #tpu.memory_space<semaphore_mem>>) {add = true}
    %dma_wait3A_189 = arith.constant 0 : i32
    %dma_wait3A_190 = arith.constant 0 : i32
    %dma_wait3A_191 = arith.constant 1 : i32
    %dma_wait3A_192 = arith.constant 0 : i32
    %dma_wait3A_193 = arith.constant 0 : i32
    %dma_wait3A_194 = tpu.memref_slice %arg7[%dma_wait3A_189, %dma_wait3A_192, %dma_wait3A_193] : memref<2x128x128xf32, #tpu.memory_space<vmem>> -> memref<1x128x128xf32, #tpu.memory_space<vmem>>
    %dma_wait3A_195 = tpu.memref_squeeze %dma_wait3A_194 : memref<1x128x128xf32, #tpu.memory_space<vmem>> -> memref<128x128xf32, #tpu.memory_space<vmem>>
    %dma_wait3A_196 = arith.constant 0 : i32
    %dma_wait3A_197 = tpu.memref_slice %arg6[%dma_wait3A_190, %dma_wait3A_191, %dma_wait3A_196] : memref<4x2x128xi32, #tpu.memory_space<vmem>> -> memref<1x1x128xi32, #tpu.memory_space<vmem>>
    %dma_wait3A_198 = tpu.memref_squeeze %dma_wait3A_197 : memref<1x1x128xi32, #tpu.memory_space<vmem>> -> memref<128xi32, #tpu.memory_space<vmem>>
    %dma_wait3A_199 = arith.constant 0 : i32
    %dma_wait3A_200 = arith.constant 0 : i32
    %dma_wait3A_201 = tpu.memref_slice %arg8[%dma_wait3A_199, %dma_wait3A_200] : memref<10008x128xf32, #tpu.memory_space<vmem_shared>> -> memref<10008x128xf32, #tpu.memory_space<vmem_shared>>
    tpu.wait_indirect_dma semaphore(%arg11 : memref<!tpu.dma_semaphore, #tpu.memory_space<semaphore_mem>>) src(%dma_wait3A_195 : memref<128x128xf32, #tpu.memory_space<vmem>>) dst(%dma_wait3A_201 : memref<10008x128xf32, #tpu.memory_space<vmem_shared>>)
    %dma_wait3A_202 = arith.constant 2 : i32
    %dma_wait3A_203 = arith.constant 0 : i32
    %dma_wait3A_204 = arith.constant 0 : i32
    %dma_wait3A_205 = tpu.memref_slice %arg6[%dma_wait3A_202, %dma_wait3A_203, %dma_wait3A_204] : memref<4x2x128xi32, #tpu.memory_space<vmem>> -> memref<1x2x128xi32, #tpu.memory_space<vmem>>
    %dma_wait3A_206 = tpu.memref_squeeze %dma_wait3A_205 : memref<1x2x128xi32, #tpu.memory_space<vmem>> -> memref<2x128xi32, #tpu.memory_space<vmem>>
    %dma_wait3A_207 = arith.constant 0 : i32
    %dma_wait3A_208 = tpu.memref_slice %arg3[%dma_wait3A_207, %mul3A_2] : memref<2x320000xi32, #tpu.memory_space<hbm>> -> memref<2x128xi32, #tpu.memory_space<hbm>>
    %dma_wait3A_209 = arith.constant 0 : i32
    %dma_wait3A_210 = arith.constant 0 : i32
    %dma_wait3A_211 = tpu.memref_slice %arg6[%dma_wait3A_202, %dma_wait3A_209, %dma_wait3A_210] : memref<4x2x128xi32, #tpu.memory_space<vmem>> -> memref<1x2x128xi32, #tpu.memory_space<vmem>>
    %dma_wait3A_212 = tpu.memref_squeeze %dma_wait3A_211 : memref<1x2x128xi32, #tpu.memory_space<vmem>> -> memref<2x128xi32, #tpu.memory_space<vmem>>
    %dma_wait3A_213 = arith.constant 0 : i32
    %dma_wait3A_214 = tpu.memref_slice %arg3[%dma_wait3A_213, %mul3A_2] : memref<2x320000xi32, #tpu.memory_space<hbm>> -> memref<2x128xi32, #tpu.memory_space<hbm>>
    tpu.wait_dma2 semaphore(%arg9 : memref<!tpu.dma_semaphore, #tpu.memory_space<semaphore_mem>>) src(%dma_wait3A_214 : memref<2x128xi32, #tpu.memory_space<hbm>>) dst(%dma_wait3A_212 : memref<2x128xi32, #tpu.memory_space<vmem>>)
    %dma_start3A_215 = arith.constant 2 : i32
    %dma_start3A_216 = arith.constant 0 : i32
    %dma_start3A_217 = arith.constant 0 : i32
    %dma_start3A_218 = arith.constant 0 : i32
    %dma_start3A_219 = arith.constant 0 : i32
    %dma_start3A_220 = tpu.memref_slice %arg7[%dma_start3A_217, %dma_start3A_218, %dma_start3A_219] : memref<2x128x128xf32, #tpu.memory_space<vmem>> -> memref<1x128x128xf32, #tpu.memory_space<vmem>>
    %dma_start3A_221 = tpu.memref_squeeze %dma_start3A_220 : memref<1x128x128xf32, #tpu.memory_space<vmem>> -> memref<128x128xf32, #tpu.memory_space<vmem>>
    %dma_start3A_222 = arith.constant 0 : i32
    %dma_start3A_223 = tpu.memref_slice %arg6[%dma_start3A_215, %dma_start3A_216, %dma_start3A_222] : memref<4x2x128xi32, #tpu.memory_space<vmem>> -> memref<1x1x128xi32, #tpu.memory_space<vmem>>
    %dma_start3A_224 = tpu.memref_squeeze %dma_start3A_223 : memref<1x1x128xi32, #tpu.memory_space<vmem>> -> memref<128xi32, #tpu.memory_space<vmem>>
    %dma_start3A_225 = arith.constant 0 : i32
    %dma_start3A_226 = arith.constant 0 : i32
    %dma_start3A_227 = tpu.memref_slice %arg2[%dma_start3A_225, %dma_start3A_226] : memref<10000x128xf32, #tpu.memory_space<hbm>> -> memref<10000x128xf32, #tpu.memory_space<hbm>>
    tpu.enqueue_indirect_dma source(%dma_start3A_227 : memref<10000x128xf32, #tpu.memory_space<hbm>>) target(%dma_start3A_221 : memref<128x128xf32, #tpu.memory_space<vmem>>) offsets(%dma_start3A_224 : memref<128xi32, #tpu.memory_space<vmem>>) semaphore(%arg10 : memref<!tpu.dma_semaphore, #tpu.memory_space<semaphore_mem>>)
    %add3A_228 = arith.constant 1 : i32
    %add3A_229 = arith.addi %add3A_162, %add3A_228 : i32
    %dma_wait3A_230 = arith.constant 2 : i32
    %dma_wait3A_231 = arith.constant 0 : i32
    %dma_wait3A_232 = arith.constant 0 : i32
    %dma_wait3A_233 = arith.constant 0 : i32
    %dma_wait3A_234 = arith.constant 0 : i32
    %dma_wait3A_235 = tpu.memref_slice %arg7[%dma_wait3A_232, %dma_wait3A_233, %dma_wait3A_234] : memref<2x128x128xf32, #tpu.memory_space<vmem>> -> memref<1x128x128xf32, #tpu.memory_space<vmem>>
    %dma_wait3A_236 = tpu.memref_squeeze %dma_wait3A_235 : memref<1x128x128xf32, #tpu.memory_space<vmem>> -> memref<128x128xf32, #tpu.memory_space<vmem>>
    %dma_wait3A_237 = arith.constant 0 : i32
    %dma_wait3A_238 = tpu.memref_slice %arg6[%dma_wait3A_230, %dma_wait3A_231, %dma_wait3A_237] : memref<4x2x128xi32, #tpu.memory_space<vmem>> -> memref<1x1x128xi32, #tpu.memory_space<vmem>>
    %dma_wait3A_239 = tpu.memref_squeeze %dma_wait3A_238 : memref<1x1x128xi32, #tpu.memory_space<vmem>> -> memref<128xi32, #tpu.memory_space<vmem>>
    %dma_wait3A_240 = arith.constant 0 : i32
    %dma_wait3A_241 = arith.constant 0 : i32
    %dma_wait3A_242 = tpu.memref_slice %arg2[%dma_wait3A_240, %dma_wait3A_241] : memref<10000x128xf32, #tpu.memory_space<hbm>> -> memref<10000x128xf32, #tpu.memory_space<hbm>>
    tpu.wait_indirect_dma semaphore(%arg10 : memref<!tpu.dma_semaphore, #tpu.memory_space<semaphore_mem>>) src(%dma_wait3A_242 : memref<10000x128xf32, #tpu.memory_space<hbm>>) dst(%dma_wait3A_236 : memref<128x128xf32, #tpu.memory_space<vmem>>)
    %dma_start3A_243 = arith.constant 0 : i32
    %dma_start3A_244 = arith.constant 2 : i32
    %dma_start3A_245 = arith.constant 1 : i32
    %dma_start3A_246 = arith.constant 0 : i32
    %dma_start3A_247 = arith.constant 0 : i32
    %dma_start3A_248 = tpu.memref_slice %arg7[%dma_start3A_243, %dma_start3A_246, %dma_start3A_247] : memref<2x128x128xf32, #tpu.memory_space<vmem>> -> memref<1x128x128xf32, #tpu.memory_space<vmem>>
    %dma_start3A_249 = tpu.memref_squeeze %dma_start3A_248 : memref<1x128x128xf32, #tpu.memory_space<vmem>> -> memref<128x128xf32, #tpu.memory_space<vmem>>
    %dma_start3A_250 = arith.constant 0 : i32
    %dma_start3A_251 = tpu.memref_slice %arg6[%dma_start3A_244, %dma_start3A_245, %dma_start3A_250] : memref<4x2x128xi32, #tpu.memory_space<vmem>> -> memref<1x1x128xi32, #tpu.memory_space<vmem>>
    %dma_start3A_252 = tpu.memref_squeeze %dma_start3A_251 : memref<1x1x128xi32, #tpu.memory_space<vmem>> -> memref<128xi32, #tpu.memory_space<vmem>>
    %dma_start3A_253 = arith.constant 0 : i32
    %dma_start3A_254 = arith.constant 0 : i32
    %dma_start3A_255 = tpu.memref_slice %arg8[%dma_start3A_253, %dma_start3A_254] : memref<10008x128xf32, #tpu.memory_space<vmem_shared>> -> memref<10008x128xf32, #tpu.memory_space<vmem_shared>>
    tpu.enqueue_indirect_dma source(%dma_start3A_249 : memref<128x128xf32, #tpu.memory_space<vmem>>) target(%dma_start3A_255 : memref<10008x128xf32, #tpu.memory_space<vmem_shared>>) offsets(%dma_start3A_252 : memref<128xi32, #tpu.memory_space<vmem>>) semaphore(%arg11 : memref<!tpu.dma_semaphore, #tpu.memory_space<semaphore_mem>>) {add = true}
    %dma_wait3A_256 = arith.constant 1 : i32
    %dma_wait3A_257 = arith.constant 0 : i32
    %dma_wait3A_258 = arith.constant 1 : i32
    %dma_wait3A_259 = arith.constant 0 : i32
    %dma_wait3A_260 = arith.constant 0 : i32
    %dma_wait3A_261 = tpu.memref_slice %arg7[%dma_wait3A_256, %dma_wait3A_259, %dma_wait3A_260] : memref<2x128x128xf32, #tpu.memory_space<vmem>> -> memref<1x128x128xf32, #tpu.memory_space<vmem>>
    %dma_wait3A_262 = tpu.memref_squeeze %dma_wait3A_261 : memref<1x128x128xf32, #tpu.memory_space<vmem>> -> memref<128x128xf32, #tpu.memory_space<vmem>>
    %dma_wait3A_263 = arith.constant 0 : i32
    %dma_wait3A_264 = tpu.memref_slice %arg6[%dma_wait3A_257, %dma_wait3A_258, %dma_wait3A_263] : memref<4x2x128xi32, #tpu.memory_space<vmem>> -> memref<1x1x128xi32, #tpu.memory_space<vmem>>
    %dma_wait3A_265 = tpu.memref_squeeze %dma_wait3A_264 : memref<1x1x128xi32, #tpu.memory_space<vmem>> -> memref<128xi32, #tpu.memory_space<vmem>>
    %dma_wait3A_266 = arith.constant 0 : i32
    %dma_wait3A_267 = arith.constant 0 : i32
    %dma_wait3A_268 = tpu.memref_slice %arg8[%dma_wait3A_266, %dma_wait3A_267] : memref<10008x128xf32, #tpu.memory_space<vmem_shared>> -> memref<10008x128xf32, #tpu.memory_space<vmem_shared>>
    tpu.wait_indirect_dma semaphore(%arg12 : memref<!tpu.dma_semaphore, #tpu.memory_space<semaphore_mem>>) src(%dma_wait3A_262 : memref<128x128xf32, #tpu.memory_space<vmem>>) dst(%dma_wait3A_268 : memref<10008x128xf32, #tpu.memory_space<vmem_shared>>)
    %dma_wait3A_269 = arith.constant 3 : i32
    %dma_wait3A_270 = arith.constant 0 : i32
    %dma_wait3A_271 = arith.constant 0 : i32
    %dma_wait3A_272 = tpu.memref_slice %arg6[%dma_wait3A_269, %dma_wait3A_270, %dma_wait3A_271] : memref<4x2x128xi32, #tpu.memory_space<vmem>> -> memref<1x2x128xi32, #tpu.memory_space<vmem>>
    %dma_wait3A_273 = tpu.memref_squeeze %dma_wait3A_272 : memref<1x2x128xi32, #tpu.memory_space<vmem>> -> memref<2x128xi32, #tpu.memory_space<vmem>>
    %dma_wait3A_274 = arith.constant 0 : i32
    %dma_wait3A_275 = tpu.memref_slice %arg3[%dma_wait3A_274, %mul3A_2] : memref<2x320000xi32, #tpu.memory_space<hbm>> -> memref<2x128xi32, #tpu.memory_space<hbm>>
    %dma_wait3A_276 = arith.constant 0 : i32
    %dma_wait3A_277 = arith.constant 0 : i32
    %dma_wait3A_278 = tpu.memref_slice %arg6[%dma_wait3A_269, %dma_wait3A_276, %dma_wait3A_277] : memref<4x2x128xi32, #tpu.memory_space<vmem>> -> memref<1x2x128xi32, #tpu.memory_space<vmem>>
    %dma_wait3A_279 = tpu.memref_squeeze %dma_wait3A_278 : memref<1x2x128xi32, #tpu.memory_space<vmem>> -> memref<2x128xi32, #tpu.memory_space<vmem>>
    %dma_wait3A_280 = arith.constant 0 : i32
    %dma_wait3A_281 = tpu.memref_slice %arg3[%dma_wait3A_280, %mul3A_2] : memref<2x320000xi32, #tpu.memory_space<hbm>> -> memref<2x128xi32, #tpu.memory_space<hbm>>
    tpu.wait_dma2 semaphore(%arg9 : memref<!tpu.dma_semaphore, #tpu.memory_space<semaphore_mem>>) src(%dma_wait3A_281 : memref<2x128xi32, #tpu.memory_space<hbm>>) dst(%dma_wait3A_279 : memref<2x128xi32, #tpu.memory_space<vmem>>)
    %dma_start3A_282 = arith.constant 3 : i32
    %dma_start3A_283 = arith.constant 0 : i32
    %dma_start3A_284 = arith.constant 1 : i32
    %dma_start3A_285 = arith.constant 0 : i32
    %dma_start3A_286 = arith.constant 0 : i32
    %dma_start3A_287 = tpu.memref_slice %arg7[%dma_start3A_284, %dma_start3A_285, %dma_start3A_286] : memref<2x128x128xf32, #tpu.memory_space<vmem>> -> memref<1x128x128xf32, #tpu.memory_space<vmem>>
    %dma_start3A_288 = tpu.memref_squeeze %dma_start3A_287 : memref<1x128x128xf32, #tpu.memory_space<vmem>> -> memref<128x128xf32, #tpu.memory_space<vmem>>
    %dma_start3A_289 = arith.constant 0 : i32
    %dma_start3A_290 = tpu.memref_slice %arg6[%dma_start3A_282, %dma_start3A_283, %dma_start3A_289] : memref<4x2x128xi32, #tpu.memory_space<vmem>> -> memref<1x1x128xi32, #tpu.memory_space<vmem>>
    %dma_start3A_291 = tpu.memref_squeeze %dma_start3A_290 : memref<1x1x128xi32, #tpu.memory_space<vmem>> -> memref<128xi32, #tpu.memory_space<vmem>>
    %dma_start3A_292 = arith.constant 0 : i32
    %dma_start3A_293 = arith.constant 0 : i32
    %dma_start3A_294 = tpu.memref_slice %arg2[%dma_start3A_292, %dma_start3A_293] : memref<10000x128xf32, #tpu.memory_space<hbm>> -> memref<10000x128xf32, #tpu.memory_space<hbm>>
    tpu.enqueue_indirect_dma source(%dma_start3A_294 : memref<10000x128xf32, #tpu.memory_space<hbm>>) target(%dma_start3A_288 : memref<128x128xf32, #tpu.memory_space<vmem>>) offsets(%dma_start3A_291 : memref<128xi32, #tpu.memory_space<vmem>>) semaphore(%arg10 : memref<!tpu.dma_semaphore, #tpu.memory_space<semaphore_mem>>)
    %add3A_295 = arith.constant 2 : i32
    %add3A_296 = arith.addi %add3A_162, %add3A_295 : i32
    %dma_wait3A_297 = arith.constant 3 : i32
    %dma_wait3A_298 = arith.constant 0 : i32
    %dma_wait3A_299 = arith.constant 1 : i32
    %dma_wait3A_300 = arith.constant 0 : i32
    %dma_wait3A_301 = arith.constant 0 : i32
    %dma_wait3A_302 = tpu.memref_slice %arg7[%dma_wait3A_299, %dma_wait3A_300, %dma_wait3A_301] : memref<2x128x128xf32, #tpu.memory_space<vmem>> -> memref<1x128x128xf32, #tpu.memory_space<vmem>>
    %dma_wait3A_303 = tpu.memref_squeeze %dma_wait3A_302 : memref<1x128x128xf32, #tpu.memory_space<vmem>> -> memref<128x128xf32, #tpu.memory_space<vmem>>
    %dma_wait3A_304 = arith.constant 0 : i32
    %dma_wait3A_305 = tpu.memref_slice %arg6[%dma_wait3A_297, %dma_wait3A_298, %dma_wait3A_304] : memref<4x2x128xi32, #tpu.memory_space<vmem>> -> memref<1x1x128xi32, #tpu.memory_space<vmem>>
    %dma_wait3A_306 = tpu.memref_squeeze %dma_wait3A_305 : memref<1x1x128xi32, #tpu.memory_space<vmem>> -> memref<128xi32, #tpu.memory_space<vmem>>
    %dma_wait3A_307 = arith.constant 0 : i32
    %dma_wait3A_308 = arith.constant 0 : i32
    %dma_wait3A_309 = tpu.memref_slice %arg2[%dma_wait3A_307, %dma_wait3A_308] : memref<10000x128xf32, #tpu.memory_space<hbm>> -> memref<10000x128xf32, #tpu.memory_space<hbm>>
    tpu.wait_indirect_dma semaphore(%arg10 : memref<!tpu.dma_semaphore, #tpu.memory_space<semaphore_mem>>) src(%dma_wait3A_309 : memref<10000x128xf32, #tpu.memory_space<hbm>>) dst(%dma_wait3A_303 : memref<128x128xf32, #tpu.memory_space<vmem>>)
    %dma_start3A_310 = arith.constant 1 : i32
    %dma_start3A_311 = arith.constant 3 : i32
    %dma_start3A_312 = arith.constant 1 : i32
    %dma_start3A_313 = arith.constant 0 : i32
    %dma_start3A_314 = arith.constant 0 : i32
    %dma_start3A_315 = tpu.memref_slice %arg7[%dma_start3A_310, %dma_start3A_313, %dma_start3A_314] : memref<2x128x128xf32, #tpu.memory_space<vmem>> -> memref<1x128x128xf32, #tpu.memory_space<vmem>>
    %dma_start3A_316 = tpu.memref_squeeze %dma_start3A_315 : memref<1x128x128xf32, #tpu.memory_space<vmem>> -> memref<128x128xf32, #tpu.memory_space<vmem>>
    %dma_start3A_317 = arith.constant 0 : i32
    %dma_start3A_318 = tpu.memref_slice %arg6[%dma_start3A_311, %dma_start3A_312, %dma_start3A_317] : memref<4x2x128xi32, #tpu.memory_space<vmem>> -> memref<1x1x128xi32, #tpu.memory_space<vmem>>
    %dma_start3A_319 = tpu.memref_squeeze %dma_start3A_318 : memref<1x1x128xi32, #tpu.memory_space<vmem>> -> memref<128xi32, #tpu.memory_space<vmem>>
    %dma_start3A_320 = arith.constant 0 : i32
    %dma_start3A_321 = arith.constant 0 : i32
    %dma_start3A_322 = tpu.memref_slice %arg8[%dma_start3A_320, %dma_start3A_321] : memref<10008x128xf32, #tpu.memory_space<vmem_shared>> -> memref<10008x128xf32, #tpu.memory_space<vmem_shared>>
    tpu.enqueue_indirect_dma source(%dma_start3A_316 : memref<128x128xf32, #tpu.memory_space<vmem>>) target(%dma_start3A_322 : memref<10008x128xf32, #tpu.memory_space<vmem_shared>>) offsets(%dma_start3A_319 : memref<128xi32, #tpu.memory_space<vmem>>) semaphore(%arg12 : memref<!tpu.dma_semaphore, #tpu.memory_space<semaphore_mem>>) {add = true}
    %dma_wait3A_323 = arith.constant 0 : i32
    %dma_wait3A_324 = arith.constant 0 : i32
    %dma_wait3A_325 = arith.constant 1 : i32
    %dma_wait3A_326 = arith.constant 0 : i32
    %dma_wait3A_327 = arith.constant 0 : i32
    %dma_wait3A_328 = tpu.memref_slice %arg7[%dma_wait3A_323, %dma_wait3A_326, %dma_wait3A_327] : memref<2x128x128xf32, #tpu.memory_space<vmem>> -> memref<1x128x128xf32, #tpu.memory_space<vmem>>
    %dma_wait3A_329 = tpu.memref_squeeze %dma_wait3A_328 : memref<1x128x128xf32, #tpu.memory_space<vmem>> -> memref<128x128xf32, #tpu.memory_space<vmem>>
    %dma_wait3A_330 = arith.constant 0 : i32
    %dma_wait3A_331 = tpu.memref_slice %arg6[%dma_wait3A_324, %dma_wait3A_325, %dma_wait3A_330] : memref<4x2x128xi32, #tpu.memory_space<vmem>> -> memref<1x1x128xi32, #tpu.memory_space<vmem>>
    %dma_wait3A_332 = tpu.memref_squeeze %dma_wait3A_331 : memref<1x1x128xi32, #tpu.memory_space<vmem>> -> memref<128xi32, #tpu.memory_space<vmem>>
    %dma_wait3A_333 = arith.constant 0 : i32
    %dma_wait3A_334 = arith.constant 0 : i32
    %dma_wait3A_335 = tpu.memref_slice %arg8[%dma_wait3A_333, %dma_wait3A_334] : memref<10008x128xf32, #tpu.memory_space<vmem_shared>> -> memref<10008x128xf32, #tpu.memory_space<vmem_shared>>
    tpu.wait_indirect_dma semaphore(%arg11 : memref<!tpu.dma_semaphore, #tpu.memory_space<semaphore_mem>>) src(%dma_wait3A_329 : memref<128x128xf32, #tpu.memory_space<vmem>>) dst(%dma_wait3A_335 : memref<10008x128xf32, #tpu.memory_space<vmem_shared>>)
    %dma_wait3A_336 = arith.constant 1 : i32
    %dma_wait3A_337 = arith.constant 0 : i32
    %dma_wait3A_338 = arith.constant 1 : i32
    %dma_wait3A_339 = arith.constant 0 : i32
    %dma_wait3A_340 = arith.constant 0 : i32
    %dma_wait3A_341 = tpu.memref_slice %arg7[%dma_wait3A_336, %dma_wait3A_339, %dma_wait3A_340] : memref<2x128x128xf32, #tpu.memory_space<vmem>> -> memref<1x128x128xf32, #tpu.memory_space<vmem>>
    %dma_wait3A_342 = tpu.memref_squeeze %dma_wait3A_341 : memref<1x128x128xf32, #tpu.memory_space<vmem>> -> memref<128x128xf32, #tpu.memory_space<vmem>>
    %dma_wait3A_343 = arith.constant 0 : i32
    %dma_wait3A_344 = tpu.memref_slice %arg6[%dma_wait3A_337, %dma_wait3A_338, %dma_wait3A_343] : memref<4x2x128xi32, #tpu.memory_space<vmem>> -> memref<1x1x128xi32, #tpu.memory_space<vmem>>
    %dma_wait3A_345 = tpu.memref_squeeze %dma_wait3A_344 : memref<1x1x128xi32, #tpu.memory_space<vmem>> -> memref<128xi32, #tpu.memory_space<vmem>>
    %dma_wait3A_346 = arith.constant 0 : i32
    %dma_wait3A_347 = arith.constant 0 : i32
    %dma_wait3A_348 = tpu.memref_slice %arg8[%dma_wait3A_346, %dma_wait3A_347] : memref<10008x128xf32, #tpu.memory_space<vmem_shared>> -> memref<10008x128xf32, #tpu.memory_space<vmem_shared>>
    tpu.wait_indirect_dma semaphore(%arg12 : memref<!tpu.dma_semaphore, #tpu.memory_space<semaphore_mem>>) src(%dma_wait3A_342 : memref<128x128xf32, #tpu.memory_space<vmem>>) dst(%dma_wait3A_348 : memref<10008x128xf32, #tpu.memory_space<vmem_shared>>)
    %barrier3A_349 = arith.constant 0 : index
    tpu.barrier barrier_id(%barrier3A_349)
    %mul3A_350 = arith.constant 632 : i32
    %mul3A_351 = arith.muli %arg1, %mul3A_350 : i32
    %lt3A_352 = arith.constant 15 : i32
    %lt3A_353 = arith.cmpi slt, %arg1, %lt3A_352 : i32
    %convert_element_type3A_354 = arith.extui %lt3A_353 : i1 to i32
    %cond3A_355 = arith.constant 0 : i32
    %cond3A_356 = arith.cmpi ne, %convert_element_type3A_354, %cond3A_355 : i32
    scf.if %cond3A_356 {
      "tpu.region"() ({
        %run_scoped3A = tpu.sem_alloc : memref<!tpu.dma_semaphore, #tpu.memory_space<semaphore_mem>>
        %dma_start3A_362 = arith.constant 0 : i32
        %dma_start3A_363 = arith.constant 0 : i32
        %dma_start3A_364 = tpu.memref_slice %arg5[%arg0, %dma_start3A_362, %dma_start3A_363] : memref<2x10000x128xf32, #tpu.memory_space<hbm>> -> memref<1x10000x128xf32, #tpu.memory_space<hbm>>
        %dma_start3A_365 = tpu.memref_squeeze %dma_start3A_364 : memref<1x10000x128xf32, #tpu.memory_space<hbm>> -> memref<10000x128xf32, #tpu.memory_space<hbm>>
        %dma_start3A_366 = arith.constant 0 : i32
        %dma_start3A_367 = tpu.memref_slice %dma_start3A_365[%mul3A_351, %dma_start3A_366] : memref<10000x128xf32, #tpu.memory_space<hbm>> -> memref<632x128xf32, #tpu.memory_space<hbm>>
        %dma_start3A_368 = arith.constant 0 : i32
        %dma_start3A_369 = tpu.memref_slice %arg8[%mul3A_351, %dma_start3A_368] : memref<10008x128xf32, #tpu.memory_space<vmem_shared>> -> memref<632x128xf32, #tpu.memory_space<vmem_shared>>
        tpu.enqueue_dma source(%dma_start3A_369 : memref<632x128xf32, #tpu.memory_space<vmem_shared>>) target(%dma_start3A_367 : memref<632x128xf32, #tpu.memory_space<hbm>>) target_semaphore(%run_scoped3A : memref<!tpu.dma_semaphore, #tpu.memory_space<semaphore_mem>>)
        %dma_wait3A_370 = arith.constant 0 : i32
        %dma_wait3A_371 = arith.constant 0 : i32
        %dma_wait3A_372 = tpu.memref_slice %arg5[%arg0, %dma_wait3A_370, %dma_wait3A_371] : memref<2x10000x128xf32, #tpu.memory_space<hbm>> -> memref<1x10000x128xf32, #tpu.memory_space<hbm>>
        %dma_wait3A_373 = tpu.memref_squeeze %dma_wait3A_372 : memref<1x10000x128xf32, #tpu.memory_space<hbm>> -> memref<10000x128xf32, #tpu.memory_space<hbm>>
        %dma_wait3A_374 = arith.constant 0 : i32
        %dma_wait3A_375 = tpu.memref_slice %dma_wait3A_373[%mul3A_351, %dma_wait3A_374] : memref<10000x128xf32, #tpu.memory_space<hbm>> -> memref<632x128xf32, #tpu.memory_space<hbm>>
        %dma_wait3A_376 = arith.constant 0 : i32
        %dma_wait3A_377 = tpu.memref_slice %arg8[%mul3A_351, %dma_wait3A_376] : memref<10008x128xf32, #tpu.memory_space<vmem_shared>> -> memref<632x128xf32, #tpu.memory_space<vmem_shared>>
        tpu.wait_dma2 semaphore(%run_scoped3A : memref<!tpu.dma_semaphore, #tpu.memory_space<semaphore_mem>>) src(%dma_wait3A_377 : memref<632x128xf32, #tpu.memory_space<vmem_shared>>) dst(%dma_wait3A_375 : memref<632x128xf32, #tpu.memory_space<hbm>>)
        tpu.yield
      }) : () -> ()
    } else {
    }
    %eq3A_357 = arith.constant 15 : i32
    %eq3A_358 = arith.cmpi eq, %arg1, %eq3A_357 : i32
    %convert_element_type3A_359 = arith.extui %eq3A_358 : i1 to i32
    %cond3A_360 = arith.constant 0 : i32
    %cond3A_361 = arith.cmpi ne, %convert_element_type3A_359, %cond3A_360 : i32
    scf.if %cond3A_361 {
      "tpu.region"() ({
        %run_scoped3A = tpu.sem_alloc : memref<!tpu.dma_semaphore, #tpu.memory_space<semaphore_mem>>
        %dma_start3A_362 = arith.constant 0 : i32
        %dma_start3A_363 = arith.constant 0 : i32
        %dma_start3A_364 = tpu.memref_slice %arg5[%arg0, %dma_start3A_362, %dma_start3A_363] : memref<2x10000x128xf32, #tpu.memory_space<hbm>> -> memref<1x10000x128xf32, #tpu.memory_space<hbm>>
        %dma_start3A_365 = tpu.memref_squeeze %dma_start3A_364 : memref<1x10000x128xf32, #tpu.memory_space<hbm>> -> memref<10000x128xf32, #tpu.memory_space<hbm>>
        %dma_start3A_366 = arith.constant 0 : i32
        %dma_start3A_367 = tpu.memref_slice %dma_start3A_365[%mul3A_351, %dma_start3A_366] : memref<10000x128xf32, #tpu.memory_space<hbm>> -> memref<520x128xf32, #tpu.memory_space<hbm>>
        %dma_start3A_368 = arith.constant 0 : i32
        %dma_start3A_369 = tpu.memref_slice %arg8[%mul3A_351, %dma_start3A_368] : memref<10008x128xf32, #tpu.memory_space<vmem_shared>> -> memref<520x128xf32, #tpu.memory_space<vmem_shared>>
        tpu.enqueue_dma source(%dma_start3A_369 : memref<520x128xf32, #tpu.memory_space<vmem_shared>>) target(%dma_start3A_367 : memref<520x128xf32, #tpu.memory_space<hbm>>) target_semaphore(%run_scoped3A : memref<!tpu.dma_semaphore, #tpu.memory_space<semaphore_mem>>)
        %dma_wait3A_370 = arith.constant 0 : i32
        %dma_wait3A_371 = arith.constant 0 : i32
        %dma_wait3A_372 = tpu.memref_slice %arg5[%arg0, %dma_wait3A_370, %dma_wait3A_371] : memref<2x10000x128xf32, #tpu.memory_space<hbm>> -> memref<1x10000x128xf32, #tpu.memory_space<hbm>>
        %dma_wait3A_373 = tpu.memref_squeeze %dma_wait3A_372 : memref<1x10000x128xf32, #tpu.memory_space<hbm>> -> memref<10000x128xf32, #tpu.memory_space<hbm>>
        %dma_wait3A_374 = arith.constant 0 : i32
        %dma_wait3A_375 = tpu.memref_slice %dma_wait3A_373[%mul3A_351, %dma_wait3A_374] : memref<10000x128xf32, #tpu.memory_space<hbm>> -> memref<520x128xf32, #tpu.memory_space<hbm>>
        %dma_wait3A_376 = arith.constant 0 : i32
        %dma_wait3A_377 = tpu.memref_slice %arg8[%mul3A_351, %dma_wait3A_376] : memref<10008x128xf32, #tpu.memory_space<vmem_shared>> -> memref<520x128xf32, #tpu.memory_space<vmem_shared>>
        tpu.wait_dma2 semaphore(%run_scoped3A : memref<!tpu.dma_semaphore, #tpu.memory_space<semaphore_mem>>) src(%dma_wait3A_377 : memref<520x128xf32, #tpu.memory_space<vmem_shared>>) dst(%dma_wait3A_375 : memref<520x128xf32, #tpu.memory_space<hbm>>)
        tpu.yield
      }) : () -> ()
    } else {
    }
    return
  }
}

#map = affine_map<(d0, d1) -> (0, 0)>
#map1 = affine_map<(d0, d1) -> (0, 0, 0)>
module attributes {stable_mosaic.version = 14 : i64} {
  func.func @_sc_agg(%arg0: i32, %arg1: i32, %arg2: memref<10000x128xf32, #tpu.memory_space<hbm>>, %arg3: memref<2x320000xi32, #tpu.memory_space<hbm>>, %arg4: memref<632x128xf32, #tpu.memory_space<hbm>>, %arg5: memref<2x10000x128xf32, #tpu.memory_space<hbm>>, %arg6: memref<4x2x128xi32, #tpu.memory_space<vmem>>, %arg7: memref<2x128x128xf32, #tpu.memory_space<vmem>>, %arg8: memref<10008x128xf32, #tpu.memory_space<vmem_shared>>, %arg9: memref<!tpu.dma_semaphore, #tpu.memory_space<semaphore_mem>>, %arg10: memref<!tpu.dma_semaphore, #tpu.memory_space<semaphore_mem>>, %arg11: memref<!tpu.dma_semaphore, #tpu.memory_space<semaphore_mem>>, %arg12: memref<!tpu.dma_semaphore, #tpu.memory_space<semaphore_mem>>) attributes {dimension_semantics = [#tpu.dimension_semantics<core_parallel>, #tpu.dimension_semantics<subcore_parallel>], iteration_bounds = array<i64: 2, 16>, scalar_prefetch = 0 : i64, scratch_operands = 7 : i64, tpu.core_type = #tpu.core_type<sc_vector_subcore>, window_params = [{transform_indices = #map}, {transform_indices = #map}, {transform_indices = #map}, {transform_indices = #map1}]} {
    %mul3A = arith.constant 16 : i32
    %mul3A_0 = arith.muli %arg0, %mul3A : i32
    %add3A = arith.addi %mul3A_0, %arg1 : i32
    %mul3A_1 = arith.constant 10240 : i32
    %mul3A_2 = arith.muli %add3A, %mul3A_1 : i32
    %add3A_3 = arith.constant 0 : i32
    %add3A_4 = arith.addi %mul3A_2, %add3A_3 : i32
    %dma_start3A = arith.constant 0 : i32
    %dma_start3A_5 = arith.constant 0 : i32
    %dma_start3A_6 = arith.constant 0 : i32
    %dma_start3A_7 = tpu.memref_slice %arg6[%dma_start3A, %dma_start3A_5, %dma_start3A_6] : memref<4x2x128xi32, #tpu.memory_space<vmem>> -> memref<1x2x128xi32, #tpu.memory_space<vmem>>
    %dma_start3A_8 = tpu.memref_squeeze %dma_start3A_7 : memref<1x2x128xi32, #tpu.memory_space<vmem>> -> memref<2x128xi32, #tpu.memory_space<vmem>>
    %dma_start3A_9 = arith.constant 0 : i32
    %dma_start3A_10 = tpu.memref_slice %arg3[%dma_start3A_9, %add3A_4] : memref<2x320000xi32, #tpu.memory_space<hbm>> -> memref<2x128xi32, #tpu.memory_space<hbm>>
    %dma_start3A_11 = arith.constant 0 : i32
    %dma_start3A_12 = arith.constant 0 : i32
    %dma_start3A_13 = tpu.memref_slice %arg6[%dma_start3A, %dma_start3A_11, %dma_start3A_12] : memref<4x2x128xi32, #tpu.memory_space<vmem>> -> memref<1x2x128xi32, #tpu.memory_space<vmem>>
    %dma_start3A_14 = tpu.memref_squeeze %dma_start3A_13 : memref<1x2x128xi32, #tpu.memory_space<vmem>> -> memref<2x128xi32, #tpu.memory_space<vmem>>
    %dma_start3A_15 = arith.constant 0 : i32
    %dma_start3A_16 = tpu.memref_slice %arg3[%dma_start3A_15, %add3A_4] : memref<2x320000xi32, #tpu.memory_space<hbm>> -> memref<2x128xi32, #tpu.memory_space<hbm>>
    tpu.enqueue_dma source(%dma_start3A_16 : memref<2x128xi32, #tpu.memory_space<hbm>>) target(%dma_start3A_14 : memref<2x128xi32, #tpu.memory_space<vmem>>) target_semaphore(%arg9 : memref<!tpu.dma_semaphore, #tpu.memory_space<semaphore_mem>>)
    %add3A_17 = arith.constant 128 : i32
    %add3A_18 = arith.addi %mul3A_2, %add3A_17 : i32
    %dma_start3A_19 = arith.constant 1 : i32
    %dma_start3A_20 = arith.constant 0 : i32
    %dma_start3A_21 = arith.constant 0 : i32
    %dma_start3A_22 = tpu.memref_slice %arg6[%dma_start3A_19, %dma_start3A_20, %dma_start3A_21] : memref<4x2x128xi32, #tpu.memory_space<vmem>> -> memref<1x2x128xi32, #tpu.memory_space<vmem>>
    %dma_start3A_23 = tpu.memref_squeeze %dma_start3A_22 : memref<1x2x128xi32, #tpu.memory_space<vmem>> -> memref<2x128xi32, #tpu.memory_space<vmem>>
    %dma_start3A_24 = arith.constant 0 : i32
    %dma_start3A_25 = tpu.memref_slice %arg3[%dma_start3A_24, %add3A_18] : memref<2x320000xi32, #tpu.memory_space<hbm>> -> memref<2x128xi32, #tpu.memory_space<hbm>>
    %dma_start3A_26 = arith.constant 0 : i32
    %dma_start3A_27 = arith.constant 0 : i32
    %dma_start3A_28 = tpu.memref_slice %arg6[%dma_start3A_19, %dma_start3A_26, %dma_start3A_27] : memref<4x2x128xi32, #tpu.memory_space<vmem>> -> memref<1x2x128xi32, #tpu.memory_space<vmem>>
    %dma_start3A_29 = tpu.memref_squeeze %dma_start3A_28 : memref<1x2x128xi32, #tpu.memory_space<vmem>> -> memref<2x128xi32, #tpu.memory_space<vmem>>
    %dma_start3A_30 = arith.constant 0 : i32
    %dma_start3A_31 = tpu.memref_slice %arg3[%dma_start3A_30, %add3A_18] : memref<2x320000xi32, #tpu.memory_space<hbm>> -> memref<2x128xi32, #tpu.memory_space<hbm>>
    tpu.enqueue_dma source(%dma_start3A_31 : memref<2x128xi32, #tpu.memory_space<hbm>>) target(%dma_start3A_29 : memref<2x128xi32, #tpu.memory_space<vmem>>) target_semaphore(%arg9 : memref<!tpu.dma_semaphore, #tpu.memory_space<semaphore_mem>>)
    %mul3A_32 = arith.constant 632 : i32
    %mul3A_33 = arith.muli %arg1, %mul3A_32 : i32
    %lt3A = arith.constant 15 : i32
    %lt3A_34 = arith.cmpi slt, %arg1, %lt3A : i32
    %convert_element_type3A = arith.extui %lt3A_34 : i1 to i32
    %cond3A = arith.constant 0 : i32
    %cond3A_35 = arith.cmpi ne, %convert_element_type3A, %cond3A : i32
    scf.if %cond3A_35 {
      "tpu.region"() ({
        %run_scoped3A = tpu.sem_alloc : memref<!tpu.dma_semaphore, #tpu.memory_space<semaphore_mem>>
        %dma_start3A_362 = arith.constant 0 : i32
        %dma_start3A_363 = tpu.memref_slice %arg8[%mul3A_33, %dma_start3A_362] : memref<10008x128xf32, #tpu.memory_space<vmem_shared>> -> memref<632x128xf32, #tpu.memory_space<vmem_shared>>
        tpu.enqueue_dma source(%arg4 : memref<632x128xf32, #tpu.memory_space<hbm>>) target(%dma_start3A_363 : memref<632x128xf32, #tpu.memory_space<vmem_shared>>) target_semaphore(%run_scoped3A : memref<!tpu.dma_semaphore, #tpu.memory_space<semaphore_mem>>)
        %dma_wait3A_364 = arith.constant 0 : i32
        %dma_wait3A_365 = tpu.memref_slice %arg8[%mul3A_33, %dma_wait3A_364] : memref<10008x128xf32, #tpu.memory_space<vmem_shared>> -> memref<632x128xf32, #tpu.memory_space<vmem_shared>>
        tpu.wait_dma2 semaphore(%run_scoped3A : memref<!tpu.dma_semaphore, #tpu.memory_space<semaphore_mem>>) src(%arg4 : memref<632x128xf32, #tpu.memory_space<hbm>>) dst(%dma_wait3A_365 : memref<632x128xf32, #tpu.memory_space<vmem_shared>>)
        tpu.yield
      }) : () -> ()
    } else {
    }
    %eq3A = arith.constant 15 : i32
    %eq3A_36 = arith.cmpi eq, %arg1, %eq3A : i32
    %convert_element_type3A_37 = arith.extui %eq3A_36 : i1 to i32
    %cond3A_38 = arith.constant 0 : i32
    %cond3A_39 = arith.cmpi ne, %convert_element_type3A_37, %cond3A_38 : i32
    scf.if %cond3A_39 {
      "tpu.region"() ({
        %run_scoped3A = tpu.sem_alloc : memref<!tpu.dma_semaphore, #tpu.memory_space<semaphore_mem>>
        %dma_start3A_362 = arith.constant 0 : i32
        %dma_start3A_363 = tpu.memref_slice %arg8[%mul3A_33, %dma_start3A_362] : memref<10008x128xf32, #tpu.memory_space<vmem_shared>> -> memref<528x128xf32, #tpu.memory_space<vmem_shared>>
        %dma_start3A_364 = arith.constant 0 : i32
        %dma_start3A_365 = arith.constant 0 : i32
        %dma_start3A_366 = tpu.memref_slice %arg4[%dma_start3A_364, %dma_start3A_365] : memref<632x128xf32, #tpu.memory_space<hbm>> -> memref<528x128xf32, #tpu.memory_space<hbm>>
        tpu.enqueue_dma source(%dma_start3A_366 : memref<528x128xf32, #tpu.memory_space<hbm>>) target(%dma_start3A_363 : memref<528x128xf32, #tpu.memory_space<vmem_shared>>) target_semaphore(%run_scoped3A : memref<!tpu.dma_semaphore, #tpu.memory_space<semaphore_mem>>)
        %dma_wait3A_367 = arith.constant 0 : i32
        %dma_wait3A_368 = tpu.memref_slice %arg8[%mul3A_33, %dma_wait3A_367] : memref<10008x128xf32, #tpu.memory_space<vmem_shared>> -> memref<528x128xf32, #tpu.memory_space<vmem_shared>>
        %dma_wait3A_369 = arith.constant 0 : i32
        %dma_wait3A_370 = arith.constant 0 : i32
        %dma_wait3A_371 = tpu.memref_slice %arg4[%dma_wait3A_369, %dma_wait3A_370] : memref<632x128xf32, #tpu.memory_space<hbm>> -> memref<528x128xf32, #tpu.memory_space<hbm>>
        tpu.wait_dma2 semaphore(%run_scoped3A : memref<!tpu.dma_semaphore, #tpu.memory_space<semaphore_mem>>) src(%dma_wait3A_371 : memref<528x128xf32, #tpu.memory_space<hbm>>) dst(%dma_wait3A_368 : memref<528x128xf32, #tpu.memory_space<vmem_shared>>)
        tpu.yield
      }) : () -> ()
    } else {
    }
    %barrier3A = arith.constant 0 : index
    tpu.barrier barrier_id(%barrier3A)
    %add3A_40 = arith.constant 256 : i32
    %add3A_41 = arith.addi %mul3A_2, %add3A_40 : i32
    %dma_start3A_42 = arith.constant 2 : i32
    %dma_start3A_43 = arith.constant 0 : i32
    %dma_start3A_44 = arith.constant 0 : i32
    %dma_start3A_45 = tpu.memref_slice %arg6[%dma_start3A_42, %dma_start3A_43, %dma_start3A_44] : memref<4x2x128xi32, #tpu.memory_space<vmem>> -> memref<1x2x128xi32, #tpu.memory_space<vmem>>
    %dma_start3A_46 = tpu.memref_squeeze %dma_start3A_45 : memref<1x2x128xi32, #tpu.memory_space<vmem>> -> memref<2x128xi32, #tpu.memory_space<vmem>>
    %dma_start3A_47 = arith.constant 0 : i32
    %dma_start3A_48 = tpu.memref_slice %arg3[%dma_start3A_47, %add3A_41] : memref<2x320000xi32, #tpu.memory_space<hbm>> -> memref<2x128xi32, #tpu.memory_space<hbm>>
    %dma_start3A_49 = arith.constant 0 : i32
    %dma_start3A_50 = arith.constant 0 : i32
    %dma_start3A_51 = tpu.memref_slice %arg6[%dma_start3A_42, %dma_start3A_49, %dma_start3A_50] : memref<4x2x128xi32, #tpu.memory_space<vmem>> -> memref<1x2x128xi32, #tpu.memory_space<vmem>>
    %dma_start3A_52 = tpu.memref_squeeze %dma_start3A_51 : memref<1x2x128xi32, #tpu.memory_space<vmem>> -> memref<2x128xi32, #tpu.memory_space<vmem>>
    %dma_start3A_53 = arith.constant 0 : i32
    %dma_start3A_54 = tpu.memref_slice %arg3[%dma_start3A_53, %add3A_41] : memref<2x320000xi32, #tpu.memory_space<hbm>> -> memref<2x128xi32, #tpu.memory_space<hbm>>
    tpu.enqueue_dma source(%dma_start3A_54 : memref<2x128xi32, #tpu.memory_space<hbm>>) target(%dma_start3A_52 : memref<2x128xi32, #tpu.memory_space<vmem>>) target_semaphore(%arg9 : memref<!tpu.dma_semaphore, #tpu.memory_space<semaphore_mem>>)
    %dma_wait3A = arith.constant 0 : i32
    %dma_wait3A_55 = arith.constant 0 : i32
    %dma_wait3A_56 = arith.constant 0 : i32
    %dma_wait3A_57 = tpu.memref_slice %arg6[%dma_wait3A, %dma_wait3A_55, %dma_wait3A_56] : memref<4x2x128xi32, #tpu.memory_space<vmem>> -> memref<1x2x128xi32, #tpu.memory_space<vmem>>
    %dma_wait3A_58 = tpu.memref_squeeze %dma_wait3A_57 : memref<1x2x128xi32, #tpu.memory_space<vmem>> -> memref<2x128xi32, #tpu.memory_space<vmem>>
    %dma_wait3A_59 = arith.constant 0 : i32
    %dma_wait3A_60 = tpu.memref_slice %arg3[%dma_wait3A_59, %mul3A_2] : memref<2x320000xi32, #tpu.memory_space<hbm>> -> memref<2x128xi32, #tpu.memory_space<hbm>>
    %dma_wait3A_61 = arith.constant 0 : i32
    %dma_wait3A_62 = arith.constant 0 : i32
    %dma_wait3A_63 = tpu.memref_slice %arg6[%dma_wait3A, %dma_wait3A_61, %dma_wait3A_62] : memref<4x2x128xi32, #tpu.memory_space<vmem>> -> memref<1x2x128xi32, #tpu.memory_space<vmem>>
    %dma_wait3A_64 = tpu.memref_squeeze %dma_wait3A_63 : memref<1x2x128xi32, #tpu.memory_space<vmem>> -> memref<2x128xi32, #tpu.memory_space<vmem>>
    %dma_wait3A_65 = arith.constant 0 : i32
    %dma_wait3A_66 = tpu.memref_slice %arg3[%dma_wait3A_65, %mul3A_2] : memref<2x320000xi32, #tpu.memory_space<hbm>> -> memref<2x128xi32, #tpu.memory_space<hbm>>
    tpu.wait_dma2 semaphore(%arg9 : memref<!tpu.dma_semaphore, #tpu.memory_space<semaphore_mem>>) src(%dma_wait3A_66 : memref<2x128xi32, #tpu.memory_space<hbm>>) dst(%dma_wait3A_64 : memref<2x128xi32, #tpu.memory_space<vmem>>)
    %dma_start3A_67 = arith.constant 0 : i32
    %dma_start3A_68 = arith.constant 0 : i32
    %dma_start3A_69 = arith.constant 0 : i32
    %dma_start3A_70 = arith.constant 0 : i32
    %dma_start3A_71 = arith.constant 0 : i32
    %dma_start3A_72 = tpu.memref_slice %arg7[%dma_start3A_69, %dma_start3A_70, %dma_start3A_71] : memref<2x128x128xf32, #tpu.memory_space<vmem>> -> memref<1x128x128xf32, #tpu.memory_space<vmem>>
    %dma_start3A_73 = tpu.memref_squeeze %dma_start3A_72 : memref<1x128x128xf32, #tpu.memory_space<vmem>> -> memref<128x128xf32, #tpu.memory_space<vmem>>
    %dma_start3A_74 = arith.constant 0 : i32
    %dma_start3A_75 = tpu.memref_slice %arg6[%dma_start3A_67, %dma_start3A_68, %dma_start3A_74] : memref<4x2x128xi32, #tpu.memory_space<vmem>> -> memref<1x1x128xi32, #tpu.memory_space<vmem>>
    %dma_start3A_76 = tpu.memref_squeeze %dma_start3A_75 : memref<1x1x128xi32, #tpu.memory_space<vmem>> -> memref<128xi32, #tpu.memory_space<vmem>>
    %dma_start3A_77 = arith.constant 0 : i32
    %dma_start3A_78 = arith.constant 0 : i32
    %dma_start3A_79 = tpu.memref_slice %arg2[%dma_start3A_77, %dma_start3A_78] : memref<10000x128xf32, #tpu.memory_space<hbm>> -> memref<10000x128xf32, #tpu.memory_space<hbm>>
    tpu.enqueue_indirect_dma source(%dma_start3A_79 : memref<10000x128xf32, #tpu.memory_space<hbm>>) target(%dma_start3A_73 : memref<128x128xf32, #tpu.memory_space<vmem>>) offsets(%dma_start3A_76 : memref<128xi32, #tpu.memory_space<vmem>>) semaphore(%arg10 : memref<!tpu.dma_semaphore, #tpu.memory_space<semaphore_mem>>)
    %dma_wait3A_80 = arith.constant 0 : i32
    %dma_wait3A_81 = arith.constant 0 : i32
    %dma_wait3A_82 = arith.constant 0 : i32
    %dma_wait3A_83 = arith.constant 0 : i32
    %dma_wait3A_84 = arith.constant 0 : i32
    %dma_wait3A_85 = tpu.memref_slice %arg7[%dma_wait3A_82, %dma_wait3A_83, %dma_wait3A_84] : memref<2x128x128xf32, #tpu.memory_space<vmem>> -> memref<1x128x128xf32, #tpu.memory_space<vmem>>
    %dma_wait3A_86 = tpu.memref_squeeze %dma_wait3A_85 : memref<1x128x128xf32, #tpu.memory_space<vmem>> -> memref<128x128xf32, #tpu.memory_space<vmem>>
    %dma_wait3A_87 = arith.constant 0 : i32
    %dma_wait3A_88 = tpu.memref_slice %arg6[%dma_wait3A_80, %dma_wait3A_81, %dma_wait3A_87] : memref<4x2x128xi32, #tpu.memory_space<vmem>> -> memref<1x1x128xi32, #tpu.memory_space<vmem>>
    %dma_wait3A_89 = tpu.memref_squeeze %dma_wait3A_88 : memref<1x1x128xi32, #tpu.memory_space<vmem>> -> memref<128xi32, #tpu.memory_space<vmem>>
    %dma_wait3A_90 = arith.constant 0 : i32
    %dma_wait3A_91 = arith.constant 0 : i32
    %dma_wait3A_92 = tpu.memref_slice %arg2[%dma_wait3A_90, %dma_wait3A_91] : memref<10000x128xf32, #tpu.memory_space<hbm>> -> memref<10000x128xf32, #tpu.memory_space<hbm>>
    tpu.wait_indirect_dma semaphore(%arg10 : memref<!tpu.dma_semaphore, #tpu.memory_space<semaphore_mem>>) src(%dma_wait3A_92 : memref<10000x128xf32, #tpu.memory_space<hbm>>) dst(%dma_wait3A_86 : memref<128x128xf32, #tpu.memory_space<vmem>>)
    %dma_start3A_93 = arith.constant 0 : i32
    %dma_start3A_94 = arith.constant 0 : i32
    %dma_start3A_95 = arith.constant 1 : i32
    %dma_start3A_96 = arith.constant 0 : i32
    %dma_start3A_97 = arith.constant 0 : i32
    %dma_start3A_98 = tpu.memref_slice %arg7[%dma_start3A_93, %dma_start3A_96, %dma_start3A_97] : memref<2x128x128xf32, #tpu.memory_space<vmem>> -> memref<1x128x128xf32, #tpu.memory_space<vmem>>
    %dma_start3A_99 = tpu.memref_squeeze %dma_start3A_98 : memref<1x128x128xf32, #tpu.memory_space<vmem>> -> memref<128x128xf32, #tpu.memory_space<vmem>>
    %dma_start3A_100 = arith.constant 0 : i32
    %dma_start3A_101 = tpu.memref_slice %arg6[%dma_start3A_94, %dma_start3A_95, %dma_start3A_100] : memref<4x2x128xi32, #tpu.memory_space<vmem>> -> memref<1x1x128xi32, #tpu.memory_space<vmem>>
    %dma_start3A_102 = tpu.memref_squeeze %dma_start3A_101 : memref<1x1x128xi32, #tpu.memory_space<vmem>> -> memref<128xi32, #tpu.memory_space<vmem>>
    %dma_start3A_103 = arith.constant 0 : i32
    %dma_start3A_104 = arith.constant 0 : i32
    %dma_start3A_105 = tpu.memref_slice %arg8[%dma_start3A_103, %dma_start3A_104] : memref<10008x128xf32, #tpu.memory_space<vmem_shared>> -> memref<10008x128xf32, #tpu.memory_space<vmem_shared>>
    tpu.enqueue_indirect_dma source(%dma_start3A_99 : memref<128x128xf32, #tpu.memory_space<vmem>>) target(%dma_start3A_105 : memref<10008x128xf32, #tpu.memory_space<vmem_shared>>) offsets(%dma_start3A_102 : memref<128xi32, #tpu.memory_space<vmem>>) semaphore(%arg11 : memref<!tpu.dma_semaphore, #tpu.memory_space<semaphore_mem>>) {add = true}
    %add3A_106 = arith.constant 384 : i32
    %add3A_107 = arith.addi %mul3A_2, %add3A_106 : i32
    %dma_start3A_108 = arith.constant 3 : i32
    %dma_start3A_109 = arith.constant 0 : i32
    %dma_start3A_110 = arith.constant 0 : i32
    %dma_start3A_111 = tpu.memref_slice %arg6[%dma_start3A_108, %dma_start3A_109, %dma_start3A_110] : memref<4x2x128xi32, #tpu.memory_space<vmem>> -> memref<1x2x128xi32, #tpu.memory_space<vmem>>
    %dma_start3A_112 = tpu.memref_squeeze %dma_start3A_111 : memref<1x2x128xi32, #tpu.memory_space<vmem>> -> memref<2x128xi32, #tpu.memory_space<vmem>>
    %dma_start3A_113 = arith.constant 0 : i32
    %dma_start3A_114 = tpu.memref_slice %arg3[%dma_start3A_113, %add3A_107] : memref<2x320000xi32, #tpu.memory_space<hbm>> -> memref<2x128xi32, #tpu.memory_space<hbm>>
    %dma_start3A_115 = arith.constant 0 : i32
    %dma_start3A_116 = arith.constant 0 : i32
    %dma_start3A_117 = tpu.memref_slice %arg6[%dma_start3A_108, %dma_start3A_115, %dma_start3A_116] : memref<4x2x128xi32, #tpu.memory_space<vmem>> -> memref<1x2x128xi32, #tpu.memory_space<vmem>>
    %dma_start3A_118 = tpu.memref_squeeze %dma_start3A_117 : memref<1x2x128xi32, #tpu.memory_space<vmem>> -> memref<2x128xi32, #tpu.memory_space<vmem>>
    %dma_start3A_119 = arith.constant 0 : i32
    %dma_start3A_120 = tpu.memref_slice %arg3[%dma_start3A_119, %add3A_107] : memref<2x320000xi32, #tpu.memory_space<hbm>> -> memref<2x128xi32, #tpu.memory_space<hbm>>
    tpu.enqueue_dma source(%dma_start3A_120 : memref<2x128xi32, #tpu.memory_space<hbm>>) target(%dma_start3A_118 : memref<2x128xi32, #tpu.memory_space<vmem>>) target_semaphore(%arg9 : memref<!tpu.dma_semaphore, #tpu.memory_space<semaphore_mem>>)
    %dma_wait3A_121 = arith.constant 1 : i32
    %dma_wait3A_122 = arith.constant 0 : i32
    %dma_wait3A_123 = arith.constant 0 : i32
    %dma_wait3A_124 = tpu.memref_slice %arg6[%dma_wait3A_121, %dma_wait3A_122, %dma_wait3A_123] : memref<4x2x128xi32, #tpu.memory_space<vmem>> -> memref<1x2x128xi32, #tpu.memory_space<vmem>>
    %dma_wait3A_125 = tpu.memref_squeeze %dma_wait3A_124 : memref<1x2x128xi32, #tpu.memory_space<vmem>> -> memref<2x128xi32, #tpu.memory_space<vmem>>
    %dma_wait3A_126 = arith.constant 0 : i32
    %dma_wait3A_127 = tpu.memref_slice %arg3[%dma_wait3A_126, %mul3A_2] : memref<2x320000xi32, #tpu.memory_space<hbm>> -> memref<2x128xi32, #tpu.memory_space<hbm>>
    %dma_wait3A_128 = arith.constant 0 : i32
    %dma_wait3A_129 = arith.constant 0 : i32
    %dma_wait3A_130 = tpu.memref_slice %arg6[%dma_wait3A_121, %dma_wait3A_128, %dma_wait3A_129] : memref<4x2x128xi32, #tpu.memory_space<vmem>> -> memref<1x2x128xi32, #tpu.memory_space<vmem>>
    %dma_wait3A_131 = tpu.memref_squeeze %dma_wait3A_130 : memref<1x2x128xi32, #tpu.memory_space<vmem>> -> memref<2x128xi32, #tpu.memory_space<vmem>>
    %dma_wait3A_132 = arith.constant 0 : i32
    %dma_wait3A_133 = tpu.memref_slice %arg3[%dma_wait3A_132, %mul3A_2] : memref<2x320000xi32, #tpu.memory_space<hbm>> -> memref<2x128xi32, #tpu.memory_space<hbm>>
    tpu.wait_dma2 semaphore(%arg9 : memref<!tpu.dma_semaphore, #tpu.memory_space<semaphore_mem>>) src(%dma_wait3A_133 : memref<2x128xi32, #tpu.memory_space<hbm>>) dst(%dma_wait3A_131 : memref<2x128xi32, #tpu.memory_space<vmem>>)
    %dma_start3A_134 = arith.constant 1 : i32
    %dma_start3A_135 = arith.constant 0 : i32
    %dma_start3A_136 = arith.constant 1 : i32
    %dma_start3A_137 = arith.constant 0 : i32
    %dma_start3A_138 = arith.constant 0 : i32
    %dma_start3A_139 = tpu.memref_slice %arg7[%dma_start3A_136, %dma_start3A_137, %dma_start3A_138] : memref<2x128x128xf32, #tpu.memory_space<vmem>> -> memref<1x128x128xf32, #tpu.memory_space<vmem>>
    %dma_start3A_140 = tpu.memref_squeeze %dma_start3A_139 : memref<1x128x128xf32, #tpu.memory_space<vmem>> -> memref<128x128xf32, #tpu.memory_space<vmem>>
    %dma_start3A_141 = arith.constant 0 : i32
    %dma_start3A_142 = tpu.memref_slice %arg6[%dma_start3A_134, %dma_start3A_135, %dma_start3A_141] : memref<4x2x128xi32, #tpu.memory_space<vmem>> -> memref<1x1x128xi32, #tpu.memory_space<vmem>>
    %dma_start3A_143 = tpu.memref_squeeze %dma_start3A_142 : memref<1x1x128xi32, #tpu.memory_space<vmem>> -> memref<128xi32, #tpu.memory_space<vmem>>
    %dma_start3A_144 = arith.constant 0 : i32
    %dma_start3A_145 = arith.constant 0 : i32
    %dma_start3A_146 = tpu.memref_slice %arg2[%dma_start3A_144, %dma_start3A_145] : memref<10000x128xf32, #tpu.memory_space<hbm>> -> memref<10000x128xf32, #tpu.memory_space<hbm>>
    tpu.enqueue_indirect_dma source(%dma_start3A_146 : memref<10000x128xf32, #tpu.memory_space<hbm>>) target(%dma_start3A_140 : memref<128x128xf32, #tpu.memory_space<vmem>>) offsets(%dma_start3A_143 : memref<128xi32, #tpu.memory_space<vmem>>) semaphore(%arg10 : memref<!tpu.dma_semaphore, #tpu.memory_space<semaphore_mem>>)
    %eq3A_147 = arith.constant 31 : i32
    %eq3A_148 = arith.cmpi eq, %add3A, %eq3A_147 : i32
    %jit3A = arith.constant 4 : i32
    %jit3A_149 = arith.constant 19 : i32
    %select_n3A = arith.select %eq3A_148, %jit3A, %jit3A_149 : i32
    %while3A = arith.constant 0 : i32
    %while3A_150 = arith.constant 0 : i32
    %while3A_151 = arith.subi %select_n3A, %while3A_150 : i32
    %while3A_152 = arith.addi %while3A_150, %while3A_151 : i32
    %while3A_153 = arith.constant 1 : i32
    %while3A_154 = arith.divsi %while3A_151, %while3A_153 : i32
    %while3A_155 = arith.muli %while3A_154, %while3A_153 : i32
    %while3A_156 = arith.addi %while3A_150, %while3A_155 : i32
    %while3A_157 = arith.constant 1 : i32
    scf.for %while3A_362 = %while3A_150 to %while3A_156 step %while3A_157  : i32 {
      %mul3A_363 = arith.constant 4 : i32
      %mul3A_364 = arith.muli %while3A_362, %mul3A_363 : i32
      %add3A_365 = arith.constant 0 : i32
      %add3A_366 = arith.addi %mul3A_364, %add3A_365 : i32
      %add3A_367 = arith.constant 1 : i32
      %add3A_368 = arith.addi %add3A_366, %add3A_367 : i32
      %dma_wait3A_369 = arith.constant 1 : i32
      %dma_wait3A_370 = arith.constant 0 : i32
      %dma_wait3A_371 = arith.constant 1 : i32
      %dma_wait3A_372 = arith.constant 0 : i32
      %dma_wait3A_373 = arith.constant 0 : i32
      %dma_wait3A_374 = tpu.memref_slice %arg7[%dma_wait3A_371, %dma_wait3A_372, %dma_wait3A_373] : memref<2x128x128xf32, #tpu.memory_space<vmem>> -> memref<1x128x128xf32, #tpu.memory_space<vmem>>
      %dma_wait3A_375 = tpu.memref_squeeze %dma_wait3A_374 : memref<1x128x128xf32, #tpu.memory_space<vmem>> -> memref<128x128xf32, #tpu.memory_space<vmem>>
      %dma_wait3A_376 = arith.constant 0 : i32
      %dma_wait3A_377 = tpu.memref_slice %arg6[%dma_wait3A_369, %dma_wait3A_370, %dma_wait3A_376] : memref<4x2x128xi32, #tpu.memory_space<vmem>> -> memref<1x1x128xi32, #tpu.memory_space<vmem>>
      %dma_wait3A_378 = tpu.memref_squeeze %dma_wait3A_377 : memref<1x1x128xi32, #tpu.memory_space<vmem>> -> memref<128xi32, #tpu.memory_space<vmem>>
      %dma_wait3A_379 = arith.constant 0 : i32
      %dma_wait3A_380 = arith.constant 0 : i32
      %dma_wait3A_381 = tpu.memref_slice %arg2[%dma_wait3A_379, %dma_wait3A_380] : memref<10000x128xf32, #tpu.memory_space<hbm>> -> memref<10000x128xf32, #tpu.memory_space<hbm>>
      tpu.wait_indirect_dma semaphore(%arg10 : memref<!tpu.dma_semaphore, #tpu.memory_space<semaphore_mem>>) src(%dma_wait3A_381 : memref<10000x128xf32, #tpu.memory_space<hbm>>) dst(%dma_wait3A_375 : memref<128x128xf32, #tpu.memory_space<vmem>>)
      %dma_start3A_382 = arith.constant 1 : i32
      %dma_start3A_383 = arith.constant 1 : i32
      %dma_start3A_384 = arith.constant 1 : i32
      %dma_start3A_385 = arith.constant 0 : i32
      %dma_start3A_386 = arith.constant 0 : i32
      %dma_start3A_387 = tpu.memref_slice %arg7[%dma_start3A_382, %dma_start3A_385, %dma_start3A_386] : memref<2x128x128xf32, #tpu.memory_space<vmem>> -> memref<1x128x128xf32, #tpu.memory_space<vmem>>
      %dma_start3A_388 = tpu.memref_squeeze %dma_start3A_387 : memref<1x128x128xf32, #tpu.memory_space<vmem>> -> memref<128x128xf32, #tpu.memory_space<vmem>>
      %dma_start3A_389 = arith.constant 0 : i32
      %dma_start3A_390 = tpu.memref_slice %arg6[%dma_start3A_383, %dma_start3A_384, %dma_start3A_389] : memref<4x2x128xi32, #tpu.memory_space<vmem>> -> memref<1x1x128xi32, #tpu.memory_space<vmem>>
      %dma_start3A_391 = tpu.memref_squeeze %dma_start3A_390 : memref<1x1x128xi32, #tpu.memory_space<vmem>> -> memref<128xi32, #tpu.memory_space<vmem>>
      %dma_start3A_392 = arith.constant 0 : i32
      %dma_start3A_393 = arith.constant 0 : i32
      %dma_start3A_394 = tpu.memref_slice %arg8[%dma_start3A_392, %dma_start3A_393] : memref<10008x128xf32, #tpu.memory_space<vmem_shared>> -> memref<10008x128xf32, #tpu.memory_space<vmem_shared>>
      tpu.enqueue_indirect_dma source(%dma_start3A_388 : memref<128x128xf32, #tpu.memory_space<vmem>>) target(%dma_start3A_394 : memref<10008x128xf32, #tpu.memory_space<vmem_shared>>) offsets(%dma_start3A_391 : memref<128xi32, #tpu.memory_space<vmem>>) semaphore(%arg12 : memref<!tpu.dma_semaphore, #tpu.memory_space<semaphore_mem>>) {add = true}
      %dma_wait3A_395 = arith.constant 0 : i32
      %dma_wait3A_396 = arith.constant 0 : i32
      %dma_wait3A_397 = arith.constant 1 : i32
      %dma_wait3A_398 = arith.constant 0 : i32
      %dma_wait3A_399 = arith.constant 0 : i32
      %dma_wait3A_400 = tpu.memref_slice %arg7[%dma_wait3A_395, %dma_wait3A_398, %dma_wait3A_399] : memref<2x128x128xf32, #tpu.memory_space<vmem>> -> memref<1x128x128xf32, #tpu.memory_space<vmem>>
      %dma_wait3A_401 = tpu.memref_squeeze %dma_wait3A_400 : memref<1x128x128xf32, #tpu.memory_space<vmem>> -> memref<128x128xf32, #tpu.memory_space<vmem>>
      %dma_wait3A_402 = arith.constant 0 : i32
      %dma_wait3A_403 = tpu.memref_slice %arg6[%dma_wait3A_396, %dma_wait3A_397, %dma_wait3A_402] : memref<4x2x128xi32, #tpu.memory_space<vmem>> -> memref<1x1x128xi32, #tpu.memory_space<vmem>>
      %dma_wait3A_404 = tpu.memref_squeeze %dma_wait3A_403 : memref<1x1x128xi32, #tpu.memory_space<vmem>> -> memref<128xi32, #tpu.memory_space<vmem>>
      %dma_wait3A_405 = arith.constant 0 : i32
      %dma_wait3A_406 = arith.constant 0 : i32
      %dma_wait3A_407 = tpu.memref_slice %arg8[%dma_wait3A_405, %dma_wait3A_406] : memref<10008x128xf32, #tpu.memory_space<vmem_shared>> -> memref<10008x128xf32, #tpu.memory_space<vmem_shared>>
      tpu.wait_indirect_dma semaphore(%arg11 : memref<!tpu.dma_semaphore, #tpu.memory_space<semaphore_mem>>) src(%dma_wait3A_401 : memref<128x128xf32, #tpu.memory_space<vmem>>) dst(%dma_wait3A_407 : memref<10008x128xf32, #tpu.memory_space<vmem_shared>>)
      %add3A_408 = arith.constant 3 : i32
      %add3A_409 = arith.addi %add3A_368, %add3A_408 : i32
      %mul3A_410 = arith.constant 128 : i32
      %mul3A_411 = arith.muli %add3A_409, %mul3A_410 : i32
      %add3A_412 = arith.addi %mul3A_2, %mul3A_411 : i32
      %dma_start3A_413 = arith.constant 0 : i32
      %dma_start3A_414 = arith.constant 0 : i32
      %dma_start3A_415 = arith.constant 0 : i32
      %dma_start3A_416 = tpu.memref_slice %arg6[%dma_start3A_413, %dma_start3A_414, %dma_start3A_415] : memref<4x2x128xi32, #tpu.memory_space<vmem>> -> memref<1x2x128xi32, #tpu.memory_space<vmem>>
      %dma_start3A_417 = tpu.memref_squeeze %dma_start3A_416 : memref<1x2x128xi32, #tpu.memory_space<vmem>> -> memref<2x128xi32, #tpu.memory_space<vmem>>
      %dma_start3A_418 = arith.constant 0 : i32
      %dma_start3A_419 = tpu.memref_slice %arg3[%dma_start3A_418, %add3A_412] : memref<2x320000xi32, #tpu.memory_space<hbm>> -> memref<2x128xi32, #tpu.memory_space<hbm>>
      %dma_start3A_420 = arith.constant 0 : i32
      %dma_start3A_421 = arith.constant 0 : i32
      %dma_start3A_422 = tpu.memref_slice %arg6[%dma_start3A_413, %dma_start3A_420, %dma_start3A_421] : memref<4x2x128xi32, #tpu.memory_space<vmem>> -> memref<1x2x128xi32, #tpu.memory_space<vmem>>
      %dma_start3A_423 = tpu.memref_squeeze %dma_start3A_422 : memref<1x2x128xi32, #tpu.memory_space<vmem>> -> memref<2x128xi32, #tpu.memory_space<vmem>>
      %dma_start3A_424 = arith.constant 0 : i32
      %dma_start3A_425 = tpu.memref_slice %arg3[%dma_start3A_424, %add3A_412] : memref<2x320000xi32, #tpu.memory_space<hbm>> -> memref<2x128xi32, #tpu.memory_space<hbm>>
      tpu.enqueue_dma source(%dma_start3A_425 : memref<2x128xi32, #tpu.memory_space<hbm>>) target(%dma_start3A_423 : memref<2x128xi32, #tpu.memory_space<vmem>>) target_semaphore(%arg9 : memref<!tpu.dma_semaphore, #tpu.memory_space<semaphore_mem>>)
      %dma_wait3A_426 = arith.constant 2 : i32
      %dma_wait3A_427 = arith.constant 0 : i32
      %dma_wait3A_428 = arith.constant 0 : i32
      %dma_wait3A_429 = tpu.memref_slice %arg6[%dma_wait3A_426, %dma_wait3A_427, %dma_wait3A_428] : memref<4x2x128xi32, #tpu.memory_space<vmem>> -> memref<1x2x128xi32, #tpu.memory_space<vmem>>
      %dma_wait3A_430 = tpu.memref_squeeze %dma_wait3A_429 : memref<1x2x128xi32, #tpu.memory_space<vmem>> -> memref<2x128xi32, #tpu.memory_space<vmem>>
      %dma_wait3A_431 = arith.constant 0 : i32
      %dma_wait3A_432 = tpu.memref_slice %arg3[%dma_wait3A_431, %mul3A_2] : memref<2x320000xi32, #tpu.memory_space<hbm>> -> memref<2x128xi32, #tpu.memory_space<hbm>>
      %dma_wait3A_433 = arith.constant 0 : i32
      %dma_wait3A_434 = arith.constant 0 : i32
      %dma_wait3A_435 = tpu.memref_slice %arg6[%dma_wait3A_426, %dma_wait3A_433, %dma_wait3A_434] : memref<4x2x128xi32, #tpu.memory_space<vmem>> -> memref<1x2x128xi32, #tpu.memory_space<vmem>>
      %dma_wait3A_436 = tpu.memref_squeeze %dma_wait3A_435 : memref<1x2x128xi32, #tpu.memory_space<vmem>> -> memref<2x128xi32, #tpu.memory_space<vmem>>
      %dma_wait3A_437 = arith.constant 0 : i32
      %dma_wait3A_438 = tpu.memref_slice %arg3[%dma_wait3A_437, %mul3A_2] : memref<2x320000xi32, #tpu.memory_space<hbm>> -> memref<2x128xi32, #tpu.memory_space<hbm>>
      tpu.wait_dma2 semaphore(%arg9 : memref<!tpu.dma_semaphore, #tpu.memory_space<semaphore_mem>>) src(%dma_wait3A_438 : memref<2x128xi32, #tpu.memory_space<hbm>>) dst(%dma_wait3A_436 : memref<2x128xi32, #tpu.memory_space<vmem>>)
      %dma_start3A_439 = arith.constant 2 : i32
      %dma_start3A_440 = arith.constant 0 : i32
      %dma_start3A_441 = arith.constant 0 : i32
      %dma_start3A_442 = arith.constant 0 : i32
      %dma_start3A_443 = arith.constant 0 : i32
      %dma_start3A_444 = tpu.memref_slice %arg7[%dma_start3A_441, %dma_start3A_442, %dma_start3A_443] : memref<2x128x128xf32, #tpu.memory_space<vmem>> -> memref<1x128x128xf32, #tpu.memory_space<vmem>>
      %dma_start3A_445 = tpu.memref_squeeze %dma_start3A_444 : memref<1x128x128xf32, #tpu.memory_space<vmem>> -> memref<128x128xf32, #tpu.memory_space<vmem>>
      %dma_start3A_446 = arith.constant 0 : i32
      %dma_start3A_447 = tpu.memref_slice %arg6[%dma_start3A_439, %dma_start3A_440, %dma_start3A_446] : memref<4x2x128xi32, #tpu.memory_space<vmem>> -> memref<1x1x128xi32, #tpu.memory_space<vmem>>
      %dma_start3A_448 = tpu.memref_squeeze %dma_start3A_447 : memref<1x1x128xi32, #tpu.memory_space<vmem>> -> memref<128xi32, #tpu.memory_space<vmem>>
      %dma_start3A_449 = arith.constant 0 : i32
      %dma_start3A_450 = arith.constant 0 : i32
      %dma_start3A_451 = tpu.memref_slice %arg2[%dma_start3A_449, %dma_start3A_450] : memref<10000x128xf32, #tpu.memory_space<hbm>> -> memref<10000x128xf32, #tpu.memory_space<hbm>>
      tpu.enqueue_indirect_dma source(%dma_start3A_451 : memref<10000x128xf32, #tpu.memory_space<hbm>>) target(%dma_start3A_445 : memref<128x128xf32, #tpu.memory_space<vmem>>) offsets(%dma_start3A_448 : memref<128xi32, #tpu.memory_space<vmem>>) semaphore(%arg10 : memref<!tpu.dma_semaphore, #tpu.memory_space<semaphore_mem>>)
      %mul3A_452 = arith.constant 4 : i32
      %mul3A_453 = arith.muli %while3A_362, %mul3A_452 : i32
      %add3A_454 = arith.constant 1 : i32
      %add3A_455 = arith.addi %mul3A_453, %add3A_454 : i32
      %add3A_456 = arith.constant 1 : i32
      %add3A_457 = arith.addi %add3A_455, %add3A_456 : i32
      %dma_wait3A_458 = arith.constant 2 : i32
      %dma_wait3A_459 = arith.constant 0 : i32
      %dma_wait3A_460 = arith.constant 0 : i32
      %dma_wait3A_461 = arith.constant 0 : i32
      %dma_wait3A_462 = arith.constant 0 : i32
      %dma_wait3A_463 = tpu.memref_slice %arg7[%dma_wait3A_460, %dma_wait3A_461, %dma_wait3A_462] : memref<2x128x128xf32, #tpu.memory_space<vmem>> -> memref<1x128x128xf32, #tpu.memory_space<vmem>>
      %dma_wait3A_464 = tpu.memref_squeeze %dma_wait3A_463 : memref<1x128x128xf32, #tpu.memory_space<vmem>> -> memref<128x128xf32, #tpu.memory_space<vmem>>
      %dma_wait3A_465 = arith.constant 0 : i32
      %dma_wait3A_466 = tpu.memref_slice %arg6[%dma_wait3A_458, %dma_wait3A_459, %dma_wait3A_465] : memref<4x2x128xi32, #tpu.memory_space<vmem>> -> memref<1x1x128xi32, #tpu.memory_space<vmem>>
      %dma_wait3A_467 = tpu.memref_squeeze %dma_wait3A_466 : memref<1x1x128xi32, #tpu.memory_space<vmem>> -> memref<128xi32, #tpu.memory_space<vmem>>
      %dma_wait3A_468 = arith.constant 0 : i32
      %dma_wait3A_469 = arith.constant 0 : i32
      %dma_wait3A_470 = tpu.memref_slice %arg2[%dma_wait3A_468, %dma_wait3A_469] : memref<10000x128xf32, #tpu.memory_space<hbm>> -> memref<10000x128xf32, #tpu.memory_space<hbm>>
      tpu.wait_indirect_dma semaphore(%arg10 : memref<!tpu.dma_semaphore, #tpu.memory_space<semaphore_mem>>) src(%dma_wait3A_470 : memref<10000x128xf32, #tpu.memory_space<hbm>>) dst(%dma_wait3A_464 : memref<128x128xf32, #tpu.memory_space<vmem>>)
      %dma_start3A_471 = arith.constant 0 : i32
      %dma_start3A_472 = arith.constant 2 : i32
      %dma_start3A_473 = arith.constant 1 : i32
      %dma_start3A_474 = arith.constant 0 : i32
      %dma_start3A_475 = arith.constant 0 : i32
      %dma_start3A_476 = tpu.memref_slice %arg7[%dma_start3A_471, %dma_start3A_474, %dma_start3A_475] : memref<2x128x128xf32, #tpu.memory_space<vmem>> -> memref<1x128x128xf32, #tpu.memory_space<vmem>>
      %dma_start3A_477 = tpu.memref_squeeze %dma_start3A_476 : memref<1x128x128xf32, #tpu.memory_space<vmem>> -> memref<128x128xf32, #tpu.memory_space<vmem>>
      %dma_start3A_478 = arith.constant 0 : i32
      %dma_start3A_479 = tpu.memref_slice %arg6[%dma_start3A_472, %dma_start3A_473, %dma_start3A_478] : memref<4x2x128xi32, #tpu.memory_space<vmem>> -> memref<1x1x128xi32, #tpu.memory_space<vmem>>
      %dma_start3A_480 = tpu.memref_squeeze %dma_start3A_479 : memref<1x1x128xi32, #tpu.memory_space<vmem>> -> memref<128xi32, #tpu.memory_space<vmem>>
      %dma_start3A_481 = arith.constant 0 : i32
      %dma_start3A_482 = arith.constant 0 : i32
      %dma_start3A_483 = tpu.memref_slice %arg8[%dma_start3A_481, %dma_start3A_482] : memref<10008x128xf32, #tpu.memory_space<vmem_shared>> -> memref<10008x128xf32, #tpu.memory_space<vmem_shared>>
      tpu.enqueue_indirect_dma source(%dma_start3A_477 : memref<128x128xf32, #tpu.memory_space<vmem>>) target(%dma_start3A_483 : memref<10008x128xf32, #tpu.memory_space<vmem_shared>>) offsets(%dma_start3A_480 : memref<128xi32, #tpu.memory_space<vmem>>) semaphore(%arg11 : memref<!tpu.dma_semaphore, #tpu.memory_space<semaphore_mem>>) {add = true}
      %dma_wait3A_484 = arith.constant 1 : i32
      %dma_wait3A_485 = arith.constant 0 : i32
      %dma_wait3A_486 = arith.constant 1 : i32
      %dma_wait3A_487 = arith.constant 0 : i32
      %dma_wait3A_488 = arith.constant 0 : i32
      %dma_wait3A_489 = tpu.memref_slice %arg7[%dma_wait3A_484, %dma_wait3A_487, %dma_wait3A_488] : memref<2x128x128xf32, #tpu.memory_space<vmem>> -> memref<1x128x128xf32, #tpu.memory_space<vmem>>
      %dma_wait3A_490 = tpu.memref_squeeze %dma_wait3A_489 : memref<1x128x128xf32, #tpu.memory_space<vmem>> -> memref<128x128xf32, #tpu.memory_space<vmem>>
      %dma_wait3A_491 = arith.constant 0 : i32
      %dma_wait3A_492 = tpu.memref_slice %arg6[%dma_wait3A_485, %dma_wait3A_486, %dma_wait3A_491] : memref<4x2x128xi32, #tpu.memory_space<vmem>> -> memref<1x1x128xi32, #tpu.memory_space<vmem>>
      %dma_wait3A_493 = tpu.memref_squeeze %dma_wait3A_492 : memref<1x1x128xi32, #tpu.memory_space<vmem>> -> memref<128xi32, #tpu.memory_space<vmem>>
      %dma_wait3A_494 = arith.constant 0 : i32
      %dma_wait3A_495 = arith.constant 0 : i32
      %dma_wait3A_496 = tpu.memref_slice %arg8[%dma_wait3A_494, %dma_wait3A_495] : memref<10008x128xf32, #tpu.memory_space<vmem_shared>> -> memref<10008x128xf32, #tpu.memory_space<vmem_shared>>
      tpu.wait_indirect_dma semaphore(%arg12 : memref<!tpu.dma_semaphore, #tpu.memory_space<semaphore_mem>>) src(%dma_wait3A_490 : memref<128x128xf32, #tpu.memory_space<vmem>>) dst(%dma_wait3A_496 : memref<10008x128xf32, #tpu.memory_space<vmem_shared>>)
      %add3A_497 = arith.constant 3 : i32
      %add3A_498 = arith.addi %add3A_457, %add3A_497 : i32
      %mul3A_499 = arith.constant 128 : i32
      %mul3A_500 = arith.muli %add3A_498, %mul3A_499 : i32
      %add3A_501 = arith.addi %mul3A_2, %mul3A_500 : i32
      %dma_start3A_502 = arith.constant 1 : i32
      %dma_start3A_503 = arith.constant 0 : i32
      %dma_start3A_504 = arith.constant 0 : i32
      %dma_start3A_505 = tpu.memref_slice %arg6[%dma_start3A_502, %dma_start3A_503, %dma_start3A_504] : memref<4x2x128xi32, #tpu.memory_space<vmem>> -> memref<1x2x128xi32, #tpu.memory_space<vmem>>
      %dma_start3A_506 = tpu.memref_squeeze %dma_start3A_505 : memref<1x2x128xi32, #tpu.memory_space<vmem>> -> memref<2x128xi32, #tpu.memory_space<vmem>>
      %dma_start3A_507 = arith.constant 0 : i32
      %dma_start3A_508 = tpu.memref_slice %arg3[%dma_start3A_507, %add3A_501] : memref<2x320000xi32, #tpu.memory_space<hbm>> -> memref<2x128xi32, #tpu.memory_space<hbm>>
      %dma_start3A_509 = arith.constant 0 : i32
      %dma_start3A_510 = arith.constant 0 : i32
      %dma_start3A_511 = tpu.memref_slice %arg6[%dma_start3A_502, %dma_start3A_509, %dma_start3A_510] : memref<4x2x128xi32, #tpu.memory_space<vmem>> -> memref<1x2x128xi32, #tpu.memory_space<vmem>>
      %dma_start3A_512 = tpu.memref_squeeze %dma_start3A_511 : memref<1x2x128xi32, #tpu.memory_space<vmem>> -> memref<2x128xi32, #tpu.memory_space<vmem>>
      %dma_start3A_513 = arith.constant 0 : i32
      %dma_start3A_514 = tpu.memref_slice %arg3[%dma_start3A_513, %add3A_501] : memref<2x320000xi32, #tpu.memory_space<hbm>> -> memref<2x128xi32, #tpu.memory_space<hbm>>
      tpu.enqueue_dma source(%dma_start3A_514 : memref<2x128xi32, #tpu.memory_space<hbm>>) target(%dma_start3A_512 : memref<2x128xi32, #tpu.memory_space<vmem>>) target_semaphore(%arg9 : memref<!tpu.dma_semaphore, #tpu.memory_space<semaphore_mem>>)
      %dma_wait3A_515 = arith.constant 3 : i32
      %dma_wait3A_516 = arith.constant 0 : i32
      %dma_wait3A_517 = arith.constant 0 : i32
      %dma_wait3A_518 = tpu.memref_slice %arg6[%dma_wait3A_515, %dma_wait3A_516, %dma_wait3A_517] : memref<4x2x128xi32, #tpu.memory_space<vmem>> -> memref<1x2x128xi32, #tpu.memory_space<vmem>>
      %dma_wait3A_519 = tpu.memref_squeeze %dma_wait3A_518 : memref<1x2x128xi32, #tpu.memory_space<vmem>> -> memref<2x128xi32, #tpu.memory_space<vmem>>
      %dma_wait3A_520 = arith.constant 0 : i32
      %dma_wait3A_521 = tpu.memref_slice %arg3[%dma_wait3A_520, %mul3A_2] : memref<2x320000xi32, #tpu.memory_space<hbm>> -> memref<2x128xi32, #tpu.memory_space<hbm>>
      %dma_wait3A_522 = arith.constant 0 : i32
      %dma_wait3A_523 = arith.constant 0 : i32
      %dma_wait3A_524 = tpu.memref_slice %arg6[%dma_wait3A_515, %dma_wait3A_522, %dma_wait3A_523] : memref<4x2x128xi32, #tpu.memory_space<vmem>> -> memref<1x2x128xi32, #tpu.memory_space<vmem>>
      %dma_wait3A_525 = tpu.memref_squeeze %dma_wait3A_524 : memref<1x2x128xi32, #tpu.memory_space<vmem>> -> memref<2x128xi32, #tpu.memory_space<vmem>>
      %dma_wait3A_526 = arith.constant 0 : i32
      %dma_wait3A_527 = tpu.memref_slice %arg3[%dma_wait3A_526, %mul3A_2] : memref<2x320000xi32, #tpu.memory_space<hbm>> -> memref<2x128xi32, #tpu.memory_space<hbm>>
      tpu.wait_dma2 semaphore(%arg9 : memref<!tpu.dma_semaphore, #tpu.memory_space<semaphore_mem>>) src(%dma_wait3A_527 : memref<2x128xi32, #tpu.memory_space<hbm>>) dst(%dma_wait3A_525 : memref<2x128xi32, #tpu.memory_space<vmem>>)
      %dma_start3A_528 = arith.constant 3 : i32
      %dma_start3A_529 = arith.constant 0 : i32
      %dma_start3A_530 = arith.constant 1 : i32
      %dma_start3A_531 = arith.constant 0 : i32
      %dma_start3A_532 = arith.constant 0 : i32
      %dma_start3A_533 = tpu.memref_slice %arg7[%dma_start3A_530, %dma_start3A_531, %dma_start3A_532] : memref<2x128x128xf32, #tpu.memory_space<vmem>> -> memref<1x128x128xf32, #tpu.memory_space<vmem>>
      %dma_start3A_534 = tpu.memref_squeeze %dma_start3A_533 : memref<1x128x128xf32, #tpu.memory_space<vmem>> -> memref<128x128xf32, #tpu.memory_space<vmem>>
      %dma_start3A_535 = arith.constant 0 : i32
      %dma_start3A_536 = tpu.memref_slice %arg6[%dma_start3A_528, %dma_start3A_529, %dma_start3A_535] : memref<4x2x128xi32, #tpu.memory_space<vmem>> -> memref<1x1x128xi32, #tpu.memory_space<vmem>>
      %dma_start3A_537 = tpu.memref_squeeze %dma_start3A_536 : memref<1x1x128xi32, #tpu.memory_space<vmem>> -> memref<128xi32, #tpu.memory_space<vmem>>
      %dma_start3A_538 = arith.constant 0 : i32
      %dma_start3A_539 = arith.constant 0 : i32
      %dma_start3A_540 = tpu.memref_slice %arg2[%dma_start3A_538, %dma_start3A_539] : memref<10000x128xf32, #tpu.memory_space<hbm>> -> memref<10000x128xf32, #tpu.memory_space<hbm>>
      tpu.enqueue_indirect_dma source(%dma_start3A_540 : memref<10000x128xf32, #tpu.memory_space<hbm>>) target(%dma_start3A_534 : memref<128x128xf32, #tpu.memory_space<vmem>>) offsets(%dma_start3A_537 : memref<128xi32, #tpu.memory_space<vmem>>) semaphore(%arg10 : memref<!tpu.dma_semaphore, #tpu.memory_space<semaphore_mem>>)
      %mul3A_541 = arith.constant 4 : i32
      %mul3A_542 = arith.muli %while3A_362, %mul3A_541 : i32
      %add3A_543 = arith.constant 2 : i32
      %add3A_544 = arith.addi %mul3A_542, %add3A_543 : i32
      %add3A_545 = arith.constant 1 : i32
      %add3A_546 = arith.addi %add3A_544, %add3A_545 : i32
      %dma_wait3A_547 = arith.constant 3 : i32
      %dma_wait3A_548 = arith.constant 0 : i32
      %dma_wait3A_549 = arith.constant 1 : i32
      %dma_wait3A_550 = arith.constant 0 : i32
      %dma_wait3A_551 = arith.constant 0 : i32
      %dma_wait3A_552 = tpu.memref_slice %arg7[%dma_wait3A_549, %dma_wait3A_550, %dma_wait3A_551] : memref<2x128x128xf32, #tpu.memory_space<vmem>> -> memref<1x128x128xf32, #tpu.memory_space<vmem>>
      %dma_wait3A_553 = tpu.memref_squeeze %dma_wait3A_552 : memref<1x128x128xf32, #tpu.memory_space<vmem>> -> memref<128x128xf32, #tpu.memory_space<vmem>>
      %dma_wait3A_554 = arith.constant 0 : i32
      %dma_wait3A_555 = tpu.memref_slice %arg6[%dma_wait3A_547, %dma_wait3A_548, %dma_wait3A_554] : memref<4x2x128xi32, #tpu.memory_space<vmem>> -> memref<1x1x128xi32, #tpu.memory_space<vmem>>
      %dma_wait3A_556 = tpu.memref_squeeze %dma_wait3A_555 : memref<1x1x128xi32, #tpu.memory_space<vmem>> -> memref<128xi32, #tpu.memory_space<vmem>>
      %dma_wait3A_557 = arith.constant 0 : i32
      %dma_wait3A_558 = arith.constant 0 : i32
      %dma_wait3A_559 = tpu.memref_slice %arg2[%dma_wait3A_557, %dma_wait3A_558] : memref<10000x128xf32, #tpu.memory_space<hbm>> -> memref<10000x128xf32, #tpu.memory_space<hbm>>
      tpu.wait_indirect_dma semaphore(%arg10 : memref<!tpu.dma_semaphore, #tpu.memory_space<semaphore_mem>>) src(%dma_wait3A_559 : memref<10000x128xf32, #tpu.memory_space<hbm>>) dst(%dma_wait3A_553 : memref<128x128xf32, #tpu.memory_space<vmem>>)
      %dma_start3A_560 = arith.constant 1 : i32
      %dma_start3A_561 = arith.constant 3 : i32
      %dma_start3A_562 = arith.constant 1 : i32
      %dma_start3A_563 = arith.constant 0 : i32
      %dma_start3A_564 = arith.constant 0 : i32
      %dma_start3A_565 = tpu.memref_slice %arg7[%dma_start3A_560, %dma_start3A_563, %dma_start3A_564] : memref<2x128x128xf32, #tpu.memory_space<vmem>> -> memref<1x128x128xf32, #tpu.memory_space<vmem>>
      %dma_start3A_566 = tpu.memref_squeeze %dma_start3A_565 : memref<1x128x128xf32, #tpu.memory_space<vmem>> -> memref<128x128xf32, #tpu.memory_space<vmem>>
      %dma_start3A_567 = arith.constant 0 : i32
      %dma_start3A_568 = tpu.memref_slice %arg6[%dma_start3A_561, %dma_start3A_562, %dma_start3A_567] : memref<4x2x128xi32, #tpu.memory_space<vmem>> -> memref<1x1x128xi32, #tpu.memory_space<vmem>>
      %dma_start3A_569 = tpu.memref_squeeze %dma_start3A_568 : memref<1x1x128xi32, #tpu.memory_space<vmem>> -> memref<128xi32, #tpu.memory_space<vmem>>
      %dma_start3A_570 = arith.constant 0 : i32
      %dma_start3A_571 = arith.constant 0 : i32
      %dma_start3A_572 = tpu.memref_slice %arg8[%dma_start3A_570, %dma_start3A_571] : memref<10008x128xf32, #tpu.memory_space<vmem_shared>> -> memref<10008x128xf32, #tpu.memory_space<vmem_shared>>
      tpu.enqueue_indirect_dma source(%dma_start3A_566 : memref<128x128xf32, #tpu.memory_space<vmem>>) target(%dma_start3A_572 : memref<10008x128xf32, #tpu.memory_space<vmem_shared>>) offsets(%dma_start3A_569 : memref<128xi32, #tpu.memory_space<vmem>>) semaphore(%arg12 : memref<!tpu.dma_semaphore, #tpu.memory_space<semaphore_mem>>) {add = true}
      %dma_wait3A_573 = arith.constant 0 : i32
      %dma_wait3A_574 = arith.constant 0 : i32
      %dma_wait3A_575 = arith.constant 1 : i32
      %dma_wait3A_576 = arith.constant 0 : i32
      %dma_wait3A_577 = arith.constant 0 : i32
      %dma_wait3A_578 = tpu.memref_slice %arg7[%dma_wait3A_573, %dma_wait3A_576, %dma_wait3A_577] : memref<2x128x128xf32, #tpu.memory_space<vmem>> -> memref<1x128x128xf32, #tpu.memory_space<vmem>>
      %dma_wait3A_579 = tpu.memref_squeeze %dma_wait3A_578 : memref<1x128x128xf32, #tpu.memory_space<vmem>> -> memref<128x128xf32, #tpu.memory_space<vmem>>
      %dma_wait3A_580 = arith.constant 0 : i32
      %dma_wait3A_581 = tpu.memref_slice %arg6[%dma_wait3A_574, %dma_wait3A_575, %dma_wait3A_580] : memref<4x2x128xi32, #tpu.memory_space<vmem>> -> memref<1x1x128xi32, #tpu.memory_space<vmem>>
      %dma_wait3A_582 = tpu.memref_squeeze %dma_wait3A_581 : memref<1x1x128xi32, #tpu.memory_space<vmem>> -> memref<128xi32, #tpu.memory_space<vmem>>
      %dma_wait3A_583 = arith.constant 0 : i32
      %dma_wait3A_584 = arith.constant 0 : i32
      %dma_wait3A_585 = tpu.memref_slice %arg8[%dma_wait3A_583, %dma_wait3A_584] : memref<10008x128xf32, #tpu.memory_space<vmem_shared>> -> memref<10008x128xf32, #tpu.memory_space<vmem_shared>>
      tpu.wait_indirect_dma semaphore(%arg11 : memref<!tpu.dma_semaphore, #tpu.memory_space<semaphore_mem>>) src(%dma_wait3A_579 : memref<128x128xf32, #tpu.memory_space<vmem>>) dst(%dma_wait3A_585 : memref<10008x128xf32, #tpu.memory_space<vmem_shared>>)
      %add3A_586 = arith.constant 3 : i32
      %add3A_587 = arith.addi %add3A_546, %add3A_586 : i32
      %mul3A_588 = arith.constant 128 : i32
      %mul3A_589 = arith.muli %add3A_587, %mul3A_588 : i32
      %add3A_590 = arith.addi %mul3A_2, %mul3A_589 : i32
      %dma_start3A_591 = arith.constant 2 : i32
      %dma_start3A_592 = arith.constant 0 : i32
      %dma_start3A_593 = arith.constant 0 : i32
      %dma_start3A_594 = tpu.memref_slice %arg6[%dma_start3A_591, %dma_start3A_592, %dma_start3A_593] : memref<4x2x128xi32, #tpu.memory_space<vmem>> -> memref<1x2x128xi32, #tpu.memory_space<vmem>>
      %dma_start3A_595 = tpu.memref_squeeze %dma_start3A_594 : memref<1x2x128xi32, #tpu.memory_space<vmem>> -> memref<2x128xi32, #tpu.memory_space<vmem>>
      %dma_start3A_596 = arith.constant 0 : i32
      %dma_start3A_597 = tpu.memref_slice %arg3[%dma_start3A_596, %add3A_590] : memref<2x320000xi32, #tpu.memory_space<hbm>> -> memref<2x128xi32, #tpu.memory_space<hbm>>
      %dma_start3A_598 = arith.constant 0 : i32
      %dma_start3A_599 = arith.constant 0 : i32
      %dma_start3A_600 = tpu.memref_slice %arg6[%dma_start3A_591, %dma_start3A_598, %dma_start3A_599] : memref<4x2x128xi32, #tpu.memory_space<vmem>> -> memref<1x2x128xi32, #tpu.memory_space<vmem>>
      %dma_start3A_601 = tpu.memref_squeeze %dma_start3A_600 : memref<1x2x128xi32, #tpu.memory_space<vmem>> -> memref<2x128xi32, #tpu.memory_space<vmem>>
      %dma_start3A_602 = arith.constant 0 : i32
      %dma_start3A_603 = tpu.memref_slice %arg3[%dma_start3A_602, %add3A_590] : memref<2x320000xi32, #tpu.memory_space<hbm>> -> memref<2x128xi32, #tpu.memory_space<hbm>>
      tpu.enqueue_dma source(%dma_start3A_603 : memref<2x128xi32, #tpu.memory_space<hbm>>) target(%dma_start3A_601 : memref<2x128xi32, #tpu.memory_space<vmem>>) target_semaphore(%arg9 : memref<!tpu.dma_semaphore, #tpu.memory_space<semaphore_mem>>)
      %dma_wait3A_604 = arith.constant 0 : i32
      %dma_wait3A_605 = arith.constant 0 : i32
      %dma_wait3A_606 = arith.constant 0 : i32
      %dma_wait3A_607 = tpu.memref_slice %arg6[%dma_wait3A_604, %dma_wait3A_605, %dma_wait3A_606] : memref<4x2x128xi32, #tpu.memory_space<vmem>> -> memref<1x2x128xi32, #tpu.memory_space<vmem>>
      %dma_wait3A_608 = tpu.memref_squeeze %dma_wait3A_607 : memref<1x2x128xi32, #tpu.memory_space<vmem>> -> memref<2x128xi32, #tpu.memory_space<vmem>>
      %dma_wait3A_609 = arith.constant 0 : i32
      %dma_wait3A_610 = tpu.memref_slice %arg3[%dma_wait3A_609, %mul3A_2] : memref<2x320000xi32, #tpu.memory_space<hbm>> -> memref<2x128xi32, #tpu.memory_space<hbm>>
      %dma_wait3A_611 = arith.constant 0 : i32
      %dma_wait3A_612 = arith.constant 0 : i32
      %dma_wait3A_613 = tpu.memref_slice %arg6[%dma_wait3A_604, %dma_wait3A_611, %dma_wait3A_612] : memref<4x2x128xi32, #tpu.memory_space<vmem>> -> memref<1x2x128xi32, #tpu.memory_space<vmem>>
      %dma_wait3A_614 = tpu.memref_squeeze %dma_wait3A_613 : memref<1x2x128xi32, #tpu.memory_space<vmem>> -> memref<2x128xi32, #tpu.memory_space<vmem>>
      %dma_wait3A_615 = arith.constant 0 : i32
      %dma_wait3A_616 = tpu.memref_slice %arg3[%dma_wait3A_615, %mul3A_2] : memref<2x320000xi32, #tpu.memory_space<hbm>> -> memref<2x128xi32, #tpu.memory_space<hbm>>
      tpu.wait_dma2 semaphore(%arg9 : memref<!tpu.dma_semaphore, #tpu.memory_space<semaphore_mem>>) src(%dma_wait3A_616 : memref<2x128xi32, #tpu.memory_space<hbm>>) dst(%dma_wait3A_614 : memref<2x128xi32, #tpu.memory_space<vmem>>)
      %dma_start3A_617 = arith.constant 0 : i32
      %dma_start3A_618 = arith.constant 0 : i32
      %dma_start3A_619 = arith.constant 0 : i32
      %dma_start3A_620 = arith.constant 0 : i32
      %dma_start3A_621 = arith.constant 0 : i32
      %dma_start3A_622 = tpu.memref_slice %arg7[%dma_start3A_619, %dma_start3A_620, %dma_start3A_621] : memref<2x128x128xf32, #tpu.memory_space<vmem>> -> memref<1x128x128xf32, #tpu.memory_space<vmem>>
      %dma_start3A_623 = tpu.memref_squeeze %dma_start3A_622 : memref<1x128x128xf32, #tpu.memory_space<vmem>> -> memref<128x128xf32, #tpu.memory_space<vmem>>
      %dma_start3A_624 = arith.constant 0 : i32
      %dma_start3A_625 = tpu.memref_slice %arg6[%dma_start3A_617, %dma_start3A_618, %dma_start3A_624] : memref<4x2x128xi32, #tpu.memory_space<vmem>> -> memref<1x1x128xi32, #tpu.memory_space<vmem>>
      %dma_start3A_626 = tpu.memref_squeeze %dma_start3A_625 : memref<1x1x128xi32, #tpu.memory_space<vmem>> -> memref<128xi32, #tpu.memory_space<vmem>>
      %dma_start3A_627 = arith.constant 0 : i32
      %dma_start3A_628 = arith.constant 0 : i32
      %dma_start3A_629 = tpu.memref_slice %arg2[%dma_start3A_627, %dma_start3A_628] : memref<10000x128xf32, #tpu.memory_space<hbm>> -> memref<10000x128xf32, #tpu.memory_space<hbm>>
      tpu.enqueue_indirect_dma source(%dma_start3A_629 : memref<10000x128xf32, #tpu.memory_space<hbm>>) target(%dma_start3A_623 : memref<128x128xf32, #tpu.memory_space<vmem>>) offsets(%dma_start3A_626 : memref<128xi32, #tpu.memory_space<vmem>>) semaphore(%arg10 : memref<!tpu.dma_semaphore, #tpu.memory_space<semaphore_mem>>)
      %mul3A_630 = arith.constant 4 : i32
      %mul3A_631 = arith.muli %while3A_362, %mul3A_630 : i32
      %add3A_632 = arith.constant 3 : i32
      %add3A_633 = arith.addi %mul3A_631, %add3A_632 : i32
      %add3A_634 = arith.constant 1 : i32
      %add3A_635 = arith.addi %add3A_633, %add3A_634 : i32
      %dma_wait3A_636 = arith.constant 0 : i32
      %dma_wait3A_637 = arith.constant 0 : i32
      %dma_wait3A_638 = arith.constant 0 : i32
      %dma_wait3A_639 = arith.constant 0 : i32
      %dma_wait3A_640 = arith.constant 0 : i32
      %dma_wait3A_641 = tpu.memref_slice %arg7[%dma_wait3A_638, %dma_wait3A_639, %dma_wait3A_640] : memref<2x128x128xf32, #tpu.memory_space<vmem>> -> memref<1x128x128xf32, #tpu.memory_space<vmem>>
      %dma_wait3A_642 = tpu.memref_squeeze %dma_wait3A_641 : memref<1x128x128xf32, #tpu.memory_space<vmem>> -> memref<128x128xf32, #tpu.memory_space<vmem>>
      %dma_wait3A_643 = arith.constant 0 : i32
      %dma_wait3A_644 = tpu.memref_slice %arg6[%dma_wait3A_636, %dma_wait3A_637, %dma_wait3A_643] : memref<4x2x128xi32, #tpu.memory_space<vmem>> -> memref<1x1x128xi32, #tpu.memory_space<vmem>>
      %dma_wait3A_645 = tpu.memref_squeeze %dma_wait3A_644 : memref<1x1x128xi32, #tpu.memory_space<vmem>> -> memref<128xi32, #tpu.memory_space<vmem>>
      %dma_wait3A_646 = arith.constant 0 : i32
      %dma_wait3A_647 = arith.constant 0 : i32
      %dma_wait3A_648 = tpu.memref_slice %arg2[%dma_wait3A_646, %dma_wait3A_647] : memref<10000x128xf32, #tpu.memory_space<hbm>> -> memref<10000x128xf32, #tpu.memory_space<hbm>>
      tpu.wait_indirect_dma semaphore(%arg10 : memref<!tpu.dma_semaphore, #tpu.memory_space<semaphore_mem>>) src(%dma_wait3A_648 : memref<10000x128xf32, #tpu.memory_space<hbm>>) dst(%dma_wait3A_642 : memref<128x128xf32, #tpu.memory_space<vmem>>)
      %dma_start3A_649 = arith.constant 0 : i32
      %dma_start3A_650 = arith.constant 0 : i32
      %dma_start3A_651 = arith.constant 1 : i32
      %dma_start3A_652 = arith.constant 0 : i32
      %dma_start3A_653 = arith.constant 0 : i32
      %dma_start3A_654 = tpu.memref_slice %arg7[%dma_start3A_649, %dma_start3A_652, %dma_start3A_653] : memref<2x128x128xf32, #tpu.memory_space<vmem>> -> memref<1x128x128xf32, #tpu.memory_space<vmem>>
      %dma_start3A_655 = tpu.memref_squeeze %dma_start3A_654 : memref<1x128x128xf32, #tpu.memory_space<vmem>> -> memref<128x128xf32, #tpu.memory_space<vmem>>
      %dma_start3A_656 = arith.constant 0 : i32
      %dma_start3A_657 = tpu.memref_slice %arg6[%dma_start3A_650, %dma_start3A_651, %dma_start3A_656] : memref<4x2x128xi32, #tpu.memory_space<vmem>> -> memref<1x1x128xi32, #tpu.memory_space<vmem>>
      %dma_start3A_658 = tpu.memref_squeeze %dma_start3A_657 : memref<1x1x128xi32, #tpu.memory_space<vmem>> -> memref<128xi32, #tpu.memory_space<vmem>>
      %dma_start3A_659 = arith.constant 0 : i32
      %dma_start3A_660 = arith.constant 0 : i32
      %dma_start3A_661 = tpu.memref_slice %arg8[%dma_start3A_659, %dma_start3A_660] : memref<10008x128xf32, #tpu.memory_space<vmem_shared>> -> memref<10008x128xf32, #tpu.memory_space<vmem_shared>>
      tpu.enqueue_indirect_dma source(%dma_start3A_655 : memref<128x128xf32, #tpu.memory_space<vmem>>) target(%dma_start3A_661 : memref<10008x128xf32, #tpu.memory_space<vmem_shared>>) offsets(%dma_start3A_658 : memref<128xi32, #tpu.memory_space<vmem>>) semaphore(%arg11 : memref<!tpu.dma_semaphore, #tpu.memory_space<semaphore_mem>>) {add = true}
      %dma_wait3A_662 = arith.constant 1 : i32
      %dma_wait3A_663 = arith.constant 0 : i32
      %dma_wait3A_664 = arith.constant 1 : i32
      %dma_wait3A_665 = arith.constant 0 : i32
      %dma_wait3A_666 = arith.constant 0 : i32
      %dma_wait3A_667 = tpu.memref_slice %arg7[%dma_wait3A_662, %dma_wait3A_665, %dma_wait3A_666] : memref<2x128x128xf32, #tpu.memory_space<vmem>> -> memref<1x128x128xf32, #tpu.memory_space<vmem>>
      %dma_wait3A_668 = tpu.memref_squeeze %dma_wait3A_667 : memref<1x128x128xf32, #tpu.memory_space<vmem>> -> memref<128x128xf32, #tpu.memory_space<vmem>>
      %dma_wait3A_669 = arith.constant 0 : i32
      %dma_wait3A_670 = tpu.memref_slice %arg6[%dma_wait3A_663, %dma_wait3A_664, %dma_wait3A_669] : memref<4x2x128xi32, #tpu.memory_space<vmem>> -> memref<1x1x128xi32, #tpu.memory_space<vmem>>
      %dma_wait3A_671 = tpu.memref_squeeze %dma_wait3A_670 : memref<1x1x128xi32, #tpu.memory_space<vmem>> -> memref<128xi32, #tpu.memory_space<vmem>>
      %dma_wait3A_672 = arith.constant 0 : i32
      %dma_wait3A_673 = arith.constant 0 : i32
      %dma_wait3A_674 = tpu.memref_slice %arg8[%dma_wait3A_672, %dma_wait3A_673] : memref<10008x128xf32, #tpu.memory_space<vmem_shared>> -> memref<10008x128xf32, #tpu.memory_space<vmem_shared>>
      tpu.wait_indirect_dma semaphore(%arg12 : memref<!tpu.dma_semaphore, #tpu.memory_space<semaphore_mem>>) src(%dma_wait3A_668 : memref<128x128xf32, #tpu.memory_space<vmem>>) dst(%dma_wait3A_674 : memref<10008x128xf32, #tpu.memory_space<vmem_shared>>)
      %add3A_675 = arith.constant 3 : i32
      %add3A_676 = arith.addi %add3A_635, %add3A_675 : i32
      %mul3A_677 = arith.constant 128 : i32
      %mul3A_678 = arith.muli %add3A_676, %mul3A_677 : i32
      %add3A_679 = arith.addi %mul3A_2, %mul3A_678 : i32
      %dma_start3A_680 = arith.constant 3 : i32
      %dma_start3A_681 = arith.constant 0 : i32
      %dma_start3A_682 = arith.constant 0 : i32
      %dma_start3A_683 = tpu.memref_slice %arg6[%dma_start3A_680, %dma_start3A_681, %dma_start3A_682] : memref<4x2x128xi32, #tpu.memory_space<vmem>> -> memref<1x2x128xi32, #tpu.memory_space<vmem>>
      %dma_start3A_684 = tpu.memref_squeeze %dma_start3A_683 : memref<1x2x128xi32, #tpu.memory_space<vmem>> -> memref<2x128xi32, #tpu.memory_space<vmem>>
      %dma_start3A_685 = arith.constant 0 : i32
      %dma_start3A_686 = tpu.memref_slice %arg3[%dma_start3A_685, %add3A_679] : memref<2x320000xi32, #tpu.memory_space<hbm>> -> memref<2x128xi32, #tpu.memory_space<hbm>>
      %dma_start3A_687 = arith.constant 0 : i32
      %dma_start3A_688 = arith.constant 0 : i32
      %dma_start3A_689 = tpu.memref_slice %arg6[%dma_start3A_680, %dma_start3A_687, %dma_start3A_688] : memref<4x2x128xi32, #tpu.memory_space<vmem>> -> memref<1x2x128xi32, #tpu.memory_space<vmem>>
      %dma_start3A_690 = tpu.memref_squeeze %dma_start3A_689 : memref<1x2x128xi32, #tpu.memory_space<vmem>> -> memref<2x128xi32, #tpu.memory_space<vmem>>
      %dma_start3A_691 = arith.constant 0 : i32
      %dma_start3A_692 = tpu.memref_slice %arg3[%dma_start3A_691, %add3A_679] : memref<2x320000xi32, #tpu.memory_space<hbm>> -> memref<2x128xi32, #tpu.memory_space<hbm>>
      tpu.enqueue_dma source(%dma_start3A_692 : memref<2x128xi32, #tpu.memory_space<hbm>>) target(%dma_start3A_690 : memref<2x128xi32, #tpu.memory_space<vmem>>) target_semaphore(%arg9 : memref<!tpu.dma_semaphore, #tpu.memory_space<semaphore_mem>>)
      %dma_wait3A_693 = arith.constant 1 : i32
      %dma_wait3A_694 = arith.constant 0 : i32
      %dma_wait3A_695 = arith.constant 0 : i32
      %dma_wait3A_696 = tpu.memref_slice %arg6[%dma_wait3A_693, %dma_wait3A_694, %dma_wait3A_695] : memref<4x2x128xi32, #tpu.memory_space<vmem>> -> memref<1x2x128xi32, #tpu.memory_space<vmem>>
      %dma_wait3A_697 = tpu.memref_squeeze %dma_wait3A_696 : memref<1x2x128xi32, #tpu.memory_space<vmem>> -> memref<2x128xi32, #tpu.memory_space<vmem>>
      %dma_wait3A_698 = arith.constant 0 : i32
      %dma_wait3A_699 = tpu.memref_slice %arg3[%dma_wait3A_698, %mul3A_2] : memref<2x320000xi32, #tpu.memory_space<hbm>> -> memref<2x128xi32, #tpu.memory_space<hbm>>
      %dma_wait3A_700 = arith.constant 0 : i32
      %dma_wait3A_701 = arith.constant 0 : i32
      %dma_wait3A_702 = tpu.memref_slice %arg6[%dma_wait3A_693, %dma_wait3A_700, %dma_wait3A_701] : memref<4x2x128xi32, #tpu.memory_space<vmem>> -> memref<1x2x128xi32, #tpu.memory_space<vmem>>
      %dma_wait3A_703 = tpu.memref_squeeze %dma_wait3A_702 : memref<1x2x128xi32, #tpu.memory_space<vmem>> -> memref<2x128xi32, #tpu.memory_space<vmem>>
      %dma_wait3A_704 = arith.constant 0 : i32
      %dma_wait3A_705 = tpu.memref_slice %arg3[%dma_wait3A_704, %mul3A_2] : memref<2x320000xi32, #tpu.memory_space<hbm>> -> memref<2x128xi32, #tpu.memory_space<hbm>>
      tpu.wait_dma2 semaphore(%arg9 : memref<!tpu.dma_semaphore, #tpu.memory_space<semaphore_mem>>) src(%dma_wait3A_705 : memref<2x128xi32, #tpu.memory_space<hbm>>) dst(%dma_wait3A_703 : memref<2x128xi32, #tpu.memory_space<vmem>>)
      %dma_start3A_706 = arith.constant 1 : i32
      %dma_start3A_707 = arith.constant 0 : i32
      %dma_start3A_708 = arith.constant 1 : i32
      %dma_start3A_709 = arith.constant 0 : i32
      %dma_start3A_710 = arith.constant 0 : i32
      %dma_start3A_711 = tpu.memref_slice %arg7[%dma_start3A_708, %dma_start3A_709, %dma_start3A_710] : memref<2x128x128xf32, #tpu.memory_space<vmem>> -> memref<1x128x128xf32, #tpu.memory_space<vmem>>
      %dma_start3A_712 = tpu.memref_squeeze %dma_start3A_711 : memref<1x128x128xf32, #tpu.memory_space<vmem>> -> memref<128x128xf32, #tpu.memory_space<vmem>>
      %dma_start3A_713 = arith.constant 0 : i32
      %dma_start3A_714 = tpu.memref_slice %arg6[%dma_start3A_706, %dma_start3A_707, %dma_start3A_713] : memref<4x2x128xi32, #tpu.memory_space<vmem>> -> memref<1x1x128xi32, #tpu.memory_space<vmem>>
      %dma_start3A_715 = tpu.memref_squeeze %dma_start3A_714 : memref<1x1x128xi32, #tpu.memory_space<vmem>> -> memref<128xi32, #tpu.memory_space<vmem>>
      %dma_start3A_716 = arith.constant 0 : i32
      %dma_start3A_717 = arith.constant 0 : i32
      %dma_start3A_718 = tpu.memref_slice %arg2[%dma_start3A_716, %dma_start3A_717] : memref<10000x128xf32, #tpu.memory_space<hbm>> -> memref<10000x128xf32, #tpu.memory_space<hbm>>
      tpu.enqueue_indirect_dma source(%dma_start3A_718 : memref<10000x128xf32, #tpu.memory_space<hbm>>) target(%dma_start3A_712 : memref<128x128xf32, #tpu.memory_space<vmem>>) offsets(%dma_start3A_715 : memref<128xi32, #tpu.memory_space<vmem>>) semaphore(%arg10 : memref<!tpu.dma_semaphore, #tpu.memory_space<semaphore_mem>>)
    }
    %while3A_158 = arith.constant 1 : i32
    scf.for %while3A_362 = %while3A_156 to %while3A_152 step %while3A_158  : i32 {
      %mul3A_363 = arith.constant 4 : i32
      %mul3A_364 = arith.muli %while3A_362, %mul3A_363 : i32
      %add3A_365 = arith.constant 0 : i32
      %add3A_366 = arith.addi %mul3A_364, %add3A_365 : i32
      %add3A_367 = arith.constant 1 : i32
      %add3A_368 = arith.addi %add3A_366, %add3A_367 : i32
      %dma_wait3A_369 = arith.constant 1 : i32
      %dma_wait3A_370 = arith.constant 0 : i32
      %dma_wait3A_371 = arith.constant 1 : i32
      %dma_wait3A_372 = arith.constant 0 : i32
      %dma_wait3A_373 = arith.constant 0 : i32
      %dma_wait3A_374 = tpu.memref_slice %arg7[%dma_wait3A_371, %dma_wait3A_372, %dma_wait3A_373] : memref<2x128x128xf32, #tpu.memory_space<vmem>> -> memref<1x128x128xf32, #tpu.memory_space<vmem>>
      %dma_wait3A_375 = tpu.memref_squeeze %dma_wait3A_374 : memref<1x128x128xf32, #tpu.memory_space<vmem>> -> memref<128x128xf32, #tpu.memory_space<vmem>>
      %dma_wait3A_376 = arith.constant 0 : i32
      %dma_wait3A_377 = tpu.memref_slice %arg6[%dma_wait3A_369, %dma_wait3A_370, %dma_wait3A_376] : memref<4x2x128xi32, #tpu.memory_space<vmem>> -> memref<1x1x128xi32, #tpu.memory_space<vmem>>
      %dma_wait3A_378 = tpu.memref_squeeze %dma_wait3A_377 : memref<1x1x128xi32, #tpu.memory_space<vmem>> -> memref<128xi32, #tpu.memory_space<vmem>>
      %dma_wait3A_379 = arith.constant 0 : i32
      %dma_wait3A_380 = arith.constant 0 : i32
      %dma_wait3A_381 = tpu.memref_slice %arg2[%dma_wait3A_379, %dma_wait3A_380] : memref<10000x128xf32, #tpu.memory_space<hbm>> -> memref<10000x128xf32, #tpu.memory_space<hbm>>
      tpu.wait_indirect_dma semaphore(%arg10 : memref<!tpu.dma_semaphore, #tpu.memory_space<semaphore_mem>>) src(%dma_wait3A_381 : memref<10000x128xf32, #tpu.memory_space<hbm>>) dst(%dma_wait3A_375 : memref<128x128xf32, #tpu.memory_space<vmem>>)
      %dma_start3A_382 = arith.constant 1 : i32
      %dma_start3A_383 = arith.constant 1 : i32
      %dma_start3A_384 = arith.constant 1 : i32
      %dma_start3A_385 = arith.constant 0 : i32
      %dma_start3A_386 = arith.constant 0 : i32
      %dma_start3A_387 = tpu.memref_slice %arg7[%dma_start3A_382, %dma_start3A_385, %dma_start3A_386] : memref<2x128x128xf32, #tpu.memory_space<vmem>> -> memref<1x128x128xf32, #tpu.memory_space<vmem>>
      %dma_start3A_388 = tpu.memref_squeeze %dma_start3A_387 : memref<1x128x128xf32, #tpu.memory_space<vmem>> -> memref<128x128xf32, #tpu.memory_space<vmem>>
      %dma_start3A_389 = arith.constant 0 : i32
      %dma_start3A_390 = tpu.memref_slice %arg6[%dma_start3A_383, %dma_start3A_384, %dma_start3A_389] : memref<4x2x128xi32, #tpu.memory_space<vmem>> -> memref<1x1x128xi32, #tpu.memory_space<vmem>>
      %dma_start3A_391 = tpu.memref_squeeze %dma_start3A_390 : memref<1x1x128xi32, #tpu.memory_space<vmem>> -> memref<128xi32, #tpu.memory_space<vmem>>
      %dma_start3A_392 = arith.constant 0 : i32
      %dma_start3A_393 = arith.constant 0 : i32
      %dma_start3A_394 = tpu.memref_slice %arg8[%dma_start3A_392, %dma_start3A_393] : memref<10008x128xf32, #tpu.memory_space<vmem_shared>> -> memref<10008x128xf32, #tpu.memory_space<vmem_shared>>
      tpu.enqueue_indirect_dma source(%dma_start3A_388 : memref<128x128xf32, #tpu.memory_space<vmem>>) target(%dma_start3A_394 : memref<10008x128xf32, #tpu.memory_space<vmem_shared>>) offsets(%dma_start3A_391 : memref<128xi32, #tpu.memory_space<vmem>>) semaphore(%arg12 : memref<!tpu.dma_semaphore, #tpu.memory_space<semaphore_mem>>) {add = true}
      %dma_wait3A_395 = arith.constant 0 : i32
      %dma_wait3A_396 = arith.constant 0 : i32
      %dma_wait3A_397 = arith.constant 1 : i32
      %dma_wait3A_398 = arith.constant 0 : i32
      %dma_wait3A_399 = arith.constant 0 : i32
      %dma_wait3A_400 = tpu.memref_slice %arg7[%dma_wait3A_395, %dma_wait3A_398, %dma_wait3A_399] : memref<2x128x128xf32, #tpu.memory_space<vmem>> -> memref<1x128x128xf32, #tpu.memory_space<vmem>>
      %dma_wait3A_401 = tpu.memref_squeeze %dma_wait3A_400 : memref<1x128x128xf32, #tpu.memory_space<vmem>> -> memref<128x128xf32, #tpu.memory_space<vmem>>
      %dma_wait3A_402 = arith.constant 0 : i32
      %dma_wait3A_403 = tpu.memref_slice %arg6[%dma_wait3A_396, %dma_wait3A_397, %dma_wait3A_402] : memref<4x2x128xi32, #tpu.memory_space<vmem>> -> memref<1x1x128xi32, #tpu.memory_space<vmem>>
      %dma_wait3A_404 = tpu.memref_squeeze %dma_wait3A_403 : memref<1x1x128xi32, #tpu.memory_space<vmem>> -> memref<128xi32, #tpu.memory_space<vmem>>
      %dma_wait3A_405 = arith.constant 0 : i32
      %dma_wait3A_406 = arith.constant 0 : i32
      %dma_wait3A_407 = tpu.memref_slice %arg8[%dma_wait3A_405, %dma_wait3A_406] : memref<10008x128xf32, #tpu.memory_space<vmem_shared>> -> memref<10008x128xf32, #tpu.memory_space<vmem_shared>>
      tpu.wait_indirect_dma semaphore(%arg11 : memref<!tpu.dma_semaphore, #tpu.memory_space<semaphore_mem>>) src(%dma_wait3A_401 : memref<128x128xf32, #tpu.memory_space<vmem>>) dst(%dma_wait3A_407 : memref<10008x128xf32, #tpu.memory_space<vmem_shared>>)
      %add3A_408 = arith.constant 3 : i32
      %add3A_409 = arith.addi %add3A_368, %add3A_408 : i32
      %mul3A_410 = arith.constant 128 : i32
      %mul3A_411 = arith.muli %add3A_409, %mul3A_410 : i32
      %add3A_412 = arith.addi %mul3A_2, %mul3A_411 : i32
      %dma_start3A_413 = arith.constant 0 : i32
      %dma_start3A_414 = arith.constant 0 : i32
      %dma_start3A_415 = arith.constant 0 : i32
      %dma_start3A_416 = tpu.memref_slice %arg6[%dma_start3A_413, %dma_start3A_414, %dma_start3A_415] : memref<4x2x128xi32, #tpu.memory_space<vmem>> -> memref<1x2x128xi32, #tpu.memory_space<vmem>>
      %dma_start3A_417 = tpu.memref_squeeze %dma_start3A_416 : memref<1x2x128xi32, #tpu.memory_space<vmem>> -> memref<2x128xi32, #tpu.memory_space<vmem>>
      %dma_start3A_418 = arith.constant 0 : i32
      %dma_start3A_419 = tpu.memref_slice %arg3[%dma_start3A_418, %add3A_412] : memref<2x320000xi32, #tpu.memory_space<hbm>> -> memref<2x128xi32, #tpu.memory_space<hbm>>
      %dma_start3A_420 = arith.constant 0 : i32
      %dma_start3A_421 = arith.constant 0 : i32
      %dma_start3A_422 = tpu.memref_slice %arg6[%dma_start3A_413, %dma_start3A_420, %dma_start3A_421] : memref<4x2x128xi32, #tpu.memory_space<vmem>> -> memref<1x2x128xi32, #tpu.memory_space<vmem>>
      %dma_start3A_423 = tpu.memref_squeeze %dma_start3A_422 : memref<1x2x128xi32, #tpu.memory_space<vmem>> -> memref<2x128xi32, #tpu.memory_space<vmem>>
      %dma_start3A_424 = arith.constant 0 : i32
      %dma_start3A_425 = tpu.memref_slice %arg3[%dma_start3A_424, %add3A_412] : memref<2x320000xi32, #tpu.memory_space<hbm>> -> memref<2x128xi32, #tpu.memory_space<hbm>>
      tpu.enqueue_dma source(%dma_start3A_425 : memref<2x128xi32, #tpu.memory_space<hbm>>) target(%dma_start3A_423 : memref<2x128xi32, #tpu.memory_space<vmem>>) target_semaphore(%arg9 : memref<!tpu.dma_semaphore, #tpu.memory_space<semaphore_mem>>)
      %dma_wait3A_426 = arith.constant 2 : i32
      %dma_wait3A_427 = arith.constant 0 : i32
      %dma_wait3A_428 = arith.constant 0 : i32
      %dma_wait3A_429 = tpu.memref_slice %arg6[%dma_wait3A_426, %dma_wait3A_427, %dma_wait3A_428] : memref<4x2x128xi32, #tpu.memory_space<vmem>> -> memref<1x2x128xi32, #tpu.memory_space<vmem>>
      %dma_wait3A_430 = tpu.memref_squeeze %dma_wait3A_429 : memref<1x2x128xi32, #tpu.memory_space<vmem>> -> memref<2x128xi32, #tpu.memory_space<vmem>>
      %dma_wait3A_431 = arith.constant 0 : i32
      %dma_wait3A_432 = tpu.memref_slice %arg3[%dma_wait3A_431, %mul3A_2] : memref<2x320000xi32, #tpu.memory_space<hbm>> -> memref<2x128xi32, #tpu.memory_space<hbm>>
      %dma_wait3A_433 = arith.constant 0 : i32
      %dma_wait3A_434 = arith.constant 0 : i32
      %dma_wait3A_435 = tpu.memref_slice %arg6[%dma_wait3A_426, %dma_wait3A_433, %dma_wait3A_434] : memref<4x2x128xi32, #tpu.memory_space<vmem>> -> memref<1x2x128xi32, #tpu.memory_space<vmem>>
      %dma_wait3A_436 = tpu.memref_squeeze %dma_wait3A_435 : memref<1x2x128xi32, #tpu.memory_space<vmem>> -> memref<2x128xi32, #tpu.memory_space<vmem>>
      %dma_wait3A_437 = arith.constant 0 : i32
      %dma_wait3A_438 = tpu.memref_slice %arg3[%dma_wait3A_437, %mul3A_2] : memref<2x320000xi32, #tpu.memory_space<hbm>> -> memref<2x128xi32, #tpu.memory_space<hbm>>
      tpu.wait_dma2 semaphore(%arg9 : memref<!tpu.dma_semaphore, #tpu.memory_space<semaphore_mem>>) src(%dma_wait3A_438 : memref<2x128xi32, #tpu.memory_space<hbm>>) dst(%dma_wait3A_436 : memref<2x128xi32, #tpu.memory_space<vmem>>)
      %dma_start3A_439 = arith.constant 2 : i32
      %dma_start3A_440 = arith.constant 0 : i32
      %dma_start3A_441 = arith.constant 0 : i32
      %dma_start3A_442 = arith.constant 0 : i32
      %dma_start3A_443 = arith.constant 0 : i32
      %dma_start3A_444 = tpu.memref_slice %arg7[%dma_start3A_441, %dma_start3A_442, %dma_start3A_443] : memref<2x128x128xf32, #tpu.memory_space<vmem>> -> memref<1x128x128xf32, #tpu.memory_space<vmem>>
      %dma_start3A_445 = tpu.memref_squeeze %dma_start3A_444 : memref<1x128x128xf32, #tpu.memory_space<vmem>> -> memref<128x128xf32, #tpu.memory_space<vmem>>
      %dma_start3A_446 = arith.constant 0 : i32
      %dma_start3A_447 = tpu.memref_slice %arg6[%dma_start3A_439, %dma_start3A_440, %dma_start3A_446] : memref<4x2x128xi32, #tpu.memory_space<vmem>> -> memref<1x1x128xi32, #tpu.memory_space<vmem>>
      %dma_start3A_448 = tpu.memref_squeeze %dma_start3A_447 : memref<1x1x128xi32, #tpu.memory_space<vmem>> -> memref<128xi32, #tpu.memory_space<vmem>>
      %dma_start3A_449 = arith.constant 0 : i32
      %dma_start3A_450 = arith.constant 0 : i32
      %dma_start3A_451 = tpu.memref_slice %arg2[%dma_start3A_449, %dma_start3A_450] : memref<10000x128xf32, #tpu.memory_space<hbm>> -> memref<10000x128xf32, #tpu.memory_space<hbm>>
      tpu.enqueue_indirect_dma source(%dma_start3A_451 : memref<10000x128xf32, #tpu.memory_space<hbm>>) target(%dma_start3A_445 : memref<128x128xf32, #tpu.memory_space<vmem>>) offsets(%dma_start3A_448 : memref<128xi32, #tpu.memory_space<vmem>>) semaphore(%arg10 : memref<!tpu.dma_semaphore, #tpu.memory_space<semaphore_mem>>)
      %mul3A_452 = arith.constant 4 : i32
      %mul3A_453 = arith.muli %while3A_362, %mul3A_452 : i32
      %add3A_454 = arith.constant 1 : i32
      %add3A_455 = arith.addi %mul3A_453, %add3A_454 : i32
      %add3A_456 = arith.constant 1 : i32
      %add3A_457 = arith.addi %add3A_455, %add3A_456 : i32
      %dma_wait3A_458 = arith.constant 2 : i32
      %dma_wait3A_459 = arith.constant 0 : i32
      %dma_wait3A_460 = arith.constant 0 : i32
      %dma_wait3A_461 = arith.constant 0 : i32
      %dma_wait3A_462 = arith.constant 0 : i32
      %dma_wait3A_463 = tpu.memref_slice %arg7[%dma_wait3A_460, %dma_wait3A_461, %dma_wait3A_462] : memref<2x128x128xf32, #tpu.memory_space<vmem>> -> memref<1x128x128xf32, #tpu.memory_space<vmem>>
      %dma_wait3A_464 = tpu.memref_squeeze %dma_wait3A_463 : memref<1x128x128xf32, #tpu.memory_space<vmem>> -> memref<128x128xf32, #tpu.memory_space<vmem>>
      %dma_wait3A_465 = arith.constant 0 : i32
      %dma_wait3A_466 = tpu.memref_slice %arg6[%dma_wait3A_458, %dma_wait3A_459, %dma_wait3A_465] : memref<4x2x128xi32, #tpu.memory_space<vmem>> -> memref<1x1x128xi32, #tpu.memory_space<vmem>>
      %dma_wait3A_467 = tpu.memref_squeeze %dma_wait3A_466 : memref<1x1x128xi32, #tpu.memory_space<vmem>> -> memref<128xi32, #tpu.memory_space<vmem>>
      %dma_wait3A_468 = arith.constant 0 : i32
      %dma_wait3A_469 = arith.constant 0 : i32
      %dma_wait3A_470 = tpu.memref_slice %arg2[%dma_wait3A_468, %dma_wait3A_469] : memref<10000x128xf32, #tpu.memory_space<hbm>> -> memref<10000x128xf32, #tpu.memory_space<hbm>>
      tpu.wait_indirect_dma semaphore(%arg10 : memref<!tpu.dma_semaphore, #tpu.memory_space<semaphore_mem>>) src(%dma_wait3A_470 : memref<10000x128xf32, #tpu.memory_space<hbm>>) dst(%dma_wait3A_464 : memref<128x128xf32, #tpu.memory_space<vmem>>)
      %dma_start3A_471 = arith.constant 0 : i32
      %dma_start3A_472 = arith.constant 2 : i32
      %dma_start3A_473 = arith.constant 1 : i32
      %dma_start3A_474 = arith.constant 0 : i32
      %dma_start3A_475 = arith.constant 0 : i32
      %dma_start3A_476 = tpu.memref_slice %arg7[%dma_start3A_471, %dma_start3A_474, %dma_start3A_475] : memref<2x128x128xf32, #tpu.memory_space<vmem>> -> memref<1x128x128xf32, #tpu.memory_space<vmem>>
      %dma_start3A_477 = tpu.memref_squeeze %dma_start3A_476 : memref<1x128x128xf32, #tpu.memory_space<vmem>> -> memref<128x128xf32, #tpu.memory_space<vmem>>
      %dma_start3A_478 = arith.constant 0 : i32
      %dma_start3A_479 = tpu.memref_slice %arg6[%dma_start3A_472, %dma_start3A_473, %dma_start3A_478] : memref<4x2x128xi32, #tpu.memory_space<vmem>> -> memref<1x1x128xi32, #tpu.memory_space<vmem>>
      %dma_start3A_480 = tpu.memref_squeeze %dma_start3A_479 : memref<1x1x128xi32, #tpu.memory_space<vmem>> -> memref<128xi32, #tpu.memory_space<vmem>>
      %dma_start3A_481 = arith.constant 0 : i32
      %dma_start3A_482 = arith.constant 0 : i32
      %dma_start3A_483 = tpu.memref_slice %arg8[%dma_start3A_481, %dma_start3A_482] : memref<10008x128xf32, #tpu.memory_space<vmem_shared>> -> memref<10008x128xf32, #tpu.memory_space<vmem_shared>>
      tpu.enqueue_indirect_dma source(%dma_start3A_477 : memref<128x128xf32, #tpu.memory_space<vmem>>) target(%dma_start3A_483 : memref<10008x128xf32, #tpu.memory_space<vmem_shared>>) offsets(%dma_start3A_480 : memref<128xi32, #tpu.memory_space<vmem>>) semaphore(%arg11 : memref<!tpu.dma_semaphore, #tpu.memory_space<semaphore_mem>>) {add = true}
      %dma_wait3A_484 = arith.constant 1 : i32
      %dma_wait3A_485 = arith.constant 0 : i32
      %dma_wait3A_486 = arith.constant 1 : i32
      %dma_wait3A_487 = arith.constant 0 : i32
      %dma_wait3A_488 = arith.constant 0 : i32
      %dma_wait3A_489 = tpu.memref_slice %arg7[%dma_wait3A_484, %dma_wait3A_487, %dma_wait3A_488] : memref<2x128x128xf32, #tpu.memory_space<vmem>> -> memref<1x128x128xf32, #tpu.memory_space<vmem>>
      %dma_wait3A_490 = tpu.memref_squeeze %dma_wait3A_489 : memref<1x128x128xf32, #tpu.memory_space<vmem>> -> memref<128x128xf32, #tpu.memory_space<vmem>>
      %dma_wait3A_491 = arith.constant 0 : i32
      %dma_wait3A_492 = tpu.memref_slice %arg6[%dma_wait3A_485, %dma_wait3A_486, %dma_wait3A_491] : memref<4x2x128xi32, #tpu.memory_space<vmem>> -> memref<1x1x128xi32, #tpu.memory_space<vmem>>
      %dma_wait3A_493 = tpu.memref_squeeze %dma_wait3A_492 : memref<1x1x128xi32, #tpu.memory_space<vmem>> -> memref<128xi32, #tpu.memory_space<vmem>>
      %dma_wait3A_494 = arith.constant 0 : i32
      %dma_wait3A_495 = arith.constant 0 : i32
      %dma_wait3A_496 = tpu.memref_slice %arg8[%dma_wait3A_494, %dma_wait3A_495] : memref<10008x128xf32, #tpu.memory_space<vmem_shared>> -> memref<10008x128xf32, #tpu.memory_space<vmem_shared>>
      tpu.wait_indirect_dma semaphore(%arg12 : memref<!tpu.dma_semaphore, #tpu.memory_space<semaphore_mem>>) src(%dma_wait3A_490 : memref<128x128xf32, #tpu.memory_space<vmem>>) dst(%dma_wait3A_496 : memref<10008x128xf32, #tpu.memory_space<vmem_shared>>)
      %add3A_497 = arith.constant 3 : i32
      %add3A_498 = arith.addi %add3A_457, %add3A_497 : i32
      %mul3A_499 = arith.constant 128 : i32
      %mul3A_500 = arith.muli %add3A_498, %mul3A_499 : i32
      %add3A_501 = arith.addi %mul3A_2, %mul3A_500 : i32
      %dma_start3A_502 = arith.constant 1 : i32
      %dma_start3A_503 = arith.constant 0 : i32
      %dma_start3A_504 = arith.constant 0 : i32
      %dma_start3A_505 = tpu.memref_slice %arg6[%dma_start3A_502, %dma_start3A_503, %dma_start3A_504] : memref<4x2x128xi32, #tpu.memory_space<vmem>> -> memref<1x2x128xi32, #tpu.memory_space<vmem>>
      %dma_start3A_506 = tpu.memref_squeeze %dma_start3A_505 : memref<1x2x128xi32, #tpu.memory_space<vmem>> -> memref<2x128xi32, #tpu.memory_space<vmem>>
      %dma_start3A_507 = arith.constant 0 : i32
      %dma_start3A_508 = tpu.memref_slice %arg3[%dma_start3A_507, %add3A_501] : memref<2x320000xi32, #tpu.memory_space<hbm>> -> memref<2x128xi32, #tpu.memory_space<hbm>>
      %dma_start3A_509 = arith.constant 0 : i32
      %dma_start3A_510 = arith.constant 0 : i32
      %dma_start3A_511 = tpu.memref_slice %arg6[%dma_start3A_502, %dma_start3A_509, %dma_start3A_510] : memref<4x2x128xi32, #tpu.memory_space<vmem>> -> memref<1x2x128xi32, #tpu.memory_space<vmem>>
      %dma_start3A_512 = tpu.memref_squeeze %dma_start3A_511 : memref<1x2x128xi32, #tpu.memory_space<vmem>> -> memref<2x128xi32, #tpu.memory_space<vmem>>
      %dma_start3A_513 = arith.constant 0 : i32
      %dma_start3A_514 = tpu.memref_slice %arg3[%dma_start3A_513, %add3A_501] : memref<2x320000xi32, #tpu.memory_space<hbm>> -> memref<2x128xi32, #tpu.memory_space<hbm>>
      tpu.enqueue_dma source(%dma_start3A_514 : memref<2x128xi32, #tpu.memory_space<hbm>>) target(%dma_start3A_512 : memref<2x128xi32, #tpu.memory_space<vmem>>) target_semaphore(%arg9 : memref<!tpu.dma_semaphore, #tpu.memory_space<semaphore_mem>>)
      %dma_wait3A_515 = arith.constant 3 : i32
      %dma_wait3A_516 = arith.constant 0 : i32
      %dma_wait3A_517 = arith.constant 0 : i32
      %dma_wait3A_518 = tpu.memref_slice %arg6[%dma_wait3A_515, %dma_wait3A_516, %dma_wait3A_517] : memref<4x2x128xi32, #tpu.memory_space<vmem>> -> memref<1x2x128xi32, #tpu.memory_space<vmem>>
      %dma_wait3A_519 = tpu.memref_squeeze %dma_wait3A_518 : memref<1x2x128xi32, #tpu.memory_space<vmem>> -> memref<2x128xi32, #tpu.memory_space<vmem>>
      %dma_wait3A_520 = arith.constant 0 : i32
      %dma_wait3A_521 = tpu.memref_slice %arg3[%dma_wait3A_520, %mul3A_2] : memref<2x320000xi32, #tpu.memory_space<hbm>> -> memref<2x128xi32, #tpu.memory_space<hbm>>
      %dma_wait3A_522 = arith.constant 0 : i32
      %dma_wait3A_523 = arith.constant 0 : i32
      %dma_wait3A_524 = tpu.memref_slice %arg6[%dma_wait3A_515, %dma_wait3A_522, %dma_wait3A_523] : memref<4x2x128xi32, #tpu.memory_space<vmem>> -> memref<1x2x128xi32, #tpu.memory_space<vmem>>
      %dma_wait3A_525 = tpu.memref_squeeze %dma_wait3A_524 : memref<1x2x128xi32, #tpu.memory_space<vmem>> -> memref<2x128xi32, #tpu.memory_space<vmem>>
      %dma_wait3A_526 = arith.constant 0 : i32
      %dma_wait3A_527 = tpu.memref_slice %arg3[%dma_wait3A_526, %mul3A_2] : memref<2x320000xi32, #tpu.memory_space<hbm>> -> memref<2x128xi32, #tpu.memory_space<hbm>>
      tpu.wait_dma2 semaphore(%arg9 : memref<!tpu.dma_semaphore, #tpu.memory_space<semaphore_mem>>) src(%dma_wait3A_527 : memref<2x128xi32, #tpu.memory_space<hbm>>) dst(%dma_wait3A_525 : memref<2x128xi32, #tpu.memory_space<vmem>>)
      %dma_start3A_528 = arith.constant 3 : i32
      %dma_start3A_529 = arith.constant 0 : i32
      %dma_start3A_530 = arith.constant 1 : i32
      %dma_start3A_531 = arith.constant 0 : i32
      %dma_start3A_532 = arith.constant 0 : i32
      %dma_start3A_533 = tpu.memref_slice %arg7[%dma_start3A_530, %dma_start3A_531, %dma_start3A_532] : memref<2x128x128xf32, #tpu.memory_space<vmem>> -> memref<1x128x128xf32, #tpu.memory_space<vmem>>
      %dma_start3A_534 = tpu.memref_squeeze %dma_start3A_533 : memref<1x128x128xf32, #tpu.memory_space<vmem>> -> memref<128x128xf32, #tpu.memory_space<vmem>>
      %dma_start3A_535 = arith.constant 0 : i32
      %dma_start3A_536 = tpu.memref_slice %arg6[%dma_start3A_528, %dma_start3A_529, %dma_start3A_535] : memref<4x2x128xi32, #tpu.memory_space<vmem>> -> memref<1x1x128xi32, #tpu.memory_space<vmem>>
      %dma_start3A_537 = tpu.memref_squeeze %dma_start3A_536 : memref<1x1x128xi32, #tpu.memory_space<vmem>> -> memref<128xi32, #tpu.memory_space<vmem>>
      %dma_start3A_538 = arith.constant 0 : i32
      %dma_start3A_539 = arith.constant 0 : i32
      %dma_start3A_540 = tpu.memref_slice %arg2[%dma_start3A_538, %dma_start3A_539] : memref<10000x128xf32, #tpu.memory_space<hbm>> -> memref<10000x128xf32, #tpu.memory_space<hbm>>
      tpu.enqueue_indirect_dma source(%dma_start3A_540 : memref<10000x128xf32, #tpu.memory_space<hbm>>) target(%dma_start3A_534 : memref<128x128xf32, #tpu.memory_space<vmem>>) offsets(%dma_start3A_537 : memref<128xi32, #tpu.memory_space<vmem>>) semaphore(%arg10 : memref<!tpu.dma_semaphore, #tpu.memory_space<semaphore_mem>>)
      %mul3A_541 = arith.constant 4 : i32
      %mul3A_542 = arith.muli %while3A_362, %mul3A_541 : i32
      %add3A_543 = arith.constant 2 : i32
      %add3A_544 = arith.addi %mul3A_542, %add3A_543 : i32
      %add3A_545 = arith.constant 1 : i32
      %add3A_546 = arith.addi %add3A_544, %add3A_545 : i32
      %dma_wait3A_547 = arith.constant 3 : i32
      %dma_wait3A_548 = arith.constant 0 : i32
      %dma_wait3A_549 = arith.constant 1 : i32
      %dma_wait3A_550 = arith.constant 0 : i32
      %dma_wait3A_551 = arith.constant 0 : i32
      %dma_wait3A_552 = tpu.memref_slice %arg7[%dma_wait3A_549, %dma_wait3A_550, %dma_wait3A_551] : memref<2x128x128xf32, #tpu.memory_space<vmem>> -> memref<1x128x128xf32, #tpu.memory_space<vmem>>
      %dma_wait3A_553 = tpu.memref_squeeze %dma_wait3A_552 : memref<1x128x128xf32, #tpu.memory_space<vmem>> -> memref<128x128xf32, #tpu.memory_space<vmem>>
      %dma_wait3A_554 = arith.constant 0 : i32
      %dma_wait3A_555 = tpu.memref_slice %arg6[%dma_wait3A_547, %dma_wait3A_548, %dma_wait3A_554] : memref<4x2x128xi32, #tpu.memory_space<vmem>> -> memref<1x1x128xi32, #tpu.memory_space<vmem>>
      %dma_wait3A_556 = tpu.memref_squeeze %dma_wait3A_555 : memref<1x1x128xi32, #tpu.memory_space<vmem>> -> memref<128xi32, #tpu.memory_space<vmem>>
      %dma_wait3A_557 = arith.constant 0 : i32
      %dma_wait3A_558 = arith.constant 0 : i32
      %dma_wait3A_559 = tpu.memref_slice %arg2[%dma_wait3A_557, %dma_wait3A_558] : memref<10000x128xf32, #tpu.memory_space<hbm>> -> memref<10000x128xf32, #tpu.memory_space<hbm>>
      tpu.wait_indirect_dma semaphore(%arg10 : memref<!tpu.dma_semaphore, #tpu.memory_space<semaphore_mem>>) src(%dma_wait3A_559 : memref<10000x128xf32, #tpu.memory_space<hbm>>) dst(%dma_wait3A_553 : memref<128x128xf32, #tpu.memory_space<vmem>>)
      %dma_start3A_560 = arith.constant 1 : i32
      %dma_start3A_561 = arith.constant 3 : i32
      %dma_start3A_562 = arith.constant 1 : i32
      %dma_start3A_563 = arith.constant 0 : i32
      %dma_start3A_564 = arith.constant 0 : i32
      %dma_start3A_565 = tpu.memref_slice %arg7[%dma_start3A_560, %dma_start3A_563, %dma_start3A_564] : memref<2x128x128xf32, #tpu.memory_space<vmem>> -> memref<1x128x128xf32, #tpu.memory_space<vmem>>
      %dma_start3A_566 = tpu.memref_squeeze %dma_start3A_565 : memref<1x128x128xf32, #tpu.memory_space<vmem>> -> memref<128x128xf32, #tpu.memory_space<vmem>>
      %dma_start3A_567 = arith.constant 0 : i32
      %dma_start3A_568 = tpu.memref_slice %arg6[%dma_start3A_561, %dma_start3A_562, %dma_start3A_567] : memref<4x2x128xi32, #tpu.memory_space<vmem>> -> memref<1x1x128xi32, #tpu.memory_space<vmem>>
      %dma_start3A_569 = tpu.memref_squeeze %dma_start3A_568 : memref<1x1x128xi32, #tpu.memory_space<vmem>> -> memref<128xi32, #tpu.memory_space<vmem>>
      %dma_start3A_570 = arith.constant 0 : i32
      %dma_start3A_571 = arith.constant 0 : i32
      %dma_start3A_572 = tpu.memref_slice %arg8[%dma_start3A_570, %dma_start3A_571] : memref<10008x128xf32, #tpu.memory_space<vmem_shared>> -> memref<10008x128xf32, #tpu.memory_space<vmem_shared>>
      tpu.enqueue_indirect_dma source(%dma_start3A_566 : memref<128x128xf32, #tpu.memory_space<vmem>>) target(%dma_start3A_572 : memref<10008x128xf32, #tpu.memory_space<vmem_shared>>) offsets(%dma_start3A_569 : memref<128xi32, #tpu.memory_space<vmem>>) semaphore(%arg12 : memref<!tpu.dma_semaphore, #tpu.memory_space<semaphore_mem>>) {add = true}
      %dma_wait3A_573 = arith.constant 0 : i32
      %dma_wait3A_574 = arith.constant 0 : i32
      %dma_wait3A_575 = arith.constant 1 : i32
      %dma_wait3A_576 = arith.constant 0 : i32
      %dma_wait3A_577 = arith.constant 0 : i32
      %dma_wait3A_578 = tpu.memref_slice %arg7[%dma_wait3A_573, %dma_wait3A_576, %dma_wait3A_577] : memref<2x128x128xf32, #tpu.memory_space<vmem>> -> memref<1x128x128xf32, #tpu.memory_space<vmem>>
      %dma_wait3A_579 = tpu.memref_squeeze %dma_wait3A_578 : memref<1x128x128xf32, #tpu.memory_space<vmem>> -> memref<128x128xf32, #tpu.memory_space<vmem>>
      %dma_wait3A_580 = arith.constant 0 : i32
      %dma_wait3A_581 = tpu.memref_slice %arg6[%dma_wait3A_574, %dma_wait3A_575, %dma_wait3A_580] : memref<4x2x128xi32, #tpu.memory_space<vmem>> -> memref<1x1x128xi32, #tpu.memory_space<vmem>>
      %dma_wait3A_582 = tpu.memref_squeeze %dma_wait3A_581 : memref<1x1x128xi32, #tpu.memory_space<vmem>> -> memref<128xi32, #tpu.memory_space<vmem>>
      %dma_wait3A_583 = arith.constant 0 : i32
      %dma_wait3A_584 = arith.constant 0 : i32
      %dma_wait3A_585 = tpu.memref_slice %arg8[%dma_wait3A_583, %dma_wait3A_584] : memref<10008x128xf32, #tpu.memory_space<vmem_shared>> -> memref<10008x128xf32, #tpu.memory_space<vmem_shared>>
      tpu.wait_indirect_dma semaphore(%arg11 : memref<!tpu.dma_semaphore, #tpu.memory_space<semaphore_mem>>) src(%dma_wait3A_579 : memref<128x128xf32, #tpu.memory_space<vmem>>) dst(%dma_wait3A_585 : memref<10008x128xf32, #tpu.memory_space<vmem_shared>>)
      %add3A_586 = arith.constant 3 : i32
      %add3A_587 = arith.addi %add3A_546, %add3A_586 : i32
      %mul3A_588 = arith.constant 128 : i32
      %mul3A_589 = arith.muli %add3A_587, %mul3A_588 : i32
      %add3A_590 = arith.addi %mul3A_2, %mul3A_589 : i32
      %dma_start3A_591 = arith.constant 2 : i32
      %dma_start3A_592 = arith.constant 0 : i32
      %dma_start3A_593 = arith.constant 0 : i32
      %dma_start3A_594 = tpu.memref_slice %arg6[%dma_start3A_591, %dma_start3A_592, %dma_start3A_593] : memref<4x2x128xi32, #tpu.memory_space<vmem>> -> memref<1x2x128xi32, #tpu.memory_space<vmem>>
      %dma_start3A_595 = tpu.memref_squeeze %dma_start3A_594 : memref<1x2x128xi32, #tpu.memory_space<vmem>> -> memref<2x128xi32, #tpu.memory_space<vmem>>
      %dma_start3A_596 = arith.constant 0 : i32
      %dma_start3A_597 = tpu.memref_slice %arg3[%dma_start3A_596, %add3A_590] : memref<2x320000xi32, #tpu.memory_space<hbm>> -> memref<2x128xi32, #tpu.memory_space<hbm>>
      %dma_start3A_598 = arith.constant 0 : i32
      %dma_start3A_599 = arith.constant 0 : i32
      %dma_start3A_600 = tpu.memref_slice %arg6[%dma_start3A_591, %dma_start3A_598, %dma_start3A_599] : memref<4x2x128xi32, #tpu.memory_space<vmem>> -> memref<1x2x128xi32, #tpu.memory_space<vmem>>
      %dma_start3A_601 = tpu.memref_squeeze %dma_start3A_600 : memref<1x2x128xi32, #tpu.memory_space<vmem>> -> memref<2x128xi32, #tpu.memory_space<vmem>>
      %dma_start3A_602 = arith.constant 0 : i32
      %dma_start3A_603 = tpu.memref_slice %arg3[%dma_start3A_602, %add3A_590] : memref<2x320000xi32, #tpu.memory_space<hbm>> -> memref<2x128xi32, #tpu.memory_space<hbm>>
      tpu.enqueue_dma source(%dma_start3A_603 : memref<2x128xi32, #tpu.memory_space<hbm>>) target(%dma_start3A_601 : memref<2x128xi32, #tpu.memory_space<vmem>>) target_semaphore(%arg9 : memref<!tpu.dma_semaphore, #tpu.memory_space<semaphore_mem>>)
      %dma_wait3A_604 = arith.constant 0 : i32
      %dma_wait3A_605 = arith.constant 0 : i32
      %dma_wait3A_606 = arith.constant 0 : i32
      %dma_wait3A_607 = tpu.memref_slice %arg6[%dma_wait3A_604, %dma_wait3A_605, %dma_wait3A_606] : memref<4x2x128xi32, #tpu.memory_space<vmem>> -> memref<1x2x128xi32, #tpu.memory_space<vmem>>
      %dma_wait3A_608 = tpu.memref_squeeze %dma_wait3A_607 : memref<1x2x128xi32, #tpu.memory_space<vmem>> -> memref<2x128xi32, #tpu.memory_space<vmem>>
      %dma_wait3A_609 = arith.constant 0 : i32
      %dma_wait3A_610 = tpu.memref_slice %arg3[%dma_wait3A_609, %mul3A_2] : memref<2x320000xi32, #tpu.memory_space<hbm>> -> memref<2x128xi32, #tpu.memory_space<hbm>>
      %dma_wait3A_611 = arith.constant 0 : i32
      %dma_wait3A_612 = arith.constant 0 : i32
      %dma_wait3A_613 = tpu.memref_slice %arg6[%dma_wait3A_604, %dma_wait3A_611, %dma_wait3A_612] : memref<4x2x128xi32, #tpu.memory_space<vmem>> -> memref<1x2x128xi32, #tpu.memory_space<vmem>>
      %dma_wait3A_614 = tpu.memref_squeeze %dma_wait3A_613 : memref<1x2x128xi32, #tpu.memory_space<vmem>> -> memref<2x128xi32, #tpu.memory_space<vmem>>
      %dma_wait3A_615 = arith.constant 0 : i32
      %dma_wait3A_616 = tpu.memref_slice %arg3[%dma_wait3A_615, %mul3A_2] : memref<2x320000xi32, #tpu.memory_space<hbm>> -> memref<2x128xi32, #tpu.memory_space<hbm>>
      tpu.wait_dma2 semaphore(%arg9 : memref<!tpu.dma_semaphore, #tpu.memory_space<semaphore_mem>>) src(%dma_wait3A_616 : memref<2x128xi32, #tpu.memory_space<hbm>>) dst(%dma_wait3A_614 : memref<2x128xi32, #tpu.memory_space<vmem>>)
      %dma_start3A_617 = arith.constant 0 : i32
      %dma_start3A_618 = arith.constant 0 : i32
      %dma_start3A_619 = arith.constant 0 : i32
      %dma_start3A_620 = arith.constant 0 : i32
      %dma_start3A_621 = arith.constant 0 : i32
      %dma_start3A_622 = tpu.memref_slice %arg7[%dma_start3A_619, %dma_start3A_620, %dma_start3A_621] : memref<2x128x128xf32, #tpu.memory_space<vmem>> -> memref<1x128x128xf32, #tpu.memory_space<vmem>>
      %dma_start3A_623 = tpu.memref_squeeze %dma_start3A_622 : memref<1x128x128xf32, #tpu.memory_space<vmem>> -> memref<128x128xf32, #tpu.memory_space<vmem>>
      %dma_start3A_624 = arith.constant 0 : i32
      %dma_start3A_625 = tpu.memref_slice %arg6[%dma_start3A_617, %dma_start3A_618, %dma_start3A_624] : memref<4x2x128xi32, #tpu.memory_space<vmem>> -> memref<1x1x128xi32, #tpu.memory_space<vmem>>
      %dma_start3A_626 = tpu.memref_squeeze %dma_start3A_625 : memref<1x1x128xi32, #tpu.memory_space<vmem>> -> memref<128xi32, #tpu.memory_space<vmem>>
      %dma_start3A_627 = arith.constant 0 : i32
      %dma_start3A_628 = arith.constant 0 : i32
      %dma_start3A_629 = tpu.memref_slice %arg2[%dma_start3A_627, %dma_start3A_628] : memref<10000x128xf32, #tpu.memory_space<hbm>> -> memref<10000x128xf32, #tpu.memory_space<hbm>>
      tpu.enqueue_indirect_dma source(%dma_start3A_629 : memref<10000x128xf32, #tpu.memory_space<hbm>>) target(%dma_start3A_623 : memref<128x128xf32, #tpu.memory_space<vmem>>) offsets(%dma_start3A_626 : memref<128xi32, #tpu.memory_space<vmem>>) semaphore(%arg10 : memref<!tpu.dma_semaphore, #tpu.memory_space<semaphore_mem>>)
      %mul3A_630 = arith.constant 4 : i32
      %mul3A_631 = arith.muli %while3A_362, %mul3A_630 : i32
      %add3A_632 = arith.constant 3 : i32
      %add3A_633 = arith.addi %mul3A_631, %add3A_632 : i32
      %add3A_634 = arith.constant 1 : i32
      %add3A_635 = arith.addi %add3A_633, %add3A_634 : i32
      %dma_wait3A_636 = arith.constant 0 : i32
      %dma_wait3A_637 = arith.constant 0 : i32
      %dma_wait3A_638 = arith.constant 0 : i32
      %dma_wait3A_639 = arith.constant 0 : i32
      %dma_wait3A_640 = arith.constant 0 : i32
      %dma_wait3A_641 = tpu.memref_slice %arg7[%dma_wait3A_638, %dma_wait3A_639, %dma_wait3A_640] : memref<2x128x128xf32, #tpu.memory_space<vmem>> -> memref<1x128x128xf32, #tpu.memory_space<vmem>>
      %dma_wait3A_642 = tpu.memref_squeeze %dma_wait3A_641 : memref<1x128x128xf32, #tpu.memory_space<vmem>> -> memref<128x128xf32, #tpu.memory_space<vmem>>
      %dma_wait3A_643 = arith.constant 0 : i32
      %dma_wait3A_644 = tpu.memref_slice %arg6[%dma_wait3A_636, %dma_wait3A_637, %dma_wait3A_643] : memref<4x2x128xi32, #tpu.memory_space<vmem>> -> memref<1x1x128xi32, #tpu.memory_space<vmem>>
      %dma_wait3A_645 = tpu.memref_squeeze %dma_wait3A_644 : memref<1x1x128xi32, #tpu.memory_space<vmem>> -> memref<128xi32, #tpu.memory_space<vmem>>
      %dma_wait3A_646 = arith.constant 0 : i32
      %dma_wait3A_647 = arith.constant 0 : i32
      %dma_wait3A_648 = tpu.memref_slice %arg2[%dma_wait3A_646, %dma_wait3A_647] : memref<10000x128xf32, #tpu.memory_space<hbm>> -> memref<10000x128xf32, #tpu.memory_space<hbm>>
      tpu.wait_indirect_dma semaphore(%arg10 : memref<!tpu.dma_semaphore, #tpu.memory_space<semaphore_mem>>) src(%dma_wait3A_648 : memref<10000x128xf32, #tpu.memory_space<hbm>>) dst(%dma_wait3A_642 : memref<128x128xf32, #tpu.memory_space<vmem>>)
      %dma_start3A_649 = arith.constant 0 : i32
      %dma_start3A_650 = arith.constant 0 : i32
      %dma_start3A_651 = arith.constant 1 : i32
      %dma_start3A_652 = arith.constant 0 : i32
      %dma_start3A_653 = arith.constant 0 : i32
      %dma_start3A_654 = tpu.memref_slice %arg7[%dma_start3A_649, %dma_start3A_652, %dma_start3A_653] : memref<2x128x128xf32, #tpu.memory_space<vmem>> -> memref<1x128x128xf32, #tpu.memory_space<vmem>>
      %dma_start3A_655 = tpu.memref_squeeze %dma_start3A_654 : memref<1x128x128xf32, #tpu.memory_space<vmem>> -> memref<128x128xf32, #tpu.memory_space<vmem>>
      %dma_start3A_656 = arith.constant 0 : i32
      %dma_start3A_657 = tpu.memref_slice %arg6[%dma_start3A_650, %dma_start3A_651, %dma_start3A_656] : memref<4x2x128xi32, #tpu.memory_space<vmem>> -> memref<1x1x128xi32, #tpu.memory_space<vmem>>
      %dma_start3A_658 = tpu.memref_squeeze %dma_start3A_657 : memref<1x1x128xi32, #tpu.memory_space<vmem>> -> memref<128xi32, #tpu.memory_space<vmem>>
      %dma_start3A_659 = arith.constant 0 : i32
      %dma_start3A_660 = arith.constant 0 : i32
      %dma_start3A_661 = tpu.memref_slice %arg8[%dma_start3A_659, %dma_start3A_660] : memref<10008x128xf32, #tpu.memory_space<vmem_shared>> -> memref<10008x128xf32, #tpu.memory_space<vmem_shared>>
      tpu.enqueue_indirect_dma source(%dma_start3A_655 : memref<128x128xf32, #tpu.memory_space<vmem>>) target(%dma_start3A_661 : memref<10008x128xf32, #tpu.memory_space<vmem_shared>>) offsets(%dma_start3A_658 : memref<128xi32, #tpu.memory_space<vmem>>) semaphore(%arg11 : memref<!tpu.dma_semaphore, #tpu.memory_space<semaphore_mem>>) {add = true}
      %dma_wait3A_662 = arith.constant 1 : i32
      %dma_wait3A_663 = arith.constant 0 : i32
      %dma_wait3A_664 = arith.constant 1 : i32
      %dma_wait3A_665 = arith.constant 0 : i32
      %dma_wait3A_666 = arith.constant 0 : i32
      %dma_wait3A_667 = tpu.memref_slice %arg7[%dma_wait3A_662, %dma_wait3A_665, %dma_wait3A_666] : memref<2x128x128xf32, #tpu.memory_space<vmem>> -> memref<1x128x128xf32, #tpu.memory_space<vmem>>
      %dma_wait3A_668 = tpu.memref_squeeze %dma_wait3A_667 : memref<1x128x128xf32, #tpu.memory_space<vmem>> -> memref<128x128xf32, #tpu.memory_space<vmem>>
      %dma_wait3A_669 = arith.constant 0 : i32
      %dma_wait3A_670 = tpu.memref_slice %arg6[%dma_wait3A_663, %dma_wait3A_664, %dma_wait3A_669] : memref<4x2x128xi32, #tpu.memory_space<vmem>> -> memref<1x1x128xi32, #tpu.memory_space<vmem>>
      %dma_wait3A_671 = tpu.memref_squeeze %dma_wait3A_670 : memref<1x1x128xi32, #tpu.memory_space<vmem>> -> memref<128xi32, #tpu.memory_space<vmem>>
      %dma_wait3A_672 = arith.constant 0 : i32
      %dma_wait3A_673 = arith.constant 0 : i32
      %dma_wait3A_674 = tpu.memref_slice %arg8[%dma_wait3A_672, %dma_wait3A_673] : memref<10008x128xf32, #tpu.memory_space<vmem_shared>> -> memref<10008x128xf32, #tpu.memory_space<vmem_shared>>
      tpu.wait_indirect_dma semaphore(%arg12 : memref<!tpu.dma_semaphore, #tpu.memory_space<semaphore_mem>>) src(%dma_wait3A_668 : memref<128x128xf32, #tpu.memory_space<vmem>>) dst(%dma_wait3A_674 : memref<10008x128xf32, #tpu.memory_space<vmem_shared>>)
      %add3A_675 = arith.constant 3 : i32
      %add3A_676 = arith.addi %add3A_635, %add3A_675 : i32
      %mul3A_677 = arith.constant 128 : i32
      %mul3A_678 = arith.muli %add3A_676, %mul3A_677 : i32
      %add3A_679 = arith.addi %mul3A_2, %mul3A_678 : i32
      %dma_start3A_680 = arith.constant 3 : i32
      %dma_start3A_681 = arith.constant 0 : i32
      %dma_start3A_682 = arith.constant 0 : i32
      %dma_start3A_683 = tpu.memref_slice %arg6[%dma_start3A_680, %dma_start3A_681, %dma_start3A_682] : memref<4x2x128xi32, #tpu.memory_space<vmem>> -> memref<1x2x128xi32, #tpu.memory_space<vmem>>
      %dma_start3A_684 = tpu.memref_squeeze %dma_start3A_683 : memref<1x2x128xi32, #tpu.memory_space<vmem>> -> memref<2x128xi32, #tpu.memory_space<vmem>>
      %dma_start3A_685 = arith.constant 0 : i32
      %dma_start3A_686 = tpu.memref_slice %arg3[%dma_start3A_685, %add3A_679] : memref<2x320000xi32, #tpu.memory_space<hbm>> -> memref<2x128xi32, #tpu.memory_space<hbm>>
      %dma_start3A_687 = arith.constant 0 : i32
      %dma_start3A_688 = arith.constant 0 : i32
      %dma_start3A_689 = tpu.memref_slice %arg6[%dma_start3A_680, %dma_start3A_687, %dma_start3A_688] : memref<4x2x128xi32, #tpu.memory_space<vmem>> -> memref<1x2x128xi32, #tpu.memory_space<vmem>>
      %dma_start3A_690 = tpu.memref_squeeze %dma_start3A_689 : memref<1x2x128xi32, #tpu.memory_space<vmem>> -> memref<2x128xi32, #tpu.memory_space<vmem>>
      %dma_start3A_691 = arith.constant 0 : i32
      %dma_start3A_692 = tpu.memref_slice %arg3[%dma_start3A_691, %add3A_679] : memref<2x320000xi32, #tpu.memory_space<hbm>> -> memref<2x128xi32, #tpu.memory_space<hbm>>
      tpu.enqueue_dma source(%dma_start3A_692 : memref<2x128xi32, #tpu.memory_space<hbm>>) target(%dma_start3A_690 : memref<2x128xi32, #tpu.memory_space<vmem>>) target_semaphore(%arg9 : memref<!tpu.dma_semaphore, #tpu.memory_space<semaphore_mem>>)
      %dma_wait3A_693 = arith.constant 1 : i32
      %dma_wait3A_694 = arith.constant 0 : i32
      %dma_wait3A_695 = arith.constant 0 : i32
      %dma_wait3A_696 = tpu.memref_slice %arg6[%dma_wait3A_693, %dma_wait3A_694, %dma_wait3A_695] : memref<4x2x128xi32, #tpu.memory_space<vmem>> -> memref<1x2x128xi32, #tpu.memory_space<vmem>>
      %dma_wait3A_697 = tpu.memref_squeeze %dma_wait3A_696 : memref<1x2x128xi32, #tpu.memory_space<vmem>> -> memref<2x128xi32, #tpu.memory_space<vmem>>
      %dma_wait3A_698 = arith.constant 0 : i32
      %dma_wait3A_699 = tpu.memref_slice %arg3[%dma_wait3A_698, %mul3A_2] : memref<2x320000xi32, #tpu.memory_space<hbm>> -> memref<2x128xi32, #tpu.memory_space<hbm>>
      %dma_wait3A_700 = arith.constant 0 : i32
      %dma_wait3A_701 = arith.constant 0 : i32
      %dma_wait3A_702 = tpu.memref_slice %arg6[%dma_wait3A_693, %dma_wait3A_700, %dma_wait3A_701] : memref<4x2x128xi32, #tpu.memory_space<vmem>> -> memref<1x2x128xi32, #tpu.memory_space<vmem>>
      %dma_wait3A_703 = tpu.memref_squeeze %dma_wait3A_702 : memref<1x2x128xi32, #tpu.memory_space<vmem>> -> memref<2x128xi32, #tpu.memory_space<vmem>>
      %dma_wait3A_704 = arith.constant 0 : i32
      %dma_wait3A_705 = tpu.memref_slice %arg3[%dma_wait3A_704, %mul3A_2] : memref<2x320000xi32, #tpu.memory_space<hbm>> -> memref<2x128xi32, #tpu.memory_space<hbm>>
      tpu.wait_dma2 semaphore(%arg9 : memref<!tpu.dma_semaphore, #tpu.memory_space<semaphore_mem>>) src(%dma_wait3A_705 : memref<2x128xi32, #tpu.memory_space<hbm>>) dst(%dma_wait3A_703 : memref<2x128xi32, #tpu.memory_space<vmem>>)
      %dma_start3A_706 = arith.constant 1 : i32
      %dma_start3A_707 = arith.constant 0 : i32
      %dma_start3A_708 = arith.constant 1 : i32
      %dma_start3A_709 = arith.constant 0 : i32
      %dma_start3A_710 = arith.constant 0 : i32
      %dma_start3A_711 = tpu.memref_slice %arg7[%dma_start3A_708, %dma_start3A_709, %dma_start3A_710] : memref<2x128x128xf32, #tpu.memory_space<vmem>> -> memref<1x128x128xf32, #tpu.memory_space<vmem>>
      %dma_start3A_712 = tpu.memref_squeeze %dma_start3A_711 : memref<1x128x128xf32, #tpu.memory_space<vmem>> -> memref<128x128xf32, #tpu.memory_space<vmem>>
      %dma_start3A_713 = arith.constant 0 : i32
      %dma_start3A_714 = tpu.memref_slice %arg6[%dma_start3A_706, %dma_start3A_707, %dma_start3A_713] : memref<4x2x128xi32, #tpu.memory_space<vmem>> -> memref<1x1x128xi32, #tpu.memory_space<vmem>>
      %dma_start3A_715 = tpu.memref_squeeze %dma_start3A_714 : memref<1x1x128xi32, #tpu.memory_space<vmem>> -> memref<128xi32, #tpu.memory_space<vmem>>
      %dma_start3A_716 = arith.constant 0 : i32
      %dma_start3A_717 = arith.constant 0 : i32
      %dma_start3A_718 = tpu.memref_slice %arg2[%dma_start3A_716, %dma_start3A_717] : memref<10000x128xf32, #tpu.memory_space<hbm>> -> memref<10000x128xf32, #tpu.memory_space<hbm>>
      tpu.enqueue_indirect_dma source(%dma_start3A_718 : memref<10000x128xf32, #tpu.memory_space<hbm>>) target(%dma_start3A_712 : memref<128x128xf32, #tpu.memory_space<vmem>>) offsets(%dma_start3A_715 : memref<128xi32, #tpu.memory_space<vmem>>) semaphore(%arg10 : memref<!tpu.dma_semaphore, #tpu.memory_space<semaphore_mem>>)
    }
    %mul3A_159 = arith.constant 4 : i32
    %mul3A_160 = arith.muli %select_n3A, %mul3A_159 : i32
    %add3A_161 = arith.constant 1 : i32
    %add3A_162 = arith.addi %mul3A_160, %add3A_161 : i32
    %dma_wait3A_163 = arith.constant 1 : i32
    %dma_wait3A_164 = arith.constant 0 : i32
    %dma_wait3A_165 = arith.constant 1 : i32
    %dma_wait3A_166 = arith.constant 0 : i32
    %dma_wait3A_167 = arith.constant 0 : i32
    %dma_wait3A_168 = tpu.memref_slice %arg7[%dma_wait3A_165, %dma_wait3A_166, %dma_wait3A_167] : memref<2x128x128xf32, #tpu.memory_space<vmem>> -> memref<1x128x128xf32, #tpu.memory_space<vmem>>
    %dma_wait3A_169 = tpu.memref_squeeze %dma_wait3A_168 : memref<1x128x128xf32, #tpu.memory_space<vmem>> -> memref<128x128xf32, #tpu.memory_space<vmem>>
    %dma_wait3A_170 = arith.constant 0 : i32
    %dma_wait3A_171 = tpu.memref_slice %arg6[%dma_wait3A_163, %dma_wait3A_164, %dma_wait3A_170] : memref<4x2x128xi32, #tpu.memory_space<vmem>> -> memref<1x1x128xi32, #tpu.memory_space<vmem>>
    %dma_wait3A_172 = tpu.memref_squeeze %dma_wait3A_171 : memref<1x1x128xi32, #tpu.memory_space<vmem>> -> memref<128xi32, #tpu.memory_space<vmem>>
    %dma_wait3A_173 = arith.constant 0 : i32
    %dma_wait3A_174 = arith.constant 0 : i32
    %dma_wait3A_175 = tpu.memref_slice %arg2[%dma_wait3A_173, %dma_wait3A_174] : memref<10000x128xf32, #tpu.memory_space<hbm>> -> memref<10000x128xf32, #tpu.memory_space<hbm>>
    tpu.wait_indirect_dma semaphore(%arg10 : memref<!tpu.dma_semaphore, #tpu.memory_space<semaphore_mem>>) src(%dma_wait3A_175 : memref<10000x128xf32, #tpu.memory_space<hbm>>) dst(%dma_wait3A_169 : memref<128x128xf32, #tpu.memory_space<vmem>>)
    %dma_start3A_176 = arith.constant 1 : i32
    %dma_start3A_177 = arith.constant 1 : i32
    %dma_start3A_178 = arith.constant 1 : i32
    %dma_start3A_179 = arith.constant 0 : i32
    %dma_start3A_180 = arith.constant 0 : i32
    %dma_start3A_181 = tpu.memref_slice %arg7[%dma_start3A_176, %dma_start3A_179, %dma_start3A_180] : memref<2x128x128xf32, #tpu.memory_space<vmem>> -> memref<1x128x128xf32, #tpu.memory_space<vmem>>
    %dma_start3A_182 = tpu.memref_squeeze %dma_start3A_181 : memref<1x128x128xf32, #tpu.memory_space<vmem>> -> memref<128x128xf32, #tpu.memory_space<vmem>>
    %dma_start3A_183 = arith.constant 0 : i32
    %dma_start3A_184 = tpu.memref_slice %arg6[%dma_start3A_177, %dma_start3A_178, %dma_start3A_183] : memref<4x2x128xi32, #tpu.memory_space<vmem>> -> memref<1x1x128xi32, #tpu.memory_space<vmem>>
    %dma_start3A_185 = tpu.memref_squeeze %dma_start3A_184 : memref<1x1x128xi32, #tpu.memory_space<vmem>> -> memref<128xi32, #tpu.memory_space<vmem>>
    %dma_start3A_186 = arith.constant 0 : i32
    %dma_start3A_187 = arith.constant 0 : i32
    %dma_start3A_188 = tpu.memref_slice %arg8[%dma_start3A_186, %dma_start3A_187] : memref<10008x128xf32, #tpu.memory_space<vmem_shared>> -> memref<10008x128xf32, #tpu.memory_space<vmem_shared>>
    tpu.enqueue_indirect_dma source(%dma_start3A_182 : memref<128x128xf32, #tpu.memory_space<vmem>>) target(%dma_start3A_188 : memref<10008x128xf32, #tpu.memory_space<vmem_shared>>) offsets(%dma_start3A_185 : memref<128xi32, #tpu.memory_space<vmem>>) semaphore(%arg12 : memref<!tpu.dma_semaphore, #tpu.memory_space<semaphore_mem>>) {add = true}
    %dma_wait3A_189 = arith.constant 0 : i32
    %dma_wait3A_190 = arith.constant 0 : i32
    %dma_wait3A_191 = arith.constant 1 : i32
    %dma_wait3A_192 = arith.constant 0 : i32
    %dma_wait3A_193 = arith.constant 0 : i32
    %dma_wait3A_194 = tpu.memref_slice %arg7[%dma_wait3A_189, %dma_wait3A_192, %dma_wait3A_193] : memref<2x128x128xf32, #tpu.memory_space<vmem>> -> memref<1x128x128xf32, #tpu.memory_space<vmem>>
    %dma_wait3A_195 = tpu.memref_squeeze %dma_wait3A_194 : memref<1x128x128xf32, #tpu.memory_space<vmem>> -> memref<128x128xf32, #tpu.memory_space<vmem>>
    %dma_wait3A_196 = arith.constant 0 : i32
    %dma_wait3A_197 = tpu.memref_slice %arg6[%dma_wait3A_190, %dma_wait3A_191, %dma_wait3A_196] : memref<4x2x128xi32, #tpu.memory_space<vmem>> -> memref<1x1x128xi32, #tpu.memory_space<vmem>>
    %dma_wait3A_198 = tpu.memref_squeeze %dma_wait3A_197 : memref<1x1x128xi32, #tpu.memory_space<vmem>> -> memref<128xi32, #tpu.memory_space<vmem>>
    %dma_wait3A_199 = arith.constant 0 : i32
    %dma_wait3A_200 = arith.constant 0 : i32
    %dma_wait3A_201 = tpu.memref_slice %arg8[%dma_wait3A_199, %dma_wait3A_200] : memref<10008x128xf32, #tpu.memory_space<vmem_shared>> -> memref<10008x128xf32, #tpu.memory_space<vmem_shared>>
    tpu.wait_indirect_dma semaphore(%arg11 : memref<!tpu.dma_semaphore, #tpu.memory_space<semaphore_mem>>) src(%dma_wait3A_195 : memref<128x128xf32, #tpu.memory_space<vmem>>) dst(%dma_wait3A_201 : memref<10008x128xf32, #tpu.memory_space<vmem_shared>>)
    %dma_wait3A_202 = arith.constant 2 : i32
    %dma_wait3A_203 = arith.constant 0 : i32
    %dma_wait3A_204 = arith.constant 0 : i32
    %dma_wait3A_205 = tpu.memref_slice %arg6[%dma_wait3A_202, %dma_wait3A_203, %dma_wait3A_204] : memref<4x2x128xi32, #tpu.memory_space<vmem>> -> memref<1x2x128xi32, #tpu.memory_space<vmem>>
    %dma_wait3A_206 = tpu.memref_squeeze %dma_wait3A_205 : memref<1x2x128xi32, #tpu.memory_space<vmem>> -> memref<2x128xi32, #tpu.memory_space<vmem>>
    %dma_wait3A_207 = arith.constant 0 : i32
    %dma_wait3A_208 = tpu.memref_slice %arg3[%dma_wait3A_207, %mul3A_2] : memref<2x320000xi32, #tpu.memory_space<hbm>> -> memref<2x128xi32, #tpu.memory_space<hbm>>
    %dma_wait3A_209 = arith.constant 0 : i32
    %dma_wait3A_210 = arith.constant 0 : i32
    %dma_wait3A_211 = tpu.memref_slice %arg6[%dma_wait3A_202, %dma_wait3A_209, %dma_wait3A_210] : memref<4x2x128xi32, #tpu.memory_space<vmem>> -> memref<1x2x128xi32, #tpu.memory_space<vmem>>
    %dma_wait3A_212 = tpu.memref_squeeze %dma_wait3A_211 : memref<1x2x128xi32, #tpu.memory_space<vmem>> -> memref<2x128xi32, #tpu.memory_space<vmem>>
    %dma_wait3A_213 = arith.constant 0 : i32
    %dma_wait3A_214 = tpu.memref_slice %arg3[%dma_wait3A_213, %mul3A_2] : memref<2x320000xi32, #tpu.memory_space<hbm>> -> memref<2x128xi32, #tpu.memory_space<hbm>>
    tpu.wait_dma2 semaphore(%arg9 : memref<!tpu.dma_semaphore, #tpu.memory_space<semaphore_mem>>) src(%dma_wait3A_214 : memref<2x128xi32, #tpu.memory_space<hbm>>) dst(%dma_wait3A_212 : memref<2x128xi32, #tpu.memory_space<vmem>>)
    %dma_start3A_215 = arith.constant 2 : i32
    %dma_start3A_216 = arith.constant 0 : i32
    %dma_start3A_217 = arith.constant 0 : i32
    %dma_start3A_218 = arith.constant 0 : i32
    %dma_start3A_219 = arith.constant 0 : i32
    %dma_start3A_220 = tpu.memref_slice %arg7[%dma_start3A_217, %dma_start3A_218, %dma_start3A_219] : memref<2x128x128xf32, #tpu.memory_space<vmem>> -> memref<1x128x128xf32, #tpu.memory_space<vmem>>
    %dma_start3A_221 = tpu.memref_squeeze %dma_start3A_220 : memref<1x128x128xf32, #tpu.memory_space<vmem>> -> memref<128x128xf32, #tpu.memory_space<vmem>>
    %dma_start3A_222 = arith.constant 0 : i32
    %dma_start3A_223 = tpu.memref_slice %arg6[%dma_start3A_215, %dma_start3A_216, %dma_start3A_222] : memref<4x2x128xi32, #tpu.memory_space<vmem>> -> memref<1x1x128xi32, #tpu.memory_space<vmem>>
    %dma_start3A_224 = tpu.memref_squeeze %dma_start3A_223 : memref<1x1x128xi32, #tpu.memory_space<vmem>> -> memref<128xi32, #tpu.memory_space<vmem>>
    %dma_start3A_225 = arith.constant 0 : i32
    %dma_start3A_226 = arith.constant 0 : i32
    %dma_start3A_227 = tpu.memref_slice %arg2[%dma_start3A_225, %dma_start3A_226] : memref<10000x128xf32, #tpu.memory_space<hbm>> -> memref<10000x128xf32, #tpu.memory_space<hbm>>
    tpu.enqueue_indirect_dma source(%dma_start3A_227 : memref<10000x128xf32, #tpu.memory_space<hbm>>) target(%dma_start3A_221 : memref<128x128xf32, #tpu.memory_space<vmem>>) offsets(%dma_start3A_224 : memref<128xi32, #tpu.memory_space<vmem>>) semaphore(%arg10 : memref<!tpu.dma_semaphore, #tpu.memory_space<semaphore_mem>>)
    %add3A_228 = arith.constant 1 : i32
    %add3A_229 = arith.addi %add3A_162, %add3A_228 : i32
    %dma_wait3A_230 = arith.constant 2 : i32
    %dma_wait3A_231 = arith.constant 0 : i32
    %dma_wait3A_232 = arith.constant 0 : i32
    %dma_wait3A_233 = arith.constant 0 : i32
    %dma_wait3A_234 = arith.constant 0 : i32
    %dma_wait3A_235 = tpu.memref_slice %arg7[%dma_wait3A_232, %dma_wait3A_233, %dma_wait3A_234] : memref<2x128x128xf32, #tpu.memory_space<vmem>> -> memref<1x128x128xf32, #tpu.memory_space<vmem>>
    %dma_wait3A_236 = tpu.memref_squeeze %dma_wait3A_235 : memref<1x128x128xf32, #tpu.memory_space<vmem>> -> memref<128x128xf32, #tpu.memory_space<vmem>>
    %dma_wait3A_237 = arith.constant 0 : i32
    %dma_wait3A_238 = tpu.memref_slice %arg6[%dma_wait3A_230, %dma_wait3A_231, %dma_wait3A_237] : memref<4x2x128xi32, #tpu.memory_space<vmem>> -> memref<1x1x128xi32, #tpu.memory_space<vmem>>
    %dma_wait3A_239 = tpu.memref_squeeze %dma_wait3A_238 : memref<1x1x128xi32, #tpu.memory_space<vmem>> -> memref<128xi32, #tpu.memory_space<vmem>>
    %dma_wait3A_240 = arith.constant 0 : i32
    %dma_wait3A_241 = arith.constant 0 : i32
    %dma_wait3A_242 = tpu.memref_slice %arg2[%dma_wait3A_240, %dma_wait3A_241] : memref<10000x128xf32, #tpu.memory_space<hbm>> -> memref<10000x128xf32, #tpu.memory_space<hbm>>
    tpu.wait_indirect_dma semaphore(%arg10 : memref<!tpu.dma_semaphore, #tpu.memory_space<semaphore_mem>>) src(%dma_wait3A_242 : memref<10000x128xf32, #tpu.memory_space<hbm>>) dst(%dma_wait3A_236 : memref<128x128xf32, #tpu.memory_space<vmem>>)
    %dma_start3A_243 = arith.constant 0 : i32
    %dma_start3A_244 = arith.constant 2 : i32
    %dma_start3A_245 = arith.constant 1 : i32
    %dma_start3A_246 = arith.constant 0 : i32
    %dma_start3A_247 = arith.constant 0 : i32
    %dma_start3A_248 = tpu.memref_slice %arg7[%dma_start3A_243, %dma_start3A_246, %dma_start3A_247] : memref<2x128x128xf32, #tpu.memory_space<vmem>> -> memref<1x128x128xf32, #tpu.memory_space<vmem>>
    %dma_start3A_249 = tpu.memref_squeeze %dma_start3A_248 : memref<1x128x128xf32, #tpu.memory_space<vmem>> -> memref<128x128xf32, #tpu.memory_space<vmem>>
    %dma_start3A_250 = arith.constant 0 : i32
    %dma_start3A_251 = tpu.memref_slice %arg6[%dma_start3A_244, %dma_start3A_245, %dma_start3A_250] : memref<4x2x128xi32, #tpu.memory_space<vmem>> -> memref<1x1x128xi32, #tpu.memory_space<vmem>>
    %dma_start3A_252 = tpu.memref_squeeze %dma_start3A_251 : memref<1x1x128xi32, #tpu.memory_space<vmem>> -> memref<128xi32, #tpu.memory_space<vmem>>
    %dma_start3A_253 = arith.constant 0 : i32
    %dma_start3A_254 = arith.constant 0 : i32
    %dma_start3A_255 = tpu.memref_slice %arg8[%dma_start3A_253, %dma_start3A_254] : memref<10008x128xf32, #tpu.memory_space<vmem_shared>> -> memref<10008x128xf32, #tpu.memory_space<vmem_shared>>
    tpu.enqueue_indirect_dma source(%dma_start3A_249 : memref<128x128xf32, #tpu.memory_space<vmem>>) target(%dma_start3A_255 : memref<10008x128xf32, #tpu.memory_space<vmem_shared>>) offsets(%dma_start3A_252 : memref<128xi32, #tpu.memory_space<vmem>>) semaphore(%arg11 : memref<!tpu.dma_semaphore, #tpu.memory_space<semaphore_mem>>) {add = true}
    %dma_wait3A_256 = arith.constant 1 : i32
    %dma_wait3A_257 = arith.constant 0 : i32
    %dma_wait3A_258 = arith.constant 1 : i32
    %dma_wait3A_259 = arith.constant 0 : i32
    %dma_wait3A_260 = arith.constant 0 : i32
    %dma_wait3A_261 = tpu.memref_slice %arg7[%dma_wait3A_256, %dma_wait3A_259, %dma_wait3A_260] : memref<2x128x128xf32, #tpu.memory_space<vmem>> -> memref<1x128x128xf32, #tpu.memory_space<vmem>>
    %dma_wait3A_262 = tpu.memref_squeeze %dma_wait3A_261 : memref<1x128x128xf32, #tpu.memory_space<vmem>> -> memref<128x128xf32, #tpu.memory_space<vmem>>
    %dma_wait3A_263 = arith.constant 0 : i32
    %dma_wait3A_264 = tpu.memref_slice %arg6[%dma_wait3A_257, %dma_wait3A_258, %dma_wait3A_263] : memref<4x2x128xi32, #tpu.memory_space<vmem>> -> memref<1x1x128xi32, #tpu.memory_space<vmem>>
    %dma_wait3A_265 = tpu.memref_squeeze %dma_wait3A_264 : memref<1x1x128xi32, #tpu.memory_space<vmem>> -> memref<128xi32, #tpu.memory_space<vmem>>
    %dma_wait3A_266 = arith.constant 0 : i32
    %dma_wait3A_267 = arith.constant 0 : i32
    %dma_wait3A_268 = tpu.memref_slice %arg8[%dma_wait3A_266, %dma_wait3A_267] : memref<10008x128xf32, #tpu.memory_space<vmem_shared>> -> memref<10008x128xf32, #tpu.memory_space<vmem_shared>>
    tpu.wait_indirect_dma semaphore(%arg12 : memref<!tpu.dma_semaphore, #tpu.memory_space<semaphore_mem>>) src(%dma_wait3A_262 : memref<128x128xf32, #tpu.memory_space<vmem>>) dst(%dma_wait3A_268 : memref<10008x128xf32, #tpu.memory_space<vmem_shared>>)
    %dma_wait3A_269 = arith.constant 3 : i32
    %dma_wait3A_270 = arith.constant 0 : i32
    %dma_wait3A_271 = arith.constant 0 : i32
    %dma_wait3A_272 = tpu.memref_slice %arg6[%dma_wait3A_269, %dma_wait3A_270, %dma_wait3A_271] : memref<4x2x128xi32, #tpu.memory_space<vmem>> -> memref<1x2x128xi32, #tpu.memory_space<vmem>>
    %dma_wait3A_273 = tpu.memref_squeeze %dma_wait3A_272 : memref<1x2x128xi32, #tpu.memory_space<vmem>> -> memref<2x128xi32, #tpu.memory_space<vmem>>
    %dma_wait3A_274 = arith.constant 0 : i32
    %dma_wait3A_275 = tpu.memref_slice %arg3[%dma_wait3A_274, %mul3A_2] : memref<2x320000xi32, #tpu.memory_space<hbm>> -> memref<2x128xi32, #tpu.memory_space<hbm>>
    %dma_wait3A_276 = arith.constant 0 : i32
    %dma_wait3A_277 = arith.constant 0 : i32
    %dma_wait3A_278 = tpu.memref_slice %arg6[%dma_wait3A_269, %dma_wait3A_276, %dma_wait3A_277] : memref<4x2x128xi32, #tpu.memory_space<vmem>> -> memref<1x2x128xi32, #tpu.memory_space<vmem>>
    %dma_wait3A_279 = tpu.memref_squeeze %dma_wait3A_278 : memref<1x2x128xi32, #tpu.memory_space<vmem>> -> memref<2x128xi32, #tpu.memory_space<vmem>>
    %dma_wait3A_280 = arith.constant 0 : i32
    %dma_wait3A_281 = tpu.memref_slice %arg3[%dma_wait3A_280, %mul3A_2] : memref<2x320000xi32, #tpu.memory_space<hbm>> -> memref<2x128xi32, #tpu.memory_space<hbm>>
    tpu.wait_dma2 semaphore(%arg9 : memref<!tpu.dma_semaphore, #tpu.memory_space<semaphore_mem>>) src(%dma_wait3A_281 : memref<2x128xi32, #tpu.memory_space<hbm>>) dst(%dma_wait3A_279 : memref<2x128xi32, #tpu.memory_space<vmem>>)
    %dma_start3A_282 = arith.constant 3 : i32
    %dma_start3A_283 = arith.constant 0 : i32
    %dma_start3A_284 = arith.constant 1 : i32
    %dma_start3A_285 = arith.constant 0 : i32
    %dma_start3A_286 = arith.constant 0 : i32
    %dma_start3A_287 = tpu.memref_slice %arg7[%dma_start3A_284, %dma_start3A_285, %dma_start3A_286] : memref<2x128x128xf32, #tpu.memory_space<vmem>> -> memref<1x128x128xf32, #tpu.memory_space<vmem>>
    %dma_start3A_288 = tpu.memref_squeeze %dma_start3A_287 : memref<1x128x128xf32, #tpu.memory_space<vmem>> -> memref<128x128xf32, #tpu.memory_space<vmem>>
    %dma_start3A_289 = arith.constant 0 : i32
    %dma_start3A_290 = tpu.memref_slice %arg6[%dma_start3A_282, %dma_start3A_283, %dma_start3A_289] : memref<4x2x128xi32, #tpu.memory_space<vmem>> -> memref<1x1x128xi32, #tpu.memory_space<vmem>>
    %dma_start3A_291 = tpu.memref_squeeze %dma_start3A_290 : memref<1x1x128xi32, #tpu.memory_space<vmem>> -> memref<128xi32, #tpu.memory_space<vmem>>
    %dma_start3A_292 = arith.constant 0 : i32
    %dma_start3A_293 = arith.constant 0 : i32
    %dma_start3A_294 = tpu.memref_slice %arg2[%dma_start3A_292, %dma_start3A_293] : memref<10000x128xf32, #tpu.memory_space<hbm>> -> memref<10000x128xf32, #tpu.memory_space<hbm>>
    tpu.enqueue_indirect_dma source(%dma_start3A_294 : memref<10000x128xf32, #tpu.memory_space<hbm>>) target(%dma_start3A_288 : memref<128x128xf32, #tpu.memory_space<vmem>>) offsets(%dma_start3A_291 : memref<128xi32, #tpu.memory_space<vmem>>) semaphore(%arg10 : memref<!tpu.dma_semaphore, #tpu.memory_space<semaphore_mem>>)
    %add3A_295 = arith.constant 2 : i32
    %add3A_296 = arith.addi %add3A_162, %add3A_295 : i32
    %dma_wait3A_297 = arith.constant 3 : i32
    %dma_wait3A_298 = arith.constant 0 : i32
    %dma_wait3A_299 = arith.constant 1 : i32
    %dma_wait3A_300 = arith.constant 0 : i32
    %dma_wait3A_301 = arith.constant 0 : i32
    %dma_wait3A_302 = tpu.memref_slice %arg7[%dma_wait3A_299, %dma_wait3A_300, %dma_wait3A_301] : memref<2x128x128xf32, #tpu.memory_space<vmem>> -> memref<1x128x128xf32, #tpu.memory_space<vmem>>
    %dma_wait3A_303 = tpu.memref_squeeze %dma_wait3A_302 : memref<1x128x128xf32, #tpu.memory_space<vmem>> -> memref<128x128xf32, #tpu.memory_space<vmem>>
    %dma_wait3A_304 = arith.constant 0 : i32
    %dma_wait3A_305 = tpu.memref_slice %arg6[%dma_wait3A_297, %dma_wait3A_298, %dma_wait3A_304] : memref<4x2x128xi32, #tpu.memory_space<vmem>> -> memref<1x1x128xi32, #tpu.memory_space<vmem>>
    %dma_wait3A_306 = tpu.memref_squeeze %dma_wait3A_305 : memref<1x1x128xi32, #tpu.memory_space<vmem>> -> memref<128xi32, #tpu.memory_space<vmem>>
    %dma_wait3A_307 = arith.constant 0 : i32
    %dma_wait3A_308 = arith.constant 0 : i32
    %dma_wait3A_309 = tpu.memref_slice %arg2[%dma_wait3A_307, %dma_wait3A_308] : memref<10000x128xf32, #tpu.memory_space<hbm>> -> memref<10000x128xf32, #tpu.memory_space<hbm>>
    tpu.wait_indirect_dma semaphore(%arg10 : memref<!tpu.dma_semaphore, #tpu.memory_space<semaphore_mem>>) src(%dma_wait3A_309 : memref<10000x128xf32, #tpu.memory_space<hbm>>) dst(%dma_wait3A_303 : memref<128x128xf32, #tpu.memory_space<vmem>>)
    %dma_start3A_310 = arith.constant 1 : i32
    %dma_start3A_311 = arith.constant 3 : i32
    %dma_start3A_312 = arith.constant 1 : i32
    %dma_start3A_313 = arith.constant 0 : i32
    %dma_start3A_314 = arith.constant 0 : i32
    %dma_start3A_315 = tpu.memref_slice %arg7[%dma_start3A_310, %dma_start3A_313, %dma_start3A_314] : memref<2x128x128xf32, #tpu.memory_space<vmem>> -> memref<1x128x128xf32, #tpu.memory_space<vmem>>
    %dma_start3A_316 = tpu.memref_squeeze %dma_start3A_315 : memref<1x128x128xf32, #tpu.memory_space<vmem>> -> memref<128x128xf32, #tpu.memory_space<vmem>>
    %dma_start3A_317 = arith.constant 0 : i32
    %dma_start3A_318 = tpu.memref_slice %arg6[%dma_start3A_311, %dma_start3A_312, %dma_start3A_317] : memref<4x2x128xi32, #tpu.memory_space<vmem>> -> memref<1x1x128xi32, #tpu.memory_space<vmem>>
    %dma_start3A_319 = tpu.memref_squeeze %dma_start3A_318 : memref<1x1x128xi32, #tpu.memory_space<vmem>> -> memref<128xi32, #tpu.memory_space<vmem>>
    %dma_start3A_320 = arith.constant 0 : i32
    %dma_start3A_321 = arith.constant 0 : i32
    %dma_start3A_322 = tpu.memref_slice %arg8[%dma_start3A_320, %dma_start3A_321] : memref<10008x128xf32, #tpu.memory_space<vmem_shared>> -> memref<10008x128xf32, #tpu.memory_space<vmem_shared>>
    tpu.enqueue_indirect_dma source(%dma_start3A_316 : memref<128x128xf32, #tpu.memory_space<vmem>>) target(%dma_start3A_322 : memref<10008x128xf32, #tpu.memory_space<vmem_shared>>) offsets(%dma_start3A_319 : memref<128xi32, #tpu.memory_space<vmem>>) semaphore(%arg12 : memref<!tpu.dma_semaphore, #tpu.memory_space<semaphore_mem>>) {add = true}
    %dma_wait3A_323 = arith.constant 0 : i32
    %dma_wait3A_324 = arith.constant 0 : i32
    %dma_wait3A_325 = arith.constant 1 : i32
    %dma_wait3A_326 = arith.constant 0 : i32
    %dma_wait3A_327 = arith.constant 0 : i32
    %dma_wait3A_328 = tpu.memref_slice %arg7[%dma_wait3A_323, %dma_wait3A_326, %dma_wait3A_327] : memref<2x128x128xf32, #tpu.memory_space<vmem>> -> memref<1x128x128xf32, #tpu.memory_space<vmem>>
    %dma_wait3A_329 = tpu.memref_squeeze %dma_wait3A_328 : memref<1x128x128xf32, #tpu.memory_space<vmem>> -> memref<128x128xf32, #tpu.memory_space<vmem>>
    %dma_wait3A_330 = arith.constant 0 : i32
    %dma_wait3A_331 = tpu.memref_slice %arg6[%dma_wait3A_324, %dma_wait3A_325, %dma_wait3A_330] : memref<4x2x128xi32, #tpu.memory_space<vmem>> -> memref<1x1x128xi32, #tpu.memory_space<vmem>>
    %dma_wait3A_332 = tpu.memref_squeeze %dma_wait3A_331 : memref<1x1x128xi32, #tpu.memory_space<vmem>> -> memref<128xi32, #tpu.memory_space<vmem>>
    %dma_wait3A_333 = arith.constant 0 : i32
    %dma_wait3A_334 = arith.constant 0 : i32
    %dma_wait3A_335 = tpu.memref_slice %arg8[%dma_wait3A_333, %dma_wait3A_334] : memref<10008x128xf32, #tpu.memory_space<vmem_shared>> -> memref<10008x128xf32, #tpu.memory_space<vmem_shared>>
    tpu.wait_indirect_dma semaphore(%arg11 : memref<!tpu.dma_semaphore, #tpu.memory_space<semaphore_mem>>) src(%dma_wait3A_329 : memref<128x128xf32, #tpu.memory_space<vmem>>) dst(%dma_wait3A_335 : memref<10008x128xf32, #tpu.memory_space<vmem_shared>>)
    %dma_wait3A_336 = arith.constant 1 : i32
    %dma_wait3A_337 = arith.constant 0 : i32
    %dma_wait3A_338 = arith.constant 1 : i32
    %dma_wait3A_339 = arith.constant 0 : i32
    %dma_wait3A_340 = arith.constant 0 : i32
    %dma_wait3A_341 = tpu.memref_slice %arg7[%dma_wait3A_336, %dma_wait3A_339, %dma_wait3A_340] : memref<2x128x128xf32, #tpu.memory_space<vmem>> -> memref<1x128x128xf32, #tpu.memory_space<vmem>>
    %dma_wait3A_342 = tpu.memref_squeeze %dma_wait3A_341 : memref<1x128x128xf32, #tpu.memory_space<vmem>> -> memref<128x128xf32, #tpu.memory_space<vmem>>
    %dma_wait3A_343 = arith.constant 0 : i32
    %dma_wait3A_344 = tpu.memref_slice %arg6[%dma_wait3A_337, %dma_wait3A_338, %dma_wait3A_343] : memref<4x2x128xi32, #tpu.memory_space<vmem>> -> memref<1x1x128xi32, #tpu.memory_space<vmem>>
    %dma_wait3A_345 = tpu.memref_squeeze %dma_wait3A_344 : memref<1x1x128xi32, #tpu.memory_space<vmem>> -> memref<128xi32, #tpu.memory_space<vmem>>
    %dma_wait3A_346 = arith.constant 0 : i32
    %dma_wait3A_347 = arith.constant 0 : i32
    %dma_wait3A_348 = tpu.memref_slice %arg8[%dma_wait3A_346, %dma_wait3A_347] : memref<10008x128xf32, #tpu.memory_space<vmem_shared>> -> memref<10008x128xf32, #tpu.memory_space<vmem_shared>>
    tpu.wait_indirect_dma semaphore(%arg12 : memref<!tpu.dma_semaphore, #tpu.memory_space<semaphore_mem>>) src(%dma_wait3A_342 : memref<128x128xf32, #tpu.memory_space<vmem>>) dst(%dma_wait3A_348 : memref<10008x128xf32, #tpu.memory_space<vmem_shared>>)
    %barrier3A_349 = arith.constant 0 : index
    tpu.barrier barrier_id(%barrier3A_349)
    %mul3A_350 = arith.constant 632 : i32
    %mul3A_351 = arith.muli %arg1, %mul3A_350 : i32
    %lt3A_352 = arith.constant 15 : i32
    %lt3A_353 = arith.cmpi slt, %arg1, %lt3A_352 : i32
    %convert_element_type3A_354 = arith.extui %lt3A_353 : i1 to i32
    %cond3A_355 = arith.constant 0 : i32
    %cond3A_356 = arith.cmpi ne, %convert_element_type3A_354, %cond3A_355 : i32
    scf.if %cond3A_356 {
      "tpu.region"() ({
        %run_scoped3A = tpu.sem_alloc : memref<!tpu.dma_semaphore, #tpu.memory_space<semaphore_mem>>
        %dma_start3A_362 = arith.constant 0 : i32
        %dma_start3A_363 = arith.constant 0 : i32
        %dma_start3A_364 = tpu.memref_slice %arg5[%arg0, %dma_start3A_362, %dma_start3A_363] : memref<2x10000x128xf32, #tpu.memory_space<hbm>> -> memref<1x10000x128xf32, #tpu.memory_space<hbm>>
        %dma_start3A_365 = tpu.memref_squeeze %dma_start3A_364 : memref<1x10000x128xf32, #tpu.memory_space<hbm>> -> memref<10000x128xf32, #tpu.memory_space<hbm>>
        %dma_start3A_366 = arith.constant 0 : i32
        %dma_start3A_367 = tpu.memref_slice %dma_start3A_365[%mul3A_351, %dma_start3A_366] : memref<10000x128xf32, #tpu.memory_space<hbm>> -> memref<632x128xf32, #tpu.memory_space<hbm>>
        %dma_start3A_368 = arith.constant 0 : i32
        %dma_start3A_369 = tpu.memref_slice %arg8[%mul3A_351, %dma_start3A_368] : memref<10008x128xf32, #tpu.memory_space<vmem_shared>> -> memref<632x128xf32, #tpu.memory_space<vmem_shared>>
        tpu.enqueue_dma source(%dma_start3A_369 : memref<632x128xf32, #tpu.memory_space<vmem_shared>>) target(%dma_start3A_367 : memref<632x128xf32, #tpu.memory_space<hbm>>) target_semaphore(%run_scoped3A : memref<!tpu.dma_semaphore, #tpu.memory_space<semaphore_mem>>)
        %dma_wait3A_370 = arith.constant 0 : i32
        %dma_wait3A_371 = arith.constant 0 : i32
        %dma_wait3A_372 = tpu.memref_slice %arg5[%arg0, %dma_wait3A_370, %dma_wait3A_371] : memref<2x10000x128xf32, #tpu.memory_space<hbm>> -> memref<1x10000x128xf32, #tpu.memory_space<hbm>>
        %dma_wait3A_373 = tpu.memref_squeeze %dma_wait3A_372 : memref<1x10000x128xf32, #tpu.memory_space<hbm>> -> memref<10000x128xf32, #tpu.memory_space<hbm>>
        %dma_wait3A_374 = arith.constant 0 : i32
        %dma_wait3A_375 = tpu.memref_slice %dma_wait3A_373[%mul3A_351, %dma_wait3A_374] : memref<10000x128xf32, #tpu.memory_space<hbm>> -> memref<632x128xf32, #tpu.memory_space<hbm>>
        %dma_wait3A_376 = arith.constant 0 : i32
        %dma_wait3A_377 = tpu.memref_slice %arg8[%mul3A_351, %dma_wait3A_376] : memref<10008x128xf32, #tpu.memory_space<vmem_shared>> -> memref<632x128xf32, #tpu.memory_space<vmem_shared>>
        tpu.wait_dma2 semaphore(%run_scoped3A : memref<!tpu.dma_semaphore, #tpu.memory_space<semaphore_mem>>) src(%dma_wait3A_377 : memref<632x128xf32, #tpu.memory_space<vmem_shared>>) dst(%dma_wait3A_375 : memref<632x128xf32, #tpu.memory_space<hbm>>)
        tpu.yield
      }) : () -> ()
    } else {
    }
    %eq3A_357 = arith.constant 15 : i32
    %eq3A_358 = arith.cmpi eq, %arg1, %eq3A_357 : i32
    %convert_element_type3A_359 = arith.extui %eq3A_358 : i1 to i32
    %cond3A_360 = arith.constant 0 : i32
    %cond3A_361 = arith.cmpi ne, %convert_element_type3A_359, %cond3A_360 : i32
    scf.if %cond3A_361 {
      "tpu.region"() ({
        %run_scoped3A = tpu.sem_alloc : memref<!tpu.dma_semaphore, #tpu.memory_space<semaphore_mem>>
        %dma_start3A_362 = arith.constant 0 : i32
        %dma_start3A_363 = arith.constant 0 : i32
        %dma_start3A_364 = tpu.memref_slice %arg5[%arg0, %dma_start3A_362, %dma_start3A_363] : memref<2x10000x128xf32, #tpu.memory_space<hbm>> -> memref<1x10000x128xf32, #tpu.memory_space<hbm>>
        %dma_start3A_365 = tpu.memref_squeeze %dma_start3A_364 : memref<1x10000x128xf32, #tpu.memory_space<hbm>> -> memref<10000x128xf32, #tpu.memory_space<hbm>>
        %dma_start3A_366 = arith.constant 0 : i32
        %dma_start3A_367 = tpu.memref_slice %dma_start3A_365[%mul3A_351, %dma_start3A_366] : memref<10000x128xf32, #tpu.memory_space<hbm>> -> memref<520x128xf32, #tpu.memory_space<hbm>>
        %dma_start3A_368 = arith.constant 0 : i32
        %dma_start3A_369 = tpu.memref_slice %arg8[%mul3A_351, %dma_start3A_368] : memref<10008x128xf32, #tpu.memory_space<vmem_shared>> -> memref<520x128xf32, #tpu.memory_space<vmem_shared>>
        tpu.enqueue_dma source(%dma_start3A_369 : memref<520x128xf32, #tpu.memory_space<vmem_shared>>) target(%dma_start3A_367 : memref<520x128xf32, #tpu.memory_space<hbm>>) target_semaphore(%run_scoped3A : memref<!tpu.dma_semaphore, #tpu.memory_space<semaphore_mem>>)
        %dma_wait3A_370 = arith.constant 0 : i32
        %dma_wait3A_371 = arith.constant 0 : i32
        %dma_wait3A_372 = tpu.memref_slice %arg5[%arg0, %dma_wait3A_370, %dma_wait3A_371] : memref<2x10000x128xf32, #tpu.memory_space<hbm>> -> memref<1x10000x128xf32, #tpu.memory_space<hbm>>
        %dma_wait3A_373 = tpu.memref_squeeze %dma_wait3A_372 : memref<1x10000x128xf32, #tpu.memory_space<hbm>> -> memref<10000x128xf32, #tpu.memory_space<hbm>>
        %dma_wait3A_374 = arith.constant 0 : i32
        %dma_wait3A_375 = tpu.memref_slice %dma_wait3A_373[%mul3A_351, %dma_wait3A_374] : memref<10000x128xf32, #tpu.memory_space<hbm>> -> memref<520x128xf32, #tpu.memory_space<hbm>>
        %dma_wait3A_376 = arith.constant 0 : i32
        %dma_wait3A_377 = tpu.memref_slice %arg8[%mul3A_351, %dma_wait3A_376] : memref<10008x128xf32, #tpu.memory_space<vmem_shared>> -> memref<520x128xf32, #tpu.memory_space<vmem_shared>>
        tpu.wait_dma2 semaphore(%run_scoped3A : memref<!tpu.dma_semaphore, #tpu.memory_space<semaphore_mem>>) src(%dma_wait3A_377 : memref<520x128xf32, #tpu.memory_space<vmem_shared>>) dst(%dma_wait3A_375 : memref<520x128xf32, #tpu.memory_space<hbm>>)
        tpu.yield
      }) : () -> ()
    } else {
    }
    return
  }
}

#map = affine_map<(d0, d1) -> (0, 0)>
#map1 = affine_map<(d0, d1) -> (0, 0, 0)>
module attributes {stable_mosaic.version = 14 : i64} {
  func.func @_sc_agg(%arg0: i32, %arg1: i32, %arg2: memref<10000x128xf32, #tpu.memory_space<hbm>>, %arg3: memref<2x320000xi32, #tpu.memory_space<hbm>>, %arg4: memref<632x128xf32, #tpu.memory_space<hbm>>, %arg5: memref<2x10000x128xf32, #tpu.memory_space<hbm>>, %arg6: memref<4x2x128xi32, #tpu.memory_space<vmem>>, %arg7: memref<2x128x128xf32, #tpu.memory_space<vmem>>, %arg8: memref<10008x128xf32, #tpu.memory_space<vmem_shared>>, %arg9: memref<!tpu.dma_semaphore, #tpu.memory_space<semaphore_mem>>, %arg10: memref<!tpu.dma_semaphore, #tpu.memory_space<semaphore_mem>>, %arg11: memref<!tpu.dma_semaphore, #tpu.memory_space<semaphore_mem>>, %arg12: memref<!tpu.dma_semaphore, #tpu.memory_space<semaphore_mem>>) attributes {dimension_semantics = [#tpu.dimension_semantics<core_parallel>, #tpu.dimension_semantics<subcore_parallel>], iteration_bounds = array<i64: 2, 16>, scalar_prefetch = 0 : i64, scratch_operands = 7 : i64, tpu.core_type = #tpu.core_type<sc_vector_subcore>, window_params = [{transform_indices = #map}, {transform_indices = #map}, {transform_indices = #map}, {transform_indices = #map1}]} {
    %mul3A = arith.constant 16 : i32
    %mul3A_0 = arith.muli %arg0, %mul3A : i32
    %add3A = arith.addi %mul3A_0, %arg1 : i32
    %mul3A_1 = arith.constant 10240 : i32
    %mul3A_2 = arith.muli %add3A, %mul3A_1 : i32
    %add3A_3 = arith.constant 0 : i32
    %add3A_4 = arith.addi %mul3A_2, %add3A_3 : i32
    %dma_start3A = arith.constant 0 : i32
    %dma_start3A_5 = arith.constant 0 : i32
    %dma_start3A_6 = arith.constant 0 : i32
    %dma_start3A_7 = tpu.memref_slice %arg6[%dma_start3A, %dma_start3A_5, %dma_start3A_6] : memref<4x2x128xi32, #tpu.memory_space<vmem>> -> memref<1x2x128xi32, #tpu.memory_space<vmem>>
    %dma_start3A_8 = tpu.memref_squeeze %dma_start3A_7 : memref<1x2x128xi32, #tpu.memory_space<vmem>> -> memref<2x128xi32, #tpu.memory_space<vmem>>
    %dma_start3A_9 = arith.constant 0 : i32
    %dma_start3A_10 = tpu.memref_slice %arg3[%dma_start3A_9, %add3A_4] : memref<2x320000xi32, #tpu.memory_space<hbm>> -> memref<2x128xi32, #tpu.memory_space<hbm>>
    %dma_start3A_11 = arith.constant 0 : i32
    %dma_start3A_12 = arith.constant 0 : i32
    %dma_start3A_13 = tpu.memref_slice %arg6[%dma_start3A, %dma_start3A_11, %dma_start3A_12] : memref<4x2x128xi32, #tpu.memory_space<vmem>> -> memref<1x2x128xi32, #tpu.memory_space<vmem>>
    %dma_start3A_14 = tpu.memref_squeeze %dma_start3A_13 : memref<1x2x128xi32, #tpu.memory_space<vmem>> -> memref<2x128xi32, #tpu.memory_space<vmem>>
    %dma_start3A_15 = arith.constant 0 : i32
    %dma_start3A_16 = tpu.memref_slice %arg3[%dma_start3A_15, %add3A_4] : memref<2x320000xi32, #tpu.memory_space<hbm>> -> memref<2x128xi32, #tpu.memory_space<hbm>>
    tpu.enqueue_dma source(%dma_start3A_16 : memref<2x128xi32, #tpu.memory_space<hbm>>) target(%dma_start3A_14 : memref<2x128xi32, #tpu.memory_space<vmem>>) target_semaphore(%arg9 : memref<!tpu.dma_semaphore, #tpu.memory_space<semaphore_mem>>)
    %add3A_17 = arith.constant 128 : i32
    %add3A_18 = arith.addi %mul3A_2, %add3A_17 : i32
    %dma_start3A_19 = arith.constant 1 : i32
    %dma_start3A_20 = arith.constant 0 : i32
    %dma_start3A_21 = arith.constant 0 : i32
    %dma_start3A_22 = tpu.memref_slice %arg6[%dma_start3A_19, %dma_start3A_20, %dma_start3A_21] : memref<4x2x128xi32, #tpu.memory_space<vmem>> -> memref<1x2x128xi32, #tpu.memory_space<vmem>>
    %dma_start3A_23 = tpu.memref_squeeze %dma_start3A_22 : memref<1x2x128xi32, #tpu.memory_space<vmem>> -> memref<2x128xi32, #tpu.memory_space<vmem>>
    %dma_start3A_24 = arith.constant 0 : i32
    %dma_start3A_25 = tpu.memref_slice %arg3[%dma_start3A_24, %add3A_18] : memref<2x320000xi32, #tpu.memory_space<hbm>> -> memref<2x128xi32, #tpu.memory_space<hbm>>
    %dma_start3A_26 = arith.constant 0 : i32
    %dma_start3A_27 = arith.constant 0 : i32
    %dma_start3A_28 = tpu.memref_slice %arg6[%dma_start3A_19, %dma_start3A_26, %dma_start3A_27] : memref<4x2x128xi32, #tpu.memory_space<vmem>> -> memref<1x2x128xi32, #tpu.memory_space<vmem>>
    %dma_start3A_29 = tpu.memref_squeeze %dma_start3A_28 : memref<1x2x128xi32, #tpu.memory_space<vmem>> -> memref<2x128xi32, #tpu.memory_space<vmem>>
    %dma_start3A_30 = arith.constant 0 : i32
    %dma_start3A_31 = tpu.memref_slice %arg3[%dma_start3A_30, %add3A_18] : memref<2x320000xi32, #tpu.memory_space<hbm>> -> memref<2x128xi32, #tpu.memory_space<hbm>>
    tpu.enqueue_dma source(%dma_start3A_31 : memref<2x128xi32, #tpu.memory_space<hbm>>) target(%dma_start3A_29 : memref<2x128xi32, #tpu.memory_space<vmem>>) target_semaphore(%arg9 : memref<!tpu.dma_semaphore, #tpu.memory_space<semaphore_mem>>)
    %mul3A_32 = arith.constant 632 : i32
    %mul3A_33 = arith.muli %arg1, %mul3A_32 : i32
    %lt3A = arith.constant 15 : i32
    %lt3A_34 = arith.cmpi slt, %arg1, %lt3A : i32
    %convert_element_type3A = arith.extui %lt3A_34 : i1 to i32
    %cond3A = arith.constant 0 : i32
    %cond3A_35 = arith.cmpi ne, %convert_element_type3A, %cond3A : i32
    scf.if %cond3A_35 {
      "tpu.region"() ({
        %run_scoped3A = tpu.sem_alloc : memref<!tpu.dma_semaphore, #tpu.memory_space<semaphore_mem>>
        %dma_start3A_362 = arith.constant 0 : i32
        %dma_start3A_363 = tpu.memref_slice %arg8[%mul3A_33, %dma_start3A_362] : memref<10008x128xf32, #tpu.memory_space<vmem_shared>> -> memref<632x128xf32, #tpu.memory_space<vmem_shared>>
        tpu.enqueue_dma source(%arg4 : memref<632x128xf32, #tpu.memory_space<hbm>>) target(%dma_start3A_363 : memref<632x128xf32, #tpu.memory_space<vmem_shared>>) target_semaphore(%run_scoped3A : memref<!tpu.dma_semaphore, #tpu.memory_space<semaphore_mem>>)
        %dma_wait3A_364 = arith.constant 0 : i32
        %dma_wait3A_365 = tpu.memref_slice %arg8[%mul3A_33, %dma_wait3A_364] : memref<10008x128xf32, #tpu.memory_space<vmem_shared>> -> memref<632x128xf32, #tpu.memory_space<vmem_shared>>
        tpu.wait_dma2 semaphore(%run_scoped3A : memref<!tpu.dma_semaphore, #tpu.memory_space<semaphore_mem>>) src(%arg4 : memref<632x128xf32, #tpu.memory_space<hbm>>) dst(%dma_wait3A_365 : memref<632x128xf32, #tpu.memory_space<vmem_shared>>)
        tpu.yield
      }) : () -> ()
    } else {
    }
    %eq3A = arith.constant 15 : i32
    %eq3A_36 = arith.cmpi eq, %arg1, %eq3A : i32
    %convert_element_type3A_37 = arith.extui %eq3A_36 : i1 to i32
    %cond3A_38 = arith.constant 0 : i32
    %cond3A_39 = arith.cmpi ne, %convert_element_type3A_37, %cond3A_38 : i32
    scf.if %cond3A_39 {
      "tpu.region"() ({
        %run_scoped3A = tpu.sem_alloc : memref<!tpu.dma_semaphore, #tpu.memory_space<semaphore_mem>>
        %dma_start3A_362 = arith.constant 0 : i32
        %dma_start3A_363 = tpu.memref_slice %arg8[%mul3A_33, %dma_start3A_362] : memref<10008x128xf32, #tpu.memory_space<vmem_shared>> -> memref<528x128xf32, #tpu.memory_space<vmem_shared>>
        %dma_start3A_364 = arith.constant 0 : i32
        %dma_start3A_365 = arith.constant 0 : i32
        %dma_start3A_366 = tpu.memref_slice %arg4[%dma_start3A_364, %dma_start3A_365] : memref<632x128xf32, #tpu.memory_space<hbm>> -> memref<528x128xf32, #tpu.memory_space<hbm>>
        tpu.enqueue_dma source(%dma_start3A_366 : memref<528x128xf32, #tpu.memory_space<hbm>>) target(%dma_start3A_363 : memref<528x128xf32, #tpu.memory_space<vmem_shared>>) target_semaphore(%run_scoped3A : memref<!tpu.dma_semaphore, #tpu.memory_space<semaphore_mem>>)
        %dma_wait3A_367 = arith.constant 0 : i32
        %dma_wait3A_368 = tpu.memref_slice %arg8[%mul3A_33, %dma_wait3A_367] : memref<10008x128xf32, #tpu.memory_space<vmem_shared>> -> memref<528x128xf32, #tpu.memory_space<vmem_shared>>
        %dma_wait3A_369 = arith.constant 0 : i32
        %dma_wait3A_370 = arith.constant 0 : i32
        %dma_wait3A_371 = tpu.memref_slice %arg4[%dma_wait3A_369, %dma_wait3A_370] : memref<632x128xf32, #tpu.memory_space<hbm>> -> memref<528x128xf32, #tpu.memory_space<hbm>>
        tpu.wait_dma2 semaphore(%run_scoped3A : memref<!tpu.dma_semaphore, #tpu.memory_space<semaphore_mem>>) src(%dma_wait3A_371 : memref<528x128xf32, #tpu.memory_space<hbm>>) dst(%dma_wait3A_368 : memref<528x128xf32, #tpu.memory_space<vmem_shared>>)
        tpu.yield
      }) : () -> ()
    } else {
    }
    %barrier3A = arith.constant 0 : index
    tpu.barrier barrier_id(%barrier3A)
    %add3A_40 = arith.constant 256 : i32
    %add3A_41 = arith.addi %mul3A_2, %add3A_40 : i32
    %dma_start3A_42 = arith.constant 2 : i32
    %dma_start3A_43 = arith.constant 0 : i32
    %dma_start3A_44 = arith.constant 0 : i32
    %dma_start3A_45 = tpu.memref_slice %arg6[%dma_start3A_42, %dma_start3A_43, %dma_start3A_44] : memref<4x2x128xi32, #tpu.memory_space<vmem>> -> memref<1x2x128xi32, #tpu.memory_space<vmem>>
    %dma_start3A_46 = tpu.memref_squeeze %dma_start3A_45 : memref<1x2x128xi32, #tpu.memory_space<vmem>> -> memref<2x128xi32, #tpu.memory_space<vmem>>
    %dma_start3A_47 = arith.constant 0 : i32
    %dma_start3A_48 = tpu.memref_slice %arg3[%dma_start3A_47, %add3A_41] : memref<2x320000xi32, #tpu.memory_space<hbm>> -> memref<2x128xi32, #tpu.memory_space<hbm>>
    %dma_start3A_49 = arith.constant 0 : i32
    %dma_start3A_50 = arith.constant 0 : i32
    %dma_start3A_51 = tpu.memref_slice %arg6[%dma_start3A_42, %dma_start3A_49, %dma_start3A_50] : memref<4x2x128xi32, #tpu.memory_space<vmem>> -> memref<1x2x128xi32, #tpu.memory_space<vmem>>
    %dma_start3A_52 = tpu.memref_squeeze %dma_start3A_51 : memref<1x2x128xi32, #tpu.memory_space<vmem>> -> memref<2x128xi32, #tpu.memory_space<vmem>>
    %dma_start3A_53 = arith.constant 0 : i32
    %dma_start3A_54 = tpu.memref_slice %arg3[%dma_start3A_53, %add3A_41] : memref<2x320000xi32, #tpu.memory_space<hbm>> -> memref<2x128xi32, #tpu.memory_space<hbm>>
    tpu.enqueue_dma source(%dma_start3A_54 : memref<2x128xi32, #tpu.memory_space<hbm>>) target(%dma_start3A_52 : memref<2x128xi32, #tpu.memory_space<vmem>>) target_semaphore(%arg9 : memref<!tpu.dma_semaphore, #tpu.memory_space<semaphore_mem>>)
    %dma_wait3A = arith.constant 0 : i32
    %dma_wait3A_55 = arith.constant 0 : i32
    %dma_wait3A_56 = arith.constant 0 : i32
    %dma_wait3A_57 = tpu.memref_slice %arg6[%dma_wait3A, %dma_wait3A_55, %dma_wait3A_56] : memref<4x2x128xi32, #tpu.memory_space<vmem>> -> memref<1x2x128xi32, #tpu.memory_space<vmem>>
    %dma_wait3A_58 = tpu.memref_squeeze %dma_wait3A_57 : memref<1x2x128xi32, #tpu.memory_space<vmem>> -> memref<2x128xi32, #tpu.memory_space<vmem>>
    %dma_wait3A_59 = arith.constant 0 : i32
    %dma_wait3A_60 = tpu.memref_slice %arg3[%dma_wait3A_59, %mul3A_2] : memref<2x320000xi32, #tpu.memory_space<hbm>> -> memref<2x128xi32, #tpu.memory_space<hbm>>
    %dma_wait3A_61 = arith.constant 0 : i32
    %dma_wait3A_62 = arith.constant 0 : i32
    %dma_wait3A_63 = tpu.memref_slice %arg6[%dma_wait3A, %dma_wait3A_61, %dma_wait3A_62] : memref<4x2x128xi32, #tpu.memory_space<vmem>> -> memref<1x2x128xi32, #tpu.memory_space<vmem>>
    %dma_wait3A_64 = tpu.memref_squeeze %dma_wait3A_63 : memref<1x2x128xi32, #tpu.memory_space<vmem>> -> memref<2x128xi32, #tpu.memory_space<vmem>>
    %dma_wait3A_65 = arith.constant 0 : i32
    %dma_wait3A_66 = tpu.memref_slice %arg3[%dma_wait3A_65, %mul3A_2] : memref<2x320000xi32, #tpu.memory_space<hbm>> -> memref<2x128xi32, #tpu.memory_space<hbm>>
    tpu.wait_dma2 semaphore(%arg9 : memref<!tpu.dma_semaphore, #tpu.memory_space<semaphore_mem>>) src(%dma_wait3A_66 : memref<2x128xi32, #tpu.memory_space<hbm>>) dst(%dma_wait3A_64 : memref<2x128xi32, #tpu.memory_space<vmem>>)
    %dma_start3A_67 = arith.constant 0 : i32
    %dma_start3A_68 = arith.constant 0 : i32
    %dma_start3A_69 = arith.constant 0 : i32
    %dma_start3A_70 = arith.constant 0 : i32
    %dma_start3A_71 = arith.constant 0 : i32
    %dma_start3A_72 = tpu.memref_slice %arg7[%dma_start3A_69, %dma_start3A_70, %dma_start3A_71] : memref<2x128x128xf32, #tpu.memory_space<vmem>> -> memref<1x128x128xf32, #tpu.memory_space<vmem>>
    %dma_start3A_73 = tpu.memref_squeeze %dma_start3A_72 : memref<1x128x128xf32, #tpu.memory_space<vmem>> -> memref<128x128xf32, #tpu.memory_space<vmem>>
    %dma_start3A_74 = arith.constant 0 : i32
    %dma_start3A_75 = tpu.memref_slice %arg6[%dma_start3A_67, %dma_start3A_68, %dma_start3A_74] : memref<4x2x128xi32, #tpu.memory_space<vmem>> -> memref<1x1x128xi32, #tpu.memory_space<vmem>>
    %dma_start3A_76 = tpu.memref_squeeze %dma_start3A_75 : memref<1x1x128xi32, #tpu.memory_space<vmem>> -> memref<128xi32, #tpu.memory_space<vmem>>
    %dma_start3A_77 = arith.constant 0 : i32
    %dma_start3A_78 = arith.constant 0 : i32
    %dma_start3A_79 = tpu.memref_slice %arg2[%dma_start3A_77, %dma_start3A_78] : memref<10000x128xf32, #tpu.memory_space<hbm>> -> memref<10000x128xf32, #tpu.memory_space<hbm>>
    tpu.enqueue_indirect_dma source(%dma_start3A_79 : memref<10000x128xf32, #tpu.memory_space<hbm>>) target(%dma_start3A_73 : memref<128x128xf32, #tpu.memory_space<vmem>>) offsets(%dma_start3A_76 : memref<128xi32, #tpu.memory_space<vmem>>) semaphore(%arg10 : memref<!tpu.dma_semaphore, #tpu.memory_space<semaphore_mem>>)
    %dma_wait3A_80 = arith.constant 0 : i32
    %dma_wait3A_81 = arith.constant 0 : i32
    %dma_wait3A_82 = arith.constant 0 : i32
    %dma_wait3A_83 = arith.constant 0 : i32
    %dma_wait3A_84 = arith.constant 0 : i32
    %dma_wait3A_85 = tpu.memref_slice %arg7[%dma_wait3A_82, %dma_wait3A_83, %dma_wait3A_84] : memref<2x128x128xf32, #tpu.memory_space<vmem>> -> memref<1x128x128xf32, #tpu.memory_space<vmem>>
    %dma_wait3A_86 = tpu.memref_squeeze %dma_wait3A_85 : memref<1x128x128xf32, #tpu.memory_space<vmem>> -> memref<128x128xf32, #tpu.memory_space<vmem>>
    %dma_wait3A_87 = arith.constant 0 : i32
    %dma_wait3A_88 = tpu.memref_slice %arg6[%dma_wait3A_80, %dma_wait3A_81, %dma_wait3A_87] : memref<4x2x128xi32, #tpu.memory_space<vmem>> -> memref<1x1x128xi32, #tpu.memory_space<vmem>>
    %dma_wait3A_89 = tpu.memref_squeeze %dma_wait3A_88 : memref<1x1x128xi32, #tpu.memory_space<vmem>> -> memref<128xi32, #tpu.memory_space<vmem>>
    %dma_wait3A_90 = arith.constant 0 : i32
    %dma_wait3A_91 = arith.constant 0 : i32
    %dma_wait3A_92 = tpu.memref_slice %arg2[%dma_wait3A_90, %dma_wait3A_91] : memref<10000x128xf32, #tpu.memory_space<hbm>> -> memref<10000x128xf32, #tpu.memory_space<hbm>>
    tpu.wait_indirect_dma semaphore(%arg10 : memref<!tpu.dma_semaphore, #tpu.memory_space<semaphore_mem>>) src(%dma_wait3A_92 : memref<10000x128xf32, #tpu.memory_space<hbm>>) dst(%dma_wait3A_86 : memref<128x128xf32, #tpu.memory_space<vmem>>)
    %dma_start3A_93 = arith.constant 0 : i32
    %dma_start3A_94 = arith.constant 0 : i32
    %dma_start3A_95 = arith.constant 1 : i32
    %dma_start3A_96 = arith.constant 0 : i32
    %dma_start3A_97 = arith.constant 0 : i32
    %dma_start3A_98 = tpu.memref_slice %arg7[%dma_start3A_93, %dma_start3A_96, %dma_start3A_97] : memref<2x128x128xf32, #tpu.memory_space<vmem>> -> memref<1x128x128xf32, #tpu.memory_space<vmem>>
    %dma_start3A_99 = tpu.memref_squeeze %dma_start3A_98 : memref<1x128x128xf32, #tpu.memory_space<vmem>> -> memref<128x128xf32, #tpu.memory_space<vmem>>
    %dma_start3A_100 = arith.constant 0 : i32
    %dma_start3A_101 = tpu.memref_slice %arg6[%dma_start3A_94, %dma_start3A_95, %dma_start3A_100] : memref<4x2x128xi32, #tpu.memory_space<vmem>> -> memref<1x1x128xi32, #tpu.memory_space<vmem>>
    %dma_start3A_102 = tpu.memref_squeeze %dma_start3A_101 : memref<1x1x128xi32, #tpu.memory_space<vmem>> -> memref<128xi32, #tpu.memory_space<vmem>>
    %dma_start3A_103 = arith.constant 0 : i32
    %dma_start3A_104 = arith.constant 0 : i32
    %dma_start3A_105 = tpu.memref_slice %arg8[%dma_start3A_103, %dma_start3A_104] : memref<10008x128xf32, #tpu.memory_space<vmem_shared>> -> memref<10008x128xf32, #tpu.memory_space<vmem_shared>>
    tpu.enqueue_indirect_dma source(%dma_start3A_99 : memref<128x128xf32, #tpu.memory_space<vmem>>) target(%dma_start3A_105 : memref<10008x128xf32, #tpu.memory_space<vmem_shared>>) offsets(%dma_start3A_102 : memref<128xi32, #tpu.memory_space<vmem>>) semaphore(%arg11 : memref<!tpu.dma_semaphore, #tpu.memory_space<semaphore_mem>>) {add = true}
    %add3A_106 = arith.constant 384 : i32
    %add3A_107 = arith.addi %mul3A_2, %add3A_106 : i32
    %dma_start3A_108 = arith.constant 3 : i32
    %dma_start3A_109 = arith.constant 0 : i32
    %dma_start3A_110 = arith.constant 0 : i32
    %dma_start3A_111 = tpu.memref_slice %arg6[%dma_start3A_108, %dma_start3A_109, %dma_start3A_110] : memref<4x2x128xi32, #tpu.memory_space<vmem>> -> memref<1x2x128xi32, #tpu.memory_space<vmem>>
    %dma_start3A_112 = tpu.memref_squeeze %dma_start3A_111 : memref<1x2x128xi32, #tpu.memory_space<vmem>> -> memref<2x128xi32, #tpu.memory_space<vmem>>
    %dma_start3A_113 = arith.constant 0 : i32
    %dma_start3A_114 = tpu.memref_slice %arg3[%dma_start3A_113, %add3A_107] : memref<2x320000xi32, #tpu.memory_space<hbm>> -> memref<2x128xi32, #tpu.memory_space<hbm>>
    %dma_start3A_115 = arith.constant 0 : i32
    %dma_start3A_116 = arith.constant 0 : i32
    %dma_start3A_117 = tpu.memref_slice %arg6[%dma_start3A_108, %dma_start3A_115, %dma_start3A_116] : memref<4x2x128xi32, #tpu.memory_space<vmem>> -> memref<1x2x128xi32, #tpu.memory_space<vmem>>
    %dma_start3A_118 = tpu.memref_squeeze %dma_start3A_117 : memref<1x2x128xi32, #tpu.memory_space<vmem>> -> memref<2x128xi32, #tpu.memory_space<vmem>>
    %dma_start3A_119 = arith.constant 0 : i32
    %dma_start3A_120 = tpu.memref_slice %arg3[%dma_start3A_119, %add3A_107] : memref<2x320000xi32, #tpu.memory_space<hbm>> -> memref<2x128xi32, #tpu.memory_space<hbm>>
    tpu.enqueue_dma source(%dma_start3A_120 : memref<2x128xi32, #tpu.memory_space<hbm>>) target(%dma_start3A_118 : memref<2x128xi32, #tpu.memory_space<vmem>>) target_semaphore(%arg9 : memref<!tpu.dma_semaphore, #tpu.memory_space<semaphore_mem>>)
    %dma_wait3A_121 = arith.constant 1 : i32
    %dma_wait3A_122 = arith.constant 0 : i32
    %dma_wait3A_123 = arith.constant 0 : i32
    %dma_wait3A_124 = tpu.memref_slice %arg6[%dma_wait3A_121, %dma_wait3A_122, %dma_wait3A_123] : memref<4x2x128xi32, #tpu.memory_space<vmem>> -> memref<1x2x128xi32, #tpu.memory_space<vmem>>
    %dma_wait3A_125 = tpu.memref_squeeze %dma_wait3A_124 : memref<1x2x128xi32, #tpu.memory_space<vmem>> -> memref<2x128xi32, #tpu.memory_space<vmem>>
    %dma_wait3A_126 = arith.constant 0 : i32
    %dma_wait3A_127 = tpu.memref_slice %arg3[%dma_wait3A_126, %mul3A_2] : memref<2x320000xi32, #tpu.memory_space<hbm>> -> memref<2x128xi32, #tpu.memory_space<hbm>>
    %dma_wait3A_128 = arith.constant 0 : i32
    %dma_wait3A_129 = arith.constant 0 : i32
    %dma_wait3A_130 = tpu.memref_slice %arg6[%dma_wait3A_121, %dma_wait3A_128, %dma_wait3A_129] : memref<4x2x128xi32, #tpu.memory_space<vmem>> -> memref<1x2x128xi32, #tpu.memory_space<vmem>>
    %dma_wait3A_131 = tpu.memref_squeeze %dma_wait3A_130 : memref<1x2x128xi32, #tpu.memory_space<vmem>> -> memref<2x128xi32, #tpu.memory_space<vmem>>
    %dma_wait3A_132 = arith.constant 0 : i32
    %dma_wait3A_133 = tpu.memref_slice %arg3[%dma_wait3A_132, %mul3A_2] : memref<2x320000xi32, #tpu.memory_space<hbm>> -> memref<2x128xi32, #tpu.memory_space<hbm>>
    tpu.wait_dma2 semaphore(%arg9 : memref<!tpu.dma_semaphore, #tpu.memory_space<semaphore_mem>>) src(%dma_wait3A_133 : memref<2x128xi32, #tpu.memory_space<hbm>>) dst(%dma_wait3A_131 : memref<2x128xi32, #tpu.memory_space<vmem>>)
    %dma_start3A_134 = arith.constant 1 : i32
    %dma_start3A_135 = arith.constant 0 : i32
    %dma_start3A_136 = arith.constant 1 : i32
    %dma_start3A_137 = arith.constant 0 : i32
    %dma_start3A_138 = arith.constant 0 : i32
    %dma_start3A_139 = tpu.memref_slice %arg7[%dma_start3A_136, %dma_start3A_137, %dma_start3A_138] : memref<2x128x128xf32, #tpu.memory_space<vmem>> -> memref<1x128x128xf32, #tpu.memory_space<vmem>>
    %dma_start3A_140 = tpu.memref_squeeze %dma_start3A_139 : memref<1x128x128xf32, #tpu.memory_space<vmem>> -> memref<128x128xf32, #tpu.memory_space<vmem>>
    %dma_start3A_141 = arith.constant 0 : i32
    %dma_start3A_142 = tpu.memref_slice %arg6[%dma_start3A_134, %dma_start3A_135, %dma_start3A_141] : memref<4x2x128xi32, #tpu.memory_space<vmem>> -> memref<1x1x128xi32, #tpu.memory_space<vmem>>
    %dma_start3A_143 = tpu.memref_squeeze %dma_start3A_142 : memref<1x1x128xi32, #tpu.memory_space<vmem>> -> memref<128xi32, #tpu.memory_space<vmem>>
    %dma_start3A_144 = arith.constant 0 : i32
    %dma_start3A_145 = arith.constant 0 : i32
    %dma_start3A_146 = tpu.memref_slice %arg2[%dma_start3A_144, %dma_start3A_145] : memref<10000x128xf32, #tpu.memory_space<hbm>> -> memref<10000x128xf32, #tpu.memory_space<hbm>>
    tpu.enqueue_indirect_dma source(%dma_start3A_146 : memref<10000x128xf32, #tpu.memory_space<hbm>>) target(%dma_start3A_140 : memref<128x128xf32, #tpu.memory_space<vmem>>) offsets(%dma_start3A_143 : memref<128xi32, #tpu.memory_space<vmem>>) semaphore(%arg10 : memref<!tpu.dma_semaphore, #tpu.memory_space<semaphore_mem>>)
    %eq3A_147 = arith.constant 31 : i32
    %eq3A_148 = arith.cmpi eq, %add3A, %eq3A_147 : i32
    %jit3A = arith.constant 4 : i32
    %jit3A_149 = arith.constant 19 : i32
    %select_n3A = arith.select %eq3A_148, %jit3A, %jit3A_149 : i32
    %while3A = arith.constant 0 : i32
    %while3A_150 = arith.constant 0 : i32
    %while3A_151 = arith.subi %select_n3A, %while3A_150 : i32
    %while3A_152 = arith.addi %while3A_150, %while3A_151 : i32
    %while3A_153 = arith.constant 1 : i32
    %while3A_154 = arith.divsi %while3A_151, %while3A_153 : i32
    %while3A_155 = arith.muli %while3A_154, %while3A_153 : i32
    %while3A_156 = arith.addi %while3A_150, %while3A_155 : i32
    %while3A_157 = arith.constant 1 : i32
    scf.for %while3A_362 = %while3A_150 to %while3A_156 step %while3A_157  : i32 {
      %mul3A_363 = arith.constant 4 : i32
      %mul3A_364 = arith.muli %while3A_362, %mul3A_363 : i32
      %add3A_365 = arith.constant 0 : i32
      %add3A_366 = arith.addi %mul3A_364, %add3A_365 : i32
      %add3A_367 = arith.constant 1 : i32
      %add3A_368 = arith.addi %add3A_366, %add3A_367 : i32
      %dma_wait3A_369 = arith.constant 1 : i32
      %dma_wait3A_370 = arith.constant 0 : i32
      %dma_wait3A_371 = arith.constant 1 : i32
      %dma_wait3A_372 = arith.constant 0 : i32
      %dma_wait3A_373 = arith.constant 0 : i32
      %dma_wait3A_374 = tpu.memref_slice %arg7[%dma_wait3A_371, %dma_wait3A_372, %dma_wait3A_373] : memref<2x128x128xf32, #tpu.memory_space<vmem>> -> memref<1x128x128xf32, #tpu.memory_space<vmem>>
      %dma_wait3A_375 = tpu.memref_squeeze %dma_wait3A_374 : memref<1x128x128xf32, #tpu.memory_space<vmem>> -> memref<128x128xf32, #tpu.memory_space<vmem>>
      %dma_wait3A_376 = arith.constant 0 : i32
      %dma_wait3A_377 = tpu.memref_slice %arg6[%dma_wait3A_369, %dma_wait3A_370, %dma_wait3A_376] : memref<4x2x128xi32, #tpu.memory_space<vmem>> -> memref<1x1x128xi32, #tpu.memory_space<vmem>>
      %dma_wait3A_378 = tpu.memref_squeeze %dma_wait3A_377 : memref<1x1x128xi32, #tpu.memory_space<vmem>> -> memref<128xi32, #tpu.memory_space<vmem>>
      %dma_wait3A_379 = arith.constant 0 : i32
      %dma_wait3A_380 = arith.constant 0 : i32
      %dma_wait3A_381 = tpu.memref_slice %arg2[%dma_wait3A_379, %dma_wait3A_380] : memref<10000x128xf32, #tpu.memory_space<hbm>> -> memref<10000x128xf32, #tpu.memory_space<hbm>>
      tpu.wait_indirect_dma semaphore(%arg10 : memref<!tpu.dma_semaphore, #tpu.memory_space<semaphore_mem>>) src(%dma_wait3A_381 : memref<10000x128xf32, #tpu.memory_space<hbm>>) dst(%dma_wait3A_375 : memref<128x128xf32, #tpu.memory_space<vmem>>)
      %dma_start3A_382 = arith.constant 1 : i32
      %dma_start3A_383 = arith.constant 1 : i32
      %dma_start3A_384 = arith.constant 1 : i32
      %dma_start3A_385 = arith.constant 0 : i32
      %dma_start3A_386 = arith.constant 0 : i32
      %dma_start3A_387 = tpu.memref_slice %arg7[%dma_start3A_382, %dma_start3A_385, %dma_start3A_386] : memref<2x128x128xf32, #tpu.memory_space<vmem>> -> memref<1x128x128xf32, #tpu.memory_space<vmem>>
      %dma_start3A_388 = tpu.memref_squeeze %dma_start3A_387 : memref<1x128x128xf32, #tpu.memory_space<vmem>> -> memref<128x128xf32, #tpu.memory_space<vmem>>
      %dma_start3A_389 = arith.constant 0 : i32
      %dma_start3A_390 = tpu.memref_slice %arg6[%dma_start3A_383, %dma_start3A_384, %dma_start3A_389] : memref<4x2x128xi32, #tpu.memory_space<vmem>> -> memref<1x1x128xi32, #tpu.memory_space<vmem>>
      %dma_start3A_391 = tpu.memref_squeeze %dma_start3A_390 : memref<1x1x128xi32, #tpu.memory_space<vmem>> -> memref<128xi32, #tpu.memory_space<vmem>>
      %dma_start3A_392 = arith.constant 0 : i32
      %dma_start3A_393 = arith.constant 0 : i32
      %dma_start3A_394 = tpu.memref_slice %arg8[%dma_start3A_392, %dma_start3A_393] : memref<10008x128xf32, #tpu.memory_space<vmem_shared>> -> memref<10008x128xf32, #tpu.memory_space<vmem_shared>>
      tpu.enqueue_indirect_dma source(%dma_start3A_388 : memref<128x128xf32, #tpu.memory_space<vmem>>) target(%dma_start3A_394 : memref<10008x128xf32, #tpu.memory_space<vmem_shared>>) offsets(%dma_start3A_391 : memref<128xi32, #tpu.memory_space<vmem>>) semaphore(%arg12 : memref<!tpu.dma_semaphore, #tpu.memory_space<semaphore_mem>>) {add = true}
      %dma_wait3A_395 = arith.constant 0 : i32
      %dma_wait3A_396 = arith.constant 0 : i32
      %dma_wait3A_397 = arith.constant 1 : i32
      %dma_wait3A_398 = arith.constant 0 : i32
      %dma_wait3A_399 = arith.constant 0 : i32
      %dma_wait3A_400 = tpu.memref_slice %arg7[%dma_wait3A_395, %dma_wait3A_398, %dma_wait3A_399] : memref<2x128x128xf32, #tpu.memory_space<vmem>> -> memref<1x128x128xf32, #tpu.memory_space<vmem>>
      %dma_wait3A_401 = tpu.memref_squeeze %dma_wait3A_400 : memref<1x128x128xf32, #tpu.memory_space<vmem>> -> memref<128x128xf32, #tpu.memory_space<vmem>>
      %dma_wait3A_402 = arith.constant 0 : i32
      %dma_wait3A_403 = tpu.memref_slice %arg6[%dma_wait3A_396, %dma_wait3A_397, %dma_wait3A_402] : memref<4x2x128xi32, #tpu.memory_space<vmem>> -> memref<1x1x128xi32, #tpu.memory_space<vmem>>
      %dma_wait3A_404 = tpu.memref_squeeze %dma_wait3A_403 : memref<1x1x128xi32, #tpu.memory_space<vmem>> -> memref<128xi32, #tpu.memory_space<vmem>>
      %dma_wait3A_405 = arith.constant 0 : i32
      %dma_wait3A_406 = arith.constant 0 : i32
      %dma_wait3A_407 = tpu.memref_slice %arg8[%dma_wait3A_405, %dma_wait3A_406] : memref<10008x128xf32, #tpu.memory_space<vmem_shared>> -> memref<10008x128xf32, #tpu.memory_space<vmem_shared>>
      tpu.wait_indirect_dma semaphore(%arg11 : memref<!tpu.dma_semaphore, #tpu.memory_space<semaphore_mem>>) src(%dma_wait3A_401 : memref<128x128xf32, #tpu.memory_space<vmem>>) dst(%dma_wait3A_407 : memref<10008x128xf32, #tpu.memory_space<vmem_shared>>)
      %add3A_408 = arith.constant 3 : i32
      %add3A_409 = arith.addi %add3A_368, %add3A_408 : i32
      %mul3A_410 = arith.constant 128 : i32
      %mul3A_411 = arith.muli %add3A_409, %mul3A_410 : i32
      %add3A_412 = arith.addi %mul3A_2, %mul3A_411 : i32
      %dma_start3A_413 = arith.constant 0 : i32
      %dma_start3A_414 = arith.constant 0 : i32
      %dma_start3A_415 = arith.constant 0 : i32
      %dma_start3A_416 = tpu.memref_slice %arg6[%dma_start3A_413, %dma_start3A_414, %dma_start3A_415] : memref<4x2x128xi32, #tpu.memory_space<vmem>> -> memref<1x2x128xi32, #tpu.memory_space<vmem>>
      %dma_start3A_417 = tpu.memref_squeeze %dma_start3A_416 : memref<1x2x128xi32, #tpu.memory_space<vmem>> -> memref<2x128xi32, #tpu.memory_space<vmem>>
      %dma_start3A_418 = arith.constant 0 : i32
      %dma_start3A_419 = tpu.memref_slice %arg3[%dma_start3A_418, %add3A_412] : memref<2x320000xi32, #tpu.memory_space<hbm>> -> memref<2x128xi32, #tpu.memory_space<hbm>>
      %dma_start3A_420 = arith.constant 0 : i32
      %dma_start3A_421 = arith.constant 0 : i32
      %dma_start3A_422 = tpu.memref_slice %arg6[%dma_start3A_413, %dma_start3A_420, %dma_start3A_421] : memref<4x2x128xi32, #tpu.memory_space<vmem>> -> memref<1x2x128xi32, #tpu.memory_space<vmem>>
      %dma_start3A_423 = tpu.memref_squeeze %dma_start3A_422 : memref<1x2x128xi32, #tpu.memory_space<vmem>> -> memref<2x128xi32, #tpu.memory_space<vmem>>
      %dma_start3A_424 = arith.constant 0 : i32
      %dma_start3A_425 = tpu.memref_slice %arg3[%dma_start3A_424, %add3A_412] : memref<2x320000xi32, #tpu.memory_space<hbm>> -> memref<2x128xi32, #tpu.memory_space<hbm>>
      tpu.enqueue_dma source(%dma_start3A_425 : memref<2x128xi32, #tpu.memory_space<hbm>>) target(%dma_start3A_423 : memref<2x128xi32, #tpu.memory_space<vmem>>) target_semaphore(%arg9 : memref<!tpu.dma_semaphore, #tpu.memory_space<semaphore_mem>>)
      %dma_wait3A_426 = arith.constant 2 : i32
      %dma_wait3A_427 = arith.constant 0 : i32
      %dma_wait3A_428 = arith.constant 0 : i32
      %dma_wait3A_429 = tpu.memref_slice %arg6[%dma_wait3A_426, %dma_wait3A_427, %dma_wait3A_428] : memref<4x2x128xi32, #tpu.memory_space<vmem>> -> memref<1x2x128xi32, #tpu.memory_space<vmem>>
      %dma_wait3A_430 = tpu.memref_squeeze %dma_wait3A_429 : memref<1x2x128xi32, #tpu.memory_space<vmem>> -> memref<2x128xi32, #tpu.memory_space<vmem>>
      %dma_wait3A_431 = arith.constant 0 : i32
      %dma_wait3A_432 = tpu.memref_slice %arg3[%dma_wait3A_431, %mul3A_2] : memref<2x320000xi32, #tpu.memory_space<hbm>> -> memref<2x128xi32, #tpu.memory_space<hbm>>
      %dma_wait3A_433 = arith.constant 0 : i32
      %dma_wait3A_434 = arith.constant 0 : i32
      %dma_wait3A_435 = tpu.memref_slice %arg6[%dma_wait3A_426, %dma_wait3A_433, %dma_wait3A_434] : memref<4x2x128xi32, #tpu.memory_space<vmem>> -> memref<1x2x128xi32, #tpu.memory_space<vmem>>
      %dma_wait3A_436 = tpu.memref_squeeze %dma_wait3A_435 : memref<1x2x128xi32, #tpu.memory_space<vmem>> -> memref<2x128xi32, #tpu.memory_space<vmem>>
      %dma_wait3A_437 = arith.constant 0 : i32
      %dma_wait3A_438 = tpu.memref_slice %arg3[%dma_wait3A_437, %mul3A_2] : memref<2x320000xi32, #tpu.memory_space<hbm>> -> memref<2x128xi32, #tpu.memory_space<hbm>>
      tpu.wait_dma2 semaphore(%arg9 : memref<!tpu.dma_semaphore, #tpu.memory_space<semaphore_mem>>) src(%dma_wait3A_438 : memref<2x128xi32, #tpu.memory_space<hbm>>) dst(%dma_wait3A_436 : memref<2x128xi32, #tpu.memory_space<vmem>>)
      %dma_start3A_439 = arith.constant 2 : i32
      %dma_start3A_440 = arith.constant 0 : i32
      %dma_start3A_441 = arith.constant 0 : i32
      %dma_start3A_442 = arith.constant 0 : i32
      %dma_start3A_443 = arith.constant 0 : i32
      %dma_start3A_444 = tpu.memref_slice %arg7[%dma_start3A_441, %dma_start3A_442, %dma_start3A_443] : memref<2x128x128xf32, #tpu.memory_space<vmem>> -> memref<1x128x128xf32, #tpu.memory_space<vmem>>
      %dma_start3A_445 = tpu.memref_squeeze %dma_start3A_444 : memref<1x128x128xf32, #tpu.memory_space<vmem>> -> memref<128x128xf32, #tpu.memory_space<vmem>>
      %dma_start3A_446 = arith.constant 0 : i32
      %dma_start3A_447 = tpu.memref_slice %arg6[%dma_start3A_439, %dma_start3A_440, %dma_start3A_446] : memref<4x2x128xi32, #tpu.memory_space<vmem>> -> memref<1x1x128xi32, #tpu.memory_space<vmem>>
      %dma_start3A_448 = tpu.memref_squeeze %dma_start3A_447 : memref<1x1x128xi32, #tpu.memory_space<vmem>> -> memref<128xi32, #tpu.memory_space<vmem>>
      %dma_start3A_449 = arith.constant 0 : i32
      %dma_start3A_450 = arith.constant 0 : i32
      %dma_start3A_451 = tpu.memref_slice %arg2[%dma_start3A_449, %dma_start3A_450] : memref<10000x128xf32, #tpu.memory_space<hbm>> -> memref<10000x128xf32, #tpu.memory_space<hbm>>
      tpu.enqueue_indirect_dma source(%dma_start3A_451 : memref<10000x128xf32, #tpu.memory_space<hbm>>) target(%dma_start3A_445 : memref<128x128xf32, #tpu.memory_space<vmem>>) offsets(%dma_start3A_448 : memref<128xi32, #tpu.memory_space<vmem>>) semaphore(%arg10 : memref<!tpu.dma_semaphore, #tpu.memory_space<semaphore_mem>>)
      %mul3A_452 = arith.constant 4 : i32
      %mul3A_453 = arith.muli %while3A_362, %mul3A_452 : i32
      %add3A_454 = arith.constant 1 : i32
      %add3A_455 = arith.addi %mul3A_453, %add3A_454 : i32
      %add3A_456 = arith.constant 1 : i32
      %add3A_457 = arith.addi %add3A_455, %add3A_456 : i32
      %dma_wait3A_458 = arith.constant 2 : i32
      %dma_wait3A_459 = arith.constant 0 : i32
      %dma_wait3A_460 = arith.constant 0 : i32
      %dma_wait3A_461 = arith.constant 0 : i32
      %dma_wait3A_462 = arith.constant 0 : i32
      %dma_wait3A_463 = tpu.memref_slice %arg7[%dma_wait3A_460, %dma_wait3A_461, %dma_wait3A_462] : memref<2x128x128xf32, #tpu.memory_space<vmem>> -> memref<1x128x128xf32, #tpu.memory_space<vmem>>
      %dma_wait3A_464 = tpu.memref_squeeze %dma_wait3A_463 : memref<1x128x128xf32, #tpu.memory_space<vmem>> -> memref<128x128xf32, #tpu.memory_space<vmem>>
      %dma_wait3A_465 = arith.constant 0 : i32
      %dma_wait3A_466 = tpu.memref_slice %arg6[%dma_wait3A_458, %dma_wait3A_459, %dma_wait3A_465] : memref<4x2x128xi32, #tpu.memory_space<vmem>> -> memref<1x1x128xi32, #tpu.memory_space<vmem>>
      %dma_wait3A_467 = tpu.memref_squeeze %dma_wait3A_466 : memref<1x1x128xi32, #tpu.memory_space<vmem>> -> memref<128xi32, #tpu.memory_space<vmem>>
      %dma_wait3A_468 = arith.constant 0 : i32
      %dma_wait3A_469 = arith.constant 0 : i32
      %dma_wait3A_470 = tpu.memref_slice %arg2[%dma_wait3A_468, %dma_wait3A_469] : memref<10000x128xf32, #tpu.memory_space<hbm>> -> memref<10000x128xf32, #tpu.memory_space<hbm>>
      tpu.wait_indirect_dma semaphore(%arg10 : memref<!tpu.dma_semaphore, #tpu.memory_space<semaphore_mem>>) src(%dma_wait3A_470 : memref<10000x128xf32, #tpu.memory_space<hbm>>) dst(%dma_wait3A_464 : memref<128x128xf32, #tpu.memory_space<vmem>>)
      %dma_start3A_471 = arith.constant 0 : i32
      %dma_start3A_472 = arith.constant 2 : i32
      %dma_start3A_473 = arith.constant 1 : i32
      %dma_start3A_474 = arith.constant 0 : i32
      %dma_start3A_475 = arith.constant 0 : i32
      %dma_start3A_476 = tpu.memref_slice %arg7[%dma_start3A_471, %dma_start3A_474, %dma_start3A_475] : memref<2x128x128xf32, #tpu.memory_space<vmem>> -> memref<1x128x128xf32, #tpu.memory_space<vmem>>
      %dma_start3A_477 = tpu.memref_squeeze %dma_start3A_476 : memref<1x128x128xf32, #tpu.memory_space<vmem>> -> memref<128x128xf32, #tpu.memory_space<vmem>>
      %dma_start3A_478 = arith.constant 0 : i32
      %dma_start3A_479 = tpu.memref_slice %arg6[%dma_start3A_472, %dma_start3A_473, %dma_start3A_478] : memref<4x2x128xi32, #tpu.memory_space<vmem>> -> memref<1x1x128xi32, #tpu.memory_space<vmem>>
      %dma_start3A_480 = tpu.memref_squeeze %dma_start3A_479 : memref<1x1x128xi32, #tpu.memory_space<vmem>> -> memref<128xi32, #tpu.memory_space<vmem>>
      %dma_start3A_481 = arith.constant 0 : i32
      %dma_start3A_482 = arith.constant 0 : i32
      %dma_start3A_483 = tpu.memref_slice %arg8[%dma_start3A_481, %dma_start3A_482] : memref<10008x128xf32, #tpu.memory_space<vmem_shared>> -> memref<10008x128xf32, #tpu.memory_space<vmem_shared>>
      tpu.enqueue_indirect_dma source(%dma_start3A_477 : memref<128x128xf32, #tpu.memory_space<vmem>>) target(%dma_start3A_483 : memref<10008x128xf32, #tpu.memory_space<vmem_shared>>) offsets(%dma_start3A_480 : memref<128xi32, #tpu.memory_space<vmem>>) semaphore(%arg11 : memref<!tpu.dma_semaphore, #tpu.memory_space<semaphore_mem>>) {add = true}
      %dma_wait3A_484 = arith.constant 1 : i32
      %dma_wait3A_485 = arith.constant 0 : i32
      %dma_wait3A_486 = arith.constant 1 : i32
      %dma_wait3A_487 = arith.constant 0 : i32
      %dma_wait3A_488 = arith.constant 0 : i32
      %dma_wait3A_489 = tpu.memref_slice %arg7[%dma_wait3A_484, %dma_wait3A_487, %dma_wait3A_488] : memref<2x128x128xf32, #tpu.memory_space<vmem>> -> memref<1x128x128xf32, #tpu.memory_space<vmem>>
      %dma_wait3A_490 = tpu.memref_squeeze %dma_wait3A_489 : memref<1x128x128xf32, #tpu.memory_space<vmem>> -> memref<128x128xf32, #tpu.memory_space<vmem>>
      %dma_wait3A_491 = arith.constant 0 : i32
      %dma_wait3A_492 = tpu.memref_slice %arg6[%dma_wait3A_485, %dma_wait3A_486, %dma_wait3A_491] : memref<4x2x128xi32, #tpu.memory_space<vmem>> -> memref<1x1x128xi32, #tpu.memory_space<vmem>>
      %dma_wait3A_493 = tpu.memref_squeeze %dma_wait3A_492 : memref<1x1x128xi32, #tpu.memory_space<vmem>> -> memref<128xi32, #tpu.memory_space<vmem>>
      %dma_wait3A_494 = arith.constant 0 : i32
      %dma_wait3A_495 = arith.constant 0 : i32
      %dma_wait3A_496 = tpu.memref_slice %arg8[%dma_wait3A_494, %dma_wait3A_495] : memref<10008x128xf32, #tpu.memory_space<vmem_shared>> -> memref<10008x128xf32, #tpu.memory_space<vmem_shared>>
      tpu.wait_indirect_dma semaphore(%arg12 : memref<!tpu.dma_semaphore, #tpu.memory_space<semaphore_mem>>) src(%dma_wait3A_490 : memref<128x128xf32, #tpu.memory_space<vmem>>) dst(%dma_wait3A_496 : memref<10008x128xf32, #tpu.memory_space<vmem_shared>>)
      %add3A_497 = arith.constant 3 : i32
      %add3A_498 = arith.addi %add3A_457, %add3A_497 : i32
      %mul3A_499 = arith.constant 128 : i32
      %mul3A_500 = arith.muli %add3A_498, %mul3A_499 : i32
      %add3A_501 = arith.addi %mul3A_2, %mul3A_500 : i32
      %dma_start3A_502 = arith.constant 1 : i32
      %dma_start3A_503 = arith.constant 0 : i32
      %dma_start3A_504 = arith.constant 0 : i32
      %dma_start3A_505 = tpu.memref_slice %arg6[%dma_start3A_502, %dma_start3A_503, %dma_start3A_504] : memref<4x2x128xi32, #tpu.memory_space<vmem>> -> memref<1x2x128xi32, #tpu.memory_space<vmem>>
      %dma_start3A_506 = tpu.memref_squeeze %dma_start3A_505 : memref<1x2x128xi32, #tpu.memory_space<vmem>> -> memref<2x128xi32, #tpu.memory_space<vmem>>
      %dma_start3A_507 = arith.constant 0 : i32
      %dma_start3A_508 = tpu.memref_slice %arg3[%dma_start3A_507, %add3A_501] : memref<2x320000xi32, #tpu.memory_space<hbm>> -> memref<2x128xi32, #tpu.memory_space<hbm>>
      %dma_start3A_509 = arith.constant 0 : i32
      %dma_start3A_510 = arith.constant 0 : i32
      %dma_start3A_511 = tpu.memref_slice %arg6[%dma_start3A_502, %dma_start3A_509, %dma_start3A_510] : memref<4x2x128xi32, #tpu.memory_space<vmem>> -> memref<1x2x128xi32, #tpu.memory_space<vmem>>
      %dma_start3A_512 = tpu.memref_squeeze %dma_start3A_511 : memref<1x2x128xi32, #tpu.memory_space<vmem>> -> memref<2x128xi32, #tpu.memory_space<vmem>>
      %dma_start3A_513 = arith.constant 0 : i32
      %dma_start3A_514 = tpu.memref_slice %arg3[%dma_start3A_513, %add3A_501] : memref<2x320000xi32, #tpu.memory_space<hbm>> -> memref<2x128xi32, #tpu.memory_space<hbm>>
      tpu.enqueue_dma source(%dma_start3A_514 : memref<2x128xi32, #tpu.memory_space<hbm>>) target(%dma_start3A_512 : memref<2x128xi32, #tpu.memory_space<vmem>>) target_semaphore(%arg9 : memref<!tpu.dma_semaphore, #tpu.memory_space<semaphore_mem>>)
      %dma_wait3A_515 = arith.constant 3 : i32
      %dma_wait3A_516 = arith.constant 0 : i32
      %dma_wait3A_517 = arith.constant 0 : i32
      %dma_wait3A_518 = tpu.memref_slice %arg6[%dma_wait3A_515, %dma_wait3A_516, %dma_wait3A_517] : memref<4x2x128xi32, #tpu.memory_space<vmem>> -> memref<1x2x128xi32, #tpu.memory_space<vmem>>
      %dma_wait3A_519 = tpu.memref_squeeze %dma_wait3A_518 : memref<1x2x128xi32, #tpu.memory_space<vmem>> -> memref<2x128xi32, #tpu.memory_space<vmem>>
      %dma_wait3A_520 = arith.constant 0 : i32
      %dma_wait3A_521 = tpu.memref_slice %arg3[%dma_wait3A_520, %mul3A_2] : memref<2x320000xi32, #tpu.memory_space<hbm>> -> memref<2x128xi32, #tpu.memory_space<hbm>>
      %dma_wait3A_522 = arith.constant 0 : i32
      %dma_wait3A_523 = arith.constant 0 : i32
      %dma_wait3A_524 = tpu.memref_slice %arg6[%dma_wait3A_515, %dma_wait3A_522, %dma_wait3A_523] : memref<4x2x128xi32, #tpu.memory_space<vmem>> -> memref<1x2x128xi32, #tpu.memory_space<vmem>>
      %dma_wait3A_525 = tpu.memref_squeeze %dma_wait3A_524 : memref<1x2x128xi32, #tpu.memory_space<vmem>> -> memref<2x128xi32, #tpu.memory_space<vmem>>
      %dma_wait3A_526 = arith.constant 0 : i32
      %dma_wait3A_527 = tpu.memref_slice %arg3[%dma_wait3A_526, %mul3A_2] : memref<2x320000xi32, #tpu.memory_space<hbm>> -> memref<2x128xi32, #tpu.memory_space<hbm>>
      tpu.wait_dma2 semaphore(%arg9 : memref<!tpu.dma_semaphore, #tpu.memory_space<semaphore_mem>>) src(%dma_wait3A_527 : memref<2x128xi32, #tpu.memory_space<hbm>>) dst(%dma_wait3A_525 : memref<2x128xi32, #tpu.memory_space<vmem>>)
      %dma_start3A_528 = arith.constant 3 : i32
      %dma_start3A_529 = arith.constant 0 : i32
      %dma_start3A_530 = arith.constant 1 : i32
      %dma_start3A_531 = arith.constant 0 : i32
      %dma_start3A_532 = arith.constant 0 : i32
      %dma_start3A_533 = tpu.memref_slice %arg7[%dma_start3A_530, %dma_start3A_531, %dma_start3A_532] : memref<2x128x128xf32, #tpu.memory_space<vmem>> -> memref<1x128x128xf32, #tpu.memory_space<vmem>>
      %dma_start3A_534 = tpu.memref_squeeze %dma_start3A_533 : memref<1x128x128xf32, #tpu.memory_space<vmem>> -> memref<128x128xf32, #tpu.memory_space<vmem>>
      %dma_start3A_535 = arith.constant 0 : i32
      %dma_start3A_536 = tpu.memref_slice %arg6[%dma_start3A_528, %dma_start3A_529, %dma_start3A_535] : memref<4x2x128xi32, #tpu.memory_space<vmem>> -> memref<1x1x128xi32, #tpu.memory_space<vmem>>
      %dma_start3A_537 = tpu.memref_squeeze %dma_start3A_536 : memref<1x1x128xi32, #tpu.memory_space<vmem>> -> memref<128xi32, #tpu.memory_space<vmem>>
      %dma_start3A_538 = arith.constant 0 : i32
      %dma_start3A_539 = arith.constant 0 : i32
      %dma_start3A_540 = tpu.memref_slice %arg2[%dma_start3A_538, %dma_start3A_539] : memref<10000x128xf32, #tpu.memory_space<hbm>> -> memref<10000x128xf32, #tpu.memory_space<hbm>>
      tpu.enqueue_indirect_dma source(%dma_start3A_540 : memref<10000x128xf32, #tpu.memory_space<hbm>>) target(%dma_start3A_534 : memref<128x128xf32, #tpu.memory_space<vmem>>) offsets(%dma_start3A_537 : memref<128xi32, #tpu.memory_space<vmem>>) semaphore(%arg10 : memref<!tpu.dma_semaphore, #tpu.memory_space<semaphore_mem>>)
      %mul3A_541 = arith.constant 4 : i32
      %mul3A_542 = arith.muli %while3A_362, %mul3A_541 : i32
      %add3A_543 = arith.constant 2 : i32
      %add3A_544 = arith.addi %mul3A_542, %add3A_543 : i32
      %add3A_545 = arith.constant 1 : i32
      %add3A_546 = arith.addi %add3A_544, %add3A_545 : i32
      %dma_wait3A_547 = arith.constant 3 : i32
      %dma_wait3A_548 = arith.constant 0 : i32
      %dma_wait3A_549 = arith.constant 1 : i32
      %dma_wait3A_550 = arith.constant 0 : i32
      %dma_wait3A_551 = arith.constant 0 : i32
      %dma_wait3A_552 = tpu.memref_slice %arg7[%dma_wait3A_549, %dma_wait3A_550, %dma_wait3A_551] : memref<2x128x128xf32, #tpu.memory_space<vmem>> -> memref<1x128x128xf32, #tpu.memory_space<vmem>>
      %dma_wait3A_553 = tpu.memref_squeeze %dma_wait3A_552 : memref<1x128x128xf32, #tpu.memory_space<vmem>> -> memref<128x128xf32, #tpu.memory_space<vmem>>
      %dma_wait3A_554 = arith.constant 0 : i32
      %dma_wait3A_555 = tpu.memref_slice %arg6[%dma_wait3A_547, %dma_wait3A_548, %dma_wait3A_554] : memref<4x2x128xi32, #tpu.memory_space<vmem>> -> memref<1x1x128xi32, #tpu.memory_space<vmem>>
      %dma_wait3A_556 = tpu.memref_squeeze %dma_wait3A_555 : memref<1x1x128xi32, #tpu.memory_space<vmem>> -> memref<128xi32, #tpu.memory_space<vmem>>
      %dma_wait3A_557 = arith.constant 0 : i32
      %dma_wait3A_558 = arith.constant 0 : i32
      %dma_wait3A_559 = tpu.memref_slice %arg2[%dma_wait3A_557, %dma_wait3A_558] : memref<10000x128xf32, #tpu.memory_space<hbm>> -> memref<10000x128xf32, #tpu.memory_space<hbm>>
      tpu.wait_indirect_dma semaphore(%arg10 : memref<!tpu.dma_semaphore, #tpu.memory_space<semaphore_mem>>) src(%dma_wait3A_559 : memref<10000x128xf32, #tpu.memory_space<hbm>>) dst(%dma_wait3A_553 : memref<128x128xf32, #tpu.memory_space<vmem>>)
      %dma_start3A_560 = arith.constant 1 : i32
      %dma_start3A_561 = arith.constant 3 : i32
      %dma_start3A_562 = arith.constant 1 : i32
      %dma_start3A_563 = arith.constant 0 : i32
      %dma_start3A_564 = arith.constant 0 : i32
      %dma_start3A_565 = tpu.memref_slice %arg7[%dma_start3A_560, %dma_start3A_563, %dma_start3A_564] : memref<2x128x128xf32, #tpu.memory_space<vmem>> -> memref<1x128x128xf32, #tpu.memory_space<vmem>>
      %dma_start3A_566 = tpu.memref_squeeze %dma_start3A_565 : memref<1x128x128xf32, #tpu.memory_space<vmem>> -> memref<128x128xf32, #tpu.memory_space<vmem>>
      %dma_start3A_567 = arith.constant 0 : i32
      %dma_start3A_568 = tpu.memref_slice %arg6[%dma_start3A_561, %dma_start3A_562, %dma_start3A_567] : memref<4x2x128xi32, #tpu.memory_space<vmem>> -> memref<1x1x128xi32, #tpu.memory_space<vmem>>
      %dma_start3A_569 = tpu.memref_squeeze %dma_start3A_568 : memref<1x1x128xi32, #tpu.memory_space<vmem>> -> memref<128xi32, #tpu.memory_space<vmem>>
      %dma_start3A_570 = arith.constant 0 : i32
      %dma_start3A_571 = arith.constant 0 : i32
      %dma_start3A_572 = tpu.memref_slice %arg8[%dma_start3A_570, %dma_start3A_571] : memref<10008x128xf32, #tpu.memory_space<vmem_shared>> -> memref<10008x128xf32, #tpu.memory_space<vmem_shared>>
      tpu.enqueue_indirect_dma source(%dma_start3A_566 : memref<128x128xf32, #tpu.memory_space<vmem>>) target(%dma_start3A_572 : memref<10008x128xf32, #tpu.memory_space<vmem_shared>>) offsets(%dma_start3A_569 : memref<128xi32, #tpu.memory_space<vmem>>) semaphore(%arg12 : memref<!tpu.dma_semaphore, #tpu.memory_space<semaphore_mem>>) {add = true}
      %dma_wait3A_573 = arith.constant 0 : i32
      %dma_wait3A_574 = arith.constant 0 : i32
      %dma_wait3A_575 = arith.constant 1 : i32
      %dma_wait3A_576 = arith.constant 0 : i32
      %dma_wait3A_577 = arith.constant 0 : i32
      %dma_wait3A_578 = tpu.memref_slice %arg7[%dma_wait3A_573, %dma_wait3A_576, %dma_wait3A_577] : memref<2x128x128xf32, #tpu.memory_space<vmem>> -> memref<1x128x128xf32, #tpu.memory_space<vmem>>
      %dma_wait3A_579 = tpu.memref_squeeze %dma_wait3A_578 : memref<1x128x128xf32, #tpu.memory_space<vmem>> -> memref<128x128xf32, #tpu.memory_space<vmem>>
      %dma_wait3A_580 = arith.constant 0 : i32
      %dma_wait3A_581 = tpu.memref_slice %arg6[%dma_wait3A_574, %dma_wait3A_575, %dma_wait3A_580] : memref<4x2x128xi32, #tpu.memory_space<vmem>> -> memref<1x1x128xi32, #tpu.memory_space<vmem>>
      %dma_wait3A_582 = tpu.memref_squeeze %dma_wait3A_581 : memref<1x1x128xi32, #tpu.memory_space<vmem>> -> memref<128xi32, #tpu.memory_space<vmem>>
      %dma_wait3A_583 = arith.constant 0 : i32
      %dma_wait3A_584 = arith.constant 0 : i32
      %dma_wait3A_585 = tpu.memref_slice %arg8[%dma_wait3A_583, %dma_wait3A_584] : memref<10008x128xf32, #tpu.memory_space<vmem_shared>> -> memref<10008x128xf32, #tpu.memory_space<vmem_shared>>
      tpu.wait_indirect_dma semaphore(%arg11 : memref<!tpu.dma_semaphore, #tpu.memory_space<semaphore_mem>>) src(%dma_wait3A_579 : memref<128x128xf32, #tpu.memory_space<vmem>>) dst(%dma_wait3A_585 : memref<10008x128xf32, #tpu.memory_space<vmem_shared>>)
      %add3A_586 = arith.constant 3 : i32
      %add3A_587 = arith.addi %add3A_546, %add3A_586 : i32
      %mul3A_588 = arith.constant 128 : i32
      %mul3A_589 = arith.muli %add3A_587, %mul3A_588 : i32
      %add3A_590 = arith.addi %mul3A_2, %mul3A_589 : i32
      %dma_start3A_591 = arith.constant 2 : i32
      %dma_start3A_592 = arith.constant 0 : i32
      %dma_start3A_593 = arith.constant 0 : i32
      %dma_start3A_594 = tpu.memref_slice %arg6[%dma_start3A_591, %dma_start3A_592, %dma_start3A_593] : memref<4x2x128xi32, #tpu.memory_space<vmem>> -> memref<1x2x128xi32, #tpu.memory_space<vmem>>
      %dma_start3A_595 = tpu.memref_squeeze %dma_start3A_594 : memref<1x2x128xi32, #tpu.memory_space<vmem>> -> memref<2x128xi32, #tpu.memory_space<vmem>>
      %dma_start3A_596 = arith.constant 0 : i32
      %dma_start3A_597 = tpu.memref_slice %arg3[%dma_start3A_596, %add3A_590] : memref<2x320000xi32, #tpu.memory_space<hbm>> -> memref<2x128xi32, #tpu.memory_space<hbm>>
      %dma_start3A_598 = arith.constant 0 : i32
      %dma_start3A_599 = arith.constant 0 : i32
      %dma_start3A_600 = tpu.memref_slice %arg6[%dma_start3A_591, %dma_start3A_598, %dma_start3A_599] : memref<4x2x128xi32, #tpu.memory_space<vmem>> -> memref<1x2x128xi32, #tpu.memory_space<vmem>>
      %dma_start3A_601 = tpu.memref_squeeze %dma_start3A_600 : memref<1x2x128xi32, #tpu.memory_space<vmem>> -> memref<2x128xi32, #tpu.memory_space<vmem>>
      %dma_start3A_602 = arith.constant 0 : i32
      %dma_start3A_603 = tpu.memref_slice %arg3[%dma_start3A_602, %add3A_590] : memref<2x320000xi32, #tpu.memory_space<hbm>> -> memref<2x128xi32, #tpu.memory_space<hbm>>
      tpu.enqueue_dma source(%dma_start3A_603 : memref<2x128xi32, #tpu.memory_space<hbm>>) target(%dma_start3A_601 : memref<2x128xi32, #tpu.memory_space<vmem>>) target_semaphore(%arg9 : memref<!tpu.dma_semaphore, #tpu.memory_space<semaphore_mem>>)
      %dma_wait3A_604 = arith.constant 0 : i32
      %dma_wait3A_605 = arith.constant 0 : i32
      %dma_wait3A_606 = arith.constant 0 : i32
      %dma_wait3A_607 = tpu.memref_slice %arg6[%dma_wait3A_604, %dma_wait3A_605, %dma_wait3A_606] : memref<4x2x128xi32, #tpu.memory_space<vmem>> -> memref<1x2x128xi32, #tpu.memory_space<vmem>>
      %dma_wait3A_608 = tpu.memref_squeeze %dma_wait3A_607 : memref<1x2x128xi32, #tpu.memory_space<vmem>> -> memref<2x128xi32, #tpu.memory_space<vmem>>
      %dma_wait3A_609 = arith.constant 0 : i32
      %dma_wait3A_610 = tpu.memref_slice %arg3[%dma_wait3A_609, %mul3A_2] : memref<2x320000xi32, #tpu.memory_space<hbm>> -> memref<2x128xi32, #tpu.memory_space<hbm>>
      %dma_wait3A_611 = arith.constant 0 : i32
      %dma_wait3A_612 = arith.constant 0 : i32
      %dma_wait3A_613 = tpu.memref_slice %arg6[%dma_wait3A_604, %dma_wait3A_611, %dma_wait3A_612] : memref<4x2x128xi32, #tpu.memory_space<vmem>> -> memref<1x2x128xi32, #tpu.memory_space<vmem>>
      %dma_wait3A_614 = tpu.memref_squeeze %dma_wait3A_613 : memref<1x2x128xi32, #tpu.memory_space<vmem>> -> memref<2x128xi32, #tpu.memory_space<vmem>>
      %dma_wait3A_615 = arith.constant 0 : i32
      %dma_wait3A_616 = tpu.memref_slice %arg3[%dma_wait3A_615, %mul3A_2] : memref<2x320000xi32, #tpu.memory_space<hbm>> -> memref<2x128xi32, #tpu.memory_space<hbm>>
      tpu.wait_dma2 semaphore(%arg9 : memref<!tpu.dma_semaphore, #tpu.memory_space<semaphore_mem>>) src(%dma_wait3A_616 : memref<2x128xi32, #tpu.memory_space<hbm>>) dst(%dma_wait3A_614 : memref<2x128xi32, #tpu.memory_space<vmem>>)
      %dma_start3A_617 = arith.constant 0 : i32
      %dma_start3A_618 = arith.constant 0 : i32
      %dma_start3A_619 = arith.constant 0 : i32
      %dma_start3A_620 = arith.constant 0 : i32
      %dma_start3A_621 = arith.constant 0 : i32
      %dma_start3A_622 = tpu.memref_slice %arg7[%dma_start3A_619, %dma_start3A_620, %dma_start3A_621] : memref<2x128x128xf32, #tpu.memory_space<vmem>> -> memref<1x128x128xf32, #tpu.memory_space<vmem>>
      %dma_start3A_623 = tpu.memref_squeeze %dma_start3A_622 : memref<1x128x128xf32, #tpu.memory_space<vmem>> -> memref<128x128xf32, #tpu.memory_space<vmem>>
      %dma_start3A_624 = arith.constant 0 : i32
      %dma_start3A_625 = tpu.memref_slice %arg6[%dma_start3A_617, %dma_start3A_618, %dma_start3A_624] : memref<4x2x128xi32, #tpu.memory_space<vmem>> -> memref<1x1x128xi32, #tpu.memory_space<vmem>>
      %dma_start3A_626 = tpu.memref_squeeze %dma_start3A_625 : memref<1x1x128xi32, #tpu.memory_space<vmem>> -> memref<128xi32, #tpu.memory_space<vmem>>
      %dma_start3A_627 = arith.constant 0 : i32
      %dma_start3A_628 = arith.constant 0 : i32
      %dma_start3A_629 = tpu.memref_slice %arg2[%dma_start3A_627, %dma_start3A_628] : memref<10000x128xf32, #tpu.memory_space<hbm>> -> memref<10000x128xf32, #tpu.memory_space<hbm>>
      tpu.enqueue_indirect_dma source(%dma_start3A_629 : memref<10000x128xf32, #tpu.memory_space<hbm>>) target(%dma_start3A_623 : memref<128x128xf32, #tpu.memory_space<vmem>>) offsets(%dma_start3A_626 : memref<128xi32, #tpu.memory_space<vmem>>) semaphore(%arg10 : memref<!tpu.dma_semaphore, #tpu.memory_space<semaphore_mem>>)
      %mul3A_630 = arith.constant 4 : i32
      %mul3A_631 = arith.muli %while3A_362, %mul3A_630 : i32
      %add3A_632 = arith.constant 3 : i32
      %add3A_633 = arith.addi %mul3A_631, %add3A_632 : i32
      %add3A_634 = arith.constant 1 : i32
      %add3A_635 = arith.addi %add3A_633, %add3A_634 : i32
      %dma_wait3A_636 = arith.constant 0 : i32
      %dma_wait3A_637 = arith.constant 0 : i32
      %dma_wait3A_638 = arith.constant 0 : i32
      %dma_wait3A_639 = arith.constant 0 : i32
      %dma_wait3A_640 = arith.constant 0 : i32
      %dma_wait3A_641 = tpu.memref_slice %arg7[%dma_wait3A_638, %dma_wait3A_639, %dma_wait3A_640] : memref<2x128x128xf32, #tpu.memory_space<vmem>> -> memref<1x128x128xf32, #tpu.memory_space<vmem>>
      %dma_wait3A_642 = tpu.memref_squeeze %dma_wait3A_641 : memref<1x128x128xf32, #tpu.memory_space<vmem>> -> memref<128x128xf32, #tpu.memory_space<vmem>>
      %dma_wait3A_643 = arith.constant 0 : i32
      %dma_wait3A_644 = tpu.memref_slice %arg6[%dma_wait3A_636, %dma_wait3A_637, %dma_wait3A_643] : memref<4x2x128xi32, #tpu.memory_space<vmem>> -> memref<1x1x128xi32, #tpu.memory_space<vmem>>
      %dma_wait3A_645 = tpu.memref_squeeze %dma_wait3A_644 : memref<1x1x128xi32, #tpu.memory_space<vmem>> -> memref<128xi32, #tpu.memory_space<vmem>>
      %dma_wait3A_646 = arith.constant 0 : i32
      %dma_wait3A_647 = arith.constant 0 : i32
      %dma_wait3A_648 = tpu.memref_slice %arg2[%dma_wait3A_646, %dma_wait3A_647] : memref<10000x128xf32, #tpu.memory_space<hbm>> -> memref<10000x128xf32, #tpu.memory_space<hbm>>
      tpu.wait_indirect_dma semaphore(%arg10 : memref<!tpu.dma_semaphore, #tpu.memory_space<semaphore_mem>>) src(%dma_wait3A_648 : memref<10000x128xf32, #tpu.memory_space<hbm>>) dst(%dma_wait3A_642 : memref<128x128xf32, #tpu.memory_space<vmem>>)
      %dma_start3A_649 = arith.constant 0 : i32
      %dma_start3A_650 = arith.constant 0 : i32
      %dma_start3A_651 = arith.constant 1 : i32
      %dma_start3A_652 = arith.constant 0 : i32
      %dma_start3A_653 = arith.constant 0 : i32
      %dma_start3A_654 = tpu.memref_slice %arg7[%dma_start3A_649, %dma_start3A_652, %dma_start3A_653] : memref<2x128x128xf32, #tpu.memory_space<vmem>> -> memref<1x128x128xf32, #tpu.memory_space<vmem>>
      %dma_start3A_655 = tpu.memref_squeeze %dma_start3A_654 : memref<1x128x128xf32, #tpu.memory_space<vmem>> -> memref<128x128xf32, #tpu.memory_space<vmem>>
      %dma_start3A_656 = arith.constant 0 : i32
      %dma_start3A_657 = tpu.memref_slice %arg6[%dma_start3A_650, %dma_start3A_651, %dma_start3A_656] : memref<4x2x128xi32, #tpu.memory_space<vmem>> -> memref<1x1x128xi32, #tpu.memory_space<vmem>>
      %dma_start3A_658 = tpu.memref_squeeze %dma_start3A_657 : memref<1x1x128xi32, #tpu.memory_space<vmem>> -> memref<128xi32, #tpu.memory_space<vmem>>
      %dma_start3A_659 = arith.constant 0 : i32
      %dma_start3A_660 = arith.constant 0 : i32
      %dma_start3A_661 = tpu.memref_slice %arg8[%dma_start3A_659, %dma_start3A_660] : memref<10008x128xf32, #tpu.memory_space<vmem_shared>> -> memref<10008x128xf32, #tpu.memory_space<vmem_shared>>
      tpu.enqueue_indirect_dma source(%dma_start3A_655 : memref<128x128xf32, #tpu.memory_space<vmem>>) target(%dma_start3A_661 : memref<10008x128xf32, #tpu.memory_space<vmem_shared>>) offsets(%dma_start3A_658 : memref<128xi32, #tpu.memory_space<vmem>>) semaphore(%arg11 : memref<!tpu.dma_semaphore, #tpu.memory_space<semaphore_mem>>) {add = true}
      %dma_wait3A_662 = arith.constant 1 : i32
      %dma_wait3A_663 = arith.constant 0 : i32
      %dma_wait3A_664 = arith.constant 1 : i32
      %dma_wait3A_665 = arith.constant 0 : i32
      %dma_wait3A_666 = arith.constant 0 : i32
      %dma_wait3A_667 = tpu.memref_slice %arg7[%dma_wait3A_662, %dma_wait3A_665, %dma_wait3A_666] : memref<2x128x128xf32, #tpu.memory_space<vmem>> -> memref<1x128x128xf32, #tpu.memory_space<vmem>>
      %dma_wait3A_668 = tpu.memref_squeeze %dma_wait3A_667 : memref<1x128x128xf32, #tpu.memory_space<vmem>> -> memref<128x128xf32, #tpu.memory_space<vmem>>
      %dma_wait3A_669 = arith.constant 0 : i32
      %dma_wait3A_670 = tpu.memref_slice %arg6[%dma_wait3A_663, %dma_wait3A_664, %dma_wait3A_669] : memref<4x2x128xi32, #tpu.memory_space<vmem>> -> memref<1x1x128xi32, #tpu.memory_space<vmem>>
      %dma_wait3A_671 = tpu.memref_squeeze %dma_wait3A_670 : memref<1x1x128xi32, #tpu.memory_space<vmem>> -> memref<128xi32, #tpu.memory_space<vmem>>
      %dma_wait3A_672 = arith.constant 0 : i32
      %dma_wait3A_673 = arith.constant 0 : i32
      %dma_wait3A_674 = tpu.memref_slice %arg8[%dma_wait3A_672, %dma_wait3A_673] : memref<10008x128xf32, #tpu.memory_space<vmem_shared>> -> memref<10008x128xf32, #tpu.memory_space<vmem_shared>>
      tpu.wait_indirect_dma semaphore(%arg12 : memref<!tpu.dma_semaphore, #tpu.memory_space<semaphore_mem>>) src(%dma_wait3A_668 : memref<128x128xf32, #tpu.memory_space<vmem>>) dst(%dma_wait3A_674 : memref<10008x128xf32, #tpu.memory_space<vmem_shared>>)
      %add3A_675 = arith.constant 3 : i32
      %add3A_676 = arith.addi %add3A_635, %add3A_675 : i32
      %mul3A_677 = arith.constant 128 : i32
      %mul3A_678 = arith.muli %add3A_676, %mul3A_677 : i32
      %add3A_679 = arith.addi %mul3A_2, %mul3A_678 : i32
      %dma_start3A_680 = arith.constant 3 : i32
      %dma_start3A_681 = arith.constant 0 : i32
      %dma_start3A_682 = arith.constant 0 : i32
      %dma_start3A_683 = tpu.memref_slice %arg6[%dma_start3A_680, %dma_start3A_681, %dma_start3A_682] : memref<4x2x128xi32, #tpu.memory_space<vmem>> -> memref<1x2x128xi32, #tpu.memory_space<vmem>>
      %dma_start3A_684 = tpu.memref_squeeze %dma_start3A_683 : memref<1x2x128xi32, #tpu.memory_space<vmem>> -> memref<2x128xi32, #tpu.memory_space<vmem>>
      %dma_start3A_685 = arith.constant 0 : i32
      %dma_start3A_686 = tpu.memref_slice %arg3[%dma_start3A_685, %add3A_679] : memref<2x320000xi32, #tpu.memory_space<hbm>> -> memref<2x128xi32, #tpu.memory_space<hbm>>
      %dma_start3A_687 = arith.constant 0 : i32
      %dma_start3A_688 = arith.constant 0 : i32
      %dma_start3A_689 = tpu.memref_slice %arg6[%dma_start3A_680, %dma_start3A_687, %dma_start3A_688] : memref<4x2x128xi32, #tpu.memory_space<vmem>> -> memref<1x2x128xi32, #tpu.memory_space<vmem>>
      %dma_start3A_690 = tpu.memref_squeeze %dma_start3A_689 : memref<1x2x128xi32, #tpu.memory_space<vmem>> -> memref<2x128xi32, #tpu.memory_space<vmem>>
      %dma_start3A_691 = arith.constant 0 : i32
      %dma_start3A_692 = tpu.memref_slice %arg3[%dma_start3A_691, %add3A_679] : memref<2x320000xi32, #tpu.memory_space<hbm>> -> memref<2x128xi32, #tpu.memory_space<hbm>>
      tpu.enqueue_dma source(%dma_start3A_692 : memref<2x128xi32, #tpu.memory_space<hbm>>) target(%dma_start3A_690 : memref<2x128xi32, #tpu.memory_space<vmem>>) target_semaphore(%arg9 : memref<!tpu.dma_semaphore, #tpu.memory_space<semaphore_mem>>)
      %dma_wait3A_693 = arith.constant 1 : i32
      %dma_wait3A_694 = arith.constant 0 : i32
      %dma_wait3A_695 = arith.constant 0 : i32
      %dma_wait3A_696 = tpu.memref_slice %arg6[%dma_wait3A_693, %dma_wait3A_694, %dma_wait3A_695] : memref<4x2x128xi32, #tpu.memory_space<vmem>> -> memref<1x2x128xi32, #tpu.memory_space<vmem>>
      %dma_wait3A_697 = tpu.memref_squeeze %dma_wait3A_696 : memref<1x2x128xi32, #tpu.memory_space<vmem>> -> memref<2x128xi32, #tpu.memory_space<vmem>>
      %dma_wait3A_698 = arith.constant 0 : i32
      %dma_wait3A_699 = tpu.memref_slice %arg3[%dma_wait3A_698, %mul3A_2] : memref<2x320000xi32, #tpu.memory_space<hbm>> -> memref<2x128xi32, #tpu.memory_space<hbm>>
      %dma_wait3A_700 = arith.constant 0 : i32
      %dma_wait3A_701 = arith.constant 0 : i32
      %dma_wait3A_702 = tpu.memref_slice %arg6[%dma_wait3A_693, %dma_wait3A_700, %dma_wait3A_701] : memref<4x2x128xi32, #tpu.memory_space<vmem>> -> memref<1x2x128xi32, #tpu.memory_space<vmem>>
      %dma_wait3A_703 = tpu.memref_squeeze %dma_wait3A_702 : memref<1x2x128xi32, #tpu.memory_space<vmem>> -> memref<2x128xi32, #tpu.memory_space<vmem>>
      %dma_wait3A_704 = arith.constant 0 : i32
      %dma_wait3A_705 = tpu.memref_slice %arg3[%dma_wait3A_704, %mul3A_2] : memref<2x320000xi32, #tpu.memory_space<hbm>> -> memref<2x128xi32, #tpu.memory_space<hbm>>
      tpu.wait_dma2 semaphore(%arg9 : memref<!tpu.dma_semaphore, #tpu.memory_space<semaphore_mem>>) src(%dma_wait3A_705 : memref<2x128xi32, #tpu.memory_space<hbm>>) dst(%dma_wait3A_703 : memref<2x128xi32, #tpu.memory_space<vmem>>)
      %dma_start3A_706 = arith.constant 1 : i32
      %dma_start3A_707 = arith.constant 0 : i32
      %dma_start3A_708 = arith.constant 1 : i32
      %dma_start3A_709 = arith.constant 0 : i32
      %dma_start3A_710 = arith.constant 0 : i32
      %dma_start3A_711 = tpu.memref_slice %arg7[%dma_start3A_708, %dma_start3A_709, %dma_start3A_710] : memref<2x128x128xf32, #tpu.memory_space<vmem>> -> memref<1x128x128xf32, #tpu.memory_space<vmem>>
      %dma_start3A_712 = tpu.memref_squeeze %dma_start3A_711 : memref<1x128x128xf32, #tpu.memory_space<vmem>> -> memref<128x128xf32, #tpu.memory_space<vmem>>
      %dma_start3A_713 = arith.constant 0 : i32
      %dma_start3A_714 = tpu.memref_slice %arg6[%dma_start3A_706, %dma_start3A_707, %dma_start3A_713] : memref<4x2x128xi32, #tpu.memory_space<vmem>> -> memref<1x1x128xi32, #tpu.memory_space<vmem>>
      %dma_start3A_715 = tpu.memref_squeeze %dma_start3A_714 : memref<1x1x128xi32, #tpu.memory_space<vmem>> -> memref<128xi32, #tpu.memory_space<vmem>>
      %dma_start3A_716 = arith.constant 0 : i32
      %dma_start3A_717 = arith.constant 0 : i32
      %dma_start3A_718 = tpu.memref_slice %arg2[%dma_start3A_716, %dma_start3A_717] : memref<10000x128xf32, #tpu.memory_space<hbm>> -> memref<10000x128xf32, #tpu.memory_space<hbm>>
      tpu.enqueue_indirect_dma source(%dma_start3A_718 : memref<10000x128xf32, #tpu.memory_space<hbm>>) target(%dma_start3A_712 : memref<128x128xf32, #tpu.memory_space<vmem>>) offsets(%dma_start3A_715 : memref<128xi32, #tpu.memory_space<vmem>>) semaphore(%arg10 : memref<!tpu.dma_semaphore, #tpu.memory_space<semaphore_mem>>)
    }
    %while3A_158 = arith.constant 1 : i32
    scf.for %while3A_362 = %while3A_156 to %while3A_152 step %while3A_158  : i32 {
      %mul3A_363 = arith.constant 4 : i32
      %mul3A_364 = arith.muli %while3A_362, %mul3A_363 : i32
      %add3A_365 = arith.constant 0 : i32
      %add3A_366 = arith.addi %mul3A_364, %add3A_365 : i32
      %add3A_367 = arith.constant 1 : i32
      %add3A_368 = arith.addi %add3A_366, %add3A_367 : i32
      %dma_wait3A_369 = arith.constant 1 : i32
      %dma_wait3A_370 = arith.constant 0 : i32
      %dma_wait3A_371 = arith.constant 1 : i32
      %dma_wait3A_372 = arith.constant 0 : i32
      %dma_wait3A_373 = arith.constant 0 : i32
      %dma_wait3A_374 = tpu.memref_slice %arg7[%dma_wait3A_371, %dma_wait3A_372, %dma_wait3A_373] : memref<2x128x128xf32, #tpu.memory_space<vmem>> -> memref<1x128x128xf32, #tpu.memory_space<vmem>>
      %dma_wait3A_375 = tpu.memref_squeeze %dma_wait3A_374 : memref<1x128x128xf32, #tpu.memory_space<vmem>> -> memref<128x128xf32, #tpu.memory_space<vmem>>
      %dma_wait3A_376 = arith.constant 0 : i32
      %dma_wait3A_377 = tpu.memref_slice %arg6[%dma_wait3A_369, %dma_wait3A_370, %dma_wait3A_376] : memref<4x2x128xi32, #tpu.memory_space<vmem>> -> memref<1x1x128xi32, #tpu.memory_space<vmem>>
      %dma_wait3A_378 = tpu.memref_squeeze %dma_wait3A_377 : memref<1x1x128xi32, #tpu.memory_space<vmem>> -> memref<128xi32, #tpu.memory_space<vmem>>
      %dma_wait3A_379 = arith.constant 0 : i32
      %dma_wait3A_380 = arith.constant 0 : i32
      %dma_wait3A_381 = tpu.memref_slice %arg2[%dma_wait3A_379, %dma_wait3A_380] : memref<10000x128xf32, #tpu.memory_space<hbm>> -> memref<10000x128xf32, #tpu.memory_space<hbm>>
      tpu.wait_indirect_dma semaphore(%arg10 : memref<!tpu.dma_semaphore, #tpu.memory_space<semaphore_mem>>) src(%dma_wait3A_381 : memref<10000x128xf32, #tpu.memory_space<hbm>>) dst(%dma_wait3A_375 : memref<128x128xf32, #tpu.memory_space<vmem>>)
      %dma_start3A_382 = arith.constant 1 : i32
      %dma_start3A_383 = arith.constant 1 : i32
      %dma_start3A_384 = arith.constant 1 : i32
      %dma_start3A_385 = arith.constant 0 : i32
      %dma_start3A_386 = arith.constant 0 : i32
      %dma_start3A_387 = tpu.memref_slice %arg7[%dma_start3A_382, %dma_start3A_385, %dma_start3A_386] : memref<2x128x128xf32, #tpu.memory_space<vmem>> -> memref<1x128x128xf32, #tpu.memory_space<vmem>>
      %dma_start3A_388 = tpu.memref_squeeze %dma_start3A_387 : memref<1x128x128xf32, #tpu.memory_space<vmem>> -> memref<128x128xf32, #tpu.memory_space<vmem>>
      %dma_start3A_389 = arith.constant 0 : i32
      %dma_start3A_390 = tpu.memref_slice %arg6[%dma_start3A_383, %dma_start3A_384, %dma_start3A_389] : memref<4x2x128xi32, #tpu.memory_space<vmem>> -> memref<1x1x128xi32, #tpu.memory_space<vmem>>
      %dma_start3A_391 = tpu.memref_squeeze %dma_start3A_390 : memref<1x1x128xi32, #tpu.memory_space<vmem>> -> memref<128xi32, #tpu.memory_space<vmem>>
      %dma_start3A_392 = arith.constant 0 : i32
      %dma_start3A_393 = arith.constant 0 : i32
      %dma_start3A_394 = tpu.memref_slice %arg8[%dma_start3A_392, %dma_start3A_393] : memref<10008x128xf32, #tpu.memory_space<vmem_shared>> -> memref<10008x128xf32, #tpu.memory_space<vmem_shared>>
      tpu.enqueue_indirect_dma source(%dma_start3A_388 : memref<128x128xf32, #tpu.memory_space<vmem>>) target(%dma_start3A_394 : memref<10008x128xf32, #tpu.memory_space<vmem_shared>>) offsets(%dma_start3A_391 : memref<128xi32, #tpu.memory_space<vmem>>) semaphore(%arg12 : memref<!tpu.dma_semaphore, #tpu.memory_space<semaphore_mem>>) {add = true}
      %dma_wait3A_395 = arith.constant 0 : i32
      %dma_wait3A_396 = arith.constant 0 : i32
      %dma_wait3A_397 = arith.constant 1 : i32
      %dma_wait3A_398 = arith.constant 0 : i32
      %dma_wait3A_399 = arith.constant 0 : i32
      %dma_wait3A_400 = tpu.memref_slice %arg7[%dma_wait3A_395, %dma_wait3A_398, %dma_wait3A_399] : memref<2x128x128xf32, #tpu.memory_space<vmem>> -> memref<1x128x128xf32, #tpu.memory_space<vmem>>
      %dma_wait3A_401 = tpu.memref_squeeze %dma_wait3A_400 : memref<1x128x128xf32, #tpu.memory_space<vmem>> -> memref<128x128xf32, #tpu.memory_space<vmem>>
      %dma_wait3A_402 = arith.constant 0 : i32
      %dma_wait3A_403 = tpu.memref_slice %arg6[%dma_wait3A_396, %dma_wait3A_397, %dma_wait3A_402] : memref<4x2x128xi32, #tpu.memory_space<vmem>> -> memref<1x1x128xi32, #tpu.memory_space<vmem>>
      %dma_wait3A_404 = tpu.memref_squeeze %dma_wait3A_403 : memref<1x1x128xi32, #tpu.memory_space<vmem>> -> memref<128xi32, #tpu.memory_space<vmem>>
      %dma_wait3A_405 = arith.constant 0 : i32
      %dma_wait3A_406 = arith.constant 0 : i32
      %dma_wait3A_407 = tpu.memref_slice %arg8[%dma_wait3A_405, %dma_wait3A_406] : memref<10008x128xf32, #tpu.memory_space<vmem_shared>> -> memref<10008x128xf32, #tpu.memory_space<vmem_shared>>
      tpu.wait_indirect_dma semaphore(%arg11 : memref<!tpu.dma_semaphore, #tpu.memory_space<semaphore_mem>>) src(%dma_wait3A_401 : memref<128x128xf32, #tpu.memory_space<vmem>>) dst(%dma_wait3A_407 : memref<10008x128xf32, #tpu.memory_space<vmem_shared>>)
      %add3A_408 = arith.constant 3 : i32
      %add3A_409 = arith.addi %add3A_368, %add3A_408 : i32
      %mul3A_410 = arith.constant 128 : i32
      %mul3A_411 = arith.muli %add3A_409, %mul3A_410 : i32
      %add3A_412 = arith.addi %mul3A_2, %mul3A_411 : i32
      %dma_start3A_413 = arith.constant 0 : i32
      %dma_start3A_414 = arith.constant 0 : i32
      %dma_start3A_415 = arith.constant 0 : i32
      %dma_start3A_416 = tpu.memref_slice %arg6[%dma_start3A_413, %dma_start3A_414, %dma_start3A_415] : memref<4x2x128xi32, #tpu.memory_space<vmem>> -> memref<1x2x128xi32, #tpu.memory_space<vmem>>
      %dma_start3A_417 = tpu.memref_squeeze %dma_start3A_416 : memref<1x2x128xi32, #tpu.memory_space<vmem>> -> memref<2x128xi32, #tpu.memory_space<vmem>>
      %dma_start3A_418 = arith.constant 0 : i32
      %dma_start3A_419 = tpu.memref_slice %arg3[%dma_start3A_418, %add3A_412] : memref<2x320000xi32, #tpu.memory_space<hbm>> -> memref<2x128xi32, #tpu.memory_space<hbm>>
      %dma_start3A_420 = arith.constant 0 : i32
      %dma_start3A_421 = arith.constant 0 : i32
      %dma_start3A_422 = tpu.memref_slice %arg6[%dma_start3A_413, %dma_start3A_420, %dma_start3A_421] : memref<4x2x128xi32, #tpu.memory_space<vmem>> -> memref<1x2x128xi32, #tpu.memory_space<vmem>>
      %dma_start3A_423 = tpu.memref_squeeze %dma_start3A_422 : memref<1x2x128xi32, #tpu.memory_space<vmem>> -> memref<2x128xi32, #tpu.memory_space<vmem>>
      %dma_start3A_424 = arith.constant 0 : i32
      %dma_start3A_425 = tpu.memref_slice %arg3[%dma_start3A_424, %add3A_412] : memref<2x320000xi32, #tpu.memory_space<hbm>> -> memref<2x128xi32, #tpu.memory_space<hbm>>
      tpu.enqueue_dma source(%dma_start3A_425 : memref<2x128xi32, #tpu.memory_space<hbm>>) target(%dma_start3A_423 : memref<2x128xi32, #tpu.memory_space<vmem>>) target_semaphore(%arg9 : memref<!tpu.dma_semaphore, #tpu.memory_space<semaphore_mem>>)
      %dma_wait3A_426 = arith.constant 2 : i32
      %dma_wait3A_427 = arith.constant 0 : i32
      %dma_wait3A_428 = arith.constant 0 : i32
      %dma_wait3A_429 = tpu.memref_slice %arg6[%dma_wait3A_426, %dma_wait3A_427, %dma_wait3A_428] : memref<4x2x128xi32, #tpu.memory_space<vmem>> -> memref<1x2x128xi32, #tpu.memory_space<vmem>>
      %dma_wait3A_430 = tpu.memref_squeeze %dma_wait3A_429 : memref<1x2x128xi32, #tpu.memory_space<vmem>> -> memref<2x128xi32, #tpu.memory_space<vmem>>
      %dma_wait3A_431 = arith.constant 0 : i32
      %dma_wait3A_432 = tpu.memref_slice %arg3[%dma_wait3A_431, %mul3A_2] : memref<2x320000xi32, #tpu.memory_space<hbm>> -> memref<2x128xi32, #tpu.memory_space<hbm>>
      %dma_wait3A_433 = arith.constant 0 : i32
      %dma_wait3A_434 = arith.constant 0 : i32
      %dma_wait3A_435 = tpu.memref_slice %arg6[%dma_wait3A_426, %dma_wait3A_433, %dma_wait3A_434] : memref<4x2x128xi32, #tpu.memory_space<vmem>> -> memref<1x2x128xi32, #tpu.memory_space<vmem>>
      %dma_wait3A_436 = tpu.memref_squeeze %dma_wait3A_435 : memref<1x2x128xi32, #tpu.memory_space<vmem>> -> memref<2x128xi32, #tpu.memory_space<vmem>>
      %dma_wait3A_437 = arith.constant 0 : i32
      %dma_wait3A_438 = tpu.memref_slice %arg3[%dma_wait3A_437, %mul3A_2] : memref<2x320000xi32, #tpu.memory_space<hbm>> -> memref<2x128xi32, #tpu.memory_space<hbm>>
      tpu.wait_dma2 semaphore(%arg9 : memref<!tpu.dma_semaphore, #tpu.memory_space<semaphore_mem>>) src(%dma_wait3A_438 : memref<2x128xi32, #tpu.memory_space<hbm>>) dst(%dma_wait3A_436 : memref<2x128xi32, #tpu.memory_space<vmem>>)
      %dma_start3A_439 = arith.constant 2 : i32
      %dma_start3A_440 = arith.constant 0 : i32
      %dma_start3A_441 = arith.constant 0 : i32
      %dma_start3A_442 = arith.constant 0 : i32
      %dma_start3A_443 = arith.constant 0 : i32
      %dma_start3A_444 = tpu.memref_slice %arg7[%dma_start3A_441, %dma_start3A_442, %dma_start3A_443] : memref<2x128x128xf32, #tpu.memory_space<vmem>> -> memref<1x128x128xf32, #tpu.memory_space<vmem>>
      %dma_start3A_445 = tpu.memref_squeeze %dma_start3A_444 : memref<1x128x128xf32, #tpu.memory_space<vmem>> -> memref<128x128xf32, #tpu.memory_space<vmem>>
      %dma_start3A_446 = arith.constant 0 : i32
      %dma_start3A_447 = tpu.memref_slice %arg6[%dma_start3A_439, %dma_start3A_440, %dma_start3A_446] : memref<4x2x128xi32, #tpu.memory_space<vmem>> -> memref<1x1x128xi32, #tpu.memory_space<vmem>>
      %dma_start3A_448 = tpu.memref_squeeze %dma_start3A_447 : memref<1x1x128xi32, #tpu.memory_space<vmem>> -> memref<128xi32, #tpu.memory_space<vmem>>
      %dma_start3A_449 = arith.constant 0 : i32
      %dma_start3A_450 = arith.constant 0 : i32
      %dma_start3A_451 = tpu.memref_slice %arg2[%dma_start3A_449, %dma_start3A_450] : memref<10000x128xf32, #tpu.memory_space<hbm>> -> memref<10000x128xf32, #tpu.memory_space<hbm>>
      tpu.enqueue_indirect_dma source(%dma_start3A_451 : memref<10000x128xf32, #tpu.memory_space<hbm>>) target(%dma_start3A_445 : memref<128x128xf32, #tpu.memory_space<vmem>>) offsets(%dma_start3A_448 : memref<128xi32, #tpu.memory_space<vmem>>) semaphore(%arg10 : memref<!tpu.dma_semaphore, #tpu.memory_space<semaphore_mem>>)
      %mul3A_452 = arith.constant 4 : i32
      %mul3A_453 = arith.muli %while3A_362, %mul3A_452 : i32
      %add3A_454 = arith.constant 1 : i32
      %add3A_455 = arith.addi %mul3A_453, %add3A_454 : i32
      %add3A_456 = arith.constant 1 : i32
      %add3A_457 = arith.addi %add3A_455, %add3A_456 : i32
      %dma_wait3A_458 = arith.constant 2 : i32
      %dma_wait3A_459 = arith.constant 0 : i32
      %dma_wait3A_460 = arith.constant 0 : i32
      %dma_wait3A_461 = arith.constant 0 : i32
      %dma_wait3A_462 = arith.constant 0 : i32
      %dma_wait3A_463 = tpu.memref_slice %arg7[%dma_wait3A_460, %dma_wait3A_461, %dma_wait3A_462] : memref<2x128x128xf32, #tpu.memory_space<vmem>> -> memref<1x128x128xf32, #tpu.memory_space<vmem>>
      %dma_wait3A_464 = tpu.memref_squeeze %dma_wait3A_463 : memref<1x128x128xf32, #tpu.memory_space<vmem>> -> memref<128x128xf32, #tpu.memory_space<vmem>>
      %dma_wait3A_465 = arith.constant 0 : i32
      %dma_wait3A_466 = tpu.memref_slice %arg6[%dma_wait3A_458, %dma_wait3A_459, %dma_wait3A_465] : memref<4x2x128xi32, #tpu.memory_space<vmem>> -> memref<1x1x128xi32, #tpu.memory_space<vmem>>
      %dma_wait3A_467 = tpu.memref_squeeze %dma_wait3A_466 : memref<1x1x128xi32, #tpu.memory_space<vmem>> -> memref<128xi32, #tpu.memory_space<vmem>>
      %dma_wait3A_468 = arith.constant 0 : i32
      %dma_wait3A_469 = arith.constant 0 : i32
      %dma_wait3A_470 = tpu.memref_slice %arg2[%dma_wait3A_468, %dma_wait3A_469] : memref<10000x128xf32, #tpu.memory_space<hbm>> -> memref<10000x128xf32, #tpu.memory_space<hbm>>
      tpu.wait_indirect_dma semaphore(%arg10 : memref<!tpu.dma_semaphore, #tpu.memory_space<semaphore_mem>>) src(%dma_wait3A_470 : memref<10000x128xf32, #tpu.memory_space<hbm>>) dst(%dma_wait3A_464 : memref<128x128xf32, #tpu.memory_space<vmem>>)
      %dma_start3A_471 = arith.constant 0 : i32
      %dma_start3A_472 = arith.constant 2 : i32
      %dma_start3A_473 = arith.constant 1 : i32
      %dma_start3A_474 = arith.constant 0 : i32
      %dma_start3A_475 = arith.constant 0 : i32
      %dma_start3A_476 = tpu.memref_slice %arg7[%dma_start3A_471, %dma_start3A_474, %dma_start3A_475] : memref<2x128x128xf32, #tpu.memory_space<vmem>> -> memref<1x128x128xf32, #tpu.memory_space<vmem>>
      %dma_start3A_477 = tpu.memref_squeeze %dma_start3A_476 : memref<1x128x128xf32, #tpu.memory_space<vmem>> -> memref<128x128xf32, #tpu.memory_space<vmem>>
      %dma_start3A_478 = arith.constant 0 : i32
      %dma_start3A_479 = tpu.memref_slice %arg6[%dma_start3A_472, %dma_start3A_473, %dma_start3A_478] : memref<4x2x128xi32, #tpu.memory_space<vmem>> -> memref<1x1x128xi32, #tpu.memory_space<vmem>>
      %dma_start3A_480 = tpu.memref_squeeze %dma_start3A_479 : memref<1x1x128xi32, #tpu.memory_space<vmem>> -> memref<128xi32, #tpu.memory_space<vmem>>
      %dma_start3A_481 = arith.constant 0 : i32
      %dma_start3A_482 = arith.constant 0 : i32
      %dma_start3A_483 = tpu.memref_slice %arg8[%dma_start3A_481, %dma_start3A_482] : memref<10008x128xf32, #tpu.memory_space<vmem_shared>> -> memref<10008x128xf32, #tpu.memory_space<vmem_shared>>
      tpu.enqueue_indirect_dma source(%dma_start3A_477 : memref<128x128xf32, #tpu.memory_space<vmem>>) target(%dma_start3A_483 : memref<10008x128xf32, #tpu.memory_space<vmem_shared>>) offsets(%dma_start3A_480 : memref<128xi32, #tpu.memory_space<vmem>>) semaphore(%arg11 : memref<!tpu.dma_semaphore, #tpu.memory_space<semaphore_mem>>) {add = true}
      %dma_wait3A_484 = arith.constant 1 : i32
      %dma_wait3A_485 = arith.constant 0 : i32
      %dma_wait3A_486 = arith.constant 1 : i32
      %dma_wait3A_487 = arith.constant 0 : i32
      %dma_wait3A_488 = arith.constant 0 : i32
      %dma_wait3A_489 = tpu.memref_slice %arg7[%dma_wait3A_484, %dma_wait3A_487, %dma_wait3A_488] : memref<2x128x128xf32, #tpu.memory_space<vmem>> -> memref<1x128x128xf32, #tpu.memory_space<vmem>>
      %dma_wait3A_490 = tpu.memref_squeeze %dma_wait3A_489 : memref<1x128x128xf32, #tpu.memory_space<vmem>> -> memref<128x128xf32, #tpu.memory_space<vmem>>
      %dma_wait3A_491 = arith.constant 0 : i32
      %dma_wait3A_492 = tpu.memref_slice %arg6[%dma_wait3A_485, %dma_wait3A_486, %dma_wait3A_491] : memref<4x2x128xi32, #tpu.memory_space<vmem>> -> memref<1x1x128xi32, #tpu.memory_space<vmem>>
      %dma_wait3A_493 = tpu.memref_squeeze %dma_wait3A_492 : memref<1x1x128xi32, #tpu.memory_space<vmem>> -> memref<128xi32, #tpu.memory_space<vmem>>
      %dma_wait3A_494 = arith.constant 0 : i32
      %dma_wait3A_495 = arith.constant 0 : i32
      %dma_wait3A_496 = tpu.memref_slice %arg8[%dma_wait3A_494, %dma_wait3A_495] : memref<10008x128xf32, #tpu.memory_space<vmem_shared>> -> memref<10008x128xf32, #tpu.memory_space<vmem_shared>>
      tpu.wait_indirect_dma semaphore(%arg12 : memref<!tpu.dma_semaphore, #tpu.memory_space<semaphore_mem>>) src(%dma_wait3A_490 : memref<128x128xf32, #tpu.memory_space<vmem>>) dst(%dma_wait3A_496 : memref<10008x128xf32, #tpu.memory_space<vmem_shared>>)
      %add3A_497 = arith.constant 3 : i32
      %add3A_498 = arith.addi %add3A_457, %add3A_497 : i32
      %mul3A_499 = arith.constant 128 : i32
      %mul3A_500 = arith.muli %add3A_498, %mul3A_499 : i32
      %add3A_501 = arith.addi %mul3A_2, %mul3A_500 : i32
      %dma_start3A_502 = arith.constant 1 : i32
      %dma_start3A_503 = arith.constant 0 : i32
      %dma_start3A_504 = arith.constant 0 : i32
      %dma_start3A_505 = tpu.memref_slice %arg6[%dma_start3A_502, %dma_start3A_503, %dma_start3A_504] : memref<4x2x128xi32, #tpu.memory_space<vmem>> -> memref<1x2x128xi32, #tpu.memory_space<vmem>>
      %dma_start3A_506 = tpu.memref_squeeze %dma_start3A_505 : memref<1x2x128xi32, #tpu.memory_space<vmem>> -> memref<2x128xi32, #tpu.memory_space<vmem>>
      %dma_start3A_507 = arith.constant 0 : i32
      %dma_start3A_508 = tpu.memref_slice %arg3[%dma_start3A_507, %add3A_501] : memref<2x320000xi32, #tpu.memory_space<hbm>> -> memref<2x128xi32, #tpu.memory_space<hbm>>
      %dma_start3A_509 = arith.constant 0 : i32
      %dma_start3A_510 = arith.constant 0 : i32
      %dma_start3A_511 = tpu.memref_slice %arg6[%dma_start3A_502, %dma_start3A_509, %dma_start3A_510] : memref<4x2x128xi32, #tpu.memory_space<vmem>> -> memref<1x2x128xi32, #tpu.memory_space<vmem>>
      %dma_start3A_512 = tpu.memref_squeeze %dma_start3A_511 : memref<1x2x128xi32, #tpu.memory_space<vmem>> -> memref<2x128xi32, #tpu.memory_space<vmem>>
      %dma_start3A_513 = arith.constant 0 : i32
      %dma_start3A_514 = tpu.memref_slice %arg3[%dma_start3A_513, %add3A_501] : memref<2x320000xi32, #tpu.memory_space<hbm>> -> memref<2x128xi32, #tpu.memory_space<hbm>>
      tpu.enqueue_dma source(%dma_start3A_514 : memref<2x128xi32, #tpu.memory_space<hbm>>) target(%dma_start3A_512 : memref<2x128xi32, #tpu.memory_space<vmem>>) target_semaphore(%arg9 : memref<!tpu.dma_semaphore, #tpu.memory_space<semaphore_mem>>)
      %dma_wait3A_515 = arith.constant 3 : i32
      %dma_wait3A_516 = arith.constant 0 : i32
      %dma_wait3A_517 = arith.constant 0 : i32
      %dma_wait3A_518 = tpu.memref_slice %arg6[%dma_wait3A_515, %dma_wait3A_516, %dma_wait3A_517] : memref<4x2x128xi32, #tpu.memory_space<vmem>> -> memref<1x2x128xi32, #tpu.memory_space<vmem>>
      %dma_wait3A_519 = tpu.memref_squeeze %dma_wait3A_518 : memref<1x2x128xi32, #tpu.memory_space<vmem>> -> memref<2x128xi32, #tpu.memory_space<vmem>>
      %dma_wait3A_520 = arith.constant 0 : i32
      %dma_wait3A_521 = tpu.memref_slice %arg3[%dma_wait3A_520, %mul3A_2] : memref<2x320000xi32, #tpu.memory_space<hbm>> -> memref<2x128xi32, #tpu.memory_space<hbm>>
      %dma_wait3A_522 = arith.constant 0 : i32
      %dma_wait3A_523 = arith.constant 0 : i32
      %dma_wait3A_524 = tpu.memref_slice %arg6[%dma_wait3A_515, %dma_wait3A_522, %dma_wait3A_523] : memref<4x2x128xi32, #tpu.memory_space<vmem>> -> memref<1x2x128xi32, #tpu.memory_space<vmem>>
      %dma_wait3A_525 = tpu.memref_squeeze %dma_wait3A_524 : memref<1x2x128xi32, #tpu.memory_space<vmem>> -> memref<2x128xi32, #tpu.memory_space<vmem>>
      %dma_wait3A_526 = arith.constant 0 : i32
      %dma_wait3A_527 = tpu.memref_slice %arg3[%dma_wait3A_526, %mul3A_2] : memref<2x320000xi32, #tpu.memory_space<hbm>> -> memref<2x128xi32, #tpu.memory_space<hbm>>
      tpu.wait_dma2 semaphore(%arg9 : memref<!tpu.dma_semaphore, #tpu.memory_space<semaphore_mem>>) src(%dma_wait3A_527 : memref<2x128xi32, #tpu.memory_space<hbm>>) dst(%dma_wait3A_525 : memref<2x128xi32, #tpu.memory_space<vmem>>)
      %dma_start3A_528 = arith.constant 3 : i32
      %dma_start3A_529 = arith.constant 0 : i32
      %dma_start3A_530 = arith.constant 1 : i32
      %dma_start3A_531 = arith.constant 0 : i32
      %dma_start3A_532 = arith.constant 0 : i32
      %dma_start3A_533 = tpu.memref_slice %arg7[%dma_start3A_530, %dma_start3A_531, %dma_start3A_532] : memref<2x128x128xf32, #tpu.memory_space<vmem>> -> memref<1x128x128xf32, #tpu.memory_space<vmem>>
      %dma_start3A_534 = tpu.memref_squeeze %dma_start3A_533 : memref<1x128x128xf32, #tpu.memory_space<vmem>> -> memref<128x128xf32, #tpu.memory_space<vmem>>
      %dma_start3A_535 = arith.constant 0 : i32
      %dma_start3A_536 = tpu.memref_slice %arg6[%dma_start3A_528, %dma_start3A_529, %dma_start3A_535] : memref<4x2x128xi32, #tpu.memory_space<vmem>> -> memref<1x1x128xi32, #tpu.memory_space<vmem>>
      %dma_start3A_537 = tpu.memref_squeeze %dma_start3A_536 : memref<1x1x128xi32, #tpu.memory_space<vmem>> -> memref<128xi32, #tpu.memory_space<vmem>>
      %dma_start3A_538 = arith.constant 0 : i32
      %dma_start3A_539 = arith.constant 0 : i32
      %dma_start3A_540 = tpu.memref_slice %arg2[%dma_start3A_538, %dma_start3A_539] : memref<10000x128xf32, #tpu.memory_space<hbm>> -> memref<10000x128xf32, #tpu.memory_space<hbm>>
      tpu.enqueue_indirect_dma source(%dma_start3A_540 : memref<10000x128xf32, #tpu.memory_space<hbm>>) target(%dma_start3A_534 : memref<128x128xf32, #tpu.memory_space<vmem>>) offsets(%dma_start3A_537 : memref<128xi32, #tpu.memory_space<vmem>>) semaphore(%arg10 : memref<!tpu.dma_semaphore, #tpu.memory_space<semaphore_mem>>)
      %mul3A_541 = arith.constant 4 : i32
      %mul3A_542 = arith.muli %while3A_362, %mul3A_541 : i32
      %add3A_543 = arith.constant 2 : i32
      %add3A_544 = arith.addi %mul3A_542, %add3A_543 : i32
      %add3A_545 = arith.constant 1 : i32
      %add3A_546 = arith.addi %add3A_544, %add3A_545 : i32
      %dma_wait3A_547 = arith.constant 3 : i32
      %dma_wait3A_548 = arith.constant 0 : i32
      %dma_wait3A_549 = arith.constant 1 : i32
      %dma_wait3A_550 = arith.constant 0 : i32
      %dma_wait3A_551 = arith.constant 0 : i32
      %dma_wait3A_552 = tpu.memref_slice %arg7[%dma_wait3A_549, %dma_wait3A_550, %dma_wait3A_551] : memref<2x128x128xf32, #tpu.memory_space<vmem>> -> memref<1x128x128xf32, #tpu.memory_space<vmem>>
      %dma_wait3A_553 = tpu.memref_squeeze %dma_wait3A_552 : memref<1x128x128xf32, #tpu.memory_space<vmem>> -> memref<128x128xf32, #tpu.memory_space<vmem>>
      %dma_wait3A_554 = arith.constant 0 : i32
      %dma_wait3A_555 = tpu.memref_slice %arg6[%dma_wait3A_547, %dma_wait3A_548, %dma_wait3A_554] : memref<4x2x128xi32, #tpu.memory_space<vmem>> -> memref<1x1x128xi32, #tpu.memory_space<vmem>>
      %dma_wait3A_556 = tpu.memref_squeeze %dma_wait3A_555 : memref<1x1x128xi32, #tpu.memory_space<vmem>> -> memref<128xi32, #tpu.memory_space<vmem>>
      %dma_wait3A_557 = arith.constant 0 : i32
      %dma_wait3A_558 = arith.constant 0 : i32
      %dma_wait3A_559 = tpu.memref_slice %arg2[%dma_wait3A_557, %dma_wait3A_558] : memref<10000x128xf32, #tpu.memory_space<hbm>> -> memref<10000x128xf32, #tpu.memory_space<hbm>>
      tpu.wait_indirect_dma semaphore(%arg10 : memref<!tpu.dma_semaphore, #tpu.memory_space<semaphore_mem>>) src(%dma_wait3A_559 : memref<10000x128xf32, #tpu.memory_space<hbm>>) dst(%dma_wait3A_553 : memref<128x128xf32, #tpu.memory_space<vmem>>)
      %dma_start3A_560 = arith.constant 1 : i32
      %dma_start3A_561 = arith.constant 3 : i32
      %dma_start3A_562 = arith.constant 1 : i32
      %dma_start3A_563 = arith.constant 0 : i32
      %dma_start3A_564 = arith.constant 0 : i32
      %dma_start3A_565 = tpu.memref_slice %arg7[%dma_start3A_560, %dma_start3A_563, %dma_start3A_564] : memref<2x128x128xf32, #tpu.memory_space<vmem>> -> memref<1x128x128xf32, #tpu.memory_space<vmem>>
      %dma_start3A_566 = tpu.memref_squeeze %dma_start3A_565 : memref<1x128x128xf32, #tpu.memory_space<vmem>> -> memref<128x128xf32, #tpu.memory_space<vmem>>
      %dma_start3A_567 = arith.constant 0 : i32
      %dma_start3A_568 = tpu.memref_slice %arg6[%dma_start3A_561, %dma_start3A_562, %dma_start3A_567] : memref<4x2x128xi32, #tpu.memory_space<vmem>> -> memref<1x1x128xi32, #tpu.memory_space<vmem>>
      %dma_start3A_569 = tpu.memref_squeeze %dma_start3A_568 : memref<1x1x128xi32, #tpu.memory_space<vmem>> -> memref<128xi32, #tpu.memory_space<vmem>>
      %dma_start3A_570 = arith.constant 0 : i32
      %dma_start3A_571 = arith.constant 0 : i32
      %dma_start3A_572 = tpu.memref_slice %arg8[%dma_start3A_570, %dma_start3A_571] : memref<10008x128xf32, #tpu.memory_space<vmem_shared>> -> memref<10008x128xf32, #tpu.memory_space<vmem_shared>>
      tpu.enqueue_indirect_dma source(%dma_start3A_566 : memref<128x128xf32, #tpu.memory_space<vmem>>) target(%dma_start3A_572 : memref<10008x128xf32, #tpu.memory_space<vmem_shared>>) offsets(%dma_start3A_569 : memref<128xi32, #tpu.memory_space<vmem>>) semaphore(%arg12 : memref<!tpu.dma_semaphore, #tpu.memory_space<semaphore_mem>>) {add = true}
      %dma_wait3A_573 = arith.constant 0 : i32
      %dma_wait3A_574 = arith.constant 0 : i32
      %dma_wait3A_575 = arith.constant 1 : i32
      %dma_wait3A_576 = arith.constant 0 : i32
      %dma_wait3A_577 = arith.constant 0 : i32
      %dma_wait3A_578 = tpu.memref_slice %arg7[%dma_wait3A_573, %dma_wait3A_576, %dma_wait3A_577] : memref<2x128x128xf32, #tpu.memory_space<vmem>> -> memref<1x128x128xf32, #tpu.memory_space<vmem>>
      %dma_wait3A_579 = tpu.memref_squeeze %dma_wait3A_578 : memref<1x128x128xf32, #tpu.memory_space<vmem>> -> memref<128x128xf32, #tpu.memory_space<vmem>>
      %dma_wait3A_580 = arith.constant 0 : i32
      %dma_wait3A_581 = tpu.memref_slice %arg6[%dma_wait3A_574, %dma_wait3A_575, %dma_wait3A_580] : memref<4x2x128xi32, #tpu.memory_space<vmem>> -> memref<1x1x128xi32, #tpu.memory_space<vmem>>
      %dma_wait3A_582 = tpu.memref_squeeze %dma_wait3A_581 : memref<1x1x128xi32, #tpu.memory_space<vmem>> -> memref<128xi32, #tpu.memory_space<vmem>>
      %dma_wait3A_583 = arith.constant 0 : i32
      %dma_wait3A_584 = arith.constant 0 : i32
      %dma_wait3A_585 = tpu.memref_slice %arg8[%dma_wait3A_583, %dma_wait3A_584] : memref<10008x128xf32, #tpu.memory_space<vmem_shared>> -> memref<10008x128xf32, #tpu.memory_space<vmem_shared>>
      tpu.wait_indirect_dma semaphore(%arg11 : memref<!tpu.dma_semaphore, #tpu.memory_space<semaphore_mem>>) src(%dma_wait3A_579 : memref<128x128xf32, #tpu.memory_space<vmem>>) dst(%dma_wait3A_585 : memref<10008x128xf32, #tpu.memory_space<vmem_shared>>)
      %add3A_586 = arith.constant 3 : i32
      %add3A_587 = arith.addi %add3A_546, %add3A_586 : i32
      %mul3A_588 = arith.constant 128 : i32
      %mul3A_589 = arith.muli %add3A_587, %mul3A_588 : i32
      %add3A_590 = arith.addi %mul3A_2, %mul3A_589 : i32
      %dma_start3A_591 = arith.constant 2 : i32
      %dma_start3A_592 = arith.constant 0 : i32
      %dma_start3A_593 = arith.constant 0 : i32
      %dma_start3A_594 = tpu.memref_slice %arg6[%dma_start3A_591, %dma_start3A_592, %dma_start3A_593] : memref<4x2x128xi32, #tpu.memory_space<vmem>> -> memref<1x2x128xi32, #tpu.memory_space<vmem>>
      %dma_start3A_595 = tpu.memref_squeeze %dma_start3A_594 : memref<1x2x128xi32, #tpu.memory_space<vmem>> -> memref<2x128xi32, #tpu.memory_space<vmem>>
      %dma_start3A_596 = arith.constant 0 : i32
      %dma_start3A_597 = tpu.memref_slice %arg3[%dma_start3A_596, %add3A_590] : memref<2x320000xi32, #tpu.memory_space<hbm>> -> memref<2x128xi32, #tpu.memory_space<hbm>>
      %dma_start3A_598 = arith.constant 0 : i32
      %dma_start3A_599 = arith.constant 0 : i32
      %dma_start3A_600 = tpu.memref_slice %arg6[%dma_start3A_591, %dma_start3A_598, %dma_start3A_599] : memref<4x2x128xi32, #tpu.memory_space<vmem>> -> memref<1x2x128xi32, #tpu.memory_space<vmem>>
      %dma_start3A_601 = tpu.memref_squeeze %dma_start3A_600 : memref<1x2x128xi32, #tpu.memory_space<vmem>> -> memref<2x128xi32, #tpu.memory_space<vmem>>
      %dma_start3A_602 = arith.constant 0 : i32
      %dma_start3A_603 = tpu.memref_slice %arg3[%dma_start3A_602, %add3A_590] : memref<2x320000xi32, #tpu.memory_space<hbm>> -> memref<2x128xi32, #tpu.memory_space<hbm>>
      tpu.enqueue_dma source(%dma_start3A_603 : memref<2x128xi32, #tpu.memory_space<hbm>>) target(%dma_start3A_601 : memref<2x128xi32, #tpu.memory_space<vmem>>) target_semaphore(%arg9 : memref<!tpu.dma_semaphore, #tpu.memory_space<semaphore_mem>>)
      %dma_wait3A_604 = arith.constant 0 : i32
      %dma_wait3A_605 = arith.constant 0 : i32
      %dma_wait3A_606 = arith.constant 0 : i32
      %dma_wait3A_607 = tpu.memref_slice %arg6[%dma_wait3A_604, %dma_wait3A_605, %dma_wait3A_606] : memref<4x2x128xi32, #tpu.memory_space<vmem>> -> memref<1x2x128xi32, #tpu.memory_space<vmem>>
      %dma_wait3A_608 = tpu.memref_squeeze %dma_wait3A_607 : memref<1x2x128xi32, #tpu.memory_space<vmem>> -> memref<2x128xi32, #tpu.memory_space<vmem>>
      %dma_wait3A_609 = arith.constant 0 : i32
      %dma_wait3A_610 = tpu.memref_slice %arg3[%dma_wait3A_609, %mul3A_2] : memref<2x320000xi32, #tpu.memory_space<hbm>> -> memref<2x128xi32, #tpu.memory_space<hbm>>
      %dma_wait3A_611 = arith.constant 0 : i32
      %dma_wait3A_612 = arith.constant 0 : i32
      %dma_wait3A_613 = tpu.memref_slice %arg6[%dma_wait3A_604, %dma_wait3A_611, %dma_wait3A_612] : memref<4x2x128xi32, #tpu.memory_space<vmem>> -> memref<1x2x128xi32, #tpu.memory_space<vmem>>
      %dma_wait3A_614 = tpu.memref_squeeze %dma_wait3A_613 : memref<1x2x128xi32, #tpu.memory_space<vmem>> -> memref<2x128xi32, #tpu.memory_space<vmem>>
      %dma_wait3A_615 = arith.constant 0 : i32
      %dma_wait3A_616 = tpu.memref_slice %arg3[%dma_wait3A_615, %mul3A_2] : memref<2x320000xi32, #tpu.memory_space<hbm>> -> memref<2x128xi32, #tpu.memory_space<hbm>>
      tpu.wait_dma2 semaphore(%arg9 : memref<!tpu.dma_semaphore, #tpu.memory_space<semaphore_mem>>) src(%dma_wait3A_616 : memref<2x128xi32, #tpu.memory_space<hbm>>) dst(%dma_wait3A_614 : memref<2x128xi32, #tpu.memory_space<vmem>>)
      %dma_start3A_617 = arith.constant 0 : i32
      %dma_start3A_618 = arith.constant 0 : i32
      %dma_start3A_619 = arith.constant 0 : i32
      %dma_start3A_620 = arith.constant 0 : i32
      %dma_start3A_621 = arith.constant 0 : i32
      %dma_start3A_622 = tpu.memref_slice %arg7[%dma_start3A_619, %dma_start3A_620, %dma_start3A_621] : memref<2x128x128xf32, #tpu.memory_space<vmem>> -> memref<1x128x128xf32, #tpu.memory_space<vmem>>
      %dma_start3A_623 = tpu.memref_squeeze %dma_start3A_622 : memref<1x128x128xf32, #tpu.memory_space<vmem>> -> memref<128x128xf32, #tpu.memory_space<vmem>>
      %dma_start3A_624 = arith.constant 0 : i32
      %dma_start3A_625 = tpu.memref_slice %arg6[%dma_start3A_617, %dma_start3A_618, %dma_start3A_624] : memref<4x2x128xi32, #tpu.memory_space<vmem>> -> memref<1x1x128xi32, #tpu.memory_space<vmem>>
      %dma_start3A_626 = tpu.memref_squeeze %dma_start3A_625 : memref<1x1x128xi32, #tpu.memory_space<vmem>> -> memref<128xi32, #tpu.memory_space<vmem>>
      %dma_start3A_627 = arith.constant 0 : i32
      %dma_start3A_628 = arith.constant 0 : i32
      %dma_start3A_629 = tpu.memref_slice %arg2[%dma_start3A_627, %dma_start3A_628] : memref<10000x128xf32, #tpu.memory_space<hbm>> -> memref<10000x128xf32, #tpu.memory_space<hbm>>
      tpu.enqueue_indirect_dma source(%dma_start3A_629 : memref<10000x128xf32, #tpu.memory_space<hbm>>) target(%dma_start3A_623 : memref<128x128xf32, #tpu.memory_space<vmem>>) offsets(%dma_start3A_626 : memref<128xi32, #tpu.memory_space<vmem>>) semaphore(%arg10 : memref<!tpu.dma_semaphore, #tpu.memory_space<semaphore_mem>>)
      %mul3A_630 = arith.constant 4 : i32
      %mul3A_631 = arith.muli %while3A_362, %mul3A_630 : i32
      %add3A_632 = arith.constant 3 : i32
      %add3A_633 = arith.addi %mul3A_631, %add3A_632 : i32
      %add3A_634 = arith.constant 1 : i32
      %add3A_635 = arith.addi %add3A_633, %add3A_634 : i32
      %dma_wait3A_636 = arith.constant 0 : i32
      %dma_wait3A_637 = arith.constant 0 : i32
      %dma_wait3A_638 = arith.constant 0 : i32
      %dma_wait3A_639 = arith.constant 0 : i32
      %dma_wait3A_640 = arith.constant 0 : i32
      %dma_wait3A_641 = tpu.memref_slice %arg7[%dma_wait3A_638, %dma_wait3A_639, %dma_wait3A_640] : memref<2x128x128xf32, #tpu.memory_space<vmem>> -> memref<1x128x128xf32, #tpu.memory_space<vmem>>
      %dma_wait3A_642 = tpu.memref_squeeze %dma_wait3A_641 : memref<1x128x128xf32, #tpu.memory_space<vmem>> -> memref<128x128xf32, #tpu.memory_space<vmem>>
      %dma_wait3A_643 = arith.constant 0 : i32
      %dma_wait3A_644 = tpu.memref_slice %arg6[%dma_wait3A_636, %dma_wait3A_637, %dma_wait3A_643] : memref<4x2x128xi32, #tpu.memory_space<vmem>> -> memref<1x1x128xi32, #tpu.memory_space<vmem>>
      %dma_wait3A_645 = tpu.memref_squeeze %dma_wait3A_644 : memref<1x1x128xi32, #tpu.memory_space<vmem>> -> memref<128xi32, #tpu.memory_space<vmem>>
      %dma_wait3A_646 = arith.constant 0 : i32
      %dma_wait3A_647 = arith.constant 0 : i32
      %dma_wait3A_648 = tpu.memref_slice %arg2[%dma_wait3A_646, %dma_wait3A_647] : memref<10000x128xf32, #tpu.memory_space<hbm>> -> memref<10000x128xf32, #tpu.memory_space<hbm>>
      tpu.wait_indirect_dma semaphore(%arg10 : memref<!tpu.dma_semaphore, #tpu.memory_space<semaphore_mem>>) src(%dma_wait3A_648 : memref<10000x128xf32, #tpu.memory_space<hbm>>) dst(%dma_wait3A_642 : memref<128x128xf32, #tpu.memory_space<vmem>>)
      %dma_start3A_649 = arith.constant 0 : i32
      %dma_start3A_650 = arith.constant 0 : i32
      %dma_start3A_651 = arith.constant 1 : i32
      %dma_start3A_652 = arith.constant 0 : i32
      %dma_start3A_653 = arith.constant 0 : i32
      %dma_start3A_654 = tpu.memref_slice %arg7[%dma_start3A_649, %dma_start3A_652, %dma_start3A_653] : memref<2x128x128xf32, #tpu.memory_space<vmem>> -> memref<1x128x128xf32, #tpu.memory_space<vmem>>
      %dma_start3A_655 = tpu.memref_squeeze %dma_start3A_654 : memref<1x128x128xf32, #tpu.memory_space<vmem>> -> memref<128x128xf32, #tpu.memory_space<vmem>>
      %dma_start3A_656 = arith.constant 0 : i32
      %dma_start3A_657 = tpu.memref_slice %arg6[%dma_start3A_650, %dma_start3A_651, %dma_start3A_656] : memref<4x2x128xi32, #tpu.memory_space<vmem>> -> memref<1x1x128xi32, #tpu.memory_space<vmem>>
      %dma_start3A_658 = tpu.memref_squeeze %dma_start3A_657 : memref<1x1x128xi32, #tpu.memory_space<vmem>> -> memref<128xi32, #tpu.memory_space<vmem>>
      %dma_start3A_659 = arith.constant 0 : i32
      %dma_start3A_660 = arith.constant 0 : i32
      %dma_start3A_661 = tpu.memref_slice %arg8[%dma_start3A_659, %dma_start3A_660] : memref<10008x128xf32, #tpu.memory_space<vmem_shared>> -> memref<10008x128xf32, #tpu.memory_space<vmem_shared>>
      tpu.enqueue_indirect_dma source(%dma_start3A_655 : memref<128x128xf32, #tpu.memory_space<vmem>>) target(%dma_start3A_661 : memref<10008x128xf32, #tpu.memory_space<vmem_shared>>) offsets(%dma_start3A_658 : memref<128xi32, #tpu.memory_space<vmem>>) semaphore(%arg11 : memref<!tpu.dma_semaphore, #tpu.memory_space<semaphore_mem>>) {add = true}
      %dma_wait3A_662 = arith.constant 1 : i32
      %dma_wait3A_663 = arith.constant 0 : i32
      %dma_wait3A_664 = arith.constant 1 : i32
      %dma_wait3A_665 = arith.constant 0 : i32
      %dma_wait3A_666 = arith.constant 0 : i32
      %dma_wait3A_667 = tpu.memref_slice %arg7[%dma_wait3A_662, %dma_wait3A_665, %dma_wait3A_666] : memref<2x128x128xf32, #tpu.memory_space<vmem>> -> memref<1x128x128xf32, #tpu.memory_space<vmem>>
      %dma_wait3A_668 = tpu.memref_squeeze %dma_wait3A_667 : memref<1x128x128xf32, #tpu.memory_space<vmem>> -> memref<128x128xf32, #tpu.memory_space<vmem>>
      %dma_wait3A_669 = arith.constant 0 : i32
      %dma_wait3A_670 = tpu.memref_slice %arg6[%dma_wait3A_663, %dma_wait3A_664, %dma_wait3A_669] : memref<4x2x128xi32, #tpu.memory_space<vmem>> -> memref<1x1x128xi32, #tpu.memory_space<vmem>>
      %dma_wait3A_671 = tpu.memref_squeeze %dma_wait3A_670 : memref<1x1x128xi32, #tpu.memory_space<vmem>> -> memref<128xi32, #tpu.memory_space<vmem>>
      %dma_wait3A_672 = arith.constant 0 : i32
      %dma_wait3A_673 = arith.constant 0 : i32
      %dma_wait3A_674 = tpu.memref_slice %arg8[%dma_wait3A_672, %dma_wait3A_673] : memref<10008x128xf32, #tpu.memory_space<vmem_shared>> -> memref<10008x128xf32, #tpu.memory_space<vmem_shared>>
      tpu.wait_indirect_dma semaphore(%arg12 : memref<!tpu.dma_semaphore, #tpu.memory_space<semaphore_mem>>) src(%dma_wait3A_668 : memref<128x128xf32, #tpu.memory_space<vmem>>) dst(%dma_wait3A_674 : memref<10008x128xf32, #tpu.memory_space<vmem_shared>>)
      %add3A_675 = arith.constant 3 : i32
      %add3A_676 = arith.addi %add3A_635, %add3A_675 : i32
      %mul3A_677 = arith.constant 128 : i32
      %mul3A_678 = arith.muli %add3A_676, %mul3A_677 : i32
      %add3A_679 = arith.addi %mul3A_2, %mul3A_678 : i32
      %dma_start3A_680 = arith.constant 3 : i32
      %dma_start3A_681 = arith.constant 0 : i32
      %dma_start3A_682 = arith.constant 0 : i32
      %dma_start3A_683 = tpu.memref_slice %arg6[%dma_start3A_680, %dma_start3A_681, %dma_start3A_682] : memref<4x2x128xi32, #tpu.memory_space<vmem>> -> memref<1x2x128xi32, #tpu.memory_space<vmem>>
      %dma_start3A_684 = tpu.memref_squeeze %dma_start3A_683 : memref<1x2x128xi32, #tpu.memory_space<vmem>> -> memref<2x128xi32, #tpu.memory_space<vmem>>
      %dma_start3A_685 = arith.constant 0 : i32
      %dma_start3A_686 = tpu.memref_slice %arg3[%dma_start3A_685, %add3A_679] : memref<2x320000xi32, #tpu.memory_space<hbm>> -> memref<2x128xi32, #tpu.memory_space<hbm>>
      %dma_start3A_687 = arith.constant 0 : i32
      %dma_start3A_688 = arith.constant 0 : i32
      %dma_start3A_689 = tpu.memref_slice %arg6[%dma_start3A_680, %dma_start3A_687, %dma_start3A_688] : memref<4x2x128xi32, #tpu.memory_space<vmem>> -> memref<1x2x128xi32, #tpu.memory_space<vmem>>
      %dma_start3A_690 = tpu.memref_squeeze %dma_start3A_689 : memref<1x2x128xi32, #tpu.memory_space<vmem>> -> memref<2x128xi32, #tpu.memory_space<vmem>>
      %dma_start3A_691 = arith.constant 0 : i32
      %dma_start3A_692 = tpu.memref_slice %arg3[%dma_start3A_691, %add3A_679] : memref<2x320000xi32, #tpu.memory_space<hbm>> -> memref<2x128xi32, #tpu.memory_space<hbm>>
      tpu.enqueue_dma source(%dma_start3A_692 : memref<2x128xi32, #tpu.memory_space<hbm>>) target(%dma_start3A_690 : memref<2x128xi32, #tpu.memory_space<vmem>>) target_semaphore(%arg9 : memref<!tpu.dma_semaphore, #tpu.memory_space<semaphore_mem>>)
      %dma_wait3A_693 = arith.constant 1 : i32
      %dma_wait3A_694 = arith.constant 0 : i32
      %dma_wait3A_695 = arith.constant 0 : i32
      %dma_wait3A_696 = tpu.memref_slice %arg6[%dma_wait3A_693, %dma_wait3A_694, %dma_wait3A_695] : memref<4x2x128xi32, #tpu.memory_space<vmem>> -> memref<1x2x128xi32, #tpu.memory_space<vmem>>
      %dma_wait3A_697 = tpu.memref_squeeze %dma_wait3A_696 : memref<1x2x128xi32, #tpu.memory_space<vmem>> -> memref<2x128xi32, #tpu.memory_space<vmem>>
      %dma_wait3A_698 = arith.constant 0 : i32
      %dma_wait3A_699 = tpu.memref_slice %arg3[%dma_wait3A_698, %mul3A_2] : memref<2x320000xi32, #tpu.memory_space<hbm>> -> memref<2x128xi32, #tpu.memory_space<hbm>>
      %dma_wait3A_700 = arith.constant 0 : i32
      %dma_wait3A_701 = arith.constant 0 : i32
      %dma_wait3A_702 = tpu.memref_slice %arg6[%dma_wait3A_693, %dma_wait3A_700, %dma_wait3A_701] : memref<4x2x128xi32, #tpu.memory_space<vmem>> -> memref<1x2x128xi32, #tpu.memory_space<vmem>>
      %dma_wait3A_703 = tpu.memref_squeeze %dma_wait3A_702 : memref<1x2x128xi32, #tpu.memory_space<vmem>> -> memref<2x128xi32, #tpu.memory_space<vmem>>
      %dma_wait3A_704 = arith.constant 0 : i32
      %dma_wait3A_705 = tpu.memref_slice %arg3[%dma_wait3A_704, %mul3A_2] : memref<2x320000xi32, #tpu.memory_space<hbm>> -> memref<2x128xi32, #tpu.memory_space<hbm>>
      tpu.wait_dma2 semaphore(%arg9 : memref<!tpu.dma_semaphore, #tpu.memory_space<semaphore_mem>>) src(%dma_wait3A_705 : memref<2x128xi32, #tpu.memory_space<hbm>>) dst(%dma_wait3A_703 : memref<2x128xi32, #tpu.memory_space<vmem>>)
      %dma_start3A_706 = arith.constant 1 : i32
      %dma_start3A_707 = arith.constant 0 : i32
      %dma_start3A_708 = arith.constant 1 : i32
      %dma_start3A_709 = arith.constant 0 : i32
      %dma_start3A_710 = arith.constant 0 : i32
      %dma_start3A_711 = tpu.memref_slice %arg7[%dma_start3A_708, %dma_start3A_709, %dma_start3A_710] : memref<2x128x128xf32, #tpu.memory_space<vmem>> -> memref<1x128x128xf32, #tpu.memory_space<vmem>>
      %dma_start3A_712 = tpu.memref_squeeze %dma_start3A_711 : memref<1x128x128xf32, #tpu.memory_space<vmem>> -> memref<128x128xf32, #tpu.memory_space<vmem>>
      %dma_start3A_713 = arith.constant 0 : i32
      %dma_start3A_714 = tpu.memref_slice %arg6[%dma_start3A_706, %dma_start3A_707, %dma_start3A_713] : memref<4x2x128xi32, #tpu.memory_space<vmem>> -> memref<1x1x128xi32, #tpu.memory_space<vmem>>
      %dma_start3A_715 = tpu.memref_squeeze %dma_start3A_714 : memref<1x1x128xi32, #tpu.memory_space<vmem>> -> memref<128xi32, #tpu.memory_space<vmem>>
      %dma_start3A_716 = arith.constant 0 : i32
      %dma_start3A_717 = arith.constant 0 : i32
      %dma_start3A_718 = tpu.memref_slice %arg2[%dma_start3A_716, %dma_start3A_717] : memref<10000x128xf32, #tpu.memory_space<hbm>> -> memref<10000x128xf32, #tpu.memory_space<hbm>>
      tpu.enqueue_indirect_dma source(%dma_start3A_718 : memref<10000x128xf32, #tpu.memory_space<hbm>>) target(%dma_start3A_712 : memref<128x128xf32, #tpu.memory_space<vmem>>) offsets(%dma_start3A_715 : memref<128xi32, #tpu.memory_space<vmem>>) semaphore(%arg10 : memref<!tpu.dma_semaphore, #tpu.memory_space<semaphore_mem>>)
    }
    %mul3A_159 = arith.constant 4 : i32
    %mul3A_160 = arith.muli %select_n3A, %mul3A_159 : i32
    %add3A_161 = arith.constant 1 : i32
    %add3A_162 = arith.addi %mul3A_160, %add3A_161 : i32
    %dma_wait3A_163 = arith.constant 1 : i32
    %dma_wait3A_164 = arith.constant 0 : i32
    %dma_wait3A_165 = arith.constant 1 : i32
    %dma_wait3A_166 = arith.constant 0 : i32
    %dma_wait3A_167 = arith.constant 0 : i32
    %dma_wait3A_168 = tpu.memref_slice %arg7[%dma_wait3A_165, %dma_wait3A_166, %dma_wait3A_167] : memref<2x128x128xf32, #tpu.memory_space<vmem>> -> memref<1x128x128xf32, #tpu.memory_space<vmem>>
    %dma_wait3A_169 = tpu.memref_squeeze %dma_wait3A_168 : memref<1x128x128xf32, #tpu.memory_space<vmem>> -> memref<128x128xf32, #tpu.memory_space<vmem>>
    %dma_wait3A_170 = arith.constant 0 : i32
    %dma_wait3A_171 = tpu.memref_slice %arg6[%dma_wait3A_163, %dma_wait3A_164, %dma_wait3A_170] : memref<4x2x128xi32, #tpu.memory_space<vmem>> -> memref<1x1x128xi32, #tpu.memory_space<vmem>>
    %dma_wait3A_172 = tpu.memref_squeeze %dma_wait3A_171 : memref<1x1x128xi32, #tpu.memory_space<vmem>> -> memref<128xi32, #tpu.memory_space<vmem>>
    %dma_wait3A_173 = arith.constant 0 : i32
    %dma_wait3A_174 = arith.constant 0 : i32
    %dma_wait3A_175 = tpu.memref_slice %arg2[%dma_wait3A_173, %dma_wait3A_174] : memref<10000x128xf32, #tpu.memory_space<hbm>> -> memref<10000x128xf32, #tpu.memory_space<hbm>>
    tpu.wait_indirect_dma semaphore(%arg10 : memref<!tpu.dma_semaphore, #tpu.memory_space<semaphore_mem>>) src(%dma_wait3A_175 : memref<10000x128xf32, #tpu.memory_space<hbm>>) dst(%dma_wait3A_169 : memref<128x128xf32, #tpu.memory_space<vmem>>)
    %dma_start3A_176 = arith.constant 1 : i32
    %dma_start3A_177 = arith.constant 1 : i32
    %dma_start3A_178 = arith.constant 1 : i32
    %dma_start3A_179 = arith.constant 0 : i32
    %dma_start3A_180 = arith.constant 0 : i32
    %dma_start3A_181 = tpu.memref_slice %arg7[%dma_start3A_176, %dma_start3A_179, %dma_start3A_180] : memref<2x128x128xf32, #tpu.memory_space<vmem>> -> memref<1x128x128xf32, #tpu.memory_space<vmem>>
    %dma_start3A_182 = tpu.memref_squeeze %dma_start3A_181 : memref<1x128x128xf32, #tpu.memory_space<vmem>> -> memref<128x128xf32, #tpu.memory_space<vmem>>
    %dma_start3A_183 = arith.constant 0 : i32
    %dma_start3A_184 = tpu.memref_slice %arg6[%dma_start3A_177, %dma_start3A_178, %dma_start3A_183] : memref<4x2x128xi32, #tpu.memory_space<vmem>> -> memref<1x1x128xi32, #tpu.memory_space<vmem>>
    %dma_start3A_185 = tpu.memref_squeeze %dma_start3A_184 : memref<1x1x128xi32, #tpu.memory_space<vmem>> -> memref<128xi32, #tpu.memory_space<vmem>>
    %dma_start3A_186 = arith.constant 0 : i32
    %dma_start3A_187 = arith.constant 0 : i32
    %dma_start3A_188 = tpu.memref_slice %arg8[%dma_start3A_186, %dma_start3A_187] : memref<10008x128xf32, #tpu.memory_space<vmem_shared>> -> memref<10008x128xf32, #tpu.memory_space<vmem_shared>>
    tpu.enqueue_indirect_dma source(%dma_start3A_182 : memref<128x128xf32, #tpu.memory_space<vmem>>) target(%dma_start3A_188 : memref<10008x128xf32, #tpu.memory_space<vmem_shared>>) offsets(%dma_start3A_185 : memref<128xi32, #tpu.memory_space<vmem>>) semaphore(%arg12 : memref<!tpu.dma_semaphore, #tpu.memory_space<semaphore_mem>>) {add = true}
    %dma_wait3A_189 = arith.constant 0 : i32
    %dma_wait3A_190 = arith.constant 0 : i32
    %dma_wait3A_191 = arith.constant 1 : i32
    %dma_wait3A_192 = arith.constant 0 : i32
    %dma_wait3A_193 = arith.constant 0 : i32
    %dma_wait3A_194 = tpu.memref_slice %arg7[%dma_wait3A_189, %dma_wait3A_192, %dma_wait3A_193] : memref<2x128x128xf32, #tpu.memory_space<vmem>> -> memref<1x128x128xf32, #tpu.memory_space<vmem>>
    %dma_wait3A_195 = tpu.memref_squeeze %dma_wait3A_194 : memref<1x128x128xf32, #tpu.memory_space<vmem>> -> memref<128x128xf32, #tpu.memory_space<vmem>>
    %dma_wait3A_196 = arith.constant 0 : i32
    %dma_wait3A_197 = tpu.memref_slice %arg6[%dma_wait3A_190, %dma_wait3A_191, %dma_wait3A_196] : memref<4x2x128xi32, #tpu.memory_space<vmem>> -> memref<1x1x128xi32, #tpu.memory_space<vmem>>
    %dma_wait3A_198 = tpu.memref_squeeze %dma_wait3A_197 : memref<1x1x128xi32, #tpu.memory_space<vmem>> -> memref<128xi32, #tpu.memory_space<vmem>>
    %dma_wait3A_199 = arith.constant 0 : i32
    %dma_wait3A_200 = arith.constant 0 : i32
    %dma_wait3A_201 = tpu.memref_slice %arg8[%dma_wait3A_199, %dma_wait3A_200] : memref<10008x128xf32, #tpu.memory_space<vmem_shared>> -> memref<10008x128xf32, #tpu.memory_space<vmem_shared>>
    tpu.wait_indirect_dma semaphore(%arg11 : memref<!tpu.dma_semaphore, #tpu.memory_space<semaphore_mem>>) src(%dma_wait3A_195 : memref<128x128xf32, #tpu.memory_space<vmem>>) dst(%dma_wait3A_201 : memref<10008x128xf32, #tpu.memory_space<vmem_shared>>)
    %dma_wait3A_202 = arith.constant 2 : i32
    %dma_wait3A_203 = arith.constant 0 : i32
    %dma_wait3A_204 = arith.constant 0 : i32
    %dma_wait3A_205 = tpu.memref_slice %arg6[%dma_wait3A_202, %dma_wait3A_203, %dma_wait3A_204] : memref<4x2x128xi32, #tpu.memory_space<vmem>> -> memref<1x2x128xi32, #tpu.memory_space<vmem>>
    %dma_wait3A_206 = tpu.memref_squeeze %dma_wait3A_205 : memref<1x2x128xi32, #tpu.memory_space<vmem>> -> memref<2x128xi32, #tpu.memory_space<vmem>>
    %dma_wait3A_207 = arith.constant 0 : i32
    %dma_wait3A_208 = tpu.memref_slice %arg3[%dma_wait3A_207, %mul3A_2] : memref<2x320000xi32, #tpu.memory_space<hbm>> -> memref<2x128xi32, #tpu.memory_space<hbm>>
    %dma_wait3A_209 = arith.constant 0 : i32
    %dma_wait3A_210 = arith.constant 0 : i32
    %dma_wait3A_211 = tpu.memref_slice %arg6[%dma_wait3A_202, %dma_wait3A_209, %dma_wait3A_210] : memref<4x2x128xi32, #tpu.memory_space<vmem>> -> memref<1x2x128xi32, #tpu.memory_space<vmem>>
    %dma_wait3A_212 = tpu.memref_squeeze %dma_wait3A_211 : memref<1x2x128xi32, #tpu.memory_space<vmem>> -> memref<2x128xi32, #tpu.memory_space<vmem>>
    %dma_wait3A_213 = arith.constant 0 : i32
    %dma_wait3A_214 = tpu.memref_slice %arg3[%dma_wait3A_213, %mul3A_2] : memref<2x320000xi32, #tpu.memory_space<hbm>> -> memref<2x128xi32, #tpu.memory_space<hbm>>
    tpu.wait_dma2 semaphore(%arg9 : memref<!tpu.dma_semaphore, #tpu.memory_space<semaphore_mem>>) src(%dma_wait3A_214 : memref<2x128xi32, #tpu.memory_space<hbm>>) dst(%dma_wait3A_212 : memref<2x128xi32, #tpu.memory_space<vmem>>)
    %dma_start3A_215 = arith.constant 2 : i32
    %dma_start3A_216 = arith.constant 0 : i32
    %dma_start3A_217 = arith.constant 0 : i32
    %dma_start3A_218 = arith.constant 0 : i32
    %dma_start3A_219 = arith.constant 0 : i32
    %dma_start3A_220 = tpu.memref_slice %arg7[%dma_start3A_217, %dma_start3A_218, %dma_start3A_219] : memref<2x128x128xf32, #tpu.memory_space<vmem>> -> memref<1x128x128xf32, #tpu.memory_space<vmem>>
    %dma_start3A_221 = tpu.memref_squeeze %dma_start3A_220 : memref<1x128x128xf32, #tpu.memory_space<vmem>> -> memref<128x128xf32, #tpu.memory_space<vmem>>
    %dma_start3A_222 = arith.constant 0 : i32
    %dma_start3A_223 = tpu.memref_slice %arg6[%dma_start3A_215, %dma_start3A_216, %dma_start3A_222] : memref<4x2x128xi32, #tpu.memory_space<vmem>> -> memref<1x1x128xi32, #tpu.memory_space<vmem>>
    %dma_start3A_224 = tpu.memref_squeeze %dma_start3A_223 : memref<1x1x128xi32, #tpu.memory_space<vmem>> -> memref<128xi32, #tpu.memory_space<vmem>>
    %dma_start3A_225 = arith.constant 0 : i32
    %dma_start3A_226 = arith.constant 0 : i32
    %dma_start3A_227 = tpu.memref_slice %arg2[%dma_start3A_225, %dma_start3A_226] : memref<10000x128xf32, #tpu.memory_space<hbm>> -> memref<10000x128xf32, #tpu.memory_space<hbm>>
    tpu.enqueue_indirect_dma source(%dma_start3A_227 : memref<10000x128xf32, #tpu.memory_space<hbm>>) target(%dma_start3A_221 : memref<128x128xf32, #tpu.memory_space<vmem>>) offsets(%dma_start3A_224 : memref<128xi32, #tpu.memory_space<vmem>>) semaphore(%arg10 : memref<!tpu.dma_semaphore, #tpu.memory_space<semaphore_mem>>)
    %add3A_228 = arith.constant 1 : i32
    %add3A_229 = arith.addi %add3A_162, %add3A_228 : i32
    %dma_wait3A_230 = arith.constant 2 : i32
    %dma_wait3A_231 = arith.constant 0 : i32
    %dma_wait3A_232 = arith.constant 0 : i32
    %dma_wait3A_233 = arith.constant 0 : i32
    %dma_wait3A_234 = arith.constant 0 : i32
    %dma_wait3A_235 = tpu.memref_slice %arg7[%dma_wait3A_232, %dma_wait3A_233, %dma_wait3A_234] : memref<2x128x128xf32, #tpu.memory_space<vmem>> -> memref<1x128x128xf32, #tpu.memory_space<vmem>>
    %dma_wait3A_236 = tpu.memref_squeeze %dma_wait3A_235 : memref<1x128x128xf32, #tpu.memory_space<vmem>> -> memref<128x128xf32, #tpu.memory_space<vmem>>
    %dma_wait3A_237 = arith.constant 0 : i32
    %dma_wait3A_238 = tpu.memref_slice %arg6[%dma_wait3A_230, %dma_wait3A_231, %dma_wait3A_237] : memref<4x2x128xi32, #tpu.memory_space<vmem>> -> memref<1x1x128xi32, #tpu.memory_space<vmem>>
    %dma_wait3A_239 = tpu.memref_squeeze %dma_wait3A_238 : memref<1x1x128xi32, #tpu.memory_space<vmem>> -> memref<128xi32, #tpu.memory_space<vmem>>
    %dma_wait3A_240 = arith.constant 0 : i32
    %dma_wait3A_241 = arith.constant 0 : i32
    %dma_wait3A_242 = tpu.memref_slice %arg2[%dma_wait3A_240, %dma_wait3A_241] : memref<10000x128xf32, #tpu.memory_space<hbm>> -> memref<10000x128xf32, #tpu.memory_space<hbm>>
    tpu.wait_indirect_dma semaphore(%arg10 : memref<!tpu.dma_semaphore, #tpu.memory_space<semaphore_mem>>) src(%dma_wait3A_242 : memref<10000x128xf32, #tpu.memory_space<hbm>>) dst(%dma_wait3A_236 : memref<128x128xf32, #tpu.memory_space<vmem>>)
    %dma_start3A_243 = arith.constant 0 : i32
    %dma_start3A_244 = arith.constant 2 : i32
    %dma_start3A_245 = arith.constant 1 : i32
    %dma_start3A_246 = arith.constant 0 : i32
    %dma_start3A_247 = arith.constant 0 : i32
    %dma_start3A_248 = tpu.memref_slice %arg7[%dma_start3A_243, %dma_start3A_246, %dma_start3A_247] : memref<2x128x128xf32, #tpu.memory_space<vmem>> -> memref<1x128x128xf32, #tpu.memory_space<vmem>>
    %dma_start3A_249 = tpu.memref_squeeze %dma_start3A_248 : memref<1x128x128xf32, #tpu.memory_space<vmem>> -> memref<128x128xf32, #tpu.memory_space<vmem>>
    %dma_start3A_250 = arith.constant 0 : i32
    %dma_start3A_251 = tpu.memref_slice %arg6[%dma_start3A_244, %dma_start3A_245, %dma_start3A_250] : memref<4x2x128xi32, #tpu.memory_space<vmem>> -> memref<1x1x128xi32, #tpu.memory_space<vmem>>
    %dma_start3A_252 = tpu.memref_squeeze %dma_start3A_251 : memref<1x1x128xi32, #tpu.memory_space<vmem>> -> memref<128xi32, #tpu.memory_space<vmem>>
    %dma_start3A_253 = arith.constant 0 : i32
    %dma_start3A_254 = arith.constant 0 : i32
    %dma_start3A_255 = tpu.memref_slice %arg8[%dma_start3A_253, %dma_start3A_254] : memref<10008x128xf32, #tpu.memory_space<vmem_shared>> -> memref<10008x128xf32, #tpu.memory_space<vmem_shared>>
    tpu.enqueue_indirect_dma source(%dma_start3A_249 : memref<128x128xf32, #tpu.memory_space<vmem>>) target(%dma_start3A_255 : memref<10008x128xf32, #tpu.memory_space<vmem_shared>>) offsets(%dma_start3A_252 : memref<128xi32, #tpu.memory_space<vmem>>) semaphore(%arg11 : memref<!tpu.dma_semaphore, #tpu.memory_space<semaphore_mem>>) {add = true}
    %dma_wait3A_256 = arith.constant 1 : i32
    %dma_wait3A_257 = arith.constant 0 : i32
    %dma_wait3A_258 = arith.constant 1 : i32
    %dma_wait3A_259 = arith.constant 0 : i32
    %dma_wait3A_260 = arith.constant 0 : i32
    %dma_wait3A_261 = tpu.memref_slice %arg7[%dma_wait3A_256, %dma_wait3A_259, %dma_wait3A_260] : memref<2x128x128xf32, #tpu.memory_space<vmem>> -> memref<1x128x128xf32, #tpu.memory_space<vmem>>
    %dma_wait3A_262 = tpu.memref_squeeze %dma_wait3A_261 : memref<1x128x128xf32, #tpu.memory_space<vmem>> -> memref<128x128xf32, #tpu.memory_space<vmem>>
    %dma_wait3A_263 = arith.constant 0 : i32
    %dma_wait3A_264 = tpu.memref_slice %arg6[%dma_wait3A_257, %dma_wait3A_258, %dma_wait3A_263] : memref<4x2x128xi32, #tpu.memory_space<vmem>> -> memref<1x1x128xi32, #tpu.memory_space<vmem>>
    %dma_wait3A_265 = tpu.memref_squeeze %dma_wait3A_264 : memref<1x1x128xi32, #tpu.memory_space<vmem>> -> memref<128xi32, #tpu.memory_space<vmem>>
    %dma_wait3A_266 = arith.constant 0 : i32
    %dma_wait3A_267 = arith.constant 0 : i32
    %dma_wait3A_268 = tpu.memref_slice %arg8[%dma_wait3A_266, %dma_wait3A_267] : memref<10008x128xf32, #tpu.memory_space<vmem_shared>> -> memref<10008x128xf32, #tpu.memory_space<vmem_shared>>
    tpu.wait_indirect_dma semaphore(%arg12 : memref<!tpu.dma_semaphore, #tpu.memory_space<semaphore_mem>>) src(%dma_wait3A_262 : memref<128x128xf32, #tpu.memory_space<vmem>>) dst(%dma_wait3A_268 : memref<10008x128xf32, #tpu.memory_space<vmem_shared>>)
    %dma_wait3A_269 = arith.constant 3 : i32
    %dma_wait3A_270 = arith.constant 0 : i32
    %dma_wait3A_271 = arith.constant 0 : i32
    %dma_wait3A_272 = tpu.memref_slice %arg6[%dma_wait3A_269, %dma_wait3A_270, %dma_wait3A_271] : memref<4x2x128xi32, #tpu.memory_space<vmem>> -> memref<1x2x128xi32, #tpu.memory_space<vmem>>
    %dma_wait3A_273 = tpu.memref_squeeze %dma_wait3A_272 : memref<1x2x128xi32, #tpu.memory_space<vmem>> -> memref<2x128xi32, #tpu.memory_space<vmem>>
    %dma_wait3A_274 = arith.constant 0 : i32
    %dma_wait3A_275 = tpu.memref_slice %arg3[%dma_wait3A_274, %mul3A_2] : memref<2x320000xi32, #tpu.memory_space<hbm>> -> memref<2x128xi32, #tpu.memory_space<hbm>>
    %dma_wait3A_276 = arith.constant 0 : i32
    %dma_wait3A_277 = arith.constant 0 : i32
    %dma_wait3A_278 = tpu.memref_slice %arg6[%dma_wait3A_269, %dma_wait3A_276, %dma_wait3A_277] : memref<4x2x128xi32, #tpu.memory_space<vmem>> -> memref<1x2x128xi32, #tpu.memory_space<vmem>>
    %dma_wait3A_279 = tpu.memref_squeeze %dma_wait3A_278 : memref<1x2x128xi32, #tpu.memory_space<vmem>> -> memref<2x128xi32, #tpu.memory_space<vmem>>
    %dma_wait3A_280 = arith.constant 0 : i32
    %dma_wait3A_281 = tpu.memref_slice %arg3[%dma_wait3A_280, %mul3A_2] : memref<2x320000xi32, #tpu.memory_space<hbm>> -> memref<2x128xi32, #tpu.memory_space<hbm>>
    tpu.wait_dma2 semaphore(%arg9 : memref<!tpu.dma_semaphore, #tpu.memory_space<semaphore_mem>>) src(%dma_wait3A_281 : memref<2x128xi32, #tpu.memory_space<hbm>>) dst(%dma_wait3A_279 : memref<2x128xi32, #tpu.memory_space<vmem>>)
    %dma_start3A_282 = arith.constant 3 : i32
    %dma_start3A_283 = arith.constant 0 : i32
    %dma_start3A_284 = arith.constant 1 : i32
    %dma_start3A_285 = arith.constant 0 : i32
    %dma_start3A_286 = arith.constant 0 : i32
    %dma_start3A_287 = tpu.memref_slice %arg7[%dma_start3A_284, %dma_start3A_285, %dma_start3A_286] : memref<2x128x128xf32, #tpu.memory_space<vmem>> -> memref<1x128x128xf32, #tpu.memory_space<vmem>>
    %dma_start3A_288 = tpu.memref_squeeze %dma_start3A_287 : memref<1x128x128xf32, #tpu.memory_space<vmem>> -> memref<128x128xf32, #tpu.memory_space<vmem>>
    %dma_start3A_289 = arith.constant 0 : i32
    %dma_start3A_290 = tpu.memref_slice %arg6[%dma_start3A_282, %dma_start3A_283, %dma_start3A_289] : memref<4x2x128xi32, #tpu.memory_space<vmem>> -> memref<1x1x128xi32, #tpu.memory_space<vmem>>
    %dma_start3A_291 = tpu.memref_squeeze %dma_start3A_290 : memref<1x1x128xi32, #tpu.memory_space<vmem>> -> memref<128xi32, #tpu.memory_space<vmem>>
    %dma_start3A_292 = arith.constant 0 : i32
    %dma_start3A_293 = arith.constant 0 : i32
    %dma_start3A_294 = tpu.memref_slice %arg2[%dma_start3A_292, %dma_start3A_293] : memref<10000x128xf32, #tpu.memory_space<hbm>> -> memref<10000x128xf32, #tpu.memory_space<hbm>>
    tpu.enqueue_indirect_dma source(%dma_start3A_294 : memref<10000x128xf32, #tpu.memory_space<hbm>>) target(%dma_start3A_288 : memref<128x128xf32, #tpu.memory_space<vmem>>) offsets(%dma_start3A_291 : memref<128xi32, #tpu.memory_space<vmem>>) semaphore(%arg10 : memref<!tpu.dma_semaphore, #tpu.memory_space<semaphore_mem>>)
    %add3A_295 = arith.constant 2 : i32
    %add3A_296 = arith.addi %add3A_162, %add3A_295 : i32
    %dma_wait3A_297 = arith.constant 3 : i32
    %dma_wait3A_298 = arith.constant 0 : i32
    %dma_wait3A_299 = arith.constant 1 : i32
    %dma_wait3A_300 = arith.constant 0 : i32
    %dma_wait3A_301 = arith.constant 0 : i32
    %dma_wait3A_302 = tpu.memref_slice %arg7[%dma_wait3A_299, %dma_wait3A_300, %dma_wait3A_301] : memref<2x128x128xf32, #tpu.memory_space<vmem>> -> memref<1x128x128xf32, #tpu.memory_space<vmem>>
    %dma_wait3A_303 = tpu.memref_squeeze %dma_wait3A_302 : memref<1x128x128xf32, #tpu.memory_space<vmem>> -> memref<128x128xf32, #tpu.memory_space<vmem>>
    %dma_wait3A_304 = arith.constant 0 : i32
    %dma_wait3A_305 = tpu.memref_slice %arg6[%dma_wait3A_297, %dma_wait3A_298, %dma_wait3A_304] : memref<4x2x128xi32, #tpu.memory_space<vmem>> -> memref<1x1x128xi32, #tpu.memory_space<vmem>>
    %dma_wait3A_306 = tpu.memref_squeeze %dma_wait3A_305 : memref<1x1x128xi32, #tpu.memory_space<vmem>> -> memref<128xi32, #tpu.memory_space<vmem>>
    %dma_wait3A_307 = arith.constant 0 : i32
    %dma_wait3A_308 = arith.constant 0 : i32
    %dma_wait3A_309 = tpu.memref_slice %arg2[%dma_wait3A_307, %dma_wait3A_308] : memref<10000x128xf32, #tpu.memory_space<hbm>> -> memref<10000x128xf32, #tpu.memory_space<hbm>>
    tpu.wait_indirect_dma semaphore(%arg10 : memref<!tpu.dma_semaphore, #tpu.memory_space<semaphore_mem>>) src(%dma_wait3A_309 : memref<10000x128xf32, #tpu.memory_space<hbm>>) dst(%dma_wait3A_303 : memref<128x128xf32, #tpu.memory_space<vmem>>)
    %dma_start3A_310 = arith.constant 1 : i32
    %dma_start3A_311 = arith.constant 3 : i32
    %dma_start3A_312 = arith.constant 1 : i32
    %dma_start3A_313 = arith.constant 0 : i32
    %dma_start3A_314 = arith.constant 0 : i32
    %dma_start3A_315 = tpu.memref_slice %arg7[%dma_start3A_310, %dma_start3A_313, %dma_start3A_314] : memref<2x128x128xf32, #tpu.memory_space<vmem>> -> memref<1x128x128xf32, #tpu.memory_space<vmem>>
    %dma_start3A_316 = tpu.memref_squeeze %dma_start3A_315 : memref<1x128x128xf32, #tpu.memory_space<vmem>> -> memref<128x128xf32, #tpu.memory_space<vmem>>
    %dma_start3A_317 = arith.constant 0 : i32
    %dma_start3A_318 = tpu.memref_slice %arg6[%dma_start3A_311, %dma_start3A_312, %dma_start3A_317] : memref<4x2x128xi32, #tpu.memory_space<vmem>> -> memref<1x1x128xi32, #tpu.memory_space<vmem>>
    %dma_start3A_319 = tpu.memref_squeeze %dma_start3A_318 : memref<1x1x128xi32, #tpu.memory_space<vmem>> -> memref<128xi32, #tpu.memory_space<vmem>>
    %dma_start3A_320 = arith.constant 0 : i32
    %dma_start3A_321 = arith.constant 0 : i32
    %dma_start3A_322 = tpu.memref_slice %arg8[%dma_start3A_320, %dma_start3A_321] : memref<10008x128xf32, #tpu.memory_space<vmem_shared>> -> memref<10008x128xf32, #tpu.memory_space<vmem_shared>>
    tpu.enqueue_indirect_dma source(%dma_start3A_316 : memref<128x128xf32, #tpu.memory_space<vmem>>) target(%dma_start3A_322 : memref<10008x128xf32, #tpu.memory_space<vmem_shared>>) offsets(%dma_start3A_319 : memref<128xi32, #tpu.memory_space<vmem>>) semaphore(%arg12 : memref<!tpu.dma_semaphore, #tpu.memory_space<semaphore_mem>>) {add = true}
    %dma_wait3A_323 = arith.constant 0 : i32
    %dma_wait3A_324 = arith.constant 0 : i32
    %dma_wait3A_325 = arith.constant 1 : i32
    %dma_wait3A_326 = arith.constant 0 : i32
    %dma_wait3A_327 = arith.constant 0 : i32
    %dma_wait3A_328 = tpu.memref_slice %arg7[%dma_wait3A_323, %dma_wait3A_326, %dma_wait3A_327] : memref<2x128x128xf32, #tpu.memory_space<vmem>> -> memref<1x128x128xf32, #tpu.memory_space<vmem>>
    %dma_wait3A_329 = tpu.memref_squeeze %dma_wait3A_328 : memref<1x128x128xf32, #tpu.memory_space<vmem>> -> memref<128x128xf32, #tpu.memory_space<vmem>>
    %dma_wait3A_330 = arith.constant 0 : i32
    %dma_wait3A_331 = tpu.memref_slice %arg6[%dma_wait3A_324, %dma_wait3A_325, %dma_wait3A_330] : memref<4x2x128xi32, #tpu.memory_space<vmem>> -> memref<1x1x128xi32, #tpu.memory_space<vmem>>
    %dma_wait3A_332 = tpu.memref_squeeze %dma_wait3A_331 : memref<1x1x128xi32, #tpu.memory_space<vmem>> -> memref<128xi32, #tpu.memory_space<vmem>>
    %dma_wait3A_333 = arith.constant 0 : i32
    %dma_wait3A_334 = arith.constant 0 : i32
    %dma_wait3A_335 = tpu.memref_slice %arg8[%dma_wait3A_333, %dma_wait3A_334] : memref<10008x128xf32, #tpu.memory_space<vmem_shared>> -> memref<10008x128xf32, #tpu.memory_space<vmem_shared>>
    tpu.wait_indirect_dma semaphore(%arg11 : memref<!tpu.dma_semaphore, #tpu.memory_space<semaphore_mem>>) src(%dma_wait3A_329 : memref<128x128xf32, #tpu.memory_space<vmem>>) dst(%dma_wait3A_335 : memref<10008x128xf32, #tpu.memory_space<vmem_shared>>)
    %dma_wait3A_336 = arith.constant 1 : i32
    %dma_wait3A_337 = arith.constant 0 : i32
    %dma_wait3A_338 = arith.constant 1 : i32
    %dma_wait3A_339 = arith.constant 0 : i32
    %dma_wait3A_340 = arith.constant 0 : i32
    %dma_wait3A_341 = tpu.memref_slice %arg7[%dma_wait3A_336, %dma_wait3A_339, %dma_wait3A_340] : memref<2x128x128xf32, #tpu.memory_space<vmem>> -> memref<1x128x128xf32, #tpu.memory_space<vmem>>
    %dma_wait3A_342 = tpu.memref_squeeze %dma_wait3A_341 : memref<1x128x128xf32, #tpu.memory_space<vmem>> -> memref<128x128xf32, #tpu.memory_space<vmem>>
    %dma_wait3A_343 = arith.constant 0 : i32
    %dma_wait3A_344 = tpu.memref_slice %arg6[%dma_wait3A_337, %dma_wait3A_338, %dma_wait3A_343] : memref<4x2x128xi32, #tpu.memory_space<vmem>> -> memref<1x1x128xi32, #tpu.memory_space<vmem>>
    %dma_wait3A_345 = tpu.memref_squeeze %dma_wait3A_344 : memref<1x1x128xi32, #tpu.memory_space<vmem>> -> memref<128xi32, #tpu.memory_space<vmem>>
    %dma_wait3A_346 = arith.constant 0 : i32
    %dma_wait3A_347 = arith.constant 0 : i32
    %dma_wait3A_348 = tpu.memref_slice %arg8[%dma_wait3A_346, %dma_wait3A_347] : memref<10008x128xf32, #tpu.memory_space<vmem_shared>> -> memref<10008x128xf32, #tpu.memory_space<vmem_shared>>
    tpu.wait_indirect_dma semaphore(%arg12 : memref<!tpu.dma_semaphore, #tpu.memory_space<semaphore_mem>>) src(%dma_wait3A_342 : memref<128x128xf32, #tpu.memory_space<vmem>>) dst(%dma_wait3A_348 : memref<10008x128xf32, #tpu.memory_space<vmem_shared>>)
    %barrier3A_349 = arith.constant 0 : index
    tpu.barrier barrier_id(%barrier3A_349)
    %mul3A_350 = arith.constant 632 : i32
    %mul3A_351 = arith.muli %arg1, %mul3A_350 : i32
    %lt3A_352 = arith.constant 15 : i32
    %lt3A_353 = arith.cmpi slt, %arg1, %lt3A_352 : i32
    %convert_element_type3A_354 = arith.extui %lt3A_353 : i1 to i32
    %cond3A_355 = arith.constant 0 : i32
    %cond3A_356 = arith.cmpi ne, %convert_element_type3A_354, %cond3A_355 : i32
    scf.if %cond3A_356 {
      "tpu.region"() ({
        %run_scoped3A = tpu.sem_alloc : memref<!tpu.dma_semaphore, #tpu.memory_space<semaphore_mem>>
        %dma_start3A_362 = arith.constant 0 : i32
        %dma_start3A_363 = arith.constant 0 : i32
        %dma_start3A_364 = tpu.memref_slice %arg5[%arg0, %dma_start3A_362, %dma_start3A_363] : memref<2x10000x128xf32, #tpu.memory_space<hbm>> -> memref<1x10000x128xf32, #tpu.memory_space<hbm>>
        %dma_start3A_365 = tpu.memref_squeeze %dma_start3A_364 : memref<1x10000x128xf32, #tpu.memory_space<hbm>> -> memref<10000x128xf32, #tpu.memory_space<hbm>>
        %dma_start3A_366 = arith.constant 0 : i32
        %dma_start3A_367 = tpu.memref_slice %dma_start3A_365[%mul3A_351, %dma_start3A_366] : memref<10000x128xf32, #tpu.memory_space<hbm>> -> memref<632x128xf32, #tpu.memory_space<hbm>>
        %dma_start3A_368 = arith.constant 0 : i32
        %dma_start3A_369 = tpu.memref_slice %arg8[%mul3A_351, %dma_start3A_368] : memref<10008x128xf32, #tpu.memory_space<vmem_shared>> -> memref<632x128xf32, #tpu.memory_space<vmem_shared>>
        tpu.enqueue_dma source(%dma_start3A_369 : memref<632x128xf32, #tpu.memory_space<vmem_shared>>) target(%dma_start3A_367 : memref<632x128xf32, #tpu.memory_space<hbm>>) target_semaphore(%run_scoped3A : memref<!tpu.dma_semaphore, #tpu.memory_space<semaphore_mem>>)
        %dma_wait3A_370 = arith.constant 0 : i32
        %dma_wait3A_371 = arith.constant 0 : i32
        %dma_wait3A_372 = tpu.memref_slice %arg5[%arg0, %dma_wait3A_370, %dma_wait3A_371] : memref<2x10000x128xf32, #tpu.memory_space<hbm>> -> memref<1x10000x128xf32, #tpu.memory_space<hbm>>
        %dma_wait3A_373 = tpu.memref_squeeze %dma_wait3A_372 : memref<1x10000x128xf32, #tpu.memory_space<hbm>> -> memref<10000x128xf32, #tpu.memory_space<hbm>>
        %dma_wait3A_374 = arith.constant 0 : i32
        %dma_wait3A_375 = tpu.memref_slice %dma_wait3A_373[%mul3A_351, %dma_wait3A_374] : memref<10000x128xf32, #tpu.memory_space<hbm>> -> memref<632x128xf32, #tpu.memory_space<hbm>>
        %dma_wait3A_376 = arith.constant 0 : i32
        %dma_wait3A_377 = tpu.memref_slice %arg8[%mul3A_351, %dma_wait3A_376] : memref<10008x128xf32, #tpu.memory_space<vmem_shared>> -> memref<632x128xf32, #tpu.memory_space<vmem_shared>>
        tpu.wait_dma2 semaphore(%run_scoped3A : memref<!tpu.dma_semaphore, #tpu.memory_space<semaphore_mem>>) src(%dma_wait3A_377 : memref<632x128xf32, #tpu.memory_space<vmem_shared>>) dst(%dma_wait3A_375 : memref<632x128xf32, #tpu.memory_space<hbm>>)
        tpu.yield
      }) : () -> ()
    } else {
    }
    %eq3A_357 = arith.constant 15 : i32
    %eq3A_358 = arith.cmpi eq, %arg1, %eq3A_357 : i32
    %convert_element_type3A_359 = arith.extui %eq3A_358 : i1 to i32
    %cond3A_360 = arith.constant 0 : i32
    %cond3A_361 = arith.cmpi ne, %convert_element_type3A_359, %cond3A_360 : i32
    scf.if %cond3A_361 {
      "tpu.region"() ({
        %run_scoped3A = tpu.sem_alloc : memref<!tpu.dma_semaphore, #tpu.memory_space<semaphore_mem>>
        %dma_start3A_362 = arith.constant 0 : i32
        %dma_start3A_363 = arith.constant 0 : i32
        %dma_start3A_364 = tpu.memref_slice %arg5[%arg0, %dma_start3A_362, %dma_start3A_363] : memref<2x10000x128xf32, #tpu.memory_space<hbm>> -> memref<1x10000x128xf32, #tpu.memory_space<hbm>>
        %dma_start3A_365 = tpu.memref_squeeze %dma_start3A_364 : memref<1x10000x128xf32, #tpu.memory_space<hbm>> -> memref<10000x128xf32, #tpu.memory_space<hbm>>
        %dma_start3A_366 = arith.constant 0 : i32
        %dma_start3A_367 = tpu.memref_slice %dma_start3A_365[%mul3A_351, %dma_start3A_366] : memref<10000x128xf32, #tpu.memory_space<hbm>> -> memref<520x128xf32, #tpu.memory_space<hbm>>
        %dma_start3A_368 = arith.constant 0 : i32
        %dma_start3A_369 = tpu.memref_slice %arg8[%mul3A_351, %dma_start3A_368] : memref<10008x128xf32, #tpu.memory_space<vmem_shared>> -> memref<520x128xf32, #tpu.memory_space<vmem_shared>>
        tpu.enqueue_dma source(%dma_start3A_369 : memref<520x128xf32, #tpu.memory_space<vmem_shared>>) target(%dma_start3A_367 : memref<520x128xf32, #tpu.memory_space<hbm>>) target_semaphore(%run_scoped3A : memref<!tpu.dma_semaphore, #tpu.memory_space<semaphore_mem>>)
        %dma_wait3A_370 = arith.constant 0 : i32
        %dma_wait3A_371 = arith.constant 0 : i32
        %dma_wait3A_372 = tpu.memref_slice %arg5[%arg0, %dma_wait3A_370, %dma_wait3A_371] : memref<2x10000x128xf32, #tpu.memory_space<hbm>> -> memref<1x10000x128xf32, #tpu.memory_space<hbm>>
        %dma_wait3A_373 = tpu.memref_squeeze %dma_wait3A_372 : memref<1x10000x128xf32, #tpu.memory_space<hbm>> -> memref<10000x128xf32, #tpu.memory_space<hbm>>
        %dma_wait3A_374 = arith.constant 0 : i32
        %dma_wait3A_375 = tpu.memref_slice %dma_wait3A_373[%mul3A_351, %dma_wait3A_374] : memref<10000x128xf32, #tpu.memory_space<hbm>> -> memref<520x128xf32, #tpu.memory_space<hbm>>
        %dma_wait3A_376 = arith.constant 0 : i32
        %dma_wait3A_377 = tpu.memref_slice %arg8[%mul3A_351, %dma_wait3A_376] : memref<10008x128xf32, #tpu.memory_space<vmem_shared>> -> memref<520x128xf32, #tpu.memory_space<vmem_shared>>
        tpu.wait_dma2 semaphore(%run_scoped3A : memref<!tpu.dma_semaphore, #tpu.memory_space<semaphore_mem>>) src(%dma_wait3A_377 : memref<520x128xf32, #tpu.memory_space<vmem_shared>>) dst(%dma_wait3A_375 : memref<520x128xf32, #tpu.memory_space<hbm>>)
        tpu.yield
      }) : () -> ()
    } else {
    }
    return
  }
}

module attributes {stable_mosaic.version = 14 : i64} {
  func.func @_mlp_body(%arg0: i32, %arg1: memref<2000x128xf32, #tpu.memory_space<vmem>>, %arg2: memref<2x2000x128xf32, #tpu.memory_space<vmem>>, %arg3: memref<128x128xf32, #tpu.memory_space<vmem>>, %arg4: memref<1x128xf32, #tpu.memory_space<vmem>>, %arg5: memref<1x128xf32, #tpu.memory_space<vmem>>, %arg6: memref<1x128xf32, #tpu.memory_space<vmem>>, %arg7: memref<1x128xf32, #tpu.memory_space<vmem>>, %arg8: memref<128x128xf32, #tpu.memory_space<vmem>>, %arg9: memref<1x128xf32, #tpu.memory_space<vmem>>, %arg10: memref<1x128xf32, #tpu.memory_space<vmem>>, %arg11: memref<2000x128xf32, #tpu.memory_space<vmem>>) attributes {dimension_semantics = [#tpu.dimension_semantics<arbitrary>], iteration_bounds = array<i64: 5>, scalar_prefetch = 0 : i64, scratch_operands = 0 : i64, tpu.core_type = #tpu.core_type<tc>, window_params = [{transform_indices = @transform_0, window_bounds = array<i64: 2000, 128>}, {transform_indices = @transform_1, window_bounds = array<i64: 2, 2000, 128>}, {pipeline_mode = #tpu.pipeline_mode<synchronous>, transform_indices = @transform_2, window_bounds = array<i64: 128, 128>}, {pipeline_mode = #tpu.pipeline_mode<synchronous>, transform_indices = @transform_3, window_bounds = array<i64: 1, 128>}, {pipeline_mode = #tpu.pipeline_mode<synchronous>, transform_indices = @transform_4, window_bounds = array<i64: 1, 128>}, {pipeline_mode = #tpu.pipeline_mode<synchronous>, transform_indices = @transform_5, window_bounds = array<i64: 1, 128>}, {pipeline_mode = #tpu.pipeline_mode<synchronous>, transform_indices = @transform_6, window_bounds = array<i64: 1, 128>}, {pipeline_mode = #tpu.pipeline_mode<synchronous>, transform_indices = @transform_7, window_bounds = array<i64: 128, 128>}, {pipeline_mode = #tpu.pipeline_mode<synchronous>, transform_indices = @transform_8, window_bounds = array<i64: 1, 128>}, {pipeline_mode = #tpu.pipeline_mode<synchronous>, transform_indices = @transform_9, window_bounds = array<i64: 1, 128>}, {transform_indices = @transform_10, window_bounds = array<i64: 2000, 128>}]} {
    %get3A = arith.constant 0 : index
    %get3A_0 = arith.constant 0 : index
    %get3A_1 = vector.load %arg1[%get3A, %get3A_0] : memref<2000x128xf32, #tpu.memory_space<vmem>>, vector<2000x128xf32>
    %get3A_2 = arith.constant 0 : index
    %get3A_3 = arith.constant 0 : index
    %get3A_4 = arith.constant 0 : index
    %get3A_5 = vector.load %arg2[%get3A_2, %get3A_3, %get3A_4] : memref<2x2000x128xf32, #tpu.memory_space<vmem>>, vector<1x2000x128xf32>
    %get3A_6 = vector.shape_cast %get3A_5 : vector<1x2000x128xf32> to vector<2000x128xf32>
    %add3A = arith.addf %get3A_1, %get3A_6 : vector<2000x128xf32>
    %get3A_7 = arith.constant 1 : index
    %get3A_8 = arith.constant 0 : index
    %get3A_9 = arith.constant 0 : index
    %get3A_10 = vector.load %arg2[%get3A_7, %get3A_8, %get3A_9] : memref<2x2000x128xf32, #tpu.memory_space<vmem>>, vector<1x2000x128xf32>
    %get3A_11 = vector.shape_cast %get3A_10 : vector<1x2000x128xf32> to vector<2000x128xf32>
    %add3A_12 = arith.addf %add3A, %get3A_11 : vector<2000x128xf32>
    %get3A_13 = arith.constant 0 : index
    %get3A_14 = arith.constant 0 : index
    %get3A_15 = vector.load %arg3[%get3A_13, %get3A_14] : memref<128x128xf32, #tpu.memory_space<vmem>>, vector<128x128xf32>
    %dot_general3A = arith.constant dense<0.000000e+00> : vector<2000x128xf32>
    %dot_general3A_16 = tpu.matmul %add3A_12, %get3A_15, %dot_general3A {dimension_numbers = #tpu.dot_dimension_numbers<[1], [1], [0], [0], [0, 0, 1, 0], [], []>, transpose_lhs_hint = false} : vector<2000x128xf32>, vector<128x128xf32>, vector<2000x128xf32> -> vector<2000x128xf32>
    %get3A_17 = arith.constant 0 : index
    %get3A_18 = arith.constant 0 : index
    %get3A_19 = vector.load %arg4[%get3A_17, %get3A_18] : memref<1x128xf32, #tpu.memory_space<vmem>>, vector<1x128xf32>
    %add3A_20 = vector.broadcast %get3A_19 : vector<1x128xf32> to vector<2000x128xf32>
    %add3A_21 = arith.addf %dot_general3A_16, %add3A_20 : vector<2000x128xf32>
    %ge3A = arith.constant 0.000000e+00 : f32
    %ge3A_22 = vector.broadcast %ge3A : f32 to vector<2000x128xf32>
    %ge3A_23 = arith.cmpf oge, %add3A_21, %ge3A_22 : vector<2000x128xf32>
    %get3A_24 = arith.constant 0 : index
    %get3A_25 = arith.constant 0 : index
    %get3A_26 = vector.load %arg5[%get3A_24, %get3A_25] : memref<1x128xf32, #tpu.memory_space<vmem>>, vector<1x128xf32>
    %mul3A = vector.broadcast %get3A_26 : vector<1x128xf32> to vector<2000x128xf32>
    %mul3A_27 = arith.mulf %mul3A, %add3A_21 : vector<2000x128xf32>
    %select_n3A = arith.select %ge3A_23, %add3A_21, %mul3A_27 : vector<2000x128xi1>, vector<2000x128xf32>
    %mul3A_28 = arith.constant 0.999994993 : f32
    %mul3A_29 = vector.broadcast %mul3A_28 : f32 to vector<2000x128xf32>
    %mul3A_30 = arith.mulf %select_n3A, %mul3A_29 : vector<2000x128xf32>
    %get3A_31 = arith.constant 0 : index
    %get3A_32 = arith.constant 0 : index
    %get3A_33 = vector.load %arg6[%get3A_31, %get3A_32] : memref<1x128xf32, #tpu.memory_space<vmem>>, vector<1x128xf32>
    %mul3A_34 = vector.broadcast %get3A_33 : vector<1x128xf32> to vector<2000x128xf32>
    %mul3A_35 = arith.mulf %mul3A_30, %mul3A_34 : vector<2000x128xf32>
    %get3A_36 = arith.constant 0 : index
    %get3A_37 = arith.constant 0 : index
    %get3A_38 = vector.load %arg7[%get3A_36, %get3A_37] : memref<1x128xf32, #tpu.memory_space<vmem>>, vector<1x128xf32>
    %add3A_39 = vector.broadcast %get3A_38 : vector<1x128xf32> to vector<2000x128xf32>
    %add3A_40 = arith.addf %mul3A_35, %add3A_39 : vector<2000x128xf32>
    %get3A_41 = arith.constant 0 : index
    %get3A_42 = arith.constant 0 : index
    %get3A_43 = vector.load %arg8[%get3A_41, %get3A_42] : memref<128x128xf32, #tpu.memory_space<vmem>>, vector<128x128xf32>
    %dot_general3A_44 = arith.constant dense<0.000000e+00> : vector<2000x128xf32>
    %dot_general3A_45 = tpu.matmul %add3A_40, %get3A_43, %dot_general3A_44 {dimension_numbers = #tpu.dot_dimension_numbers<[1], [1], [0], [0], [0, 0, 1, 0], [], []>, transpose_lhs_hint = false} : vector<2000x128xf32>, vector<128x128xf32>, vector<2000x128xf32> -> vector<2000x128xf32>
    %get3A_46 = arith.constant 0 : index
    %get3A_47 = arith.constant 0 : index
    %get3A_48 = vector.load %arg9[%get3A_46, %get3A_47] : memref<1x128xf32, #tpu.memory_space<vmem>>, vector<1x128xf32>
    %add3A_49 = vector.broadcast %get3A_48 : vector<1x128xf32> to vector<2000x128xf32>
    %add3A_50 = arith.addf %dot_general3A_45, %add3A_49 : vector<2000x128xf32>
    %ge3A_51 = arith.constant 0.000000e+00 : f32
    %ge3A_52 = vector.broadcast %ge3A_51 : f32 to vector<2000x128xf32>
    %ge3A_53 = arith.cmpf oge, %add3A_50, %ge3A_52 : vector<2000x128xf32>
    %get3A_54 = arith.constant 0 : index
    %get3A_55 = arith.constant 0 : index
    %get3A_56 = vector.load %arg10[%get3A_54, %get3A_55] : memref<1x128xf32, #tpu.memory_space<vmem>>, vector<1x128xf32>
    %mul3A_57 = vector.broadcast %get3A_56 : vector<1x128xf32> to vector<2000x128xf32>
    %mul3A_58 = arith.mulf %mul3A_57, %add3A_50 : vector<2000x128xf32>
    %select_n3A_59 = arith.select %ge3A_53, %add3A_50, %mul3A_58 : vector<2000x128xi1>, vector<2000x128xf32>
    %swap3A = arith.constant 0 : index
    %swap3A_60 = arith.constant 0 : index
    %swap3A_61 = vector.load %arg11[%swap3A, %swap3A_60] : memref<2000x128xf32, #tpu.memory_space<vmem>>, vector<2000x128xf32>
    tpu.vector_store %arg11[%swap3A, %swap3A_60], %select_n3A_59 {strides = array<i32>} : memref<2000x128xf32, #tpu.memory_space<vmem>>, vector<2000x128xf32>,
    return
  }
  func.func @transform_0(%arg0: i32) -> (i32, i32) {
    %c0_i32 = arith.constant 0 : i32
    %c0_i32_0 = arith.constant 0 : i32
    return %arg0, %c0_i32 : i32, i32
  }
  func.func @transform_1(%arg0: i32) -> (i32, i32, i32) {
    %c0_i32 = arith.constant 0 : i32
    %c0_i32_0 = arith.constant 0 : i32
    %c0_i32_1 = arith.constant 0 : i32
    return %c0_i32, %arg0, %c0_i32_0 : i32, i32, i32
  }
  func.func @transform_2(%arg0: i32) -> (i32, i32) {
    %c0_i32 = arith.constant 0 : i32
    %c0_i32_0 = arith.constant 0 : i32
    %c0_i32_1 = arith.constant 0 : i32
    return %c0_i32, %c0_i32_0 : i32, i32
  }
  func.func @transform_3(%arg0: i32) -> (i32, i32) {
    %c0_i32 = arith.constant 0 : i32
    %c0_i32_0 = arith.constant 0 : i32
    %c0_i32_1 = arith.constant 0 : i32
    return %c0_i32, %c0_i32_0 : i32, i32
  }
  func.func @transform_4(%arg0: i32) -> (i32, i32) {
    %c0_i32 = arith.constant 0 : i32
    %c0_i32_0 = arith.constant 0 : i32
    %c0_i32_1 = arith.constant 0 : i32
    return %c0_i32, %c0_i32_0 : i32, i32
  }
  func.func @transform_5(%arg0: i32) -> (i32, i32) {
    %c0_i32 = arith.constant 0 : i32
    %c0_i32_0 = arith.constant 0 : i32
    %c0_i32_1 = arith.constant 0 : i32
    return %c0_i32, %c0_i32_0 : i32, i32
  }
  func.func @transform_6(%arg0: i32) -> (i32, i32) {
    %c0_i32 = arith.constant 0 : i32
    %c0_i32_0 = arith.constant 0 : i32
    %c0_i32_1 = arith.constant 0 : i32
    return %c0_i32, %c0_i32_0 : i32, i32
  }
  func.func @transform_7(%arg0: i32) -> (i32, i32) {
    %c0_i32 = arith.constant 0 : i32
    %c0_i32_0 = arith.constant 0 : i32
    %c0_i32_1 = arith.constant 0 : i32
    return %c0_i32, %c0_i32_0 : i32, i32
  }
  func.func @transform_8(%arg0: i32) -> (i32, i32) {
    %c0_i32 = arith.constant 0 : i32
    %c0_i32_0 = arith.constant 0 : i32
    %c0_i32_1 = arith.constant 0 : i32
    return %c0_i32, %c0_i32_0 : i32, i32
  }
  func.func @transform_9(%arg0: i32) -> (i32, i32) {
    %c0_i32 = arith.constant 0 : i32
    %c0_i32_0 = arith.constant 0 : i32
    %c0_i32_1 = arith.constant 0 : i32
    return %c0_i32, %c0_i32_0 : i32, i32
  }
  func.func @transform_10(%arg0: i32) -> (i32, i32) {
    %c0_i32 = arith.constant 0 : i32
    %c0_i32_0 = arith.constant 0 : i32
    return %arg0, %c0_i32 : i32, i32
  }
}

module attributes {stable_mosaic.version = 14 : i64} {
  func.func @_fin_body(%arg0: i32, %arg1: memref<2000x128xf32, #tpu.memory_space<vmem>>, %arg2: memref<2x2000x128xf32, #tpu.memory_space<vmem>>, %arg3: memref<128x128xf32, #tpu.memory_space<vmem>>, %arg4: memref<1x128xf32, #tpu.memory_space<vmem>>, %arg5: memref<1x128xf32, #tpu.memory_space<vmem>>, %arg6: memref<1x128xf32, #tpu.memory_space<vmem>>, %arg7: memref<1x128xf32, #tpu.memory_space<vmem>>, %arg8: memref<128x128xf32, #tpu.memory_space<vmem>>, %arg9: memref<1x128xf32, #tpu.memory_space<vmem>>, %arg10: memref<1x128xf32, #tpu.memory_space<vmem>>, %arg11: memref<1x1x2000xi32, #tpu.memory_space<vmem>>, %arg12: memref<1x128xf32, #tpu.memory_space<vmem>>, %arg13: memref<1x128xf32, #tpu.memory_space<vmem>>, %arg14: memref<64x128xf32, #tpu.memory_space<vmem>>, %arg15: memref<1x64xf32, #tpu.memory_space<vmem>>, %arg16: memref<128x64xf32, #tpu.memory_space<vmem>>, %arg17: memref<128x128xf32, #tpu.memory_space<vmem>>) attributes {dimension_semantics = [#tpu.dimension_semantics<arbitrary>], iteration_bounds = array<i64: 5>, scalar_prefetch = 0 : i64, scratch_operands = 1 : i64, tpu.core_type = #tpu.core_type<tc>, window_params = [{transform_indices = @transform_0, window_bounds = array<i64: 2000, 128>}, {transform_indices = @transform_1, window_bounds = array<i64: 2, 2000, 128>}, {pipeline_mode = #tpu.pipeline_mode<synchronous>, transform_indices = @transform_2, window_bounds = array<i64: 128, 128>}, {pipeline_mode = #tpu.pipeline_mode<synchronous>, transform_indices = @transform_3, window_bounds = array<i64: 1, 128>}, {pipeline_mode = #tpu.pipeline_mode<synchronous>, transform_indices = @transform_4, window_bounds = array<i64: 1, 128>}, {pipeline_mode = #tpu.pipeline_mode<synchronous>, transform_indices = @transform_5, window_bounds = array<i64: 1, 128>}, {pipeline_mode = #tpu.pipeline_mode<synchronous>, transform_indices = @transform_6, window_bounds = array<i64: 1, 128>}, {pipeline_mode = #tpu.pipeline_mode<synchronous>, transform_indices = @transform_7, window_bounds = array<i64: 128, 128>}, {pipeline_mode = #tpu.pipeline_mode<synchronous>, transform_indices = @transform_8, window_bounds = array<i64: 1, 128>}, {pipeline_mode = #tpu.pipeline_mode<synchronous>, transform_indices = @transform_9, window_bounds = array<i64: 1, 128>}, {transform_indices = @transform_10, window_bounds = array<i64: 1, 1, 2000>}, {pipeline_mode = #tpu.pipeline_mode<synchronous>, transform_indices = @transform_11, window_bounds = array<i64: 1, 128>}, {pipeline_mode = #tpu.pipeline_mode<synchronous>, transform_indices = @transform_12, window_bounds = array<i64: 1, 128>}, {pipeline_mode = #tpu.pipeline_mode<synchronous>, transform_indices = @transform_13, window_bounds = array<i64: 64, 128>}, {pipeline_mode = #tpu.pipeline_mode<synchronous>, transform_indices = @transform_14, window_bounds = array<i64: 1, 64>}, {pipeline_mode = #tpu.pipeline_mode<synchronous>, transform_indices = @transform_15, window_bounds = array<i64: 128, 64>}]} {
    %get3A = arith.constant 0 : index
    %get3A_0 = arith.constant 0 : index
    %get3A_1 = vector.load %arg1[%get3A, %get3A_0] : memref<2000x128xf32, #tpu.memory_space<vmem>>, vector<2000x128xf32>
    %get3A_2 = arith.constant 0 : index
    %get3A_3 = arith.constant 0 : index
    %get3A_4 = arith.constant 0 : index
    %get3A_5 = vector.load %arg2[%get3A_2, %get3A_3, %get3A_4] : memref<2x2000x128xf32, #tpu.memory_space<vmem>>, vector<1x2000x128xf32>
    %get3A_6 = vector.shape_cast %get3A_5 : vector<1x2000x128xf32> to vector<2000x128xf32>
    %add3A = arith.addf %get3A_1, %get3A_6 : vector<2000x128xf32>
    %get3A_7 = arith.constant 1 : index
    %get3A_8 = arith.constant 0 : index
    %get3A_9 = arith.constant 0 : index
    %get3A_10 = vector.load %arg2[%get3A_7, %get3A_8, %get3A_9] : memref<2x2000x128xf32, #tpu.memory_space<vmem>>, vector<1x2000x128xf32>
    %get3A_11 = vector.shape_cast %get3A_10 : vector<1x2000x128xf32> to vector<2000x128xf32>
    %add3A_12 = arith.addf %add3A, %get3A_11 : vector<2000x128xf32>
    %get3A_13 = arith.constant 0 : index
    %get3A_14 = arith.constant 0 : index
    %get3A_15 = vector.load %arg3[%get3A_13, %get3A_14] : memref<128x128xf32, #tpu.memory_space<vmem>>, vector<128x128xf32>
    %dot_general3A = arith.constant dense<0.000000e+00> : vector<2000x128xf32>
    %dot_general3A_16 = tpu.matmul %add3A_12, %get3A_15, %dot_general3A {dimension_numbers = #tpu.dot_dimension_numbers<[1], [1], [0], [0], [0, 0, 1, 0], [], []>, transpose_lhs_hint = false} : vector<2000x128xf32>, vector<128x128xf32>, vector<2000x128xf32> -> vector<2000x128xf32>
    %get3A_17 = arith.constant 0 : index
    %get3A_18 = arith.constant 0 : index
    %get3A_19 = vector.load %arg4[%get3A_17, %get3A_18] : memref<1x128xf32, #tpu.memory_space<vmem>>, vector<1x128xf32>
    %add3A_20 = vector.broadcast %get3A_19 : vector<1x128xf32> to vector<2000x128xf32>
    %add3A_21 = arith.addf %dot_general3A_16, %add3A_20 : vector<2000x128xf32>
    %ge3A = arith.constant 0.000000e+00 : f32
    %ge3A_22 = vector.broadcast %ge3A : f32 to vector<2000x128xf32>
    %ge3A_23 = arith.cmpf oge, %add3A_21, %ge3A_22 : vector<2000x128xf32>
    %get3A_24 = arith.constant 0 : index
    %get3A_25 = arith.constant 0 : index
    %get3A_26 = vector.load %arg5[%get3A_24, %get3A_25] : memref<1x128xf32, #tpu.memory_space<vmem>>, vector<1x128xf32>
    %mul3A = vector.broadcast %get3A_26 : vector<1x128xf32> to vector<2000x128xf32>
    %mul3A_27 = arith.mulf %mul3A, %add3A_21 : vector<2000x128xf32>
    %select_n3A = arith.select %ge3A_23, %add3A_21, %mul3A_27 : vector<2000x128xi1>, vector<2000x128xf32>
    %mul3A_28 = arith.constant 0.999994993 : f32
    %mul3A_29 = vector.broadcast %mul3A_28 : f32 to vector<2000x128xf32>
    %mul3A_30 = arith.mulf %select_n3A, %mul3A_29 : vector<2000x128xf32>
    %get3A_31 = arith.constant 0 : index
    %get3A_32 = arith.constant 0 : index
    %get3A_33 = vector.load %arg6[%get3A_31, %get3A_32] : memref<1x128xf32, #tpu.memory_space<vmem>>, vector<1x128xf32>
    %mul3A_34 = vector.broadcast %get3A_33 : vector<1x128xf32> to vector<2000x128xf32>
    %mul3A_35 = arith.mulf %mul3A_30, %mul3A_34 : vector<2000x128xf32>
    %get3A_36 = arith.constant 0 : index
    %get3A_37 = arith.constant 0 : index
    %get3A_38 = vector.load %arg7[%get3A_36, %get3A_37] : memref<1x128xf32, #tpu.memory_space<vmem>>, vector<1x128xf32>
    %add3A_39 = vector.broadcast %get3A_38 : vector<1x128xf32> to vector<2000x128xf32>
    %add3A_40 = arith.addf %mul3A_35, %add3A_39 : vector<2000x128xf32>
    %get3A_41 = arith.constant 0 : index
    %get3A_42 = arith.constant 0 : index
    %get3A_43 = vector.load %arg8[%get3A_41, %get3A_42] : memref<128x128xf32, #tpu.memory_space<vmem>>, vector<128x128xf32>
    %dot_general3A_44 = arith.constant dense<0.000000e+00> : vector<2000x128xf32>
    %dot_general3A_45 = tpu.matmul %add3A_40, %get3A_43, %dot_general3A_44 {dimension_numbers = #tpu.dot_dimension_numbers<[1], [1], [0], [0], [0, 0, 1, 0], [], []>, transpose_lhs_hint = false} : vector<2000x128xf32>, vector<128x128xf32>, vector<2000x128xf32> -> vector<2000x128xf32>
    %get3A_46 = arith.constant 0 : index
    %get3A_47 = arith.constant 0 : index
    %get3A_48 = vector.load %arg9[%get3A_46, %get3A_47] : memref<1x128xf32, #tpu.memory_space<vmem>>, vector<1x128xf32>
    %add3A_49 = vector.broadcast %get3A_48 : vector<1x128xf32> to vector<2000x128xf32>
    %add3A_50 = arith.addf %dot_general3A_45, %add3A_49 : vector<2000x128xf32>
    %ge3A_51 = arith.constant 0.000000e+00 : f32
    %ge3A_52 = vector.broadcast %ge3A_51 : f32 to vector<2000x128xf32>
    %ge3A_53 = arith.cmpf oge, %add3A_50, %ge3A_52 : vector<2000x128xf32>
    %get3A_54 = arith.constant 0 : index
    %get3A_55 = arith.constant 0 : index
    %get3A_56 = vector.load %arg10[%get3A_54, %get3A_55] : memref<1x128xf32, #tpu.memory_space<vmem>>, vector<1x128xf32>
    %mul3A_57 = vector.broadcast %get3A_56 : vector<1x128xf32> to vector<2000x128xf32>
    %mul3A_58 = arith.mulf %mul3A_57, %add3A_50 : vector<2000x128xf32>
    %select_n3A_59 = arith.select %ge3A_53, %add3A_50, %mul3A_58 : vector<2000x128xi1>, vector<2000x128xf32>
    %get3A_60 = arith.constant 0 : index
    %get3A_61 = arith.constant 0 : index
    %get3A_62 = arith.constant 0 : index
    %get3A_63 = vector.load %arg11[%get3A_60, %get3A_61, %get3A_62] : memref<1x1x2000xi32, #tpu.memory_space<vmem>>, vector<1x1x2000xi32>
    %get3A_64 = vector.shape_cast %get3A_63 : vector<1x1x2000xi32> to vector<1x2000xi32>
    %iota3A = tpu.iota {dimensions = array<i32: 0>} : vector<128x2000xi32>
    %eq3A = vector.broadcast %get3A_64 : vector<1x2000xi32> to vector<128x2000xi32>
    %eq3A_65 = arith.cmpi eq, %eq3A, %iota3A : vector<128x2000xi32>
    %convert_element_type3A = arith.extui %eq3A_65 : vector<128x2000xi1> to vector<128x2000xi32>
    %convert_element_type3A_66 = arith.sitofp %convert_element_type3A : vector<128x2000xi32> to vector<128x2000xf32>
    %eq3A_67 = arith.constant 0 : i32
    %eq3A_68 = arith.cmpi eq, %arg0, %eq3A_67 : i32
    %convert_element_type3A_69 = arith.extui %eq3A_68 : i1 to i32
    %cond3A = arith.constant 0 : i32
    %cond3A_70 = arith.cmpi ne, %convert_element_type3A_69, %cond3A : i32
    scf.if %cond3A_70 {
      %broadcast_in_dim3A = arith.constant 0.000000e+00 : f32
      %broadcast_in_dim3A_84 = vector.broadcast %broadcast_in_dim3A : f32 to vector<128x128xf32>
      %swap3A_85 = arith.constant 0 : index
      %swap3A_86 = arith.constant 0 : index
      %swap3A_87 = vector.load %arg17[%swap3A_85, %swap3A_86] : memref<128x128xf32, #tpu.memory_space<vmem>>, vector<128x128xf32>
      tpu.vector_store %arg17[%swap3A_85, %swap3A_86], %broadcast_in_dim3A_84 {strides = array<i32>} : memref<128x128xf32, #tpu.memory_space<vmem>>, vector<128x128xf32>,
    } else {
    }
    %get3A_71 = arith.constant 0 : index
    %get3A_72 = arith.constant 0 : index
    %get3A_73 = vector.load %arg17[%get3A_71, %get3A_72] : memref<128x128xf32, #tpu.memory_space<vmem>>, vector<128x128xf32>
    %dot_general3A_74 = arith.constant dense<0.000000e+00> : vector<128x128xf32>
    %dot_general3A_75 = tpu.matmul %convert_element_type3A_66, %select_n3A_59, %dot_general3A_74 {dimension_numbers = #tpu.dot_dimension_numbers<[1], [0], [0], [1], [0, 0, 1, 1], [], []>, transpose_lhs_hint = false} : vector<128x2000xf32>, vector<2000x128xf32>, vector<128x128xf32> -> vector<128x128xf32>
    %add3A_76 = arith.addf %get3A_73, %dot_general3A_75 : vector<128x128xf32>
    %swap3A = arith.constant 0 : index
    %swap3A_77 = arith.constant 0 : index
    %swap3A_78 = vector.load %arg17[%swap3A, %swap3A_77] : memref<128x128xf32, #tpu.memory_space<vmem>>, vector<128x128xf32>
    tpu.vector_store %arg17[%swap3A, %swap3A_77], %add3A_76 {strides = array<i32>} : memref<128x128xf32, #tpu.memory_space<vmem>>, vector<128x128xf32>,
    %eq3A_79 = arith.constant 4 : i32
    %eq3A_80 = arith.cmpi eq, %arg0, %eq3A_79 : i32
    %convert_element_type3A_81 = arith.extui %eq3A_80 : i1 to i32
    %cond3A_82 = arith.constant 0 : i32
    %cond3A_83 = arith.cmpi ne, %convert_element_type3A_81, %cond3A_82 : i32
    scf.if %cond3A_83 {
      %get3A_84 = arith.constant 0 : index
      %get3A_85 = arith.constant 0 : index
      %get3A_86 = vector.load %arg17[%get3A_84, %get3A_85] : memref<128x128xf32, #tpu.memory_space<vmem>>, vector<128x128xf32>
      %mul3A_87 = arith.constant 0.999994993 : f32
      %mul3A_88 = vector.broadcast %mul3A_87 : f32 to vector<128x128xf32>
      %mul3A_89 = arith.mulf %get3A_86, %mul3A_88 : vector<128x128xf32>
      %get3A_90 = arith.constant 0 : index
      %get3A_91 = arith.constant 0 : index
      %get3A_92 = vector.load %arg12[%get3A_90, %get3A_91] : memref<1x128xf32, #tpu.memory_space<vmem>>, vector<1x128xf32>
      %mul3A_93 = vector.broadcast %get3A_92 : vector<1x128xf32> to vector<128x128xf32>
      %mul3A_94 = arith.mulf %mul3A_89, %mul3A_93 : vector<128x128xf32>
      %get3A_95 = arith.constant 0 : index
      %get3A_96 = arith.constant 0 : index
      %get3A_97 = vector.load %arg13[%get3A_95, %get3A_96] : memref<1x128xf32, #tpu.memory_space<vmem>>, vector<1x128xf32>
      %add3A_98 = vector.broadcast %get3A_97 : vector<1x128xf32> to vector<128x128xf32>
      %add3A_99 = arith.addf %mul3A_94, %add3A_98 : vector<128x128xf32>
      %get3A_100 = arith.constant 0 : index
      %get3A_101 = arith.constant 0 : index
      %get3A_102 = vector.load %arg14[%get3A_100, %get3A_101] : memref<64x128xf32, #tpu.memory_space<vmem>>, vector<64x128xf32>
      %dot_general3A_103 = arith.constant dense<0.000000e+00> : vector<128x64xf32>
      %dot_general3A_104 = tpu.matmul %add3A_99, %get3A_102, %dot_general3A_103 {dimension_numbers = #tpu.dot_dimension_numbers<[1], [1], [0], [0], [0, 0, 1, 0], [], []>, transpose_lhs_hint = false} : vector<128x128xf32>, vector<64x128xf32>, vector<128x64xf32> -> vector<128x64xf32>
      %get3A_105 = arith.constant 0 : index
      %get3A_106 = arith.constant 0 : index
      %get3A_107 = vector.load %arg15[%get3A_105, %get3A_106] : memref<1x64xf32, #tpu.memory_space<vmem>>, vector<1x64xf32>
      %add3A_108 = vector.broadcast %get3A_107 : vector<1x64xf32> to vector<128x64xf32>
      %add3A_109 = arith.addf %dot_general3A_104, %add3A_108 : vector<128x64xf32>
      %swap3A_110 = arith.constant 0 : index
      %swap3A_111 = arith.constant 0 : index
      %swap3A_112 = vector.load %arg16[%swap3A_110, %swap3A_111] : memref<128x64xf32, #tpu.memory_space<vmem>>, vector<128x64xf32>
      tpu.vector_store %arg16[%swap3A_110, %swap3A_111], %add3A_109 {strides = array<i32>} : memref<128x64xf32, #tpu.memory_space<vmem>>, vector<128x64xf32>,
    } else {
    }
    return
  }
  func.func @transform_0(%arg0: i32) -> (i32, i32) {
    %c0_i32 = arith.constant 0 : i32
    %c0_i32_0 = arith.constant 0 : i32
    return %arg0, %c0_i32 : i32, i32
  }
  func.func @transform_1(%arg0: i32) -> (i32, i32, i32) {
    %c0_i32 = arith.constant 0 : i32
    %c0_i32_0 = arith.constant 0 : i32
    %c0_i32_1 = arith.constant 0 : i32
    return %c0_i32, %arg0, %c0_i32_0 : i32, i32, i32
  }
  func.func @transform_2(%arg0: i32) -> (i32, i32) {
    %c0_i32 = arith.constant 0 : i32
    %c0_i32_0 = arith.constant 0 : i32
    %c0_i32_1 = arith.constant 0 : i32
    return %c0_i32, %c0_i32_0 : i32, i32
  }
  func.func @transform_3(%arg0: i32) -> (i32, i32) {
    %c0_i32 = arith.constant 0 : i32
    %c0_i32_0 = arith.constant 0 : i32
    %c0_i32_1 = arith.constant 0 : i32
    return %c0_i32, %c0_i32_0 : i32, i32
  }
  func.func @transform_4(%arg0: i32) -> (i32, i32) {
    %c0_i32 = arith.constant 0 : i32
    %c0_i32_0 = arith.constant 0 : i32
    %c0_i32_1 = arith.constant 0 : i32
    return %c0_i32, %c0_i32_0 : i32, i32
  }
  func.func @transform_5(%arg0: i32) -> (i32, i32) {
    %c0_i32 = arith.constant 0 : i32
    %c0_i32_0 = arith.constant 0 : i32
    %c0_i32_1 = arith.constant 0 : i32
    return %c0_i32, %c0_i32_0 : i32, i32
  }
  func.func @transform_6(%arg0: i32) -> (i32, i32) {
    %c0_i32 = arith.constant 0 : i32
    %c0_i32_0 = arith.constant 0 : i32
    %c0_i32_1 = arith.constant 0 : i32
    return %c0_i32, %c0_i32_0 : i32, i32
  }
  func.func @transform_7(%arg0: i32) -> (i32, i32) {
    %c0_i32 = arith.constant 0 : i32
    %c0_i32_0 = arith.constant 0 : i32
    %c0_i32_1 = arith.constant 0 : i32
    return %c0_i32, %c0_i32_0 : i32, i32
  }
  func.func @transform_8(%arg0: i32) -> (i32, i32) {
    %c0_i32 = arith.constant 0 : i32
    %c0_i32_0 = arith.constant 0 : i32
    %c0_i32_1 = arith.constant 0 : i32
    return %c0_i32, %c0_i32_0 : i32, i32
  }
  func.func @transform_9(%arg0: i32) -> (i32, i32) {
    %c0_i32 = arith.constant 0 : i32
    %c0_i32_0 = arith.constant 0 : i32
    %c0_i32_1 = arith.constant 0 : i32
    return %c0_i32, %c0_i32_0 : i32, i32
  }
  func.func @transform_10(%arg0: i32) -> (i32, i32, i32) {
    %c0_i32 = arith.constant 0 : i32
    %c0_i32_0 = arith.constant 0 : i32
    %c0_i32_1 = arith.constant 0 : i32
    return %arg0, %c0_i32, %c0_i32_0 : i32, i32, i32
  }
  func.func @transform_11(%arg0: i32) -> (i32, i32) {
    %c0_i32 = arith.constant 0 : i32
    %c0_i32_0 = arith.constant 0 : i32
    %c0_i32_1 = arith.constant 0 : i32
    return %c0_i32, %c0_i32_0 : i32, i32
  }
  func.func @transform_12(%arg0: i32) -> (i32, i32) {
    %c0_i32 = arith.constant 0 : i32
    %c0_i32_0 = arith.constant 0 : i32
    %c0_i32_1 = arith.constant 0 : i32
    return %c0_i32, %c0_i32_0 : i32, i32
  }
  func.func @transform_13(%arg0: i32) -> (i32, i32) {
    %c0_i32 = arith.constant 0 : i32
    %c0_i32_0 = arith.constant 0 : i32
    %c0_i32_1 = arith.constant 0 : i32
    return %c0_i32, %c0_i32_0 : i32, i32
  }
  func.func @transform_14(%arg0: i32) -> (i32, i32) {
    %c0_i32 = arith.constant 0 : i32
    %c0_i32_0 = arith.constant 0 : i32
    %c0_i32_1 = arith.constant 0 : i32
    return %c0_i32, %c0_i32_0 : i32, i32
  }
  func.func @transform_15(%arg0: i32) -> (i32, i32) {
    %c0_i32 = arith.constant 0 : i32
    %c0_i32_0 = arith.constant 0 : i32
    %c0_i32_1 = arith.constant 0 : i32
    return %c0_i32, %c0_i32_0 : i32, i32
  }
}

</mosaic_0001>

<sc_bundles>
// kernel: kernel.11.cloned.1.call-start
scs
__scs_entry_jumppad:
0x0: {  	(pc) =	sbr.rel $0x88, $3  }
0x1: {  	(tag) =	ssettag $0x0;
	lr =	simm.s32 $0x1  }
0x2: {  	[smem:$0x3F92] =	sst lr;
	_ =	strace $0xD0000000  }
0x3: {  	_ = 	snop  }
0x4: {  	_ = 	snop  }
0x5: {  	_ = 	snop  }
0x6: {  	_ = 	snop  }
0x7: {  	_ = 	snop  }
__scs_overlays_trampoline_lowered:
0x8: {  	[smem:$0x3FA1] =	sst s0  }
0x9: {  	[smem:$0x3FA2] =	sst s1  }
0xa: {  	[smem:$0x3FA3] =	sst s2  }
0xb: {  	[smem:$0x3FA4] =	sst s3  }
0xc: {  	[smem:$0x3FA5] =	sst s4  }
0xd: {  	[smem:$0x3FA6] =	sst s5  }
0xe: {  	[smem:$0x3FA7] =	sst s6  }
0xf: {  	[smem:$0x3FA8] =	sst s7  }
0x10: {  	[smem:$0x3FA9] =	sst s8  }
0x11: {  	[smem:$0x3FAA] =	sst s9;
	s0 =	simm.s32 @!p0 $0x0  }
0x12: {  	s1 =	sld [smem:$0x3F90];
	s0 =	simm.s32 @p0 $0x1  }
0x13: {  	[smem:$0x3FAB] =	sst s0;
	s0 =	simm.s32 @!p1 $0x0  }
0x14: {  	s2 =	sld [smem:$0x3F8F];
	s0 =	simm.s32 @p1 $0x1  }
0x15: {  	[smem:$0x3FAC] =	sst s0;
	s0 =	simm.s32 @!p2 $0x0  }
0x16: {  	s3 =	sld [smem:$0x3FDB];
	s0 =	simm.s32 @p2 $0x1  }
0x17: {  	s4 =	simm.s32 $0x1BF5;
	[smem:$0x3FAE] =	sst s0  }
0x18: {  	s0 =	sld [smem:$0x3F91];
	_ =	swait.ge [sflag:s4], $0x0  }
0x19: {  	s7 =	sld [smem:$0x3F92]  }
0x1a: {  	s8 =	sadd.s32 $0xFFFFE003, lr  }
0x1b: {  	s9 =	sadd.s32 $0xFFFFFEF7, lr;
	s5 =	simm.s32 $0xFFFFFFFF;
	p2 =	slt.u32 s8, $0xFFFFF086  }
0x1c: {  	p1 =	slt.u32 s9, $0xF7A;
	s5 =	simm.s32 @!p2 $0x0  }
0x1d: {  	s5 =	simm.s32 @p1 $0x1;
	p0 =	seq.s32 s7, s2  }
0x1e: {  	s7 =	smul.u32 @!p0 $0xF7A, s2;
	p2 =	seq.s32 @!p0 s5, $0x0  }
0x1f: {  	s9 =	smul.u32 $0xF7A, s1;
	s8 =	simm.s32 @!p0 $0x1BF5;
	p2 =	por !p2, p0  }
0x20: {  	[sflag:s8] =	ssyncset.s32 @!p0 $0xFFFFF086;
	s6 =	sadd.s32 @!p0 s3, s7;
	s7 =	simm.s32 @!p0 $0x108  }
0x21: {  	s3 =	sadd.s32 s3, s9;
	s6 =	sadd.s32 @!p0 $0x88, s6;
	s7 =	simm.s32 @p2 $0x1082  }
0x22: {  	[simem:s7], [sflag:s8] =	dma.local @!p0 [hbm:s6], $0xF7A  }
0x23: {  	s9 =	sor.u32 $0xD0000000, s2;
	s6 =	simm.s32 $0x108;
	_ =	swait.ge @!p0 [sflag:s8], $0x0  }
0x24: {  	s3 =	sadd.s32 $0x88, s3;
	s6 =	simm.s32 @!p1 $0x1082;
	[sflag:s4] =	ssyncset.s32 $0xFFFFF086  }
0x25: {  	[simem:s6], [sflag:s4] =	dma.local [hbm:s3], $0xF7A  }
0x26: {  	[smem:$0x3F92] =	sst s1;
	(tag) =	ssettag s2;
	_ =	strace s9  }
0x27: {  	s1 =	sld [smem:$0x3FA2]  }
0x28: {  	s2 =	sld [smem:$0x3FA3]  }
0x29: {  	s4 =	sld [smem:$0x3FA5]  }
0x2a: {  	p0 =	seq.s32 s5, $0x0;
	s5 =	sld [smem:$0x3FA6]  }
0x2b: {  	s6 =	sld [smem:$0x3FA7]  }
0x2c: {  	s7 =	sld [smem:$0x3FA8]  }
0x2d: {  	s3 =	simm.s32 $0x108;
	s8 =	sld [smem:$0x3FA9]  }
0x2e: {  	s3 =	simm.s32 @!p0 $0x1082;
	s9 =	sld [smem:$0x3FAA]  }
0x2f: {  	lr =	sadd.s32 s0, s3;
	s0 =	sld [smem:$0x3FA1]  }
0x30: {  	s3 =	sld [smem:$0x3FA4]  }
0x31: {  	[smem:$0x3FAD] =	sst s10  }
0x32: {  	s10 =	sld [smem:$0x3FAB];
	_ =	sdelay $0x3  }
0x33: {  	p0 =	seq.s32 s10, $0x1;
	s10 =	sld [smem:$0x3FAD];
	_ =	sdelay $0x3  }
0x34: {  	[smem:$0x3FAD] =	sst s10  }
0x35: {  	s10 =	sld [smem:$0x3FAC];
	_ =	sdelay $0x3  }
0x36: {  	p1 =	seq.s32 s10, $0x1;
	s10 =	sld [smem:$0x3FAD];
	_ =	sdelay $0x3  }
0x37: {  	[smem:$0x3FAD] =	sst s10  }
0x38: {  	s10 =	sld [smem:$0x3FAE]  }
0x39: {  	_ = 	snop;
	(pc) =	sbr.ind lr, $3  }
0x3a: {  	_ = 	snop  }
0x3b: {  	_ = 	snop  }
0x3c: {  	p2 =	seq.s32 s10, $0x1;
	s10 =	sld [smem:$0x3FAD]  }
0x3d: {  	_ =	shalt  }
0x3e: {  	_ =	shalt  }
0x3f: {  	_ =	shalt  }
0x40: {  	_ =	shalt  }
0x41: {  	_ =	shalt  }
0x42: {  	_ =	shalt  }
0x43: {  	_ =	shalt  }
0x44: {  	_ =	shalt  }
0x45: {  	_ =	shalt  }
0x46: {  	_ =	shalt  }
0x47: {  	_ =	shalt  }
0x48: {  	_ =	shalt  }
0x49: {  	_ =	shalt  }
0x4a: {  	_ =	shalt  }
0x4b: {  	_ =	shalt  }
0x4c: {  	_ =	shalt  }
0x4d: {  	_ =	shalt  }
0x4e: {  	_ =	shalt  }
0x4f: {  	_ =	shalt  }
0x50: {  	_ =	shalt  }
0x51: {  	_ =	shalt  }
0x52: {  	_ =	shalt  }
0x53: {  	_ =	shalt  }
0x54: {  	_ =	shalt  }
0x55: {  	_ =	shalt  }
0x56: {  	_ =	shalt  }
0x57: {  	_ =	shalt  }
0x58: {  	_ =	shalt  }
0x59: {  	_ =	shalt  }
0x5a: {  	_ =	shalt  }
0x5b: {  	_ =	shalt  }
0x5c: {  	_ =	shalt  }
0x5d: {  	_ =	shalt  }
0x5e: {  	_ =	shalt  }
0x5f: {  	_ =	shalt  }
0x60: {  	_ =	shalt  }
0x61: {  	_ =	shalt  }
0x62: {  	_ =	shalt  }
0x63: {  	_ =	shalt  }
0x64: {  	_ =	shalt  }
0x65: {  	_ =	shalt  }
0x66: {  	_ =	shalt  }
0x67: {  	_ =	shalt  }
0x68: {  	_ =	shalt  }
0x69: {  	_ =	shalt  }
0x6a: {  	_ =	shalt  }
0x6b: {  	_ =	shalt  }
0x6c: {  	_ =	shalt  }
0x6d: {  	_ =	shalt  }
0x6e: {  	_ =	shalt  }
0x6f: {  	_ =	shalt  }
0x70: {  	_ =	shalt  }
0x71: {  	_ =	shalt  }
0x72: {  	_ =	shalt  }
0x73: {  	_ =	shalt  }
0x74: {  	_ =	shalt  }
0x75: {  	_ =	shalt  }
0x76: {  	_ =	shalt  }
0x77: {  	_ =	shalt  }
0x78: {  	_ =	shalt  }
0x79: {  	_ =	shalt  }
0x7a: {  	_ =	shalt  }
0x7b: {  	_ =	shalt  }
0x7c: {  	_ =	shalt  }
0x7d: {  	_ =	shalt  }
0x7e: {  	_ =	shalt  }
0x7f: {  	_ =	shalt  }
0x80: {  	_ =	shalt  }
0x81: {  	_ =	shalt  }
0x82: {  	_ =	shalt  }
0x83: {  	_ =	shalt  }
0x84: {  	_ =	shalt  }
0x85: {  	_ =	shalt  }
0x86: {  	_ =	shalt  }
0x87: {  	_ =	shalt  }
.Lfunc_end0:
.L_simem_size_0:
called_computation.1_lowered:
.L_overlay_start_0:
0x88: {  	s2 =	sld [smem:$0x3FD9]  }
0x89: {  	s3 =	sld [smem:$0x3FFE];
	_ =	sdelay $0x1  }
0x8a: {  	s1 =	srdreg.scid  }
0x8b: {  	s0 =	sand.u32 $0x1, s1  }
0x8c: {  	s17 =	sshll.u32 s0, $0xA;
	s2 =	sadd.s32 s3, s2  }
0x8d: {  	s2 =	sadd.s32 s2, s17  }
0x8e: {  	[smem:$0x3FB9] =	sst s2  }
0x8f: {  	_ = 	snop  }
0x90: {  	s2 =	sld [smem:$0x3FC8];
	(tm) =	ssettm $0x1  }
0x91: {  	s18 =	sld [smem:$0x3FFB];
	_ =	sdelay $0x3  }
0x92: {  	_ =	strace s18  }
0x93: {  	s3 =	sld [smem:$0x3FFC];
	_ =	sdelay $0x3  }
0x94: {  	_ =	strace s3  }
0x95: {  	s3 =	sld [smem:$0x3FFD];
	_ =	sdelay $0x3  }
0x96: {  	_ =	strace s3  }
0x97: {  	_ =	strace $0x8FFFFFFF  }
0x98: {  	s19 =	sld [smem:$0x3FDB];
	_ =	sdelay $0x1  }
0x99: {  	s4 =	simm.s32 $_scs_section_size  }
0x9a: {  	s5 =	simm.s32 $_size__tile_overlayer_lowered;
	s6 =	simm.s32 $_tile_overlayer_lowered  }
0x9b: {  	s22 =	simm.s32 $0x1BFF;
	s21 =	sshll.u32 s6, $0x1;
	s3 =	sadd.s32 s4, s19  }
0x9c: {  	s7 =	simm.s32 $0x0;
	s20 =	sshll.u32 s5, $0x1;
	s5 =	sadd.s32 s21, s3  }
0x9d: {  	[timem:s7], [sflag:s22] =	dma.local [hbm:s5], s20  }
0x9e: {  	_ =	swait.ge [sflag:s22], s20  }
0x9f: {  	s4 =	ssub.s32 $0x0, s20;
	[sflag:s22] =	ssyncset.done $0x0  }
0xa0: {  	[sflag:s22] =	ssyncadd.s32 s4;
	_ =	sdelay $0x1  }
0xa1: {  	s23 =	simm.s32 $0x1B8B  }
0xa2: {  	_ =	swait.ge [sflag:s23], $0x1  }
0xa3: {  	[sflag:s23] =	ssyncset.done $0x0  }
0xa4: {  	s25 =	simm.s32 $0x1B8E;
	s24 =	sld [smem:$0x3FFE];
	[sflag:s23] =	ssyncadd.s32 $0xFFFFFFFF  }
0xa5: {  	s26 =	simm.s32 $execute0_lowered;
	[smem:$0x3FD2] =	sst s25  }
0xa6: {  	s5 =	sshll.u32 s26, $0x1;
	_ =	strace $0x80000049;
	[dreg:$0x1] =	wrdreg $0xFFFFFFFF  }
0xa7: {  	s28 =	simm.s32 $_size_execute0_lowered;
	s3 =	sadd.s32 s3, s5;
	[dreg:$0x0] =	wrdreg $0x0  }
0xa8: {  	s5 =	sshll.u32 s28, $0x1;
	[dreg:$0x2] =	wrdreg s3  }
0xa9: {  	[dreg:$0x3] =	wrdreg s5  }
0xaa: {  	[dreg:$0x4] =	wrdreg $0xC0  }
0xab: {  	_ =	task [dreg:s7], $0x5FFFF  }
0xac: {  	[dreg:$0x1] =	wrdreg $0xFFFFFFFF  }
0xad: {  	[dreg:$0x0] =	wrdreg $0x60  }
0xae: {  	[dreg:$0x2] =	wrdreg s24  }
0xaf: {  	[dreg:$0x3] =	wrdreg s2  }
0xb0: {  	[dreg:$0x4] =	wrdreg $0x84000  }
0xb1: {  	[dreg:$0x5] =	wrdreg $0x9  }
0xb2: {  	_ =	task.clear_ibuf [dreg:s7], $0x6FFFF;
	_ =	strace $0x90000049  }
0xb3: {  	s29 =	simm.s32 $0x9;
	_ =	strace $0x8000004B  }
0xb4: {  	_ =	swait.ge [sflag:s29], $0x1  }
0xb5: {  	[sflag:s29] =	ssyncadd.s32 $0xFFFFFFFF  }
0xb6: {  	_ =	strace $0x9000004B  }
0xb7: {  	_ =	sfence  }
0xb8: {  	s30 =	sld [smem:$0x0];
	_ =	sdelay $0x2  }
0xb9: {  	s31 =	sshll.u32 s1, $0xD;
	s1 =	sshrl.u32 s1, $0x2  }
0xba: {  	s3 =	sand.u32 $0x4000, s31;
	s1 =	sadd.s32 s1, s30  }
0xbb: {  	s0 =	sor.u32 s3, s0;
	s1 =	sshll.u32 s1, $0x11  }
0xbc: {  	s0 =	sor.u32 s1, s0  }
0xbd: {  	s0 =	sadd.s32 $0x8F2B, s0  }
0xbe: {  	[sflag:s0] =	ssyncadd.remote.s32 $0x1  }
0xbf: {  	_ =	sfence.sel $0xFFFF  }
0xc0: {  	[dreg:$0x0] =	wrdreg $0xFFFFFFFF;
	(pc) =	sbr.abs _section_cstart, $3  }
0xc1: {  	[dreg:$0x1] =	wrdreg $0xFFFFFFFF  }
0xc2: {  	_ =	task.clear_ibuf [dreg:s7], $0x2FFFF;
	_ =	strace $0x9FFFFFFF  }
0xc3: {  	(tm) =	ssettm $0x7FFFFFFF  }
tec
execute0_lowered:
.L_overlay_start_1:
0x0: {  	(tag) =	ssettag $0x1  }
0x1: {  	s0 =	rddreg [dreg:$0x0]  }
0x2: {  	s1 =	rddreg [dreg:$0x1]  }
0x3: {  	s2 =	srdreg.scid;
	s3 =	rddreg [dreg:$0x2]  }
0x4: {  	s14 =	stileid.u32;
	s4 =	simm.s32 $0x0;
	s16 =	simm.s32 $0x100  }
0x5: {  	s20 =	simm.s32 $0x200;
	s28 =	simm.s32 $0x4400;
	s29 =	simm.s32 $0x180  }
0x6: {  	s30 =	simm.s32 $0x3;
	s31 =	simm.s32 $0x280;
	s2 =	sand.u32 $0x1, s2  }
0x7: {  	[smem:$0x7FF] =	sst s4;
	s10 =	smul.u32 $0x4F000, s14;
	s6 =	sadd.s32 $0x4000, s0  }
0x8: {  	s13 =	sadd.s32 $0x128400, s3;
	s25 =	smul.u32 $0x2800, s14;
	s5 =	sshll.u32 s2, $0x4  }
0x9: {  	s7 =	smul.u32 $0x27100, s2;
	_ =	strace $0x8000004A;
	s11 =	ssub.s32 $0x2, s2  }
0xa: {  	s2 =	smul.u32 $0x28000, s2;
	s8 =	sor.u32 s14, s5;
	s5 =	sadd.s32 $0x6800, s0  }
0xb: {  	s12 =	sshrl.u32 s11, $0x1;
	s22 =	sshrl.u32 s10, $0x2;
	s10 =	simm.s32 $0x4  }
0xc: {  	s9 =	smul.u32 $0xA00, s8;
	s0 =	sadd.s32 s7, s0;
	s11 =	ssub.s32 s11, s12  }
0xd: {  	p0 =	seq.s32 s8, $0x1F;
	s12 =	simm.s32 $0x4;
	s2 =	sadd.s32 s25, s2  }
0xe: {  	s10 =	simm.s32 @!p0 $0x13;
	s26 =	smax.u32 s11, $0x1;
	s15 =	sor.u32 $0x380, s2  }
0xf: {  	p0 =	seq.s32 s14, $0xF;
	s21 =	sadd.s32 s1, s9;
	s9 =	sadd.s32 s22, s3  }
0x10: {  	[dreg:$0x8] =	wrdreg s26;
	s17 =	sshrl.u32 @p0 s13, $0x3;
	s2 =	sshll.u32 @!p0 s14, $0x6  }
0x11: {  	s22 =	simm.s32 $0x80;
	s26 =	simm.s32 $0x300;
	s23 =	sadd.s32 $0x20, s21  }
0x12: {  	s24 =	sadd.s32 $0x40, s21;
	[dreg:$0x4] =	wrdreg s21;
	s7 =	sadd.s32 $0x60, s21  }
0x13: {  	s18 =	sor.u32 @!p0 $0x1C05, s2;
	s19 =	sshrl.u32 @!p0 s9, $0x3;
	[dreg:$0x5] =	wrdreg s23  }
0x14: {  	[dreg:$0x7] =	wrdreg s7;
	s7 =	sadd.s32 $0x55400, s0;
	s0 =	smul.u32 $0x2780, s14  }
0x15: {  	s21 =	simm.s32 $0x1;
	s2 =	simm.s32 $0x0;
	[dreg:$0x6] =	wrdreg s24  }
0x16: {  	s23 =	simm.s32 $0x400;
	s24 =	simm.s32 $0x2;
	s0 =	sadd.s32 @!p0 s0, s7  }
0x17: {  	s25 =	smov.u32 s7;
	[dreg:$0x9] =	wrdreg s0;
	s0 =	simm.s32 $0x380  }
.LBB2_1:
0x18: {  	s7 =	rddreg [dreg:$0x4]  }
0x19: {  	[tilespmem:s4], [sflag:$0x1] =	stream.linear.gather [hbm4b:s7+s4], $0x100, $0x38;
	[tilespmem:$0x1BCC0] =	vst v63  }
0x1a: {  	s13 =	rddreg [dreg:$0x5];
	s11 =	simm.s32 @p0 $0x1FC5;
	s9 =	simm.s32 @p0 $0x5  }
0x1b: {  	[tilespmem:s16], [sflag:$0x1] =	stream.linear.gather [hbm4b:s13+s4], $0x100, $0x38;
	[tilespmem:$0x1BCC0] =	vst v63  }
0x1c: {  	[spmem:s17], [sflag:s11] =	dma.local @p0 [hbm:s6], $0x2100  }
0x1d: {  	_ =	swait.ge @p0 [sflag:s9], $0x2100  }
0x1e: {  	[sflag:s9] =	ssyncset.done @p0 $0x0  }
0x1f: {  	s8 =	simm.s32 @!p0 $0x5;
	[sflag:s9] =	ssyncadd.s32 @p0 $0xFFFFDF00  }
0x20: {  	[spmem:s19], [sflag:s18] =	dma.local @!p0 [hbm:s6], $0x2780  }
0x21: {  	_ =	swait.ge @!p0 [sflag:s8], $0x2780  }
0x22: {  	[sflag:s8] =	ssyncset.done @!p0 $0x0  }
0x23: {  	[sflag:s8] =	ssyncadd.s32 @!p0 $0xFFFFD880  }
0x24: {  	[bflag:$0x0] =	sbarrier.arrive $0xFFFF  }
0x25: {  	s14 =	rddreg [dreg:$0x6]  }
0x26: {  	[tilespmem:s20], [sflag:$0x1] =	stream.linear.gather [hbm4b:s14+s4], $0x100, $0x38;
	[tilespmem:$0x1BCC0] =	vst v63  }
0x27: {  	_ =	swait.ge [sflag:s21], $0x100  }
0x28: {  	[sflag:s21] =	ssyncset.done $0x0  }
0x29: {  	[sflag:s21] =	ssyncadd.s32 $0xFFFFFF00  }
0x2a: {  	[tilespmem:s23], [sflag:$0x2] =	stream.indirect.gather [hbm4b:s5+s22], $0x80, s4, s22, $0xb8;
	[tilespmem:$0x1BCC0] =	vst v63  }
0x2b: {  	_ =	swait.ge [sflag:s24], $0x4000  }
0x2c: {  	[sflag:s24] =	ssyncset.done $0x0  }
0x2d: {  	[sflag:s24] =	ssyncadd.s32 $0xFFFFC000  }
0x2e: {  	[spmem:s3] =	stream.indirect.scatter.add.f32 [tilespmem:s23], [sflag:$0x3], $0x80, s22, s22, $0xb8;
	[tilespmem:$0x1BCC0] =	vst v63  }
0x2f: {  	s13 =	rddreg [dreg:$0x7]  }
0x30: {  	[tilespmem:s26], [sflag:$0x1] =	stream.linear.gather [hbm4b:s13+s4], $0x100, $0x38;
	[tilespmem:$0x1BCC0] =	vst v63  }
0x31: {  	_ =	swait.ge [sflag:s21], $0x100  }
0x32: {  	[sflag:s21] =	ssyncset.done $0x0  }
0x33: {  	[sflag:s21] =	ssyncadd.s32 $0xFFFFFF00  }
0x34: {  	[tilespmem:s28], [sflag:$0x2] =	stream.indirect.gather [hbm4b:s5+s22], $0x80, s16, s22, $0xb8;
	[tilespmem:$0x1BCC0] =	vst v63  }
0x35: {  	_ =	swait.ge [sflag:s24], $0x4000  }
0x36: {  	[sflag:s24] =	ssyncset.done $0x0  }
0x37: {  	[sflag:s24] =	ssyncadd.s32 $0xFFFFC000  }
0x38: {  	[spmem:s3] =	stream.indirect.scatter.add.f32 [tilespmem:s28], [sflag:$0x4], $0x80, s29, s22, $0xb8;
	[tilespmem:$0x1BCC0] =	vst v63  }
0x39: {  	s13 =	sadd.s32 $0xFFFFFE80, s15;
	_ =	swait.ge [sflag:s30], $0x4000  }
0x3a: {  	s13 =	sshrl.u32 s13, $0x2;
	[sflag:s30] =	ssyncset.done $0x0  }
0x3b: {  	s13 =	sadd.s32 s1, s13;
	[sflag:s30] =	ssyncadd.s32 $0xFFFFC000  }
0x3c: {  	[tilespmem:s4], [sflag:$0x1] =	stream.linear.gather [hbm4b:s13+s4], $0x100, $0x38;
	[tilespmem:$0x1BCC0] =	vst v63  }
0x3d: {  	_ =	swait.ge [sflag:s21], $0x100  }
0x3e: {  	[sflag:s21] =	ssyncset.done $0x0  }
0x3f: {  	[sflag:s21] =	ssyncadd.s32 $0xFFFFFF00  }
0x40: {  	[tilespmem:s23], [sflag:$0x2] =	stream.indirect.gather [hbm4b:s5+s22], $0x80, s20, s22, $0xb8;
	[tilespmem:$0x1BCC0] =	vst v63  }
0x41: {  	_ =	swait.ge [sflag:s24], $0x4000  }
0x42: {  	[sflag:s24] =	ssyncset.done $0x0  }
0x43: {  	[sflag:s24] =	ssyncadd.s32 $0xFFFFC000  }
0x44: {  	[spmem:s3] =	stream.indirect.scatter.add.f32 [tilespmem:s23], [sflag:$0x3], $0x80, s31, s22, $0xb8;
	[tilespmem:$0x1BCC0] =	vst v63  }
0x45: {  	s14 =	sadd.s32 $0xFFFFFF00, s15;
	_ =	swait.ge [sflag:s12], $0x4000  }
0x46: {  	s13 =	sshrl.u32 s14, $0x2;
	[sflag:s12] =	ssyncset.done $0x0  }
0x47: {  	s13 =	sadd.s32 s1, s13;
	[sflag:s12] =	ssyncadd.s32 $0xFFFFC000  }
0x48: {  	[tilespmem:s16], [sflag:$0x1] =	stream.linear.gather [hbm4b:s13+s4], $0x100, $0x38;
	[tilespmem:$0x1BCC0] =	vst v63  }
0x49: {  	_ =	swait.ge [sflag:s21], $0x100  }
0x4a: {  	[sflag:s21] =	ssyncset.done $0x0  }
0x4b: {  	[sflag:s21] =	ssyncadd.s32 $0xFFFFFF00  }
0x4c: {  	[tilespmem:s28], [sflag:$0x2] =	stream.indirect.gather [hbm4b:s5+s22], $0x80, s26, s22, $0xb8;
	[tilespmem:$0x1BCC0] =	vst v63  }
0x4d: {  	_ =	swait.ge [sflag:s24], $0x4000  }
0x4e: {  	[sflag:s24] =	ssyncset.done $0x0  }
0x4f: {  	[sflag:s24] =	ssyncadd.s32 $0xFFFFC000  }
0x50: {  	[spmem:s3] =	stream.indirect.scatter.add.f32 [tilespmem:s28], [sflag:$0x4], $0x80, s0, s22, $0xb8;
	[tilespmem:$0x1BCC0] =	vst v63  }
0x51: {  	s7 =	sadd.s32 $0xFFFFFF80, s15;
	_ =	swait.ge [sflag:s30], $0x4000  }
0x52: {  	s13 =	sshrl.u32 s7, $0x2;
	[sflag:s30] =	ssyncset.done $0x0  }
0x53: {  	s13 =	sadd.s32 s1, s13;
	[sflag:s30] =	ssyncadd.s32 $0xFFFFC000  }
0x54: {  	[tilespmem:s20], [sflag:$0x1] =	stream.linear.gather [hbm4b:s13+s4], $0x100, $0x38;
	[tilespmem:$0x1BCC0] =	vst v63  }
0x55: {  	_ =	swait.ge [sflag:s21], $0x100  }
0x56: {  	[sflag:s21] =	ssyncset.done $0x0  }
0x57: {  	[sflag:s21] =	ssyncadd.s32 $0xFFFFFF00  }
0x58: {  	[tilespmem:s23], [sflag:$0x2] =	stream.indirect.gather [hbm4b:s5+s22], $0x80, s4, s22, $0xb8;
	[tilespmem:$0x1BCC0] =	vst v63  }
0x59: {  	_ =	swait.ge [sflag:s24], $0x4000  }
0x5a: {  	[sflag:s24] =	ssyncset.done $0x0  }
0x5b: {  	[sflag:s24] =	ssyncadd.s32 $0xFFFFC000  }
0x5c: {  	[spmem:s3] =	stream.indirect.scatter.add.f32 [tilespmem:s23], [sflag:$0x3], $0x80, s22, s22, $0xb8;
	[tilespmem:$0x1BCC0] =	vst v63  }
0x5d: {  	_ =	swait.ge [sflag:s12], $0x4000  }
0x5e: {  	p1 =	sne.s32 s10, $0x1;
	s14 =	sshrl.u32 s15, $0x2;
	[sflag:s12] =	ssyncset.done $0x0  }
.Ltmp0:
0x5f: {  	s13 =	sadd.s32 s1, s14;
	[sflag:s12] =	ssyncadd.s32 $0xFFFFC000;
	(pc) =	sbr.rel @!p1 .LBB2_3-.Ltmp0, $4  }
0x60: {  	[tilespmem:s26], [sflag:$0x1] =	stream.linear.gather [hbm4b:s13+s4], $0x100, $0x38;
	[tilespmem:$0x1BCC0] =	vst v63  }
0x61: {  	_ =	swait.ge [sflag:s21], $0x100  }
0x62: {  	[sflag:s21] =	ssyncset.done $0x0  }
0x63: {  	s14 =	sadd.s32 $0xFFFFFFFF, s10;
	s13 =	sadd.s32 $0x200, s15;
	[sflag:s21] =	ssyncadd.s32 $0xFFFFFF00  }
.LBB2_2:
0x64: {  	[tilespmem:s28], [sflag:$0x2] =	stream.indirect.gather [hbm4b:s5+s22], $0x80, s16, s22, $0xb8;
	[tilespmem:$0x1BCC0] =	vst v63  }
0x65: {  	p1 =	sne.s32 s14, $0x1;
	s14 =	sadd.s32 $0xFFFFFFFF, s14;
	_ =	swait.ge [sflag:s24], $0x4000  }
0x66: {  	[sflag:s24] =	ssyncset.done $0x0  }
0x67: {  	[sflag:s24] =	ssyncadd.s32 $0xFFFFC000  }
0x68: {  	[spmem:s3] =	stream.indirect.scatter.add.f32 [tilespmem:s28], [sflag:$0x4], $0x80, s29, s22, $0xb8;
	[tilespmem:$0x1BCC0] =	vst v63  }
0x69: {  	s7 =	sadd.s32 $0xFFFFFE80, s13;
	_ =	swait.ge [sflag:s30], $0x4000  }
0x6a: {  	s7 =	sshrl.u32 s7, $0x2;
	[sflag:s30] =	ssyncset.done $0x0  }
0x6b: {  	s7 =	sadd.s32 s1, s7;
	[sflag:s30] =	ssyncadd.s32 $0xFFFFC000  }
0x6c: {  	[tilespmem:s4], [sflag:$0x1] =	stream.linear.gather [hbm4b:s7+s4], $0x100, $0x38;
	[tilespmem:$0x1BCC0] =	vst v63  }
0x6d: {  	_ =	swait.ge [sflag:s21], $0x100  }
0x6e: {  	[sflag:s21] =	ssyncset.done $0x0  }
0x6f: {  	[sflag:s21] =	ssyncadd.s32 $0xFFFFFF00  }
0x70: {  	[tilespmem:s23], [sflag:$0x2] =	stream.indirect.gather [hbm4b:s5+s22], $0x80, s20, s22, $0xb8;
	[tilespmem:$0x1BCC0] =	vst v63  }
0x71: {  	_ =	swait.ge [sflag:s24], $0x4000  }
0x72: {  	[sflag:s24] =	ssyncset.done $0x0  }
0x73: {  	[sflag:s24] =	ssyncadd.s32 $0xFFFFC000  }
0x74: {  	[spmem:s3] =	stream.indirect.scatter.add.f32 [tilespmem:s23], [sflag:$0x3], $0x80, s31, s22, $0xb8;
	[tilespmem:$0x1BCC0] =	vst v63  }
0x75: {  	s7 =	sadd.s32 $0xFFFFFF00, s13;
	_ =	swait.ge [sflag:s12], $0x4000  }
0x76: {  	s7 =	sshrl.u32 s7, $0x2;
	[sflag:s12] =	ssyncset.done $0x0  }
0x77: {  	s7 =	sadd.s32 s1, s7;
	[sflag:s12] =	ssyncadd.s32 $0xFFFFC000  }
0x78: {  	[tilespmem:s16], [sflag:$0x1] =	stream.linear.gather [hbm4b:s7+s4], $0x100, $0x38;
	[tilespmem:$0x1BCC0] =	vst v63  }
0x79: {  	_ =	swait.ge [sflag:s21], $0x100  }
0x7a: {  	[sflag:s21] =	ssyncset.done $0x0  }
0x7b: {  	[sflag:s21] =	ssyncadd.s32 $0xFFFFFF00  }
0x7c: {  	[tilespmem:s28], [sflag:$0x2] =	stream.indirect.gather [hbm4b:s5+s22], $0x80, s26, s22, $0xb8;
	[tilespmem:$0x1BCC0] =	vst v63  }
0x7d: {  	_ =	swait.ge [sflag:s24], $0x4000  }
0x7e: {  	[sflag:s24] =	ssyncset.done $0x0  }
0x7f: {  	[sflag:s24] =	ssyncadd.s32 $0xFFFFC000  }
0x80: {  	[spmem:s3] =	stream.indirect.scatter.add.f32 [tilespmem:s28], [sflag:$0x4], $0x80, s0, s22, $0xb8;
	[tilespmem:$0x1BCC0] =	vst v63  }
0x81: {  	s7 =	sadd.s32 $0xFFFFFF80, s13;
	_ =	swait.ge [sflag:s30], $0x4000  }
0x82: {  	s7 =	sshrl.u32 s7, $0x2;
	[sflag:s30] =	ssyncset.done $0x0  }
0x83: {  	s7 =	sadd.s32 s1, s7;
	[sflag:s30] =	ssyncadd.s32 $0xFFFFC000  }
0x84: {  	[tilespmem:s20], [sflag:$0x1] =	stream.linear.gather [hbm4b:s7+s4], $0x100, $0x38;
	[tilespmem:$0x1BCC0] =	vst v63  }
0x85: {  	_ =	swait.ge [sflag:s21], $0x100  }
0x86: {  	[sflag:s21] =	ssyncset.done $0x0  }
0x87: {  	[sflag:s21] =	ssyncadd.s32 $0xFFFFFF00  }
0x88: {  	[tilespmem:s23], [sflag:$0x2] =	stream.indirect.gather [hbm4b:s5+s22], $0x80, s4, s22, $0xb8;
	[tilespmem:$0x1BCC0] =	vst v63  }
0x89: {  	_ =	swait.ge [sflag:s24], $0x4000  }
0x8a: {  	[sflag:s24] =	ssyncset.done $0x0  }
0x8b: {  	[sflag:s24] =	ssyncadd.s32 $0xFFFFC000  }
0x8c: {  	[spmem:s3] =	stream.indirect.scatter.add.f32 [tilespmem:s23], [sflag:$0x3], $0x80, s22, s22, $0xb8;
	[tilespmem:$0x1BCC0] =	vst v63  }
0x8d: {  	_ =	swait.ge [sflag:s12], $0x4000  }
0x8e: {  	s7 =	sshrl.u32 s13, $0x2;
	[sflag:s12] =	ssyncset.done $0x0  }
.Ltmp1:
0x8f: {  	s7 =	sadd.s32 s1, s7;
	[sflag:s12] =	ssyncadd.s32 $0xFFFFC000;
	(pc) =	sbr.rel @p1 .LBB2_2-.Ltmp1, $4  }
0x90: {  	[tilespmem:s26], [sflag:$0x1] =	stream.linear.gather [hbm4b:s7+s4], $0x100, $0x38;
	[tilespmem:$0x1BCC0] =	vst v63  }
0x91: {  	_ =	swait.ge [sflag:s21], $0x100  }
0x92: {  	[sflag:s21] =	ssyncset.done $0x0  }
0x93: {  	s13 =	sadd.s32 $0x200, s13;
	[sflag:s21] =	ssyncadd.s32 $0xFFFFFF00  }
.LBB2_3:
0x94: {  	[tilespmem:s28], [sflag:$0x2] =	stream.indirect.gather [hbm4b:s5+s22], $0x80, s16, s22, $0xb8;
	[tilespmem:$0x1BCC0] =	vst v63  }
0x95: {  	_ =	swait.ge [sflag:s24], $0x4000  }
0x96: {  	[sflag:s24] =	ssyncset.done $0x0  }
0x97: {  	[sflag:s24] =	ssyncadd.s32 $0xFFFFC000  }
0x98: {  	[spmem:s3] =	stream.indirect.scatter.add.f32 [tilespmem:s28], [sflag:$0x4], $0x80, s29, s22, $0xb8;
	[tilespmem:$0x1BCC0] =	vst v63  }
0x99: {  	_ =	swait.ge [sflag:s30], $0x4000  }
0x9a: {  	[sflag:s30] =	ssyncset.done $0x0  }
0x9b: {  	[sflag:s30] =	ssyncadd.s32 $0xFFFFC000  }
0x9c: {  	_ =	swait.ge [sflag:s21], $0x100  }
0x9d: {  	[sflag:s21] =	ssyncset.done $0x0  }
0x9e: {  	[sflag:s21] =	ssyncadd.s32 $0xFFFFFF00  }
0x9f: {  	[tilespmem:s23], [sflag:$0x2] =	stream.indirect.gather [hbm4b:s5+s22], $0x80, s20, s22, $0xb8;
	[tilespmem:$0x1BCC0] =	vst v63  }
0xa0: {  	_ =	swait.ge [sflag:s24], $0x4000  }
0xa1: {  	[sflag:s24] =	ssyncset.done $0x0  }
0xa2: {  	[sflag:s24] =	ssyncadd.s32 $0xFFFFC000  }
0xa3: {  	[spmem:s3] =	stream.indirect.scatter.add.f32 [tilespmem:s23], [sflag:$0x3], $0x80, s31, s22, $0xb8;
	[tilespmem:$0x1BCC0] =	vst v63  }
0xa4: {  	_ =	swait.ge [sflag:s12], $0x4000  }
0xa5: {  	[sflag:s12] =	ssyncset.done $0x0  }
0xa6: {  	[sflag:s12] =	ssyncadd.s32 $0xFFFFC000  }
0xa7: {  	_ =	swait.ge [sflag:s21], $0x100  }
0xa8: {  	[sflag:s21] =	ssyncset.done $0x0  }
0xa9: {  	[sflag:s21] =	ssyncadd.s32 $0xFFFFFF00  }
0xaa: {  	[tilespmem:s28], [sflag:$0x2] =	stream.indirect.gather [hbm4b:s5+s22], $0x80, s26, s22, $0xb8;
	[tilespmem:$0x1BCC0] =	vst v63  }
0xab: {  	_ =	swait.ge [sflag:s24], $0x4000  }
0xac: {  	[sflag:s24] =	ssyncset.done $0x0  }
0xad: {  	[sflag:s24] =	ssyncadd.s32 $0xFFFFC000  }
0xae: {  	[spmem:s3] =	stream.indirect.scatter.add.f32 [tilespmem:s28], [sflag:$0x4], $0x80, s0, s22, $0xb8;
	[tilespmem:$0x1BCC0] =	vst v63  }
0xaf: {  	_ =	swait.ge [sflag:s30], $0x4000  }
0xb0: {  	[sflag:s30] =	ssyncset.done $0x0  }
0xb1: {  	[sflag:s30] =	ssyncadd.s32 $0xFFFFC000  }
0xb2: {  	_ =	swait.ge [sflag:s12], $0x4000  }
0xb3: {  	[sflag:s12] =	ssyncset.done $0x0  }
0xb4: {  	[sflag:s12] =	ssyncadd.s32 $0xFFFFC000  }
0xb5: {  	s7 =	sadd.s32 @p0 $0x25080, s25;
	[bflag:$0x0] =	sbarrier.arrive $0xFFFF  }
0xb6: {  	[hbm:s7], [sflag:s11] =	dma.local @p0 [spmem:s17], $0x2080  }
0xb7: {  	_ =	swait.ge @p0 [sflag:s9], $0x2080  }
0xb8: {  	[sflag:s9] =	ssyncset.done @p0 $0x0  }
0xb9: {  	s7 =	rddreg [dreg:$0x9];
	[sflag:s9] =	ssyncadd.s32 @p0 $0xFFFFDF80  }
0xba: {  	[hbm:s7], [sflag:s18] =	dma.local @!p0 [spmem:s19], $0x2780  }
0xbb: {  	_ =	swait.ge @!p0 [sflag:s8], $0x2780  }
0xbc: {  	s2 =	sadd.s32 $0x1, s2;
	s14 =	rddreg [dreg:$0x8]  }
0xbd: {  	p1 =	sne.s32 s2, s14  }
.Ltmp2:
0xbe: {  	_ = 	snop;
	(pc) =	sbr.rel @p1 .LBB2_1-.Ltmp2, $3  }
0xbf: {  	_ =	sdelay $0x1  }
0xc0: {  	[sflag:s8] =	ssyncset.done @!p0 $0x0  }
0xc1: {  	[sflag:s8] =	ssyncadd.s32 @!p0 $0xFFFFD880  }
0xc2: {  	_ =	sfence.sel $0x180000  }
0xc3: {  	[bflag:$0x0] =	sbarrier.arrive $0xFFFF  }
0xc4: {  	_ =	strace $0x9000004A  }
0xc5: {  	s0 =	stileid.u32;
	[bflag:$0x2] =	sbarrier.arrive $0xFFFF  }
0xc6: {  	p0 =	sne.s32 s0, $0x0;
	s0 =	rddreg [dreg:$0x3]  }
0xc7: {  	s0 =	sadd.s32 @!p0 $0x100000, s0  }
0xc8: {  	[sflag:s0] =	ssyncadd.tile.s32 @!p0 $0x1;
	_ =	shalt  }
.Lfunc_end2:
_tile_overlayer_lowered:
.L_overlay_start_2:
0xc9: {  	(tag) =	ssettag $0x2  }
0xca: {  	s0 =	rddreg [dreg:$0x0];
	s2 =	stileid.u32  }
0xcb: {  	s1 =	rddreg [dreg:$0x1];
	p0 =	sne.s32 s2, $0x0  }
0xcc: {  	s3 =	rddreg [dreg:$0x2];
	[bflag:$0x3] =	sbarrier.arrive $0xFFFF;
	s2 =	simm.s32 @!p0 $0x1C05  }
0xcd: {  	[timem:s3], [sflag:s2] =	dma.local @!p0 [hbm:s0], s1  }
0xce: {  	s0 =	simm.s32 @!p0 $0x5  }
0xcf: {  	_ =	swait.ge @!p0 [sflag:s0], s1  }
0xd0: {  	s1 =	ssub.s32 @!p0 $0x0, s1;
	[sflag:s0] =	ssyncset.done @!p0 $0x0  }
0xd1: {  	[sflag:s0] =	ssyncadd.s32 @!p0 s1  }
0xd2: {  	[bflag:$0x3] =	sbarrier.arrive $0xFFFF  }
0xd3: {  	_ =	shalt  }

// kernel: kernel.14.cloned.1.call-start
scs
__scs_entry_jumppad:
0x0: {  	(pc) =	sbr.rel $0x88, $3  }
0x1: {  	(tag) =	ssettag $0x0;
	lr =	simm.s32 $0x1  }
0x2: {  	[smem:$0x3F92] =	sst lr;
	_ =	strace $0xD0000000  }
0x3: {  	_ = 	snop  }
0x4: {  	_ = 	snop  }
0x5: {  	_ = 	snop  }
0x6: {  	_ = 	snop  }
0x7: {  	_ = 	snop  }
__scs_overlays_trampoline_lowered:
0x8: {  	[smem:$0x3FA1] =	sst s0  }
0x9: {  	[smem:$0x3FA2] =	sst s1  }
0xa: {  	[smem:$0x3FA3] =	sst s2  }
0xb: {  	[smem:$0x3FA4] =	sst s3  }
0xc: {  	[smem:$0x3FA5] =	sst s4  }
0xd: {  	[smem:$0x3FA6] =	sst s5  }
0xe: {  	[smem:$0x3FA7] =	sst s6  }
0xf: {  	[smem:$0x3FA8] =	sst s7  }
0x10: {  	[smem:$0x3FA9] =	sst s8  }
0x11: {  	[smem:$0x3FAA] =	sst s9;
	s0 =	simm.s32 @!p0 $0x0  }
0x12: {  	s1 =	sld [smem:$0x3F90];
	s0 =	simm.s32 @p0 $0x1  }
0x13: {  	[smem:$0x3FAB] =	sst s0;
	s0 =	simm.s32 @!p1 $0x0  }
0x14: {  	s2 =	sld [smem:$0x3F8F];
	s0 =	simm.s32 @p1 $0x1  }
0x15: {  	[smem:$0x3FAC] =	sst s0;
	s0 =	simm.s32 @!p2 $0x0  }
0x16: {  	s3 =	sld [smem:$0x3FDB];
	s0 =	simm.s32 @p2 $0x1  }
0x17: {  	s4 =	simm.s32 $0x1BF5;
	[smem:$0x3FAE] =	sst s0  }
0x18: {  	s0 =	sld [smem:$0x3F91];
	_ =	swait.ge [sflag:s4], $0x0  }
0x19: {  	s7 =	sld [smem:$0x3F92]  }
0x1a: {  	s8 =	sadd.s32 $0xFFFFE003, lr  }
0x1b: {  	s9 =	sadd.s32 $0xFFFFFEF7, lr;
	s5 =	simm.s32 $0xFFFFFFFF;
	p2 =	slt.u32 s8, $0xFFFFF086  }
0x1c: {  	p1 =	slt.u32 s9, $0xF7A;
	s5 =	simm.s32 @!p2 $0x0  }
0x1d: {  	s5 =	simm.s32 @p1 $0x1;
	p0 =	seq.s32 s7, s2  }
0x1e: {  	s7 =	smul.u32 @!p0 $0xF7A, s2;
	p2 =	seq.s32 @!p0 s5, $0x0  }
0x1f: {  	s9 =	smul.u32 $0xF7A, s1;
	s8 =	simm.s32 @!p0 $0x1BF5;
	p2 =	por !p2, p0  }
0x20: {  	[sflag:s8] =	ssyncset.s32 @!p0 $0xFFFFF086;
	s6 =	sadd.s32 @!p0 s3, s7;
	s7 =	simm.s32 @!p0 $0x108  }
0x21: {  	s3 =	sadd.s32 s3, s9;
	s6 =	sadd.s32 @!p0 $0x88, s6;
	s7 =	simm.s32 @p2 $0x1082  }
0x22: {  	[simem:s7], [sflag:s8] =	dma.local @!p0 [hbm:s6], $0xF7A  }
0x23: {  	s9 =	sor.u32 $0xD0000000, s2;
	s6 =	simm.s32 $0x108;
	_ =	swait.ge @!p0 [sflag:s8], $0x0  }
0x24: {  	s3 =	sadd.s32 $0x88, s3;
	s6 =	simm.s32 @!p1 $0x1082;
	[sflag:s4] =	ssyncset.s32 $0xFFFFF086  }
0x25: {  	[simem:s6], [sflag:s4] =	dma.local [hbm:s3], $0xF7A  }
0x26: {  	[smem:$0x3F92] =	sst s1;
	(tag) =	ssettag s2;
	_ =	strace s9  }
0x27: {  	s1 =	sld [smem:$0x3FA2]  }
0x28: {  	s2 =	sld [smem:$0x3FA3]  }
0x29: {  	s4 =	sld [smem:$0x3FA5]  }
0x2a: {  	p0 =	seq.s32 s5, $0x0;
	s5 =	sld [smem:$0x3FA6]  }
0x2b: {  	s6 =	sld [smem:$0x3FA7]  }
0x2c: {  	s7 =	sld [smem:$0x3FA8]  }
0x2d: {  	s3 =	simm.s32 $0x108;
	s8 =	sld [smem:$0x3FA9]  }
0x2e: {  	s3 =	simm.s32 @!p0 $0x1082;
	s9 =	sld [smem:$0x3FAA]  }
0x2f: {  	lr =	sadd.s32 s0, s3;
	s0 =	sld [smem:$0x3FA1]  }
0x30: {  	s3 =	sld [smem:$0x3FA4]  }
0x31: {  	[smem:$0x3FAD] =	sst s10  }
0x32: {  	s10 =	sld [smem:$0x3FAB];
	_ =	sdelay $0x3  }
0x33: {  	p0 =	seq.s32 s10, $0x1;
	s10 =	sld [smem:$0x3FAD];
	_ =	sdelay $0x3  }
0x34: {  	[smem:$0x3FAD] =	sst s10  }
0x35: {  	s10 =	sld [smem:$0x3FAC];
	_ =	sdelay $0x3  }
0x36: {  	p1 =	seq.s32 s10, $0x1;
	s10 =	sld [smem:$0x3FAD];
	_ =	sdelay $0x3  }
0x37: {  	[smem:$0x3FAD] =	sst s10  }
0x38: {  	s10 =	sld [smem:$0x3FAE]  }
0x39: {  	_ = 	snop;
	(pc) =	sbr.ind lr, $3  }
0x3a: {  	_ = 	snop  }
0x3b: {  	_ = 	snop  }
0x3c: {  	p2 =	seq.s32 s10, $0x1;
	s10 =	sld [smem:$0x3FAD]  }
0x3d: {  	_ =	shalt  }
0x3e: {  	_ =	shalt  }
0x3f: {  	_ =	shalt  }
0x40: {  	_ =	shalt  }
0x41: {  	_ =	shalt  }
0x42: {  	_ =	shalt  }
0x43: {  	_ =	shalt  }
0x44: {  	_ =	shalt  }
0x45: {  	_ =	shalt  }
0x46: {  	_ =	shalt  }
0x47: {  	_ =	shalt  }
0x48: {  	_ =	shalt  }
0x49: {  	_ =	shalt  }
0x4a: {  	_ =	shalt  }
0x4b: {  	_ =	shalt  }
0x4c: {  	_ =	shalt  }
0x4d: {  	_ =	shalt  }
0x4e: {  	_ =	shalt  }
0x4f: {  	_ =	shalt  }
0x50: {  	_ =	shalt  }
0x51: {  	_ =	shalt  }
0x52: {  	_ =	shalt  }
0x53: {  	_ =	shalt  }
0x54: {  	_ =	shalt  }
0x55: {  	_ =	shalt  }
0x56: {  	_ =	shalt  }
0x57: {  	_ =	shalt  }
0x58: {  	_ =	shalt  }
0x59: {  	_ =	shalt  }
0x5a: {  	_ =	shalt  }
0x5b: {  	_ =	shalt  }
0x5c: {  	_ =	shalt  }
0x5d: {  	_ =	shalt  }
0x5e: {  	_ =	shalt  }
0x5f: {  	_ =	shalt  }
0x60: {  	_ =	shalt  }
0x61: {  	_ =	shalt  }
0x62: {  	_ =	shalt  }
0x63: {  	_ =	shalt  }
0x64: {  	_ =	shalt  }
0x65: {  	_ =	shalt  }
0x66: {  	_ =	shalt  }
0x67: {  	_ =	shalt  }
0x68: {  	_ =	shalt  }
0x69: {  	_ =	shalt  }
0x6a: {  	_ =	shalt  }
0x6b: {  	_ =	shalt  }
0x6c: {  	_ =	shalt  }
0x6d: {  	_ =	shalt  }
0x6e: {  	_ =	shalt  }
0x6f: {  	_ =	shalt  }
0x70: {  	_ =	shalt  }
0x71: {  	_ =	shalt  }
0x72: {  	_ =	shalt  }
0x73: {  	_ =	shalt  }
0x74: {  	_ =	shalt  }
0x75: {  	_ =	shalt  }
0x76: {  	_ =	shalt  }
0x77: {  	_ =	shalt  }
0x78: {  	_ =	shalt  }
0x79: {  	_ =	shalt  }
0x7a: {  	_ =	shalt  }
0x7b: {  	_ =	shalt  }
0x7c: {  	_ =	shalt  }
0x7d: {  	_ =	shalt  }
0x7e: {  	_ =	shalt  }
0x7f: {  	_ =	shalt  }
0x80: {  	_ =	shalt  }
0x81: {  	_ =	shalt  }
0x82: {  	_ =	shalt  }
0x83: {  	_ =	shalt  }
0x84: {  	_ =	shalt  }
0x85: {  	_ =	shalt  }
0x86: {  	_ =	shalt  }
0x87: {  	_ =	shalt  }
.Lfunc_end0:
.L_simem_size_0:
called_computation.2_lowered:
.L_overlay_start_0:
0x88: {  	s2 =	sld [smem:$0x3FD9]  }
0x89: {  	s3 =	sld [smem:$0x3FFE];
	_ =	sdelay $0x1  }
0x8a: {  	s1 =	srdreg.scid  }
0x8b: {  	s0 =	sand.u32 $0x1, s1  }
0x8c: {  	s17 =	sshll.u32 s0, $0xA;
	s2 =	sadd.s32 s3, s2  }
0x8d: {  	s2 =	sadd.s32 s2, s17  }
0x8e: {  	[smem:$0x3FB9] =	sst s2  }
0x8f: {  	_ = 	snop  }
0x90: {  	s2 =	sld [smem:$0x3FC8];
	(tm) =	ssettm $0x1  }
0x91: {  	s18 =	sld [smem:$0x3FFB];
	_ =	sdelay $0x3  }
0x92: {  	_ =	strace s18  }
0x93: {  	s3 =	sld [smem:$0x3FFC];
	_ =	sdelay $0x3  }
0x94: {  	_ =	strace s3  }
0x95: {  	s3 =	sld [smem:$0x3FFD];
	_ =	sdelay $0x3  }
0x96: {  	_ =	strace s3  }
0x97: {  	_ =	strace $0x8FFFFFFF  }
0x98: {  	s19 =	sld [smem:$0x3FDB];
	_ =	sdelay $0x1  }
0x99: {  	s4 =	simm.s32 $_scs_section_size  }
0x9a: {  	s5 =	simm.s32 $_size__tile_overlayer_lowered;
	s6 =	simm.s32 $_tile_overlayer_lowered  }
0x9b: {  	s22 =	simm.s32 $0x1BFF;
	s21 =	sshll.u32 s6, $0x1;
	s3 =	sadd.s32 s4, s19  }
0x9c: {  	s7 =	simm.s32 $0x0;
	s20 =	sshll.u32 s5, $0x1;
	s5 =	sadd.s32 s21, s3  }
0x9d: {  	[timem:s7], [sflag:s22] =	dma.local [hbm:s5], s20  }
0x9e: {  	_ =	swait.ge [sflag:s22], s20  }
0x9f: {  	s4 =	ssub.s32 $0x0, s20;
	[sflag:s22] =	ssyncset.done $0x0  }
0xa0: {  	[sflag:s22] =	ssyncadd.s32 s4;
	_ =	sdelay $0x1  }
0xa1: {  	s23 =	simm.s32 $0x1B8B  }
0xa2: {  	_ =	swait.ge [sflag:s23], $0x1  }
0xa3: {  	[sflag:s23] =	ssyncset.done $0x0  }
0xa4: {  	s25 =	simm.s32 $0x1B8E;
	s24 =	sld [smem:$0x3FFE];
	[sflag:s23] =	ssyncadd.s32 $0xFFFFFFFF  }
0xa5: {  	s26 =	simm.s32 $execute0_lowered;
	[smem:$0x3FD2] =	sst s25  }
0xa6: {  	s5 =	sshll.u32 s26, $0x1;
	_ =	strace $0x8000004C;
	[dreg:$0x1] =	wrdreg $0xFFFFFFFF  }
0xa7: {  	s28 =	simm.s32 $_size_execute0_lowered;
	s3 =	sadd.s32 s3, s5;
	[dreg:$0x0] =	wrdreg $0x0  }
0xa8: {  	s5 =	sshll.u32 s28, $0x1;
	[dreg:$0x2] =	wrdreg s3  }
0xa9: {  	[dreg:$0x3] =	wrdreg s5  }
0xaa: {  	[dreg:$0x4] =	wrdreg $0xC0  }
0xab: {  	_ =	task [dreg:s7], $0x5FFFF  }
0xac: {  	[dreg:$0x1] =	wrdreg $0xFFFFFFFF  }
0xad: {  	[dreg:$0x0] =	wrdreg $0x60  }
0xae: {  	[dreg:$0x2] =	wrdreg s24  }
0xaf: {  	[dreg:$0x3] =	wrdreg s2  }
0xb0: {  	[dreg:$0x4] =	wrdreg $0x84000  }
0xb1: {  	[dreg:$0x5] =	wrdreg $0x9  }
0xb2: {  	_ =	task.clear_ibuf [dreg:s7], $0x6FFFF;
	_ =	strace $0x9000004C  }
0xb3: {  	s29 =	simm.s32 $0x9;
	_ =	strace $0x8000004E  }
0xb4: {  	_ =	swait.ge [sflag:s29], $0x1  }
0xb5: {  	[sflag:s29] =	ssyncadd.s32 $0xFFFFFFFF  }
0xb6: {  	_ =	strace $0x9000004E  }
0xb7: {  	_ =	sfence  }
0xb8: {  	s30 =	sld [smem:$0x0];
	_ =	sdelay $0x2  }
0xb9: {  	s31 =	sshll.u32 s1, $0xD;
	s1 =	sshrl.u32 s1, $0x2  }
0xba: {  	s3 =	sand.u32 $0x4000, s31;
	s1 =	sadd.s32 s1, s30  }
0xbb: {  	s0 =	sor.u32 s3, s0;
	s1 =	sshll.u32 s1, $0x11  }
0xbc: {  	s0 =	sor.u32 s1, s0  }
0xbd: {  	s0 =	sadd.s32 $0x8F2B, s0  }
0xbe: {  	[sflag:s0] =	ssyncadd.remote.s32 $0x1  }
0xbf: {  	_ =	sfence.sel $0xFFFF  }
0xc0: {  	[dreg:$0x0] =	wrdreg $0xFFFFFFFF;
	(pc) =	sbr.abs _section_cstart, $3  }
0xc1: {  	[dreg:$0x1] =	wrdreg $0xFFFFFFFF  }
0xc2: {  	_ =	task.clear_ibuf [dreg:s7], $0x2FFFF;
	_ =	strace $0x9FFFFFFF  }
0xc3: {  	(tm) =	ssettm $0x7FFFFFFF  }
tec
execute0_lowered:
.L_overlay_start_1:
0x0: {  	(tag) =	ssettag $0x1  }
0x1: {  	s0 =	rddreg [dreg:$0x0]  }
0x2: {  	s1 =	rddreg [dreg:$0x1]  }
0x3: {  	s2 =	srdreg.scid;
	s3 =	rddreg [dreg:$0x2]  }
0x4: {  	s14 =	stileid.u32;
	s4 =	simm.s32 $0x0;
	s16 =	simm.s32 $0x100  }
0x5: {  	s20 =	simm.s32 $0x200;
	s28 =	simm.s32 $0x4400;
	s29 =	simm.s32 $0x180  }
0x6: {  	s30 =	simm.s32 $0x3;
	s31 =	simm.s32 $0x280;
	s2 =	sand.u32 $0x1, s2  }
0x7: {  	[smem:$0x7FF] =	sst s4;
	s10 =	smul.u32 $0x4F000, s14;
	s6 =	sadd.s32 $0x4000, s0  }
0x8: {  	s13 =	sadd.s32 $0x128400, s3;
	s25 =	smul.u32 $0x2800, s14;
	s5 =	sshll.u32 s2, $0x4  }
0x9: {  	s7 =	smul.u32 $0x27100, s2;
	_ =	strace $0x8000004D;
	s11 =	ssub.s32 $0x2, s2  }
0xa: {  	s2 =	smul.u32 $0x28000, s2;
	s8 =	sor.u32 s14, s5;
	s5 =	sadd.s32 $0x6800, s0  }
0xb: {  	s12 =	sshrl.u32 s11, $0x1;
	s22 =	sshrl.u32 s10, $0x2;
	s10 =	simm.s32 $0x4  }
0xc: {  	s9 =	smul.u32 $0xA00, s8;
	s0 =	sadd.s32 s7, s0;
	s11 =	ssub.s32 s11, s12  }
0xd: {  	p0 =	seq.s32 s8, $0x1F;
	s12 =	simm.s32 $0x4;
	s2 =	sadd.s32 s25, s2  }
0xe: {  	s10 =	simm.s32 @!p0 $0x13;
	s26 =	smax.u32 s11, $0x1;
	s15 =	sor.u32 $0x380, s2  }
0xf: {  	p0 =	seq.s32 s14, $0xF;
	s21 =	sadd.s32 s1, s9;
	s9 =	sadd.s32 s22, s3  }
0x10: {  	[dreg:$0x8] =	wrdreg s26;
	s17 =	sshrl.u32 @p0 s13, $0x3;
	s2 =	sshll.u32 @!p0 s14, $0x6  }
0x11: {  	s22 =	simm.s32 $0x80;
	s26 =	simm.s32 $0x300;
	s23 =	sadd.s32 $0x20, s21  }
0x12: {  	s24 =	sadd.s32 $0x40, s21;
	[dreg:$0x4] =	wrdreg s21;
	s7 =	sadd.s32 $0x60, s21  }
0x13: {  	s18 =	sor.u32 @!p0 $0x1C05, s2;
	s19 =	sshrl.u32 @!p0 s9, $0x3;
	[dreg:$0x5] =	wrdreg s23  }
0x14: {  	[dreg:$0x7] =	wrdreg s7;
	s7 =	sadd.s32 $0x55400, s0;
	s0 =	smul.u32 $0x2780, s14  }
0x15: {  	s21 =	simm.s32 $0x1;
	s2 =	simm.s32 $0x0;
	[dreg:$0x6] =	wrdreg s24  }
0x16: {  	s23 =	simm.s32 $0x400;
	s24 =	simm.s32 $0x2;
	s0 =	sadd.s32 @!p0 s0, s7  }
0x17: {  	s25 =	smov.u32 s7;
	[dreg:$0x9] =	wrdreg s0;
	s0 =	simm.s32 $0x380  }
.LBB2_1:
0x18: {  	s7 =	rddreg [dreg:$0x4]  }
0x19: {  	[tilespmem:s4], [sflag:$0x1] =	stream.linear.gather [hbm4b:s7+s4], $0x100, $0x38;
	[tilespmem:$0x1BCC0] =	vst v63  }
0x1a: {  	s13 =	rddreg [dreg:$0x5];
	s11 =	simm.s32 @p0 $0x1FC5;
	s9 =	simm.s32 @p0 $0x5  }
0x1b: {  	[tilespmem:s16], [sflag:$0x1] =	stream.linear.gather [hbm4b:s13+s4], $0x100, $0x38;
	[tilespmem:$0x1BCC0] =	vst v63  }
0x1c: {  	[spmem:s17], [sflag:s11] =	dma.local @p0 [hbm:s6], $0x2100  }
0x1d: {  	_ =	swait.ge @p0 [sflag:s9], $0x2100  }
0x1e: {  	[sflag:s9] =	ssyncset.done @p0 $0x0  }
0x1f: {  	s8 =	simm.s32 @!p0 $0x5;
	[sflag:s9] =	ssyncadd.s32 @p0 $0xFFFFDF00  }
0x20: {  	[spmem:s19], [sflag:s18] =	dma.local @!p0 [hbm:s6], $0x2780  }
0x21: {  	_ =	swait.ge @!p0 [sflag:s8], $0x2780  }
0x22: {  	[sflag:s8] =	ssyncset.done @!p0 $0x0  }
0x23: {  	[sflag:s8] =	ssyncadd.s32 @!p0 $0xFFFFD880  }
0x24: {  	[bflag:$0x0] =	sbarrier.arrive $0xFFFF  }
0x25: {  	s14 =	rddreg [dreg:$0x6]  }
0x26: {  	[tilespmem:s20], [sflag:$0x1] =	stream.linear.gather [hbm4b:s14+s4], $0x100, $0x38;
	[tilespmem:$0x1BCC0] =	vst v63  }
0x27: {  	_ =	swait.ge [sflag:s21], $0x100  }
0x28: {  	[sflag:s21] =	ssyncset.done $0x0  }
0x29: {  	[sflag:s21] =	ssyncadd.s32 $0xFFFFFF00  }
0x2a: {  	[tilespmem:s23], [sflag:$0x2] =	stream.indirect.gather [hbm4b:s5+s22], $0x80, s4, s22, $0xb8;
	[tilespmem:$0x1BCC0] =	vst v63  }
0x2b: {  	_ =	swait.ge [sflag:s24], $0x4000  }
0x2c: {  	[sflag:s24] =	ssyncset.done $0x0  }
0x2d: {  	[sflag:s24] =	ssyncadd.s32 $0xFFFFC000  }
0x2e: {  	[spmem:s3] =	stream.indirect.scatter.add.f32 [tilespmem:s23], [sflag:$0x3], $0x80, s22, s22, $0xb8;
	[tilespmem:$0x1BCC0] =	vst v63  }
0x2f: {  	s13 =	rddreg [dreg:$0x7]  }
0x30: {  	[tilespmem:s26], [sflag:$0x1] =	stream.linear.gather [hbm4b:s13+s4], $0x100, $0x38;
	[tilespmem:$0x1BCC0] =	vst v63  }
0x31: {  	_ =	swait.ge [sflag:s21], $0x100  }
0x32: {  	[sflag:s21] =	ssyncset.done $0x0  }
0x33: {  	[sflag:s21] =	ssyncadd.s32 $0xFFFFFF00  }
0x34: {  	[tilespmem:s28], [sflag:$0x2] =	stream.indirect.gather [hbm4b:s5+s22], $0x80, s16, s22, $0xb8;
	[tilespmem:$0x1BCC0] =	vst v63  }
0x35: {  	_ =	swait.ge [sflag:s24], $0x4000  }
0x36: {  	[sflag:s24] =	ssyncset.done $0x0  }
0x37: {  	[sflag:s24] =	ssyncadd.s32 $0xFFFFC000  }
0x38: {  	[spmem:s3] =	stream.indirect.scatter.add.f32 [tilespmem:s28], [sflag:$0x4], $0x80, s29, s22, $0xb8;
	[tilespmem:$0x1BCC0] =	vst v63  }
0x39: {  	s13 =	sadd.s32 $0xFFFFFE80, s15;
	_ =	swait.ge [sflag:s30], $0x4000  }
0x3a: {  	s13 =	sshrl.u32 s13, $0x2;
	[sflag:s30] =	ssyncset.done $0x0  }
0x3b: {  	s13 =	sadd.s32 s1, s13;
	[sflag:s30] =	ssyncadd.s32 $0xFFFFC000  }
0x3c: {  	[tilespmem:s4], [sflag:$0x1] =	stream.linear.gather [hbm4b:s13+s4], $0x100, $0x38;
	[tilespmem:$0x1BCC0] =	vst v63  }
0x3d: {  	_ =	swait.ge [sflag:s21], $0x100  }
0x3e: {  	[sflag:s21] =	ssyncset.done $0x0  }
0x3f: {  	[sflag:s21] =	ssyncadd.s32 $0xFFFFFF00  }
0x40: {  	[tilespmem:s23], [sflag:$0x2] =	stream.indirect.gather [hbm4b:s5+s22], $0x80, s20, s22, $0xb8;
	[tilespmem:$0x1BCC0] =	vst v63  }
0x41: {  	_ =	swait.ge [sflag:s24], $0x4000  }
0x42: {  	[sflag:s24] =	ssyncset.done $0x0  }
0x43: {  	[sflag:s24] =	ssyncadd.s32 $0xFFFFC000  }
0x44: {  	[spmem:s3] =	stream.indirect.scatter.add.f32 [tilespmem:s23], [sflag:$0x3], $0x80, s31, s22, $0xb8;
	[tilespmem:$0x1BCC0] =	vst v63  }
0x45: {  	s14 =	sadd.s32 $0xFFFFFF00, s15;
	_ =	swait.ge [sflag:s12], $0x4000  }
0x46: {  	s13 =	sshrl.u32 s14, $0x2;
	[sflag:s12] =	ssyncset.done $0x0  }
0x47: {  	s13 =	sadd.s32 s1, s13;
	[sflag:s12] =	ssyncadd.s32 $0xFFFFC000  }
0x48: {  	[tilespmem:s16], [sflag:$0x1] =	stream.linear.gather [hbm4b:s13+s4], $0x100, $0x38;
	[tilespmem:$0x1BCC0] =	vst v63  }
0x49: {  	_ =	swait.ge [sflag:s21], $0x100  }
0x4a: {  	[sflag:s21] =	ssyncset.done $0x0  }
0x4b: {  	[sflag:s21] =	ssyncadd.s32 $0xFFFFFF00  }
0x4c: {  	[tilespmem:s28], [sflag:$0x2] =	stream.indirect.gather [hbm4b:s5+s22], $0x80, s26, s22, $0xb8;
	[tilespmem:$0x1BCC0] =	vst v63  }
0x4d: {  	_ =	swait.ge [sflag:s24], $0x4000  }
0x4e: {  	[sflag:s24] =	ssyncset.done $0x0  }
0x4f: {  	[sflag:s24] =	ssyncadd.s32 $0xFFFFC000  }
0x50: {  	[spmem:s3] =	stream.indirect.scatter.add.f32 [tilespmem:s28], [sflag:$0x4], $0x80, s0, s22, $0xb8;
	[tilespmem:$0x1BCC0] =	vst v63  }
0x51: {  	s7 =	sadd.s32 $0xFFFFFF80, s15;
	_ =	swait.ge [sflag:s30], $0x4000  }
0x52: {  	s13 =	sshrl.u32 s7, $0x2;
	[sflag:s30] =	ssyncset.done $0x0  }
0x53: {  	s13 =	sadd.s32 s1, s13;
	[sflag:s30] =	ssyncadd.s32 $0xFFFFC000  }
0x54: {  	[tilespmem:s20], [sflag:$0x1] =	stream.linear.gather [hbm4b:s13+s4], $0x100, $0x38;
	[tilespmem:$0x1BCC0] =	vst v63  }
0x55: {  	_ =	swait.ge [sflag:s21], $0x100  }
0x56: {  	[sflag:s21] =	ssyncset.done $0x0  }
0x57: {  	[sflag:s21] =	ssyncadd.s32 $0xFFFFFF00  }
0x58: {  	[tilespmem:s23], [sflag:$0x2] =	stream.indirect.gather [hbm4b:s5+s22], $0x80, s4, s22, $0xb8;
	[tilespmem:$0x1BCC0] =	vst v63  }
0x59: {  	_ =	swait.ge [sflag:s24], $0x4000  }
0x5a: {  	[sflag:s24] =	ssyncset.done $0x0  }
0x5b: {  	[sflag:s24] =	ssyncadd.s32 $0xFFFFC000  }
0x5c: {  	[spmem:s3] =	stream.indirect.scatter.add.f32 [tilespmem:s23], [sflag:$0x3], $0x80, s22, s22, $0xb8;
	[tilespmem:$0x1BCC0] =	vst v63  }
0x5d: {  	_ =	swait.ge [sflag:s12], $0x4000  }
0x5e: {  	p1 =	sne.s32 s10, $0x1;
	s14 =	sshrl.u32 s15, $0x2;
	[sflag:s12] =	ssyncset.done $0x0  }
.Ltmp0:
0x5f: {  	s13 =	sadd.s32 s1, s14;
	[sflag:s12] =	ssyncadd.s32 $0xFFFFC000;
	(pc) =	sbr.rel @!p1 .LBB2_3-.Ltmp0, $4  }
0x60: {  	[tilespmem:s26], [sflag:$0x1] =	stream.linear.gather [hbm4b:s13+s4], $0x100, $0x38;
	[tilespmem:$0x1BCC0] =	vst v63  }
0x61: {  	_ =	swait.ge [sflag:s21], $0x100  }
0x62: {  	[sflag:s21] =	ssyncset.done $0x0  }
0x63: {  	s14 =	sadd.s32 $0xFFFFFFFF, s10;
	s13 =	sadd.s32 $0x200, s15;
	[sflag:s21] =	ssyncadd.s32 $0xFFFFFF00  }
.LBB2_2:
0x64: {  	[tilespmem:s28], [sflag:$0x2] =	stream.indirect.gather [hbm4b:s5+s22], $0x80, s16, s22, $0xb8;
	[tilespmem:$0x1BCC0] =	vst v63  }
0x65: {  	p1 =	sne.s32 s14, $0x1;
	s14 =	sadd.s32 $0xFFFFFFFF, s14;
	_ =	swait.ge [sflag:s24], $0x4000  }
0x66: {  	[sflag:s24] =	ssyncset.done $0x0  }
0x67: {  	[sflag:s24] =	ssyncadd.s32 $0xFFFFC000  }
0x68: {  	[spmem:s3] =	stream.indirect.scatter.add.f32 [tilespmem:s28], [sflag:$0x4], $0x80, s29, s22, $0xb8;
	[tilespmem:$0x1BCC0] =	vst v63  }
0x69: {  	s7 =	sadd.s32 $0xFFFFFE80, s13;
	_ =	swait.ge [sflag:s30], $0x4000  }
0x6a: {  	s7 =	sshrl.u32 s7, $0x2;
	[sflag:s30] =	ssyncset.done $0x0  }
0x6b: {  	s7 =	sadd.s32 s1, s7;
	[sflag:s30] =	ssyncadd.s32 $0xFFFFC000  }
0x6c: {  	[tilespmem:s4], [sflag:$0x1] =	stream.linear.gather [hbm4b:s7+s4], $0x100, $0x38;
	[tilespmem:$0x1BCC0] =	vst v63  }
0x6d: {  	_ =	swait.ge [sflag:s21], $0x100  }
0x6e: {  	[sflag:s21] =	ssyncset.done $0x0  }
0x6f: {  	[sflag:s21] =	ssyncadd.s32 $0xFFFFFF00  }
0x70: {  	[tilespmem:s23], [sflag:$0x2] =	stream.indirect.gather [hbm4b:s5+s22], $0x80, s20, s22, $0xb8;
	[tilespmem:$0x1BCC0] =	vst v63  }
0x71: {  	_ =	swait.ge [sflag:s24], $0x4000  }
0x72: {  	[sflag:s24] =	ssyncset.done $0x0  }
0x73: {  	[sflag:s24] =	ssyncadd.s32 $0xFFFFC000  }
0x74: {  	[spmem:s3] =	stream.indirect.scatter.add.f32 [tilespmem:s23], [sflag:$0x3], $0x80, s31, s22, $0xb8;
	[tilespmem:$0x1BCC0] =	vst v63  }
0x75: {  	s7 =	sadd.s32 $0xFFFFFF00, s13;
	_ =	swait.ge [sflag:s12], $0x4000  }
0x76: {  	s7 =	sshrl.u32 s7, $0x2;
	[sflag:s12] =	ssyncset.done $0x0  }
0x77: {  	s7 =	sadd.s32 s1, s7;
	[sflag:s12] =	ssyncadd.s32 $0xFFFFC000  }
0x78: {  	[tilespmem:s16], [sflag:$0x1] =	stream.linear.gather [hbm4b:s7+s4], $0x100, $0x38;
	[tilespmem:$0x1BCC0] =	vst v63  }
0x79: {  	_ =	swait.ge [sflag:s21], $0x100  }
0x7a: {  	[sflag:s21] =	ssyncset.done $0x0  }
0x7b: {  	[sflag:s21] =	ssyncadd.s32 $0xFFFFFF00  }
0x7c: {  	[tilespmem:s28], [sflag:$0x2] =	stream.indirect.gather [hbm4b:s5+s22], $0x80, s26, s22, $0xb8;
	[tilespmem:$0x1BCC0] =	vst v63  }
0x7d: {  	_ =	swait.ge [sflag:s24], $0x4000  }
0x7e: {  	[sflag:s24] =	ssyncset.done $0x0  }
0x7f: {  	[sflag:s24] =	ssyncadd.s32 $0xFFFFC000  }
0x80: {  	[spmem:s3] =	stream.indirect.scatter.add.f32 [tilespmem:s28], [sflag:$0x4], $0x80, s0, s22, $0xb8;
	[tilespmem:$0x1BCC0] =	vst v63  }
0x81: {  	s7 =	sadd.s32 $0xFFFFFF80, s13;
	_ =	swait.ge [sflag:s30], $0x4000  }
0x82: {  	s7 =	sshrl.u32 s7, $0x2;
	[sflag:s30] =	ssyncset.done $0x0  }
0x83: {  	s7 =	sadd.s32 s1, s7;
	[sflag:s30] =	ssyncadd.s32 $0xFFFFC000  }
0x84: {  	[tilespmem:s20], [sflag:$0x1] =	stream.linear.gather [hbm4b:s7+s4], $0x100, $0x38;
	[tilespmem:$0x1BCC0] =	vst v63  }
0x85: {  	_ =	swait.ge [sflag:s21], $0x100  }
0x86: {  	[sflag:s21] =	ssyncset.done $0x0  }
0x87: {  	[sflag:s21] =	ssyncadd.s32 $0xFFFFFF00  }
0x88: {  	[tilespmem:s23], [sflag:$0x2] =	stream.indirect.gather [hbm4b:s5+s22], $0x80, s4, s22, $0xb8;
	[tilespmem:$0x1BCC0] =	vst v63  }
0x89: {  	_ =	swait.ge [sflag:s24], $0x4000  }
0x8a: {  	[sflag:s24] =	ssyncset.done $0x0  }
0x8b: {  	[sflag:s24] =	ssyncadd.s32 $0xFFFFC000  }
0x8c: {  	[spmem:s3] =	stream.indirect.scatter.add.f32 [tilespmem:s23], [sflag:$0x3], $0x80, s22, s22, $0xb8;
	[tilespmem:$0x1BCC0] =	vst v63  }
0x8d: {  	_ =	swait.ge [sflag:s12], $0x4000  }
0x8e: {  	s7 =	sshrl.u32 s13, $0x2;
	[sflag:s12] =	ssyncset.done $0x0  }
.Ltmp1:
0x8f: {  	s7 =	sadd.s32 s1, s7;
	[sflag:s12] =	ssyncadd.s32 $0xFFFFC000;
	(pc) =	sbr.rel @p1 .LBB2_2-.Ltmp1, $4  }
0x90: {  	[tilespmem:s26], [sflag:$0x1] =	stream.linear.gather [hbm4b:s7+s4], $0x100, $0x38;
	[tilespmem:$0x1BCC0] =	vst v63  }
0x91: {  	_ =	swait.ge [sflag:s21], $0x100  }
0x92: {  	[sflag:s21] =	ssyncset.done $0x0  }
0x93: {  	s13 =	sadd.s32 $0x200, s13;
	[sflag:s21] =	ssyncadd.s32 $0xFFFFFF00  }
.LBB2_3:
0x94: {  	[tilespmem:s28], [sflag:$0x2] =	stream.indirect.gather [hbm4b:s5+s22], $0x80, s16, s22, $0xb8;
	[tilespmem:$0x1BCC0] =	vst v63  }
0x95: {  	_ =	swait.ge [sflag:s24], $0x4000  }
0x96: {  	[sflag:s24] =	ssyncset.done $0x0  }
0x97: {  	[sflag:s24] =	ssyncadd.s32 $0xFFFFC000  }
0x98: {  	[spmem:s3] =	stream.indirect.scatter.add.f32 [tilespmem:s28], [sflag:$0x4], $0x80, s29, s22, $0xb8;
	[tilespmem:$0x1BCC0] =	vst v63  }
0x99: {  	_ =	swait.ge [sflag:s30], $0x4000  }
0x9a: {  	[sflag:s30] =	ssyncset.done $0x0  }
0x9b: {  	[sflag:s30] =	ssyncadd.s32 $0xFFFFC000  }
0x9c: {  	_ =	swait.ge [sflag:s21], $0x100  }
0x9d: {  	[sflag:s21] =	ssyncset.done $0x0  }
0x9e: {  	[sflag:s21] =	ssyncadd.s32 $0xFFFFFF00  }
0x9f: {  	[tilespmem:s23], [sflag:$0x2] =	stream.indirect.gather [hbm4b:s5+s22], $0x80, s20, s22, $0xb8;
	[tilespmem:$0x1BCC0] =	vst v63  }
0xa0: {  	_ =	swait.ge [sflag:s24], $0x4000  }
0xa1: {  	[sflag:s24] =	ssyncset.done $0x0  }
0xa2: {  	[sflag:s24] =	ssyncadd.s32 $0xFFFFC000  }
0xa3: {  	[spmem:s3] =	stream.indirect.scatter.add.f32 [tilespmem:s23], [sflag:$0x3], $0x80, s31, s22, $0xb8;
	[tilespmem:$0x1BCC0] =	vst v63  }
0xa4: {  	_ =	swait.ge [sflag:s12], $0x4000  }
0xa5: {  	[sflag:s12] =	ssyncset.done $0x0  }
0xa6: {  	[sflag:s12] =	ssyncadd.s32 $0xFFFFC000  }
0xa7: {  	_ =	swait.ge [sflag:s21], $0x100  }
0xa8: {  	[sflag:s21] =	ssyncset.done $0x0  }
0xa9: {  	[sflag:s21] =	ssyncadd.s32 $0xFFFFFF00  }
0xaa: {  	[tilespmem:s28], [sflag:$0x2] =	stream.indirect.gather [hbm4b:s5+s22], $0x80, s26, s22, $0xb8;
	[tilespmem:$0x1BCC0] =	vst v63  }
0xab: {  	_ =	swait.ge [sflag:s24], $0x4000  }
0xac: {  	[sflag:s24] =	ssyncset.done $0x0  }
0xad: {  	[sflag:s24] =	ssyncadd.s32 $0xFFFFC000  }
0xae: {  	[spmem:s3] =	stream.indirect.scatter.add.f32 [tilespmem:s28], [sflag:$0x4], $0x80, s0, s22, $0xb8;
	[tilespmem:$0x1BCC0] =	vst v63  }
0xaf: {  	_ =	swait.ge [sflag:s30], $0x4000  }
0xb0: {  	[sflag:s30] =	ssyncset.done $0x0  }
0xb1: {  	[sflag:s30] =	ssyncadd.s32 $0xFFFFC000  }
0xb2: {  	_ =	swait.ge [sflag:s12], $0x4000  }
0xb3: {  	[sflag:s12] =	ssyncset.done $0x0  }
0xb4: {  	[sflag:s12] =	ssyncadd.s32 $0xFFFFC000  }
0xb5: {  	s7 =	sadd.s32 @p0 $0x25080, s25;
	[bflag:$0x0] =	sbarrier.arrive $0xFFFF  }
0xb6: {  	[hbm:s7], [sflag:s11] =	dma.local @p0 [spmem:s17], $0x2080  }
0xb7: {  	_ =	swait.ge @p0 [sflag:s9], $0x2080  }
0xb8: {  	[sflag:s9] =	ssyncset.done @p0 $0x0  }
0xb9: {  	s7 =	rddreg [dreg:$0x9];
	[sflag:s9] =	ssyncadd.s32 @p0 $0xFFFFDF80  }
0xba: {  	[hbm:s7], [sflag:s18] =	dma.local @!p0 [spmem:s19], $0x2780  }
0xbb: {  	_ =	swait.ge @!p0 [sflag:s8], $0x2780  }
0xbc: {  	s2 =	sadd.s32 $0x1, s2;
	s14 =	rddreg [dreg:$0x8]  }
0xbd: {  	p1 =	sne.s32 s2, s14  }
.Ltmp2:
0xbe: {  	_ = 	snop;
	(pc) =	sbr.rel @p1 .LBB2_1-.Ltmp2, $3  }
0xbf: {  	_ =	sdelay $0x1  }
0xc0: {  	[sflag:s8] =	ssyncset.done @!p0 $0x0  }
0xc1: {  	[sflag:s8] =	ssyncadd.s32 @!p0 $0xFFFFD880  }
0xc2: {  	_ =	sfence.sel $0x180000  }
0xc3: {  	[bflag:$0x0] =	sbarrier.arrive $0xFFFF  }
0xc4: {  	_ =	strace $0x9000004D  }
0xc5: {  	s0 =	stileid.u32;
	[bflag:$0x2] =	sbarrier.arrive $0xFFFF  }
0xc6: {  	p0 =	sne.s32 s0, $0x0;
	s0 =	rddreg [dreg:$0x3]  }
0xc7: {  	s0 =	sadd.s32 @!p0 $0x100000, s0  }
0xc8: {  	[sflag:s0] =	ssyncadd.tile.s32 @!p0 $0x1;
	_ =	shalt  }
.Lfunc_end2:
_tile_overlayer_lowered:
.L_overlay_start_2:
0xc9: {  	(tag) =	ssettag $0x2  }
0xca: {  	s0 =	rddreg [dreg:$0x0];
	s2 =	stileid.u32  }
0xcb: {  	s1 =	rddreg [dreg:$0x1];
	p0 =	sne.s32 s2, $0x0  }
0xcc: {  	s3 =	rddreg [dreg:$0x2];
	[bflag:$0x3] =	sbarrier.arrive $0xFFFF;
	s2 =	simm.s32 @!p0 $0x1C05  }
0xcd: {  	[timem:s3], [sflag:s2] =	dma.local @!p0 [hbm:s0], s1  }
0xce: {  	s0 =	simm.s32 @!p0 $0x5  }
0xcf: {  	_ =	swait.ge @!p0 [sflag:s0], s1  }
0xd0: {  	s1 =	ssub.s32 @!p0 $0x0, s1;
	[sflag:s0] =	ssyncset.done @!p0 $0x0  }
0xd1: {  	[sflag:s0] =	ssyncadd.s32 @!p0 s1  }
0xd2: {  	[bflag:$0x3] =	sbarrier.arrive $0xFFFF  }
0xd3: {  	_ =	shalt  }

// kernel: kernel.8.cloned.1.call-start
scs
__scs_entry_jumppad:
0x0: {  	(pc) =	sbr.rel $0x88, $3  }
0x1: {  	(tag) =	ssettag $0x0;
	lr =	simm.s32 $0x1  }
0x2: {  	[smem:$0x3F92] =	sst lr;
	_ =	strace $0xD0000000  }
0x3: {  	_ = 	snop  }
0x4: {  	_ = 	snop  }
0x5: {  	_ = 	snop  }
0x6: {  	_ = 	snop  }
0x7: {  	_ = 	snop  }
__scs_overlays_trampoline_lowered:
0x8: {  	[smem:$0x3FA1] =	sst s0  }
0x9: {  	[smem:$0x3FA2] =	sst s1  }
0xa: {  	[smem:$0x3FA3] =	sst s2  }
0xb: {  	[smem:$0x3FA4] =	sst s3  }
0xc: {  	[smem:$0x3FA5] =	sst s4  }
0xd: {  	[smem:$0x3FA6] =	sst s5  }
0xe: {  	[smem:$0x3FA7] =	sst s6  }
0xf: {  	[smem:$0x3FA8] =	sst s7  }
0x10: {  	[smem:$0x3FA9] =	sst s8  }
0x11: {  	[smem:$0x3FAA] =	sst s9;
	s0 =	simm.s32 @!p0 $0x0  }
0x12: {  	s1 =	sld [smem:$0x3F90];
	s0 =	simm.s32 @p0 $0x1  }
0x13: {  	[smem:$0x3FAB] =	sst s0;
	s0 =	simm.s32 @!p1 $0x0  }
0x14: {  	s2 =	sld [smem:$0x3F8F];
	s0 =	simm.s32 @p1 $0x1  }
0x15: {  	[smem:$0x3FAC] =	sst s0;
	s0 =	simm.s32 @!p2 $0x0  }
0x16: {  	s3 =	sld [smem:$0x3FDB];
	s0 =	simm.s32 @p2 $0x1  }
0x17: {  	s4 =	simm.s32 $0x1BF5;
	[smem:$0x3FAE] =	sst s0  }
0x18: {  	s0 =	sld [smem:$0x3F91];
	_ =	swait.ge [sflag:s4], $0x0  }
0x19: {  	s7 =	sld [smem:$0x3F92]  }
0x1a: {  	s8 =	sadd.s32 $0xFFFFE003, lr  }
0x1b: {  	s9 =	sadd.s32 $0xFFFFFEF7, lr;
	s5 =	simm.s32 $0xFFFFFFFF;
	p2 =	slt.u32 s8, $0xFFFFF086  }
0x1c: {  	p1 =	slt.u32 s9, $0xF7A;
	s5 =	simm.s32 @!p2 $0x0  }
0x1d: {  	s5 =	simm.s32 @p1 $0x1;
	p0 =	seq.s32 s7, s2  }
0x1e: {  	s7 =	smul.u32 @!p0 $0xF7A, s2;
	p2 =	seq.s32 @!p0 s5, $0x0  }
0x1f: {  	s9 =	smul.u32 $0xF7A, s1;
	s8 =	simm.s32 @!p0 $0x1BF5;
	p2 =	por !p2, p0  }
0x20: {  	[sflag:s8] =	ssyncset.s32 @!p0 $0xFFFFF086;
	s6 =	sadd.s32 @!p0 s3, s7;
	s7 =	simm.s32 @!p0 $0x108  }
0x21: {  	s3 =	sadd.s32 s3, s9;
	s6 =	sadd.s32 @!p0 $0x88, s6;
	s7 =	simm.s32 @p2 $0x1082  }
0x22: {  	[simem:s7], [sflag:s8] =	dma.local @!p0 [hbm:s6], $0xF7A  }
0x23: {  	s9 =	sor.u32 $0xD0000000, s2;
	s6 =	simm.s32 $0x108;
	_ =	swait.ge @!p0 [sflag:s8], $0x0  }
0x24: {  	s3 =	sadd.s32 $0x88, s3;
	s6 =	simm.s32 @!p1 $0x1082;
	[sflag:s4] =	ssyncset.s32 $0xFFFFF086  }
0x25: {  	[simem:s6], [sflag:s4] =	dma.local [hbm:s3], $0xF7A  }
0x26: {  	[smem:$0x3F92] =	sst s1;
	(tag) =	ssettag s2;
	_ =	strace s9  }
0x27: {  	s1 =	sld [smem:$0x3FA2]  }
0x28: {  	s2 =	sld [smem:$0x3FA3]  }
0x29: {  	s4 =	sld [smem:$0x3FA5]  }
0x2a: {  	p0 =	seq.s32 s5, $0x0;
	s5 =	sld [smem:$0x3FA6]  }
0x2b: {  	s6 =	sld [smem:$0x3FA7]  }
0x2c: {  	s7 =	sld [smem:$0x3FA8]  }
0x2d: {  	s3 =	simm.s32 $0x108;
	s8 =	sld [smem:$0x3FA9]  }
0x2e: {  	s3 =	simm.s32 @!p0 $0x1082;
	s9 =	sld [smem:$0x3FAA]  }
0x2f: {  	lr =	sadd.s32 s0, s3;
	s0 =	sld [smem:$0x3FA1]  }
0x30: {  	s3 =	sld [smem:$0x3FA4]  }
0x31: {  	[smem:$0x3FAD] =	sst s10  }
0x32: {  	s10 =	sld [smem:$0x3FAB];
	_ =	sdelay $0x3  }
0x33: {  	p0 =	seq.s32 s10, $0x1;
	s10 =	sld [smem:$0x3FAD];
	_ =	sdelay $0x3  }
0x34: {  	[smem:$0x3FAD] =	sst s10  }
0x35: {  	s10 =	sld [smem:$0x3FAC];
	_ =	sdelay $0x3  }
0x36: {  	p1 =	seq.s32 s10, $0x1;
	s10 =	sld [smem:$0x3FAD];
	_ =	sdelay $0x3  }
0x37: {  	[smem:$0x3FAD] =	sst s10  }
0x38: {  	s10 =	sld [smem:$0x3FAE]  }
0x39: {  	_ = 	snop;
	(pc) =	sbr.ind lr, $3  }
0x3a: {  	_ = 	snop  }
0x3b: {  	_ = 	snop  }
0x3c: {  	p2 =	seq.s32 s10, $0x1;
	s10 =	sld [smem:$0x3FAD]  }
0x3d: {  	_ =	shalt  }
0x3e: {  	_ =	shalt  }
0x3f: {  	_ =	shalt  }
0x40: {  	_ =	shalt  }
0x41: {  	_ =	shalt  }
0x42: {  	_ =	shalt  }
0x43: {  	_ =	shalt  }
0x44: {  	_ =	shalt  }
0x45: {  	_ =	shalt  }
0x46: {  	_ =	shalt  }
0x47: {  	_ =	shalt  }
0x48: {  	_ =	shalt  }
0x49: {  	_ =	shalt  }
0x4a: {  	_ =	shalt  }
0x4b: {  	_ =	shalt  }
0x4c: {  	_ =	shalt  }
0x4d: {  	_ =	shalt  }
0x4e: {  	_ =	shalt  }
0x4f: {  	_ =	shalt  }
0x50: {  	_ =	shalt  }
0x51: {  	_ =	shalt  }
0x52: {  	_ =	shalt  }
0x53: {  	_ =	shalt  }
0x54: {  	_ =	shalt  }
0x55: {  	_ =	shalt  }
0x56: {  	_ =	shalt  }
0x57: {  	_ =	shalt  }
0x58: {  	_ =	shalt  }
0x59: {  	_ =	shalt  }
0x5a: {  	_ =	shalt  }
0x5b: {  	_ =	shalt  }
0x5c: {  	_ =	shalt  }
0x5d: {  	_ =	shalt  }
0x5e: {  	_ =	shalt  }
0x5f: {  	_ =	shalt  }
0x60: {  	_ =	shalt  }
0x61: {  	_ =	shalt  }
0x62: {  	_ =	shalt  }
0x63: {  	_ =	shalt  }
0x64: {  	_ =	shalt  }
0x65: {  	_ =	shalt  }
0x66: {  	_ =	shalt  }
0x67: {  	_ =	shalt  }
0x68: {  	_ =	shalt  }
0x69: {  	_ =	shalt  }
0x6a: {  	_ =	shalt  }
0x6b: {  	_ =	shalt  }
0x6c: {  	_ =	shalt  }
0x6d: {  	_ =	shalt  }
0x6e: {  	_ =	shalt  }
0x6f: {  	_ =	shalt  }
0x70: {  	_ =	shalt  }
0x71: {  	_ =	shalt  }
0x72: {  	_ =	shalt  }
0x73: {  	_ =	shalt  }
0x74: {  	_ =	shalt  }
0x75: {  	_ =	shalt  }
0x76: {  	_ =	shalt  }
0x77: {  	_ =	shalt  }
0x78: {  	_ =	shalt  }
0x79: {  	_ =	shalt  }
0x7a: {  	_ =	shalt  }
0x7b: {  	_ =	shalt  }
0x7c: {  	_ =	shalt  }
0x7d: {  	_ =	shalt  }
0x7e: {  	_ =	shalt  }
0x7f: {  	_ =	shalt  }
0x80: {  	_ =	shalt  }
0x81: {  	_ =	shalt  }
0x82: {  	_ =	shalt  }
0x83: {  	_ =	shalt  }
0x84: {  	_ =	shalt  }
0x85: {  	_ =	shalt  }
0x86: {  	_ =	shalt  }
0x87: {  	_ =	shalt  }
.Lfunc_end0:
.L_simem_size_0:
called_computation_lowered:
.L_overlay_start_0:
0x88: {  	s2 =	sld [smem:$0x3FD9]  }
0x89: {  	s3 =	sld [smem:$0x3FFE];
	_ =	sdelay $0x1  }
0x8a: {  	s1 =	srdreg.scid  }
0x8b: {  	s0 =	sand.u32 $0x1, s1  }
0x8c: {  	s17 =	sshll.u32 s0, $0xA;
	s2 =	sadd.s32 s3, s2  }
0x8d: {  	s2 =	sadd.s32 s2, s17  }
0x8e: {  	[smem:$0x3FB9] =	sst s2  }
0x8f: {  	_ = 	snop  }
0x90: {  	s2 =	sld [smem:$0x3FC9]  }
0x91: {  	s18 =	sld [smem:$0x3FC8];
	(tm) =	ssettm $0x1  }
0x92: {  	s4 =	sld [smem:$0x3FFB];
	_ =	sdelay $0x3  }
0x93: {  	_ =	strace s4  }
0x94: {  	s4 =	sld [smem:$0x3FFC];
	_ =	sdelay $0x3  }
0x95: {  	_ =	strace s4  }
0x96: {  	s4 =	sld [smem:$0x3FFD];
	_ =	sdelay $0x3  }
0x97: {  	_ =	strace s4  }
0x98: {  	_ =	strace $0x8FFFFFFF  }
0x99: {  	s19 =	sld [smem:$0x3FDB];
	_ =	sdelay $0x1  }
0x9a: {  	s5 =	simm.s32 $_scs_section_size  }
0x9b: {  	s6 =	simm.s32 $_size__tile_overlayer_lowered;
	s7 =	simm.s32 $_tile_overlayer_lowered  }
0x9c: {  	s22 =	simm.s32 $0x1BFF;
	s21 =	sshll.u32 s7, $0x1;
	s4 =	sadd.s32 s5, s19  }
0x9d: {  	s8 =	simm.s32 $0x0;
	s20 =	sshll.u32 s6, $0x1;
	s6 =	sadd.s32 s21, s4  }
0x9e: {  	[timem:s8], [sflag:s22] =	dma.local [hbm:s6], s20  }
0x9f: {  	_ =	swait.ge [sflag:s22], s20  }
0xa0: {  	s5 =	ssub.s32 $0x0, s20;
	[sflag:s22] =	ssyncset.done $0x0  }
0xa1: {  	[sflag:s22] =	ssyncadd.s32 s5;
	_ =	sdelay $0x1  }
0xa2: {  	s23 =	simm.s32 $0x1B8B  }
0xa3: {  	_ =	swait.ge [sflag:s23], $0x1  }
0xa4: {  	[sflag:s23] =	ssyncset.done $0x0  }
0xa5: {  	s25 =	simm.s32 $0x1B8E;
	s24 =	sld [smem:$0x3FFE];
	[sflag:s23] =	ssyncadd.s32 $0xFFFFFFFF  }
0xa6: {  	s26 =	simm.s32 $execute0_lowered;
	[smem:$0x3FD2] =	sst s25  }
0xa7: {  	s6 =	sshll.u32 s26, $0x1;
	_ =	strace $0x80000046;
	[dreg:$0x1] =	wrdreg $0xFFFFFFFF  }
0xa8: {  	s28 =	simm.s32 $_size_execute0_lowered;
	s4 =	sadd.s32 s4, s6;
	[dreg:$0x0] =	wrdreg $0x0  }
0xa9: {  	s6 =	sshll.u32 s28, $0x1;
	[dreg:$0x2] =	wrdreg s4  }
0xaa: {  	[dreg:$0x3] =	wrdreg s6  }
0xab: {  	[dreg:$0x4] =	wrdreg $0xC0  }
0xac: {  	_ =	task [dreg:s8], $0x5FFFF  }
0xad: {  	[dreg:$0x1] =	wrdreg $0xFFFFFFFF  }
0xae: {  	[dreg:$0x0] =	wrdreg $0x60  }
0xaf: {  	[dreg:$0x2] =	wrdreg s2  }
0xb0: {  	[dreg:$0x3] =	wrdreg s18  }
0xb1: {  	[dreg:$0x4] =	wrdreg s24  }
0xb2: {  	[dreg:$0x5] =	wrdreg $0x84000  }
0xb3: {  	[dreg:$0x6] =	wrdreg $0x9  }
0xb4: {  	_ =	task.clear_ibuf [dreg:s8], $0x7FFFF;
	_ =	strace $0x90000046  }
0xb5: {  	s29 =	simm.s32 $0x9;
	_ =	strace $0x80000048  }
0xb6: {  	_ =	swait.ge [sflag:s29], $0x1  }
0xb7: {  	[sflag:s29] =	ssyncadd.s32 $0xFFFFFFFF  }
0xb8: {  	_ =	strace $0x90000048  }
0xb9: {  	_ =	sfence  }
0xba: {  	s30 =	sld [smem:$0x0];
	_ =	sdelay $0x2  }
0xbb: {  	s31 =	sshll.u32 s1, $0xD;
	s1 =	sshrl.u32 s1, $0x2  }
0xbc: {  	s3 =	sand.u32 $0x4000, s31;
	s1 =	sadd.s32 s1, s30  }
0xbd: {  	s0 =	sor.u32 s3, s0;
	s1 =	sshll.u32 s1, $0x11  }
0xbe: {  	s0 =	sor.u32 s1, s0  }
0xbf: {  	s0 =	sadd.s32 $0x8F2B, s0  }
0xc0: {  	[sflag:s0] =	ssyncadd.remote.s32 $0x1  }
0xc1: {  	_ =	sfence.sel $0xFFFF  }
0xc2: {  	[dreg:$0x0] =	wrdreg $0xFFFFFFFF;
	(pc) =	sbr.abs _section_cstart, $3  }
0xc3: {  	[dreg:$0x1] =	wrdreg $0xFFFFFFFF  }
0xc4: {  	_ =	task.clear_ibuf [dreg:s8], $0x2FFFF;
	_ =	strace $0x9FFFFFFF  }
0xc5: {  	(tm) =	ssettm $0x7FFFFFFF  }
tec
execute0_lowered:
.L_overlay_start_1:
0x0: {  	(tag) =	ssettag $0x1  }
0x1: {  	s1 =	rddreg [dreg:$0x0]  }
0x2: {  	s2 =	rddreg [dreg:$0x1]  }
0x3: {  	s0 =	rddreg [dreg:$0x2];
	s3 =	srdreg.scid  }
0x4: {  	s4 =	rddreg [dreg:$0x3];
	s14 =	stileid.u32;
	s5 =	simm.s32 $0x0  }
0x5: {  	s16 =	simm.s32 $0x100;
	s20 =	simm.s32 $0x200;
	s28 =	simm.s32 $0x4400  }
0x6: {  	s29 =	simm.s32 $0x180;
	s30 =	simm.s32 $0x3;
	s31 =	simm.s32 $0x280  }
0x7: {  	s3 =	sand.u32 $0x1, s3;
	[smem:$0x7FF] =	sst s5;
	s10 =	smul.u32 $0x4F000, s14  }
0x8: {  	s13 =	sadd.s32 $0x128400, s4;
	s25 =	smul.u32 $0x2800, s14;
	s6 =	sshll.u32 s3, $0x4  }
0x9: {  	s7 =	smul.u32 $0x27100, s3;
	_ =	strace $0x80000047;
	s11 =	ssub.s32 $0x2, s3  }
0xa: {  	s3 =	smul.u32 $0x28000, s3;
	s8 =	sor.u32 s14, s6;
	s6 =	sadd.s32 $0x4000, s0  }
0xb: {  	s12 =	sshrl.u32 s11, $0x1;
	s22 =	sshrl.u32 s10, $0x2;
	s10 =	simm.s32 $0x4  }
0xc: {  	s9 =	smul.u32 $0xA00, s8;
	s0 =	sadd.s32 s7, s0;
	s11 =	ssub.s32 s11, s12  }
0xd: {  	p0 =	seq.s32 s8, $0x1F;
	s12 =	simm.s32 $0x4;
	s3 =	sadd.s32 s25, s3  }
0xe: {  	s10 =	simm.s32 @!p0 $0x13;
	s26 =	smax.u32 s11, $0x1;
	s15 =	sor.u32 $0x380, s3  }
0xf: {  	p0 =	seq.s32 s14, $0xF;
	s21 =	sadd.s32 s2, s9;
	s9 =	sadd.s32 s22, s4  }
0x10: {  	[dreg:$0x9] =	wrdreg s26;
	s17 =	sshrl.u32 @p0 s13, $0x3;
	s3 =	sshll.u32 @!p0 s14, $0x6  }
0x11: {  	s22 =	simm.s32 $0x80;
	s26 =	simm.s32 $0x300;
	s23 =	sadd.s32 $0x20, s21  }
0x12: {  	s24 =	sadd.s32 $0x40, s21;
	[dreg:$0x5] =	wrdreg s21;
	s7 =	sadd.s32 $0x60, s21  }
0x13: {  	s18 =	sor.u32 @!p0 $0x1C05, s3;
	s19 =	sshrl.u32 @!p0 s9, $0x3;
	[dreg:$0x6] =	wrdreg s23  }
0x14: {  	[dreg:$0x8] =	wrdreg s7;
	s7 =	sadd.s32 $0x6800, s0;
	s0 =	smul.u32 $0x2780, s14  }
0x15: {  	s21 =	simm.s32 $0x1;
	s3 =	simm.s32 $0x0;
	[dreg:$0x7] =	wrdreg s24  }
0x16: {  	s23 =	simm.s32 $0x400;
	s24 =	simm.s32 $0x2;
	s0 =	sadd.s32 @!p0 s0, s7  }
0x17: {  	s25 =	smov.u32 s7;
	[dreg:$0xa] =	wrdreg s0;
	s0 =	simm.s32 $0x380  }
.LBB2_1:
0x18: {  	s7 =	rddreg [dreg:$0x5]  }
0x19: {  	[tilespmem:s5], [sflag:$0x1] =	stream.linear.gather [hbm4b:s7+s5], $0x100, $0x38;
	[tilespmem:$0x1BCC0] =	vst v63  }
0x1a: {  	s13 =	rddreg [dreg:$0x6];
	s11 =	simm.s32 @p0 $0x1FC5;
	s9 =	simm.s32 @p0 $0x5  }
0x1b: {  	[tilespmem:s16], [sflag:$0x1] =	stream.linear.gather [hbm4b:s13+s5], $0x100, $0x38;
	[tilespmem:$0x1BCC0] =	vst v63  }
0x1c: {  	[spmem:s17], [sflag:s11] =	dma.local @p0 [hbm:s6], $0x2100  }
0x1d: {  	_ =	swait.ge @p0 [sflag:s9], $0x2100  }
0x1e: {  	[sflag:s9] =	ssyncset.done @p0 $0x0  }
0x1f: {  	s8 =	simm.s32 @!p0 $0x5;
	[sflag:s9] =	ssyncadd.s32 @p0 $0xFFFFDF00  }
0x20: {  	[spmem:s19], [sflag:s18] =	dma.local @!p0 [hbm:s6], $0x2780  }
0x21: {  	_ =	swait.ge @!p0 [sflag:s8], $0x2780  }
0x22: {  	[sflag:s8] =	ssyncset.done @!p0 $0x0  }
0x23: {  	[sflag:s8] =	ssyncadd.s32 @!p0 $0xFFFFD880  }
0x24: {  	[bflag:$0x0] =	sbarrier.arrive $0xFFFF  }
0x25: {  	s14 =	rddreg [dreg:$0x7]  }
0x26: {  	[tilespmem:s20], [sflag:$0x1] =	stream.linear.gather [hbm4b:s14+s5], $0x100, $0x38;
	[tilespmem:$0x1BCC0] =	vst v63  }
0x27: {  	_ =	swait.ge [sflag:s21], $0x100  }
0x28: {  	[sflag:s21] =	ssyncset.done $0x0  }
0x29: {  	[sflag:s21] =	ssyncadd.s32 $0xFFFFFF00  }
0x2a: {  	[tilespmem:s23], [sflag:$0x2] =	stream.indirect.gather [hbm4b:s1+s22], $0x80, s5, s22, $0xb8;
	[tilespmem:$0x1BCC0] =	vst v63  }
0x2b: {  	_ =	swait.ge [sflag:s24], $0x4000  }
0x2c: {  	[sflag:s24] =	ssyncset.done $0x0  }
0x2d: {  	[sflag:s24] =	ssyncadd.s32 $0xFFFFC000  }
0x2e: {  	[spmem:s4] =	stream.indirect.scatter.add.f32 [tilespmem:s23], [sflag:$0x3], $0x80, s22, s22, $0xb8;
	[tilespmem:$0x1BCC0] =	vst v63  }
0x2f: {  	s13 =	rddreg [dreg:$0x8]  }
0x30: {  	[tilespmem:s26], [sflag:$0x1] =	stream.linear.gather [hbm4b:s13+s5], $0x100, $0x38;
	[tilespmem:$0x1BCC0] =	vst v63  }
0x31: {  	_ =	swait.ge [sflag:s21], $0x100  }
0x32: {  	[sflag:s21] =	ssyncset.done $0x0  }
0x33: {  	[sflag:s21] =	ssyncadd.s32 $0xFFFFFF00  }
0x34: {  	[tilespmem:s28], [sflag:$0x2] =	stream.indirect.gather [hbm4b:s1+s22], $0x80, s16, s22, $0xb8;
	[tilespmem:$0x1BCC0] =	vst v63  }
0x35: {  	_ =	swait.ge [sflag:s24], $0x4000  }
0x36: {  	[sflag:s24] =	ssyncset.done $0x0  }
0x37: {  	[sflag:s24] =	ssyncadd.s32 $0xFFFFC000  }
0x38: {  	[spmem:s4] =	stream.indirect.scatter.add.f32 [tilespmem:s28], [sflag:$0x4], $0x80, s29, s22, $0xb8;
	[tilespmem:$0x1BCC0] =	vst v63  }
0x39: {  	s13 =	sadd.s32 $0xFFFFFE80, s15;
	_ =	swait.ge [sflag:s30], $0x4000  }
0x3a: {  	s13 =	sshrl.u32 s13, $0x2;
	[sflag:s30] =	ssyncset.done $0x0  }
0x3b: {  	s13 =	sadd.s32 s2, s13;
	[sflag:s30] =	ssyncadd.s32 $0xFFFFC000  }
0x3c: {  	[tilespmem:s5], [sflag:$0x1] =	stream.linear.gather [hbm4b:s13+s5], $0x100, $0x38;
	[tilespmem:$0x1BCC0] =	vst v63  }
0x3d: {  	_ =	swait.ge [sflag:s21], $0x100  }
0x3e: {  	[sflag:s21] =	ssyncset.done $0x0  }
0x3f: {  	[sflag:s21] =	ssyncadd.s32 $0xFFFFFF00  }
0x40: {  	[tilespmem:s23], [sflag:$0x2] =	stream.indirect.gather [hbm4b:s1+s22], $0x80, s20, s22, $0xb8;
	[tilespmem:$0x1BCC0] =	vst v63  }
0x41: {  	_ =	swait.ge [sflag:s24], $0x4000  }
0x42: {  	[sflag:s24] =	ssyncset.done $0x0  }
0x43: {  	[sflag:s24] =	ssyncadd.s32 $0xFFFFC000  }
0x44: {  	[spmem:s4] =	stream.indirect.scatter.add.f32 [tilespmem:s23], [sflag:$0x3], $0x80, s31, s22, $0xb8;
	[tilespmem:$0x1BCC0] =	vst v63  }
0x45: {  	s14 =	sadd.s32 $0xFFFFFF00, s15;
	_ =	swait.ge [sflag:s12], $0x4000  }
0x46: {  	s13 =	sshrl.u32 s14, $0x2;
	[sflag:s12] =	ssyncset.done $0x0  }
0x47: {  	s13 =	sadd.s32 s2, s13;
	[sflag:s12] =	ssyncadd.s32 $0xFFFFC000  }
0x48: {  	[tilespmem:s16], [sflag:$0x1] =	stream.linear.gather [hbm4b:s13+s5], $0x100, $0x38;
	[tilespmem:$0x1BCC0] =	vst v63  }
0x49: {  	_ =	swait.ge [sflag:s21], $0x100  }
0x4a: {  	[sflag:s21] =	ssyncset.done $0x0  }
0x4b: {  	[sflag:s21] =	ssyncadd.s32 $0xFFFFFF00  }
0x4c: {  	[tilespmem:s28], [sflag:$0x2] =	stream.indirect.gather [hbm4b:s1+s22], $0x80, s26, s22, $0xb8;
	[tilespmem:$0x1BCC0] =	vst v63  }
0x4d: {  	_ =	swait.ge [sflag:s24], $0x4000  }
0x4e: {  	[sflag:s24] =	ssyncset.done $0x0  }
0x4f: {  	[sflag:s24] =	ssyncadd.s32 $0xFFFFC000  }
0x50: {  	[spmem:s4] =	stream.indirect.scatter.add.f32 [tilespmem:s28], [sflag:$0x4], $0x80, s0, s22, $0xb8;
	[tilespmem:$0x1BCC0] =	vst v63  }
0x51: {  	s7 =	sadd.s32 $0xFFFFFF80, s15;
	_ =	swait.ge [sflag:s30], $0x4000  }
0x52: {  	s13 =	sshrl.u32 s7, $0x2;
	[sflag:s30] =	ssyncset.done $0x0  }
0x53: {  	s13 =	sadd.s32 s2, s13;
	[sflag:s30] =	ssyncadd.s32 $0xFFFFC000  }
0x54: {  	[tilespmem:s20], [sflag:$0x1] =	stream.linear.gather [hbm4b:s13+s5], $0x100, $0x38;
	[tilespmem:$0x1BCC0] =	vst v63  }
0x55: {  	_ =	swait.ge [sflag:s21], $0x100  }
0x56: {  	[sflag:s21] =	ssyncset.done $0x0  }
0x57: {  	[sflag:s21] =	ssyncadd.s32 $0xFFFFFF00  }
0x58: {  	[tilespmem:s23], [sflag:$0x2] =	stream.indirect.gather [hbm4b:s1+s22], $0x80, s5, s22, $0xb8;
	[tilespmem:$0x1BCC0] =	vst v63  }
0x59: {  	_ =	swait.ge [sflag:s24], $0x4000  }
0x5a: {  	[sflag:s24] =	ssyncset.done $0x0  }
0x5b: {  	[sflag:s24] =	ssyncadd.s32 $0xFFFFC000  }
0x5c: {  	[spmem:s4] =	stream.indirect.scatter.add.f32 [tilespmem:s23], [sflag:$0x3], $0x80, s22, s22, $0xb8;
	[tilespmem:$0x1BCC0] =	vst v63  }
0x5d: {  	_ =	swait.ge [sflag:s12], $0x4000  }
0x5e: {  	p1 =	sne.s32 s10, $0x1;
	s14 =	sshrl.u32 s15, $0x2;
	[sflag:s12] =	ssyncset.done $0x0  }
.Ltmp0:
0x5f: {  	s13 =	sadd.s32 s2, s14;
	[sflag:s12] =	ssyncadd.s32 $0xFFFFC000;
	(pc) =	sbr.rel @!p1 .LBB2_3-.Ltmp0, $4  }
0x60: {  	[tilespmem:s26], [sflag:$0x1] =	stream.linear.gather [hbm4b:s13+s5], $0x100, $0x38;
	[tilespmem:$0x1BCC0] =	vst v63  }
0x61: {  	_ =	swait.ge [sflag:s21], $0x100  }
0x62: {  	[sflag:s21] =	ssyncset.done $0x0  }
0x63: {  	s14 =	sadd.s32 $0xFFFFFFFF, s10;
	s13 =	sadd.s32 $0x200, s15;
	[sflag:s21] =	ssyncadd.s32 $0xFFFFFF00  }
.LBB2_2:
0x64: {  	[tilespmem:s28], [sflag:$0x2] =	stream.indirect.gather [hbm4b:s1+s22], $0x80, s16, s22, $0xb8;
	[tilespmem:$0x1BCC0] =	vst v63  }
0x65: {  	p1 =	sne.s32 s14, $0x1;
	s14 =	sadd.s32 $0xFFFFFFFF, s14;
	_ =	swait.ge [sflag:s24], $0x4000  }
0x66: {  	[sflag:s24] =	ssyncset.done $0x0  }
0x67: {  	[sflag:s24] =	ssyncadd.s32 $0xFFFFC000  }
0x68: {  	[spmem:s4] =	stream.indirect.scatter.add.f32 [tilespmem:s28], [sflag:$0x4], $0x80, s29, s22, $0xb8;
	[tilespmem:$0x1BCC0] =	vst v63  }
0x69: {  	s7 =	sadd.s32 $0xFFFFFE80, s13;
	_ =	swait.ge [sflag:s30], $0x4000  }
0x6a: {  	s7 =	sshrl.u32 s7, $0x2;
	[sflag:s30] =	ssyncset.done $0x0  }
0x6b: {  	s7 =	sadd.s32 s2, s7;
	[sflag:s30] =	ssyncadd.s32 $0xFFFFC000  }
0x6c: {  	[tilespmem:s5], [sflag:$0x1] =	stream.linear.gather [hbm4b:s7+s5], $0x100, $0x38;
	[tilespmem:$0x1BCC0] =	vst v63  }
0x6d: {  	_ =	swait.ge [sflag:s21], $0x100  }
0x6e: {  	[sflag:s21] =	ssyncset.done $0x0  }
0x6f: {  	[sflag:s21] =	ssyncadd.s32 $0xFFFFFF00  }
0x70: {  	[tilespmem:s23], [sflag:$0x2] =	stream.indirect.gather [hbm4b:s1+s22], $0x80, s20, s22, $0xb8;
	[tilespmem:$0x1BCC0] =	vst v63  }
0x71: {  	_ =	swait.ge [sflag:s24], $0x4000  }
0x72: {  	[sflag:s24] =	ssyncset.done $0x0  }
0x73: {  	[sflag:s24] =	ssyncadd.s32 $0xFFFFC000  }
0x74: {  	[spmem:s4] =	stream.indirect.scatter.add.f32 [tilespmem:s23], [sflag:$0x3], $0x80, s31, s22, $0xb8;
	[tilespmem:$0x1BCC0] =	vst v63  }
0x75: {  	s7 =	sadd.s32 $0xFFFFFF00, s13;
	_ =	swait.ge [sflag:s12], $0x4000  }
0x76: {  	s7 =	sshrl.u32 s7, $0x2;
	[sflag:s12] =	ssyncset.done $0x0  }
0x77: {  	s7 =	sadd.s32 s2, s7;
	[sflag:s12] =	ssyncadd.s32 $0xFFFFC000  }
0x78: {  	[tilespmem:s16], [sflag:$0x1] =	stream.linear.gather [hbm4b:s7+s5], $0x100, $0x38;
	[tilespmem:$0x1BCC0] =	vst v63  }
0x79: {  	_ =	swait.ge [sflag:s21], $0x100  }
0x7a: {  	[sflag:s21] =	ssyncset.done $0x0  }
0x7b: {  	[sflag:s21] =	ssyncadd.s32 $0xFFFFFF00  }
0x7c: {  	[tilespmem:s28], [sflag:$0x2] =	stream.indirect.gather [hbm4b:s1+s22], $0x80, s26, s22, $0xb8;
	[tilespmem:$0x1BCC0] =	vst v63  }
0x7d: {  	_ =	swait.ge [sflag:s24], $0x4000  }
0x7e: {  	[sflag:s24] =	ssyncset.done $0x0  }
0x7f: {  	[sflag:s24] =	ssyncadd.s32 $0xFFFFC000  }
0x80: {  	[spmem:s4] =	stream.indirect.scatter.add.f32 [tilespmem:s28], [sflag:$0x4], $0x80, s0, s22, $0xb8;
	[tilespmem:$0x1BCC0] =	vst v63  }
0x81: {  	s7 =	sadd.s32 $0xFFFFFF80, s13;
	_ =	swait.ge [sflag:s30], $0x4000  }
0x82: {  	s7 =	sshrl.u32 s7, $0x2;
	[sflag:s30] =	ssyncset.done $0x0  }
0x83: {  	s7 =	sadd.s32 s2, s7;
	[sflag:s30] =	ssyncadd.s32 $0xFFFFC000  }
0x84: {  	[tilespmem:s20], [sflag:$0x1] =	stream.linear.gather [hbm4b:s7+s5], $0x100, $0x38;
	[tilespmem:$0x1BCC0] =	vst v63  }
0x85: {  	_ =	swait.ge [sflag:s21], $0x100  }
0x86: {  	[sflag:s21] =	ssyncset.done $0x0  }
0x87: {  	[sflag:s21] =	ssyncadd.s32 $0xFFFFFF00  }
0x88: {  	[tilespmem:s23], [sflag:$0x2] =	stream.indirect.gather [hbm4b:s1+s22], $0x80, s5, s22, $0xb8;
	[tilespmem:$0x1BCC0] =	vst v63  }
0x89: {  	_ =	swait.ge [sflag:s24], $0x4000  }
0x8a: {  	[sflag:s24] =	ssyncset.done $0x0  }
0x8b: {  	[sflag:s24] =	ssyncadd.s32 $0xFFFFC000  }
0x8c: {  	[spmem:s4] =	stream.indirect.scatter.add.f32 [tilespmem:s23], [sflag:$0x3], $0x80, s22, s22, $0xb8;
	[tilespmem:$0x1BCC0] =	vst v63  }
0x8d: {  	_ =	swait.ge [sflag:s12], $0x4000  }
0x8e: {  	s7 =	sshrl.u32 s13, $0x2;
	[sflag:s12] =	ssyncset.done $0x0  }
.Ltmp1:
0x8f: {  	s7 =	sadd.s32 s2, s7;
	[sflag:s12] =	ssyncadd.s32 $0xFFFFC000;
	(pc) =	sbr.rel @p1 .LBB2_2-.Ltmp1, $4  }
0x90: {  	[tilespmem:s26], [sflag:$0x1] =	stream.linear.gather [hbm4b:s7+s5], $0x100, $0x38;
	[tilespmem:$0x1BCC0] =	vst v63  }
0x91: {  	_ =	swait.ge [sflag:s21], $0x100  }
0x92: {  	[sflag:s21] =	ssyncset.done $0x0  }
0x93: {  	s13 =	sadd.s32 $0x200, s13;
	[sflag:s21] =	ssyncadd.s32 $0xFFFFFF00  }
.LBB2_3:
0x94: {  	[tilespmem:s28], [sflag:$0x2] =	stream.indirect.gather [hbm4b:s1+s22], $0x80, s16, s22, $0xb8;
	[tilespmem:$0x1BCC0] =	vst v63  }
0x95: {  	_ =	swait.ge [sflag:s24], $0x4000  }
0x96: {  	[sflag:s24] =	ssyncset.done $0x0  }
0x97: {  	[sflag:s24] =	ssyncadd.s32 $0xFFFFC000  }
0x98: {  	[spmem:s4] =	stream.indirect.scatter.add.f32 [tilespmem:s28], [sflag:$0x4], $0x80, s29, s22, $0xb8;
	[tilespmem:$0x1BCC0] =	vst v63  }
0x99: {  	_ =	swait.ge [sflag:s30], $0x4000  }
0x9a: {  	[sflag:s30] =	ssyncset.done $0x0  }
0x9b: {  	[sflag:s30] =	ssyncadd.s32 $0xFFFFC000  }
0x9c: {  	_ =	swait.ge [sflag:s21], $0x100  }
0x9d: {  	[sflag:s21] =	ssyncset.done $0x0  }
0x9e: {  	[sflag:s21] =	ssyncadd.s32 $0xFFFFFF00  }
0x9f: {  	[tilespmem:s23], [sflag:$0x2] =	stream.indirect.gather [hbm4b:s1+s22], $0x80, s20, s22, $0xb8;
	[tilespmem:$0x1BCC0] =	vst v63  }
0xa0: {  	_ =	swait.ge [sflag:s24], $0x4000  }
0xa1: {  	[sflag:s24] =	ssyncset.done $0x0  }
0xa2: {  	[sflag:s24] =	ssyncadd.s32 $0xFFFFC000  }
0xa3: {  	[spmem:s4] =	stream.indirect.scatter.add.f32 [tilespmem:s23], [sflag:$0x3], $0x80, s31, s22, $0xb8;
	[tilespmem:$0x1BCC0] =	vst v63  }
0xa4: {  	_ =	swait.ge [sflag:s12], $0x4000  }
0xa5: {  	[sflag:s12] =	ssyncset.done $0x0  }
0xa6: {  	[sflag:s12] =	ssyncadd.s32 $0xFFFFC000  }
0xa7: {  	_ =	swait.ge [sflag:s21], $0x100  }
0xa8: {  	[sflag:s21] =	ssyncset.done $0x0  }
0xa9: {  	[sflag:s21] =	ssyncadd.s32 $0xFFFFFF00  }
0xaa: {  	[tilespmem:s28], [sflag:$0x2] =	stream.indirect.gather [hbm4b:s1+s22], $0x80, s26, s22, $0xb8;
	[tilespmem:$0x1BCC0] =	vst v63  }
0xab: {  	_ =	swait.ge [sflag:s24], $0x4000  }
0xac: {  	[sflag:s24] =	ssyncset.done $0x0  }
0xad: {  	[sflag:s24] =	ssyncadd.s32 $0xFFFFC000  }
0xae: {  	[spmem:s4] =	stream.indirect.scatter.add.f32 [tilespmem:s28], [sflag:$0x4], $0x80, s0, s22, $0xb8;
	[tilespmem:$0x1BCC0] =	vst v63  }
0xaf: {  	_ =	swait.ge [sflag:s30], $0x4000  }
0xb0: {  	[sflag:s30] =	ssyncset.done $0x0  }
0xb1: {  	[sflag:s30] =	ssyncadd.s32 $0xFFFFC000  }
0xb2: {  	_ =	swait.ge [sflag:s12], $0x4000  }
0xb3: {  	[sflag:s12] =	ssyncset.done $0x0  }
0xb4: {  	[sflag:s12] =	ssyncadd.s32 $0xFFFFC000  }
0xb5: {  	s7 =	sadd.s32 @p0 $0x25080, s25;
	[bflag:$0x0] =	sbarrier.arrive $0xFFFF  }
0xb6: {  	[hbm:s7], [sflag:s11] =	dma.local @p0 [spmem:s17], $0x2080  }
0xb7: {  	_ =	swait.ge @p0 [sflag:s9], $0x2080  }
0xb8: {  	[sflag:s9] =	ssyncset.done @p0 $0x0  }
0xb9: {  	s7 =	rddreg [dreg:$0xa];
	[sflag:s9] =	ssyncadd.s32 @p0 $0xFFFFDF80  }
0xba: {  	[hbm:s7], [sflag:s18] =	dma.local @!p0 [spmem:s19], $0x2780  }
0xbb: {  	_ =	swait.ge @!p0 [sflag:s8], $0x2780  }
0xbc: {  	s3 =	sadd.s32 $0x1, s3;
	s14 =	rddreg [dreg:$0x9]  }
0xbd: {  	p1 =	sne.s32 s3, s14  }
.Ltmp2:
0xbe: {  	_ = 	snop;
	(pc) =	sbr.rel @p1 .LBB2_1-.Ltmp2, $3  }
0xbf: {  	_ =	sdelay $0x1  }
0xc0: {  	[sflag:s8] =	ssyncset.done @!p0 $0x0  }
0xc1: {  	[sflag:s8] =	ssyncadd.s32 @!p0 $0xFFFFD880  }
0xc2: {  	_ =	sfence.sel $0x180000  }
0xc3: {  	[bflag:$0x0] =	sbarrier.arrive $0xFFFF  }
0xc4: {  	_ =	strace $0x90000047  }
0xc5: {  	s0 =	stileid.u32;
	[bflag:$0x2] =	sbarrier.arrive $0xFFFF  }
0xc6: {  	p0 =	sne.s32 s0, $0x0;
	s0 =	rddreg [dreg:$0x4]  }
0xc7: {  	s0 =	sadd.s32 @!p0 $0x100000, s0  }
0xc8: {  	[sflag:s0] =	ssyncadd.tile.s32 @!p0 $0x1;
	_ =	shalt  }
.Lfunc_end2:
_tile_overlayer_lowered:
.L_overlay_start_2:
0xc9: {  	(tag) =	ssettag $0x2  }
0xca: {  	s0 =	rddreg [dreg:$0x0];
	s2 =	stileid.u32  }
0xcb: {  	s1 =	rddreg [dreg:$0x1];
	p0 =	sne.s32 s2, $0x0  }
0xcc: {  	s3 =	rddreg [dreg:$0x2];
	[bflag:$0x3] =	sbarrier.arrive $0xFFFF;
	s2 =	simm.s32 @!p0 $0x1C05  }
0xcd: {  	[timem:s3], [sflag:s2] =	dma.local @!p0 [hbm:s0], s1  }
0xce: {  	s0 =	simm.s32 @!p0 $0x5  }
0xcf: {  	_ =	swait.ge @!p0 [sflag:s0], s1  }
0xd0: {  	s1 =	ssub.s32 @!p0 $0x0, s1;
	[sflag:s0] =	ssyncset.done @!p0 $0x0  }
0xd1: {  	[sflag:s0] =	ssyncadd.s32 @!p0 s1  }
0xd2: {  	[bflag:$0x3] =	sbarrier.arrive $0xFFFF  }
0xd3: {  	_ =	shalt  }

</sc_bundles>
